<compile_context>
chip_gen: v7x
topology: tpu7x:2x2x1
jax: 0.10.2.dev20260603
libtpu: 0.0.44.dev20260713+nightly
codegen_flags: <defaults>
</compile_context>

<pallas_src>
import jax
import jax.numpy as jnp
from jax import lax
from jax.experimental import pallas as pl
from jax.experimental.pallas import tpu as pltpu
from jax.experimental.pallas import tpu_sc as plsc

ALPHA = 0.2
N = 10000
E = 320000
F = 128
NC = 2
NS = 16
NW = NC * NS
EP = 10240
EPAD = NW * EP
CHUNK = 80
NCHUNK = EP // CHUNK
C3 = 40
CPB = 16
B3 = EP // C3 // CPB
NBUF = 3


def _k1_body(x_ref, w_ref, attn_ref, h_ref, s1_ref, s2_ref, m_ref):
    h = jnp.dot(x_ref[...], w_ref[...], preferred_element_type=jnp.float32)
    h_ref[...] = h
    a1 = attn_ref[0:F, :]
    a2 = attn_ref[F:, :]
    s1 = jnp.dot(h, a1, preferred_element_type=jnp.float32)
    s2 = jnp.dot(h, a2, preferred_element_type=jnp.float32)
    s1_ref[...] = s1
    s2_ref[...] = s2
    vm = jnp.min(s1) + jnp.min(s2)
    m = -jnp.maximum(vm, ALPHA * vm)
    m_ref[...] = jnp.full((1, F), m, dtype=jnp.float32)


def _k1(x, W, attn):
    return pl.pallas_call(
        _k1_body,
        out_shape=[
            jax.ShapeDtypeStruct((N, F), jnp.float32),
            jax.ShapeDtypeStruct((N, 1), jnp.float32),
            jax.ShapeDtypeStruct((N, 1), jnp.float32),
            jax.ShapeDtypeStruct((1, F), jnp.float32),
        ],
    )(x, W, attn)


def _k2_body(src_h, dst_h, s1_h, s2_h, m_h, num_h, rs_h,
             src_v, dst_v, num_v, s1_v, s2_v, m_v, z_v, rs_sh):
    cid = lax.axis_index("c")
    sid = lax.axis_index("s")
    wid = sid * NC + cid

    pltpu.sync_copy(src_h.at[wid], src_v)
    pltpu.sync_copy(dst_h.at[wid], dst_v)
    pltpu.sync_copy(s1_h, s1_v)
    pltpu.sync_copy(s2_h, s2_v)
    pltpu.sync_copy(m_h, m_v)

    def zb(i, _):
        z_v[pl.ds(i * 16, 16)] = jnp.zeros((16,), jnp.float32)
        return 0
    lax.fori_loop(0, 39, zb, 0)
    pltpu.sync_copy(z_v, rs_sh.at[pl.ds(sid * 624, 624)])

    @pl.when(sid == 0)
    def _():
        pltpu.sync_copy(z_v.at[pl.ds(0, 16)], rs_sh.at[pl.ds(9984, 16)])

    plsc.subcore_barrier()

    mreg = m_v[...]

    lane = lax.broadcasted_iota(jnp.int32, (16,), 0)

    def chunk(j, _):
        for k in range(CHUNK // 16):
            s16 = src_v[j, pl.ds(k * 16, 16)]
            d16 = dst_v[j, pl.ds(k * 16, 16)]
            a = plsc.load_gather(s1_v, [s16])
            b = plsc.load_gather(s2_v, [d16])
            v = a + b
            e = -jnp.maximum(v, ALPHA * v)
            gi = wid * EP + j * CHUNK + k * 16 + lane
            num16 = jnp.where(gi < E, jnp.exp(e - mreg), 0.0)
            num_v[j, pl.ds(k * 16, 16)] = num16
        pltpu.sync_copy(num_v.at[j], rs_sh.at[src_v.at[j]], add=True)
        return 0

    lax.fori_loop(0, NCHUNK, chunk, 0)

    pltpu.sync_copy(num_v, num_h.at[wid])
    plsc.subcore_barrier()

    @pl.when(sid == 0)
    def _():
        pltpu.sync_copy(rs_sh, rs_h.at[cid])


def _k2(src3, dst3, s1, s2, m16):
    mesh = plsc.VectorSubcoreMesh(core_axis_name="c", subcore_axis_name="s")
    return pl.kernel(
        _k2_body,
        out_type=[
            jax.ShapeDtypeStruct((NW, NCHUNK, CHUNK), jnp.float32),
            jax.ShapeDtypeStruct((NC, N), jnp.float32),
        ],
        mesh=mesh,
        compiler_params=pltpu.CompilerParams(needs_layout_passes=False),
        scratch_types=[
            pltpu.VMEM((NCHUNK, CHUNK), jnp.int32),
            pltpu.VMEM((NCHUNK, CHUNK), jnp.int32),
            pltpu.VMEM((NCHUNK, CHUNK), jnp.float32),
            pltpu.VMEM((N,), jnp.float32),
            pltpu.VMEM((N,), jnp.float32),
            pltpu.VMEM((16,), jnp.float32),
            pltpu.VMEM((624,), jnp.float32),
            pltpu.VMEM_SHARED((N,), jnp.float32),
        ],
    )(src3, dst3, s1, s2, m16)


def _bcast_lane(vec16, lane):
    idx = jnp.full((16, 1), lane, jnp.int32)
    dnums = lax.GatherDimensionNumbers(
        offset_dims=(), collapsed_slice_dims=(0,), start_index_map=(0,))
    return lax.gather(vec16, idx, dnums, (1,),
                      mode=lax.GatherScatterMode.PROMISE_IN_BOUNDS)


def _k3_body(h_hbm, src_h, dst_h, num_h, dum_h, hp_h,
             src_v, dst_v, num_v, rows_v, z_v, hp_sh, gsem, ssem, msem):
    cid = lax.axis_index("c")
    sid = lax.axis_index("s")
    wid = sid * NC + cid

    def drain_scatter(b):
        pltpu.make_async_copy(dum_h, rows_v.at[b], ssem.at[b]).wait()

    def wait_gather(b):
        pltpu.make_async_copy(dum_h, rows_v.at[b], gsem.at[b]).wait()

    def zb(t, _):
        z_v[t // 8, pl.ds((t % 8) * 16, 16)] = jnp.zeros((16,), jnp.float32)
        return 0
    lax.fori_loop(0, 16 * 8, zb, 0)

    def zcopy(q, _):
        pltpu.sync_copy(z_v, hp_sh.at[pl.ds(sid * 624 + q * 16, 16)])
        return 0
    lax.fori_loop(0, 39, zcopy, 0)

    @pl.when(sid == 0)
    def _():
        pltpu.sync_copy(z_v, hp_sh.at[pl.ds(9984, 16)])

    plsc.subcore_barrier()

    nch = EP // C3

    def scale_rows(b, rlo, lanes, n16):
        for l in range(lanes):
            r = rlo + l
            b16 = _bcast_lane(n16, 16 - lanes + l)
            for f in range(F // 16):
                rows_v[b, r, pl.ds(f * 16, 16)] = (
                    rows_v[b, r, pl.ds(f * 16, 16)] * b16)

    def chunk_iter(j, _):
        ob = j // CPB
        jj = j - ob * CPB
        mlo = (ob % 2) * CPB
        mlo2 = ((ob + 1) % 2) * CPB
        row = mlo + jj
        b = j % NBUF
        bn = (j + 1) % NBUF

        @pl.when(j == 0)
        def _():
            pltpu.sync_copy(src_h.at[wid, 0], src_v.at[pl.ds(0, CPB)])
            pltpu.sync_copy(dst_h.at[wid, 0], dst_v.at[pl.ds(0, CPB)])
            pltpu.sync_copy(num_h.at[wid, 0], num_v.at[pl.ds(0, CPB)])
            pltpu.async_copy(
                h_hbm.at[dst_v.at[0]], rows_v.at[b], gsem.at[b])

        @pl.when(j >= 2)
        def _():
            drain_scatter(bn)

        @pl.when(jnp.logical_and(jj == 2, ob < B3 - 1))
        def _():
            pltpu.async_copy(
                src_h.at[wid, ob + 1], src_v.at[pl.ds(mlo2, CPB)], msem)
            pltpu.async_copy(
                dst_h.at[wid, ob + 1], dst_v.at[pl.ds(mlo2, CPB)], msem)
            pltpu.async_copy(
                num_h.at[wid, ob + 1], num_v.at[pl.ds(mlo2, CPB)], msem)

        @pl.when(jj <= CPB - 2)
        def _():
            pltpu.async_copy(
                h_hbm.at[dst_v.at[row + 1]], rows_v.at[bn], gsem.at[bn])

        @pl.when(jnp.logical_and(jj == CPB - 1, j < nch - 1))
        def _():
            pltpu.make_async_copy(
                src_h.at[wid, 0], src_v.at[pl.ds(mlo2, CPB)], msem).wait()
            pltpu.make_async_copy(
                dst_h.at[wid, 0], dst_v.at[pl.ds(mlo2, CPB)], msem).wait()
            pltpu.make_async_copy(
                num_h.at[wid, 0], num_v.at[pl.ds(mlo2, CPB)], msem).wait()
            pltpu.async_copy(
                h_hbm.at[dst_v.at[mlo2]], rows_v.at[bn], gsem.at[bn])

        wait_gather(b)
        scale_rows(b, 0, 16, num_v[row, pl.ds(0, 16)])
        scale_rows(b, 16, 16, num_v[row, pl.ds(16, 16)])
        scale_rows(b, 32, 8, num_v[row, pl.ds(C3 - 16, 16)])
        pltpu.async_copy(
            rows_v.at[b], hp_sh.at[src_v.at[row]], ssem.at[b], add=True)
        return 0

    lax.fori_loop(0, nch, chunk_iter, 0)
    drain_scatter((nch - 1) % NBUF)
    drain_scatter((nch - 2) % NBUF)
    plsc.subcore_barrier()

    pltpu.sync_copy(hp_sh.at[pl.ds(sid * 624, 624)],
                    hp_h.at[cid, pl.ds(sid * 624, 624)])

    @pl.when(sid == 0)
    def _():
        pltpu.sync_copy(hp_sh.at[pl.ds(9984, 16)],
                        hp_h.at[cid, pl.ds(9984, 16)])


def _k3(h, src4, dst4, num4, dum):
    mesh = plsc.VectorSubcoreMesh(core_axis_name="c", subcore_axis_name="s")
    return pl.kernel(
        _k3_body,
        out_type=jax.ShapeDtypeStruct((NC, N, F), jnp.float32),
        mesh=mesh,
        compiler_params=pltpu.CompilerParams(needs_layout_passes=False),
        scratch_types=[
            pltpu.VMEM((2 * CPB, C3), jnp.int32),
            pltpu.VMEM((2 * CPB, C3), jnp.int32),
            pltpu.VMEM((2 * CPB, C3), jnp.float32),
            pltpu.VMEM((NBUF, C3, F), jnp.float32),
            pltpu.VMEM((16, F), jnp.float32),
            pltpu.VMEM_SHARED((N, F), jnp.float32),
            pltpu.SemaphoreType.DMA((NBUF,)),
            pltpu.SemaphoreType.DMA((NBUF,)),
            pltpu.SemaphoreType.DMA,
        ],
    )(h, src4, dst4, num4, dum)


def _k4_body(hp_ref, rs_ref, o_ref):
    u = hp_ref[0] + hp_ref[1]
    rs = rs_ref[0] + rs_ref[1]
    recip = jnp.where(rs > 0, 1.0 / rs, 0.0)
    t = u * recip
    o_ref[...] = jnp.where(t > 0, t, jnp.exp(t) - 1.0)


def _k4(hp, rsp):
    grid = 10
    rows = N // grid
    return pl.pallas_call(
        _k4_body,
        grid=(grid,),
        in_specs=[
            pl.BlockSpec((NC, rows, F), lambda i: (0, i, 0)),
            pl.BlockSpec((NC, rows, 1), lambda i: (0, i, 0)),
        ],
        out_specs=pl.BlockSpec((rows, F), lambda i: (i, 0)),
        out_shape=jax.ShapeDtypeStruct((N, F), jnp.float32),
    )(hp, rsp)


@jax.jit
def kernel(input, edge, W, attn):
    pad = jnp.arange(EPAD - E, dtype=jnp.int32) % N
    src3 = jnp.concatenate([edge[0], pad]).reshape(NW, NCHUNK, CHUNK)
    dst3 = jnp.concatenate([edge[1], pad]).reshape(NW, NCHUNK, CHUNK)
    h, s1, s2, mrow = _k1(input, W, attn)
    num3, rs = _k2(src3, dst3, s1.reshape(N), s2.reshape(N), mrow[0, :16])
    blk = (NW, B3, CPB, C3)
    dum = jnp.zeros((C3, F), jnp.float32)
    hp = _k3(h, src3.reshape(blk), dst3.reshape(blk), num3.reshape(blk), dum)
    return _k4(hp, rs.reshape(NC, N, 1))

# --- scband reference (transcript-rebuilt; emitter-appended) ---
"""Pipeline reference for scband-sp-graph-attention-layer-69758858822412 (READ-ONLY COPY).

The authoritative reference and input builder live on the scoring server;
editing this copy changes nothing except your own understanding.
"""

import jax, jax.numpy as jnp
import numpy as np

N = 10000
E = 320000
IN_F = 128
OUT_F = 128
ALPHA = 0.2


def setup_inputs(seed: int = 0) -> dict:
    key = jax.random.key(seed)
    k1, k2, k3, k4 = jax.random.split(key, 4)
    x = jax.random.normal(k1, (N, IN_F), dtype=jnp.float32)
    edge = jax.random.randint(k2, (2, E), 0, N, dtype=jnp.int32)
    # xavier_normal_ with gain=1.414
    w_std = 1.414 * np.sqrt(2.0 / (IN_F + OUT_F))
    a_std = 1.414 * np.sqrt(2.0 / (2 * OUT_F + 1))
    W = jax.random.normal(k3, (IN_F, OUT_F), dtype=jnp.float32) * w_std
    attn = jax.random.normal(k4, (2 * OUT_F, 1), dtype=jnp.float32) * a_std
    return {"input": x, "edge": edge, "W": W, "attn": attn}


def reference(input, edge, W, attn):
    N_nodes = input.shape[0]
    h = input @ W  # (N, OUT_F)
    src = edge[0]
    dst = edge[1]
    # edge_h = cat(h[src], h[dst]) @ attn
    edge_h = jnp.concatenate([h[src], h[dst]], axis=1)  # (E, 2*OUT_F)
    values = (edge_h @ attn).squeeze(-1)  # (E,)
    e = -jax.nn.leaky_relu(values, negative_slope=ALPHA)
    # sparse softmax over dim=1 (per source-row softmax over outgoing edges)
    row_max = jax.ops.segment_max(e, src, num_segments=N_nodes)
    e_shift = e - row_max[src]
    e_exp = jnp.exp(e_shift)
    row_sum = jax.ops.segment_sum(e_exp, src, num_segments=N_nodes)
    att = e_exp / row_sum[src]
    # h_prime = sparse_attn @ h : scatter-add of att * h[dst] into rows src
    h_prime = jax.ops.segment_sum(att[:, None] * h[dst], src, num_segments=N_nodes)
    # concat=True -> elu
    return jax.nn.elu(h_prime)

if __name__ == "__main__":
    import jax
    _d = setup_inputs()
    print(jax.jit(kernel)(*tuple(_d.values())))

</pallas_src>

<mosaic_0001>
#map = affine_map<(d0, d1) -> (0, 0)>
#map1 = affine_map<(d0, d1) -> (0, 0, 0, 0)>
#map2 = affine_map<(d0, d1) -> (0, 0, 0)>
module attributes {stable_mosaic.version = 14 : i64} {
  func.func @_k3_body(%arg0: i32, %arg1: i32, %arg2: memref<10000x128xf32, #tpu.memory_space<hbm>>, %arg3: memref<32x16x16x40xi32, #tpu.memory_space<hbm>>, %arg4: memref<32x16x16x40xi32, #tpu.memory_space<hbm>>, %arg5: memref<32x16x16x40xf32, #tpu.memory_space<hbm>>, %arg6: memref<40x128xf32, #tpu.memory_space<hbm>>, %arg7: memref<2x10000x128xf32, #tpu.memory_space<hbm>>, %arg8: memref<32x40xi32, #tpu.memory_space<vmem>>, %arg9: memref<32x40xi32, #tpu.memory_space<vmem>>, %arg10: memref<32x40xf32, #tpu.memory_space<vmem>>, %arg11: memref<3x40x128xf32, #tpu.memory_space<vmem>>, %arg12: memref<16x128xf32, #tpu.memory_space<vmem>>, %arg13: memref<10000x128xf32, #tpu.memory_space<vmem_shared>>, %arg14: memref<3x!tpu.dma_semaphore, #tpu.memory_space<semaphore_mem>>, %arg15: memref<3x!tpu.dma_semaphore, #tpu.memory_space<semaphore_mem>>, %arg16: memref<!tpu.dma_semaphore, #tpu.memory_space<semaphore_mem>>) attributes {dimension_semantics = [#tpu.dimension_semantics<core_parallel>, #tpu.dimension_semantics<subcore_parallel>], iteration_bounds = array<i64: 2, 16>, scalar_prefetch = 0 : i64, scratch_operands = 9 : i64, tpu.core_type = #tpu.core_type<sc_vector_subcore>, window_params = [{transform_indices = #map}, {transform_indices = #map1}, {transform_indices = #map1}, {transform_indices = #map1}, {transform_indices = #map}, {transform_indices = #map2}]} {
    %mul3A = arith.constant 2 : i32
    %mul3A_0 = arith.muli %arg1, %mul3A : i32
    %add3A = arith.addi %mul3A_0, %arg0 : i32
    %scan3A = arith.constant 0 : i32
    %scan3A_1 = arith.constant 0 : i32
    %scan3A_2 = arith.constant 128 : i32
    %scan3A_3 = arith.addi %scan3A_1, %scan3A_2 : i32
    %scan3A_4 = arith.constant 1 : i32
    %scan3A_5 = scf.for %scan3A_56 = %scan3A_1 to %scan3A_3 step %scan3A_4 iter_args(%scan3A_57 = %scan3A) -> (i32)  : i32 {
      %broadcast_in_dim3A = arith.constant 0.000000e+00 : f32
      %broadcast_in_dim3A_58 = vector.broadcast %broadcast_in_dim3A : f32 to vector<16xf32>
      %jit3A = arith.constant 8 : i32
      %div3A = arith.divsi %scan3A_56, %jit3A : i32
      %sign3A = arith.constant 0 : i32
      %sign3A_59 = arith.cmpi sgt, %scan3A_56, %sign3A : i32
      %sign3A_60 = arith.extui %sign3A_59 : i1 to i32
      %sign3A_61 = arith.constant 0 : i32
      %sign3A_62 = arith.cmpi slt, %scan3A_56, %sign3A_61 : i32
      %sign3A_63 = arith.extui %sign3A_62 : i1 to i32
      %sign3A_64 = arith.subi %sign3A_60, %sign3A_63 : i32
      %sign3A_65 = arith.constant 0 : i32
      %sign3A_66 = arith.cmpi sgt, %jit3A, %sign3A_65 : i32
      %sign3A_67 = arith.extui %sign3A_66 : i1 to i32
      %sign3A_68 = arith.constant 0 : i32
      %sign3A_69 = arith.cmpi slt, %jit3A, %sign3A_68 : i32
      %sign3A_70 = arith.extui %sign3A_69 : i1 to i32
      %sign3A_71 = arith.subi %sign3A_67, %sign3A_70 : i32
      %ne3A = arith.cmpi ne, %sign3A_64, %sign3A_71 : i32
      %rem3A = arith.remsi %scan3A_56, %jit3A : i32
      %ne3A_72 = arith.constant 0 : i32
      %ne3A_73 = arith.cmpi ne, %rem3A, %ne3A_72 : i32
      %and3A = arith.andi %ne3A, %ne3A_73 : i1
      %sub3A = arith.constant 1 : i32
      %sub3A_74 = arith.subi %div3A, %sub3A : i32
      %select_n3A = arith.select %and3A, %sub3A_74, %div3A : i32
      %jit3A_75 = arith.constant 8 : i32
      %eq3A_76 = arith.constant 0 : i32
      %eq3A_77 = arith.cmpi eq, %jit3A_75, %eq3A_76 : i32
      %jit3A_78 = arith.constant 1 : i32
      %select_n3A_79 = arith.select %eq3A_77, %jit3A_78, %jit3A_75 : i32
      %rem3A_80 = arith.remsi %scan3A_56, %select_n3A_79 : i32
      %ne3A_81 = arith.constant 0 : i32
      %ne3A_82 = arith.cmpi ne, %rem3A_80, %ne3A_81 : i32
      %lt3A = arith.constant 0 : i32
      %lt3A_83 = arith.cmpi slt, %rem3A_80, %lt3A : i32
      %lt3A_84 = arith.constant 0 : i32
      %lt3A_85 = arith.cmpi slt, %select_n3A_79, %lt3A_84 : i32
      %ne3A_86 = arith.xori %lt3A_83, %lt3A_85 : i1
      %and3A_87 = arith.andi %ne3A_86, %ne3A_82 : i1
      %add3A_88 = arith.addi %rem3A_80, %select_n3A_79 : i32
      %select_n3A_89 = arith.select %and3A_87, %add3A_88, %rem3A_80 : i32
      %mul3A_90 = arith.constant 16 : i32
      %mul3A_91 = arith.muli %select_n3A_89, %mul3A_90 : i32
      %swap3A = arith.index_cast %select_n3A : i32 to index
      %swap3A_92 = arith.index_cast %mul3A_91 : i32 to index
      %swap3A_93 = tpu.vector_load %arg12[%swap3A, %swap3A_92] {strides = array<i32>} : memref<16x128xf32, #tpu.memory_space<vmem>>, vector<16xf32>,
      tpu.vector_store %arg12[%swap3A, %swap3A_92], %broadcast_in_dim3A_58 {strides = array<i32>} : memref<16x128xf32, #tpu.memory_space<vmem>>, vector<16xf32>,
      %scan3A_94 = arith.constant 0 : i32
      scf.yield %scan3A_94 : i32
    }
    %scan3A_6 = arith.constant 128 : i32
    %scan3A_7 = arith.constant 0 : i32
    %scan3A_8 = arith.constant 0 : i32
    %scan3A_9 = arith.constant 39 : i32
    %scan3A_10 = arith.addi %scan3A_8, %scan3A_9 : i32
    %scan3A_11 = arith.constant 1 : i32
    %scan3A_12 = scf.for %scan3A_56 = %scan3A_8 to %scan3A_10 step %scan3A_11 iter_args(%scan3A_57 = %scan3A_7) -> (i32)  : i32 {
      %mul3A_58 = arith.constant 624 : i32
      %mul3A_59 = arith.muli %arg1, %mul3A_58 : i32
      %mul3A_60 = arith.constant 16 : i32
      %mul3A_61 = arith.muli %scan3A_56, %mul3A_60 : i32
      %add3A_62 = arith.addi %mul3A_59, %mul3A_61 : i32
      "tpu.region"() ({
        %run_scoped3A = tpu.sem_alloc : memref<!tpu.dma_semaphore, #tpu.memory_space<semaphore_mem>>
        %dma_start3A = arith.constant 0 : i32
        %dma_start3A_64 = tpu.memref_slice %arg13[%add3A_62, %dma_start3A] : memref<10000x128xf32, #tpu.memory_space<vmem_shared>> -> memref<16x128xf32, #tpu.memory_space<vmem_shared>>
        %dma_start3A_65 = arith.constant 0 : i32
        %dma_start3A_66 = tpu.memref_slice %arg13[%add3A_62, %dma_start3A_65] : memref<10000x128xf32, #tpu.memory_space<vmem_shared>> -> memref<16x128xf32, #tpu.memory_space<vmem_shared>>
        tpu.enqueue_dma source(%arg12 : memref<16x128xf32, #tpu.memory_space<vmem>>) target(%dma_start3A_66 : memref<16x128xf32, #tpu.memory_space<vmem_shared>>) target_semaphore(%run_scoped3A : memref<!tpu.dma_semaphore, #tpu.memory_space<semaphore_mem>>)
        %dma_wait3A_67 = arith.constant 0 : i32
        %dma_wait3A_68 = tpu.memref_slice %arg13[%add3A_62, %dma_wait3A_67] : memref<10000x128xf32, #tpu.memory_space<vmem_shared>> -> memref<16x128xf32, #tpu.memory_space<vmem_shared>>
        %dma_wait3A_69 = arith.constant 0 : i32
        %dma_wait3A_70 = tpu.memref_slice %arg13[%add3A_62, %dma_wait3A_69] : memref<10000x128xf32, #tpu.memory_space<vmem_shared>> -> memref<16x128xf32, #tpu.memory_space<vmem_shared>>
        tpu.wait_dma2 semaphore(%run_scoped3A : memref<!tpu.dma_semaphore, #tpu.memory_space<semaphore_mem>>) src(%arg12 : memref<16x128xf32, #tpu.memory_space<vmem>>) dst(%dma_wait3A_70 : memref<16x128xf32, #tpu.memory_space<vmem_shared>>)
        tpu.yield
      }) : () -> ()
      %scan3A_63 = arith.constant 0 : i32
      scf.yield %scan3A_63 : i32
    }
    %scan3A_13 = arith.constant 39 : i32
    %eq3A = arith.constant 0 : i32
    %eq3A_14 = arith.cmpi eq, %arg1, %eq3A : i32
    %convert_element_type3A = arith.extui %eq3A_14 : i1 to i32
    %cond3A = arith.constant 0 : i32
    %cond3A_15 = arith.cmpi ne, %convert_element_type3A, %cond3A : i32
    scf.if %cond3A_15 {
      "tpu.region"() ({
        %run_scoped3A = tpu.sem_alloc : memref<!tpu.dma_semaphore, #tpu.memory_space<semaphore_mem>>
        %dma_start3A = arith.constant 9984 : i32
        %dma_start3A_56 = arith.constant 0 : i32
        %dma_start3A_57 = tpu.memref_slice %arg13[%dma_start3A, %dma_start3A_56] : memref<10000x128xf32, #tpu.memory_space<vmem_shared>> -> memref<16x128xf32, #tpu.memory_space<vmem_shared>>
        %dma_start3A_58 = arith.constant 9984 : i32
        %dma_start3A_59 = arith.constant 0 : i32
        %dma_start3A_60 = tpu.memref_slice %arg13[%dma_start3A_58, %dma_start3A_59] : memref<10000x128xf32, #tpu.memory_space<vmem_shared>> -> memref<16x128xf32, #tpu.memory_space<vmem_shared>>
        tpu.enqueue_dma source(%arg12 : memref<16x128xf32, #tpu.memory_space<vmem>>) target(%dma_start3A_60 : memref<16x128xf32, #tpu.memory_space<vmem_shared>>) target_semaphore(%run_scoped3A : memref<!tpu.dma_semaphore, #tpu.memory_space<semaphore_mem>>)
        %dma_wait3A_61 = arith.constant 9984 : i32
        %dma_wait3A_62 = arith.constant 0 : i32
        %dma_wait3A_63 = tpu.memref_slice %arg13[%dma_wait3A_61, %dma_wait3A_62] : memref<10000x128xf32, #tpu.memory_space<vmem_shared>> -> memref<16x128xf32, #tpu.memory_space<vmem_shared>>
        %dma_wait3A_64 = arith.constant 9984 : i32
        %dma_wait3A_65 = arith.constant 0 : i32
        %dma_wait3A_66 = tpu.memref_slice %arg13[%dma_wait3A_64, %dma_wait3A_65] : memref<10000x128xf32, #tpu.memory_space<vmem_shared>> -> memref<16x128xf32, #tpu.memory_space<vmem_shared>>
        tpu.wait_dma2 semaphore(%run_scoped3A : memref<!tpu.dma_semaphore, #tpu.memory_space<semaphore_mem>>) src(%arg12 : memref<16x128xf32, #tpu.memory_space<vmem>>) dst(%dma_wait3A_66 : memref<16x128xf32, #tpu.memory_space<vmem_shared>>)
        tpu.yield
      }) : () -> ()
    } else {
    }
    %barrier3A = arith.constant 0 : index
    tpu.barrier barrier_id(%barrier3A)
    %scan3A_16 = arith.constant 0 : i32
    %scan3A_17 = arith.constant 0 : i32
    %scan3A_18 = arith.constant 256 : i32
    %scan3A_19 = arith.addi %scan3A_17, %scan3A_18 : i32
    %scan3A_20 = arith.constant 1 : i32
    %scan3A_21 = scf.for %scan3A_56 = %scan3A_17 to %scan3A_19 step %scan3A_20 iter_args(%scan3A_57 = %scan3A_16) -> (i32)  : i32 {
      %jit3A = arith.constant 16 : i32
      %div3A = arith.divsi %scan3A_56, %jit3A : i32
      %sign3A = arith.constant 0 : i32
      %sign3A_58 = arith.cmpi sgt, %scan3A_56, %sign3A : i32
      %sign3A_59 = arith.extui %sign3A_58 : i1 to i32
      %sign3A_60 = arith.constant 0 : i32
      %sign3A_61 = arith.cmpi slt, %scan3A_56, %sign3A_60 : i32
      %sign3A_62 = arith.extui %sign3A_61 : i1 to i32
      %sign3A_63 = arith.subi %sign3A_59, %sign3A_62 : i32
      %sign3A_64 = arith.constant 0 : i32
      %sign3A_65 = arith.cmpi sgt, %jit3A, %sign3A_64 : i32
      %sign3A_66 = arith.extui %sign3A_65 : i1 to i32
      %sign3A_67 = arith.constant 0 : i32
      %sign3A_68 = arith.cmpi slt, %jit3A, %sign3A_67 : i32
      %sign3A_69 = arith.extui %sign3A_68 : i1 to i32
      %sign3A_70 = arith.subi %sign3A_66, %sign3A_69 : i32
      %ne3A = arith.cmpi ne, %sign3A_63, %sign3A_70 : i32
      %rem3A = arith.remsi %scan3A_56, %jit3A : i32
      %ne3A_71 = arith.constant 0 : i32
      %ne3A_72 = arith.cmpi ne, %rem3A, %ne3A_71 : i32
      %and3A = arith.andi %ne3A, %ne3A_72 : i1
      %sub3A = arith.constant 1 : i32
      %sub3A_73 = arith.subi %div3A, %sub3A : i32
      %select_n3A = arith.select %and3A, %sub3A_73, %div3A : i32
      %mul3A_74 = arith.constant 16 : i32
      %mul3A_75 = arith.muli %select_n3A, %mul3A_74 : i32
      %sub3A_76 = arith.subi %scan3A_56, %mul3A_75 : i32
      %jit3A_77 = arith.constant 2 : i32
      %eq3A_78 = arith.constant 0 : i32
      %eq3A_79 = arith.cmpi eq, %jit3A_77, %eq3A_78 : i32
      %jit3A_80 = arith.constant 1 : i32
      %select_n3A_81 = arith.select %eq3A_79, %jit3A_80, %jit3A_77 : i32
      %rem3A_82 = arith.remsi %select_n3A, %select_n3A_81 : i32
      %ne3A_83 = arith.constant 0 : i32
      %ne3A_84 = arith.cmpi ne, %rem3A_82, %ne3A_83 : i32
      %lt3A = arith.constant 0 : i32
      %lt3A_85 = arith.cmpi slt, %rem3A_82, %lt3A : i32
      %lt3A_86 = arith.constant 0 : i32
      %lt3A_87 = arith.cmpi slt, %select_n3A_81, %lt3A_86 : i32
      %ne3A_88 = arith.xori %lt3A_85, %lt3A_87 : i1
      %and3A_89 = arith.andi %ne3A_88, %ne3A_84 : i1
      %add3A_90 = arith.addi %rem3A_82, %select_n3A_81 : i32
      %select_n3A_91 = arith.select %and3A_89, %add3A_90, %rem3A_82 : i32
      %mul3A_92 = arith.constant 16 : i32
      %mul3A_93 = arith.muli %select_n3A_91, %mul3A_92 : i32
      %add3A_94 = arith.constant 1 : i32
      %add3A_95 = arith.addi %select_n3A, %add3A_94 : i32
      %jit3A_96 = arith.constant 2 : i32
      %eq3A_97 = arith.constant 0 : i32
      %eq3A_98 = arith.cmpi eq, %jit3A_96, %eq3A_97 : i32
      %jit3A_99 = arith.constant 1 : i32
      %select_n3A_100 = arith.select %eq3A_98, %jit3A_99, %jit3A_96 : i32
      %rem3A_101 = arith.remsi %add3A_95, %select_n3A_100 : i32
      %ne3A_102 = arith.constant 0 : i32
      %ne3A_103 = arith.cmpi ne, %rem3A_101, %ne3A_102 : i32
      %lt3A_104 = arith.constant 0 : i32
      %lt3A_105 = arith.cmpi slt, %rem3A_101, %lt3A_104 : i32
      %lt3A_106 = arith.constant 0 : i32
      %lt3A_107 = arith.cmpi slt, %select_n3A_100, %lt3A_106 : i32
      %ne3A_108 = arith.xori %lt3A_105, %lt3A_107 : i1
      %and3A_109 = arith.andi %ne3A_108, %ne3A_103 : i1
      %add3A_110 = arith.addi %rem3A_101, %select_n3A_100 : i32
      %select_n3A_111 = arith.select %and3A_109, %add3A_110, %rem3A_101 : i32
      %mul3A_112 = arith.constant 16 : i32
      %mul3A_113 = arith.muli %select_n3A_111, %mul3A_112 : i32
      %add3A_114 = arith.addi %mul3A_93, %sub3A_76 : i32
      %jit3A_115 = arith.constant 3 : i32
      %eq3A_116 = arith.constant 0 : i32
      %eq3A_117 = arith.cmpi eq, %jit3A_115, %eq3A_116 : i32
      %jit3A_118 = arith.constant 1 : i32
      %select_n3A_119 = arith.select %eq3A_117, %jit3A_118, %jit3A_115 : i32
      %rem3A_120 = arith.remsi %scan3A_56, %select_n3A_119 : i32
      %ne3A_121 = arith.constant 0 : i32
      %ne3A_122 = arith.cmpi ne, %rem3A_120, %ne3A_121 : i32
      %lt3A_123 = arith.constant 0 : i32
      %lt3A_124 = arith.cmpi slt, %rem3A_120, %lt3A_123 : i32
      %lt3A_125 = arith.constant 0 : i32
      %lt3A_126 = arith.cmpi slt, %select_n3A_119, %lt3A_125 : i32
      %ne3A_127 = arith.xori %lt3A_124, %lt3A_126 : i1
      %and3A_128 = arith.andi %ne3A_127, %ne3A_122 : i1
      %add3A_129 = arith.addi %rem3A_120, %select_n3A_119 : i32
      %select_n3A_130 = arith.select %and3A_128, %add3A_129, %rem3A_120 : i32
      %add3A_131 = arith.constant 1 : i32
      %add3A_132 = arith.addi %scan3A_56, %add3A_131 : i32
      %jit3A_133 = arith.constant 3 : i32
      %eq3A_134 = arith.constant 0 : i32
      %eq3A_135 = arith.cmpi eq, %jit3A_133, %eq3A_134 : i32
      %jit3A_136 = arith.constant 1 : i32
      %select_n3A_137 = arith.select %eq3A_135, %jit3A_136, %jit3A_133 : i32
      %rem3A_138 = arith.remsi %add3A_132, %select_n3A_137 : i32
      %ne3A_139 = arith.constant 0 : i32
      %ne3A_140 = arith.cmpi ne, %rem3A_138, %ne3A_139 : i32
      %lt3A_141 = arith.constant 0 : i32
      %lt3A_142 = arith.cmpi slt, %rem3A_138, %lt3A_141 : i32
      %lt3A_143 = arith.constant 0 : i32
      %lt3A_144 = arith.cmpi slt, %select_n3A_137, %lt3A_143 : i32
      %ne3A_145 = arith.xori %lt3A_142, %lt3A_144 : i1
      %and3A_146 = arith.andi %ne3A_145, %ne3A_140 : i1
      %add3A_147 = arith.addi %rem3A_138, %select_n3A_137 : i32
      %select_n3A_148 = arith.select %and3A_146, %add3A_147, %rem3A_138 : i32
      %eq3A_149 = arith.constant 0 : i32
      %eq3A_150 = arith.cmpi eq, %scan3A_56, %eq3A_149 : i32
      %convert_element_type3A_151 = arith.extui %eq3A_150 : i1 to i32
      %cond3A_152 = arith.constant 0 : i32
      %cond3A_153 = arith.cmpi ne, %convert_element_type3A_151, %cond3A_152 : i32
      scf.if %cond3A_153 {
        %run_scoped3A = arith.constant 0 : i32
        "tpu.region"() ({
          %run_scoped3A_3900 = tpu.sem_alloc : memref<!tpu.dma_semaphore, #tpu.memory_space<semaphore_mem>>
          %dma_start3A_3901 = arith.constant 0 : i32
          %dma_start3A_3902 = arith.constant 0 : i32
          %dma_start3A_3903 = tpu.memref_slice %arg8[%dma_start3A_3901, %dma_start3A_3902] : memref<32x40xi32, #tpu.memory_space<vmem>> -> memref<16x40xi32, #tpu.memory_space<vmem>>
          %dma_start3A_3904 = arith.constant 0 : i32
          %dma_start3A_3905 = arith.constant 0 : i32
          %dma_start3A_3906 = tpu.memref_slice %arg3[%add3A, %run_scoped3A, %dma_start3A_3904, %dma_start3A_3905] : memref<32x16x16x40xi32, #tpu.memory_space<hbm>> -> memref<1x1x16x40xi32, #tpu.memory_space<hbm>>
          %dma_start3A_3907 = tpu.memref_squeeze %dma_start3A_3906 : memref<1x1x16x40xi32, #tpu.memory_space<hbm>> -> memref<16x40xi32, #tpu.memory_space<hbm>>
          %dma_start3A_3908 = arith.constant 0 : i32
          %dma_start3A_3909 = arith.constant 0 : i32
          %dma_start3A_3910 = tpu.memref_slice %arg8[%dma_start3A_3908, %dma_start3A_3909] : memref<32x40xi32, #tpu.memory_space<vmem>> -> memref<16x40xi32, #tpu.memory_space<vmem>>
          %dma_start3A_3911 = arith.constant 0 : i32
          %dma_start3A_3912 = arith.constant 0 : i32
          %dma_start3A_3913 = tpu.memref_slice %arg3[%add3A, %run_scoped3A, %dma_start3A_3911, %dma_start3A_3912] : memref<32x16x16x40xi32, #tpu.memory_space<hbm>> -> memref<1x1x16x40xi32, #tpu.memory_space<hbm>>
          %dma_start3A_3914 = tpu.memref_squeeze %dma_start3A_3913 : memref<1x1x16x40xi32, #tpu.memory_space<hbm>> -> memref<16x40xi32, #tpu.memory_space<hbm>>
          tpu.enqueue_dma source(%dma_start3A_3914 : memref<16x40xi32, #tpu.memory_space<hbm>>) target(%dma_start3A_3910 : memref<16x40xi32, #tpu.memory_space<vmem>>) target_semaphore(%run_scoped3A_3900 : memref<!tpu.dma_semaphore, #tpu.memory_space<semaphore_mem>>)
          %dma_wait3A_3915 = arith.constant 0 : i32
          %dma_wait3A_3916 = arith.constant 0 : i32
          %dma_wait3A_3917 = tpu.memref_slice %arg8[%dma_wait3A_3915, %dma_wait3A_3916] : memref<32x40xi32, #tpu.memory_space<vmem>> -> memref<16x40xi32, #tpu.memory_space<vmem>>
          %dma_wait3A_3918 = arith.constant 0 : i32
          %dma_wait3A_3919 = arith.constant 0 : i32
          %dma_wait3A_3920 = tpu.memref_slice %arg3[%add3A, %run_scoped3A, %dma_wait3A_3918, %dma_wait3A_3919] : memref<32x16x16x40xi32, #tpu.memory_space<hbm>> -> memref<1x1x16x40xi32, #tpu.memory_space<hbm>>
          %dma_wait3A_3921 = tpu.memref_squeeze %dma_wait3A_3920 : memref<1x1x16x40xi32, #tpu.memory_space<hbm>> -> memref<16x40xi32, #tpu.memory_space<hbm>>
          %dma_wait3A_3922 = arith.constant 0 : i32
          %dma_wait3A_3923 = arith.constant 0 : i32
          %dma_wait3A_3924 = tpu.memref_slice %arg8[%dma_wait3A_3922, %dma_wait3A_3923] : memref<32x40xi32, #tpu.memory_space<vmem>> -> memref<16x40xi32, #tpu.memory_space<vmem>>
          %dma_wait3A_3925 = arith.constant 0 : i32
          %dma_wait3A_3926 = arith.constant 0 : i32
          %dma_wait3A_3927 = tpu.memref_slice %arg3[%add3A, %run_scoped3A, %dma_wait3A_3925, %dma_wait3A_3926] : memref<32x16x16x40xi32, #tpu.memory_space<hbm>> -> memref<1x1x16x40xi32, #tpu.memory_space<hbm>>
          %dma_wait3A_3928 = tpu.memref_squeeze %dma_wait3A_3927 : memref<1x1x16x40xi32, #tpu.memory_space<hbm>> -> memref<16x40xi32, #tpu.memory_space<hbm>>
          tpu.wait_dma2 semaphore(%run_scoped3A_3900 : memref<!tpu.dma_semaphore, #tpu.memory_space<semaphore_mem>>) src(%dma_wait3A_3928 : memref<16x40xi32, #tpu.memory_space<hbm>>) dst(%dma_wait3A_3924 : memref<16x40xi32, #tpu.memory_space<vmem>>)
          tpu.yield
        }) : () -> ()
        %run_scoped3A_3885 = arith.constant 0 : i32
        "tpu.region"() ({
          %run_scoped3A_3900 = tpu.sem_alloc : memref<!tpu.dma_semaphore, #tpu.memory_space<semaphore_mem>>
          %dma_start3A_3901 = arith.constant 0 : i32
          %dma_start3A_3902 = arith.constant 0 : i32
          %dma_start3A_3903 = tpu.memref_slice %arg9[%dma_start3A_3901, %dma_start3A_3902] : memref<32x40xi32, #tpu.memory_space<vmem>> -> memref<16x40xi32, #tpu.memory_space<vmem>>
          %dma_start3A_3904 = arith.constant 0 : i32
          %dma_start3A_3905 = arith.constant 0 : i32
          %dma_start3A_3906 = tpu.memref_slice %arg4[%add3A, %run_scoped3A_3885, %dma_start3A_3904, %dma_start3A_3905] : memref<32x16x16x40xi32, #tpu.memory_space<hbm>> -> memref<1x1x16x40xi32, #tpu.memory_space<hbm>>
          %dma_start3A_3907 = tpu.memref_squeeze %dma_start3A_3906 : memref<1x1x16x40xi32, #tpu.memory_space<hbm>> -> memref<16x40xi32, #tpu.memory_space<hbm>>
          %dma_start3A_3908 = arith.constant 0 : i32
          %dma_start3A_3909 = arith.constant 0 : i32
          %dma_start3A_3910 = tpu.memref_slice %arg9[%dma_start3A_3908, %dma_start3A_3909] : memref<32x40xi32, #tpu.memory_space<vmem>> -> memref<16x40xi32, #tpu.memory_space<vmem>>
          %dma_start3A_3911 = arith.constant 0 : i32
          %dma_start3A_3912 = arith.constant 0 : i32
          %dma_start3A_3913 = tpu.memref_slice %arg4[%add3A, %run_scoped3A_3885, %dma_start3A_3911, %dma_start3A_3912] : memref<32x16x16x40xi32, #tpu.memory_space<hbm>> -> memref<1x1x16x40xi32, #tpu.memory_space<hbm>>
          %dma_start3A_3914 = tpu.memref_squeeze %dma_start3A_3913 : memref<1x1x16x40xi32, #tpu.memory_space<hbm>> -> memref<16x40xi32, #tpu.memory_space<hbm>>
          tpu.enqueue_dma source(%dma_start3A_3914 : memref<16x40xi32, #tpu.memory_space<hbm>>) target(%dma_start3A_3910 : memref<16x40xi32, #tpu.memory_space<vmem>>) target_semaphore(%run_scoped3A_3900 : memref<!tpu.dma_semaphore, #tpu.memory_space<semaphore_mem>>)
          %dma_wait3A_3915 = arith.constant 0 : i32
          %dma_wait3A_3916 = arith.constant 0 : i32
          %dma_wait3A_3917 = tpu.memref_slice %arg9[%dma_wait3A_3915, %dma_wait3A_3916] : memref<32x40xi32, #tpu.memory_space<vmem>> -> memref<16x40xi32, #tpu.memory_space<vmem>>
          %dma_wait3A_3918 = arith.constant 0 : i32
          %dma_wait3A_3919 = arith.constant 0 : i32
          %dma_wait3A_3920 = tpu.memref_slice %arg4[%add3A, %run_scoped3A_3885, %dma_wait3A_3918, %dma_wait3A_3919] : memref<32x16x16x40xi32, #tpu.memory_space<hbm>> -> memref<1x1x16x40xi32, #tpu.memory_space<hbm>>
          %dma_wait3A_3921 = tpu.memref_squeeze %dma_wait3A_3920 : memref<1x1x16x40xi32, #tpu.memory_space<hbm>> -> memref<16x40xi32, #tpu.memory_space<hbm>>
          %dma_wait3A_3922 = arith.constant 0 : i32
          %dma_wait3A_3923 = arith.constant 0 : i32
          %dma_wait3A_3924 = tpu.memref_slice %arg9[%dma_wait3A_3922, %dma_wait3A_3923] : memref<32x40xi32, #tpu.memory_space<vmem>> -> memref<16x40xi32, #tpu.memory_space<vmem>>
          %dma_wait3A_3925 = arith.constant 0 : i32
          %dma_wait3A_3926 = arith.constant 0 : i32
          %dma_wait3A_3927 = tpu.memref_slice %arg4[%add3A, %run_scoped3A_3885, %dma_wait3A_3925, %dma_wait3A_3926] : memref<32x16x16x40xi32, #tpu.memory_space<hbm>> -> memref<1x1x16x40xi32, #tpu.memory_space<hbm>>
          %dma_wait3A_3928 = tpu.memref_squeeze %dma_wait3A_3927 : memref<1x1x16x40xi32, #tpu.memory_space<hbm>> -> memref<16x40xi32, #tpu.memory_space<hbm>>
          tpu.wait_dma2 semaphore(%run_scoped3A_3900 : memref<!tpu.dma_semaphore, #tpu.memory_space<semaphore_mem>>) src(%dma_wait3A_3928 : memref<16x40xi32, #tpu.memory_space<hbm>>) dst(%dma_wait3A_3924 : memref<16x40xi32, #tpu.memory_space<vmem>>)
          tpu.yield
        }) : () -> ()
        %run_scoped3A_3886 = arith.constant 0 : i32
        "tpu.region"() ({
          %run_scoped3A_3900 = tpu.sem_alloc : memref<!tpu.dma_semaphore, #tpu.memory_space<semaphore_mem>>
          %dma_start3A_3901 = arith.constant 0 : i32
          %dma_start3A_3902 = arith.constant 0 : i32
          %dma_start3A_3903 = tpu.memref_slice %arg10[%dma_start3A_3901, %dma_start3A_3902] : memref<32x40xf32, #tpu.memory_space<vmem>> -> memref<16x40xf32, #tpu.memory_space<vmem>>
          %dma_start3A_3904 = arith.constant 0 : i32
          %dma_start3A_3905 = arith.constant 0 : i32
          %dma_start3A_3906 = tpu.memref_slice %arg5[%add3A, %run_scoped3A_3886, %dma_start3A_3904, %dma_start3A_3905] : memref<32x16x16x40xf32, #tpu.memory_space<hbm>> -> memref<1x1x16x40xf32, #tpu.memory_space<hbm>>
          %dma_start3A_3907 = tpu.memref_squeeze %dma_start3A_3906 : memref<1x1x16x40xf32, #tpu.memory_space<hbm>> -> memref<16x40xf32, #tpu.memory_space<hbm>>
          %dma_start3A_3908 = arith.constant 0 : i32
          %dma_start3A_3909 = arith.constant 0 : i32
          %dma_start3A_3910 = tpu.memref_slice %arg10[%dma_start3A_3908, %dma_start3A_3909] : memref<32x40xf32, #tpu.memory_space<vmem>> -> memref<16x40xf32, #tpu.memory_space<vmem>>
          %dma_start3A_3911 = arith.constant 0 : i32
          %dma_start3A_3912 = arith.constant 0 : i32
          %dma_start3A_3913 = tpu.memref_slice %arg5[%add3A, %run_scoped3A_3886, %dma_start3A_3911, %dma_start3A_3912] : memref<32x16x16x40xf32, #tpu.memory_space<hbm>> -> memref<1x1x16x40xf32, #tpu.memory_space<hbm>>
          %dma_start3A_3914 = tpu.memref_squeeze %dma_start3A_3913 : memref<1x1x16x40xf32, #tpu.memory_space<hbm>> -> memref<16x40xf32, #tpu.memory_space<hbm>>
          tpu.enqueue_dma source(%dma_start3A_3914 : memref<16x40xf32, #tpu.memory_space<hbm>>) target(%dma_start3A_3910 : memref<16x40xf32, #tpu.memory_space<vmem>>) target_semaphore(%run_scoped3A_3900 : memref<!tpu.dma_semaphore, #tpu.memory_space<semaphore_mem>>)
          %dma_wait3A_3915 = arith.constant 0 : i32
          %dma_wait3A_3916 = arith.constant 0 : i32
          %dma_wait3A_3917 = tpu.memref_slice %arg10[%dma_wait3A_3915, %dma_wait3A_3916] : memref<32x40xf32, #tpu.memory_space<vmem>> -> memref<16x40xf32, #tpu.memory_space<vmem>>
          %dma_wait3A_3918 = arith.constant 0 : i32
          %dma_wait3A_3919 = arith.constant 0 : i32
          %dma_wait3A_3920 = tpu.memref_slice %arg5[%add3A, %run_scoped3A_3886, %dma_wait3A_3918, %dma_wait3A_3919] : memref<32x16x16x40xf32, #tpu.memory_space<hbm>> -> memref<1x1x16x40xf32, #tpu.memory_space<hbm>>
          %dma_wait3A_3921 = tpu.memref_squeeze %dma_wait3A_3920 : memref<1x1x16x40xf32, #tpu.memory_space<hbm>> -> memref<16x40xf32, #tpu.memory_space<hbm>>
          %dma_wait3A_3922 = arith.constant 0 : i32
          %dma_wait3A_3923 = arith.constant 0 : i32
          %dma_wait3A_3924 = tpu.memref_slice %arg10[%dma_wait3A_3922, %dma_wait3A_3923] : memref<32x40xf32, #tpu.memory_space<vmem>> -> memref<16x40xf32, #tpu.memory_space<vmem>>
          %dma_wait3A_3925 = arith.constant 0 : i32
          %dma_wait3A_3926 = arith.constant 0 : i32
          %dma_wait3A_3927 = tpu.memref_slice %arg5[%add3A, %run_scoped3A_3886, %dma_wait3A_3925, %dma_wait3A_3926] : memref<32x16x16x40xf32, #tpu.memory_space<hbm>> -> memref<1x1x16x40xf32, #tpu.memory_space<hbm>>
          %dma_wait3A_3928 = tpu.memref_squeeze %dma_wait3A_3927 : memref<1x1x16x40xf32, #tpu.memory_space<hbm>> -> memref<16x40xf32, #tpu.memory_space<hbm>>
          tpu.wait_dma2 semaphore(%run_scoped3A_3900 : memref<!tpu.dma_semaphore, #tpu.memory_space<semaphore_mem>>) src(%dma_wait3A_3928 : memref<16x40xf32, #tpu.memory_space<hbm>>) dst(%dma_wait3A_3924 : memref<16x40xf32, #tpu.memory_space<vmem>>)
          tpu.yield
        }) : () -> ()
        %dma_start3A_3887 = arith.constant 0 : i32
        %dma_start3A_3888 = arith.constant 0 : i32
        %dma_start3A_3889 = arith.constant 0 : i32
        %dma_start3A_3890 = tpu.memref_slice %arg11[%select_n3A_130, %dma_start3A_3888, %dma_start3A_3889] : memref<3x40x128xf32, #tpu.memory_space<vmem>> -> memref<1x40x128xf32, #tpu.memory_space<vmem>>
        %dma_start3A_3891 = tpu.memref_squeeze %dma_start3A_3890 : memref<1x40x128xf32, #tpu.memory_space<vmem>> -> memref<40x128xf32, #tpu.memory_space<vmem>>
        %dma_start3A_3892 = arith.constant 0 : i32
        %dma_start3A_3893 = tpu.memref_slice %arg9[%dma_start3A_3887, %dma_start3A_3892] : memref<32x40xi32, #tpu.memory_space<vmem>> -> memref<1x40xi32, #tpu.memory_space<vmem>>
        %dma_start3A_3894 = tpu.memref_squeeze %dma_start3A_3893 : memref<1x40xi32, #tpu.memory_space<vmem>> -> memref<40xi32, #tpu.memory_space<vmem>>
        %dma_start3A_3895 = arith.constant 0 : i32
        %dma_start3A_3896 = arith.constant 0 : i32
        %dma_start3A_3897 = tpu.memref_slice %arg2[%dma_start3A_3895, %dma_start3A_3896] : memref<10000x128xf32, #tpu.memory_space<hbm>> -> memref<10000x128xf32, #tpu.memory_space<hbm>>
        %dma_start3A_3898 = tpu.memref_slice %arg14[%select_n3A_130] : memref<3x!tpu.dma_semaphore, #tpu.memory_space<semaphore_mem>> -> memref<1x!tpu.dma_semaphore, #tpu.memory_space<semaphore_mem>>
        %dma_start3A_3899 = tpu.memref_squeeze %dma_start3A_3898 : memref<1x!tpu.dma_semaphore, #tpu.memory_space<semaphore_mem>> -> memref<!tpu.dma_semaphore, #tpu.memory_space<semaphore_mem>>
        tpu.enqueue_indirect_dma source(%dma_start3A_3897 : memref<10000x128xf32, #tpu.memory_space<hbm>>) target(%dma_start3A_3891 : memref<40x128xf32, #tpu.memory_space<vmem>>) offsets(%dma_start3A_3894 : memref<40xi32, #tpu.memory_space<vmem>>) semaphore(%dma_start3A_3899 : memref<!tpu.dma_semaphore, #tpu.memory_space<semaphore_mem>>)
      } else {
      }
      %ge3A = arith.constant 2 : i32
      %ge3A_154 = arith.cmpi sge, %scan3A_56, %ge3A : i32
      %convert_element_type3A_155 = arith.extui %ge3A_154 : i1 to i32
      %cond3A_156 = arith.constant 0 : i32
      %cond3A_157 = arith.cmpi ne, %convert_element_type3A_155, %cond3A_156 : i32
      scf.if %cond3A_157 {
        %dma_wait3A_3885 = arith.constant 0 : i32
        %dma_wait3A_3886 = arith.constant 0 : i32
        %dma_wait3A_3887 = tpu.memref_slice %arg11[%select_n3A_148, %dma_wait3A_3885, %dma_wait3A_3886] : memref<3x40x128xf32, #tpu.memory_space<vmem>> -> memref<1x40x128xf32, #tpu.memory_space<vmem>>
        %dma_wait3A_3888 = tpu.memref_squeeze %dma_wait3A_3887 : memref<1x40x128xf32, #tpu.memory_space<vmem>> -> memref<40x128xf32, #tpu.memory_space<vmem>>
        %dma_wait3A_3889 = tpu.memref_slice %arg15[%select_n3A_148] : memref<3x!tpu.dma_semaphore, #tpu.memory_space<semaphore_mem>> -> memref<1x!tpu.dma_semaphore, #tpu.memory_space<semaphore_mem>>
        %dma_wait3A_3890 = tpu.memref_squeeze %dma_wait3A_3889 : memref<1x!tpu.dma_semaphore, #tpu.memory_space<semaphore_mem>> -> memref<!tpu.dma_semaphore, #tpu.memory_space<semaphore_mem>>
        %dma_wait3A_3891 = arith.constant 0 : i32
        %dma_wait3A_3892 = arith.constant 0 : i32
        %dma_wait3A_3893 = tpu.memref_slice %arg11[%select_n3A_148, %dma_wait3A_3891, %dma_wait3A_3892] : memref<3x40x128xf32, #tpu.memory_space<vmem>> -> memref<1x40x128xf32, #tpu.memory_space<vmem>>
        %dma_wait3A_3894 = tpu.memref_squeeze %dma_wait3A_3893 : memref<1x40x128xf32, #tpu.memory_space<vmem>> -> memref<40x128xf32, #tpu.memory_space<vmem>>
        tpu.wait_dma2 semaphore(%dma_wait3A_3890 : memref<!tpu.dma_semaphore, #tpu.memory_space<semaphore_mem>>) src(%arg6 : memref<40x128xf32, #tpu.memory_space<hbm>>) dst(%dma_wait3A_3894 : memref<40x128xf32, #tpu.memory_space<vmem>>)
      } else {
      }
      %eq3A_158 = arith.constant 2 : i32
      %eq3A_159 = arith.cmpi eq, %sub3A_76, %eq3A_158 : i32
      %lt3A_160 = arith.constant 15 : i32
      %lt3A_161 = arith.cmpi slt, %select_n3A, %lt3A_160 : i32
      %and3A_162 = arith.andi %eq3A_159, %lt3A_161 : i1
      %convert_element_type3A_163 = arith.extui %and3A_162 : i1 to i32
      %cond3A_164 = arith.constant 0 : i32
      %cond3A_165 = arith.cmpi ne, %convert_element_type3A_163, %cond3A_164 : i32
      scf.if %cond3A_165 {
        %add3A_3885 = arith.constant 1 : i32
        %add3A_3886 = arith.addi %select_n3A, %add3A_3885 : i32
        %dma_start3A_3887 = arith.constant 0 : i32
        %dma_start3A_3888 = tpu.memref_slice %arg8[%mul3A_113, %dma_start3A_3887] : memref<32x40xi32, #tpu.memory_space<vmem>> -> memref<16x40xi32, #tpu.memory_space<vmem>>
        %dma_start3A_3889 = arith.constant 0 : i32
        %dma_start3A_3890 = arith.constant 0 : i32
        %dma_start3A_3891 = tpu.memref_slice %arg3[%add3A, %add3A_3886, %dma_start3A_3889, %dma_start3A_3890] : memref<32x16x16x40xi32, #tpu.memory_space<hbm>> -> memref<1x1x16x40xi32, #tpu.memory_space<hbm>>
        %dma_start3A_3892 = tpu.memref_squeeze %dma_start3A_3891 : memref<1x1x16x40xi32, #tpu.memory_space<hbm>> -> memref<16x40xi32, #tpu.memory_space<hbm>>
        %dma_start3A_3893 = arith.constant 0 : i32
        %dma_start3A_3894 = tpu.memref_slice %arg8[%mul3A_113, %dma_start3A_3893] : memref<32x40xi32, #tpu.memory_space<vmem>> -> memref<16x40xi32, #tpu.memory_space<vmem>>
        %dma_start3A_3895 = arith.constant 0 : i32
        %dma_start3A_3896 = arith.constant 0 : i32
        %dma_start3A_3897 = tpu.memref_slice %arg3[%add3A, %add3A_3886, %dma_start3A_3895, %dma_start3A_3896] : memref<32x16x16x40xi32, #tpu.memory_space<hbm>> -> memref<1x1x16x40xi32, #tpu.memory_space<hbm>>
        %dma_start3A_3898 = tpu.memref_squeeze %dma_start3A_3897 : memref<1x1x16x40xi32, #tpu.memory_space<hbm>> -> memref<16x40xi32, #tpu.memory_space<hbm>>
        tpu.enqueue_dma source(%dma_start3A_3898 : memref<16x40xi32, #tpu.memory_space<hbm>>) target(%dma_start3A_3894 : memref<16x40xi32, #tpu.memory_space<vmem>>) target_semaphore(%arg16 : memref<!tpu.dma_semaphore, #tpu.memory_space<semaphore_mem>>)
        %add3A_3899 = arith.constant 1 : i32
        %add3A_3900 = arith.addi %select_n3A, %add3A_3899 : i32
        %dma_start3A_3901 = arith.constant 0 : i32
        %dma_start3A_3902 = tpu.memref_slice %arg9[%mul3A_113, %dma_start3A_3901] : memref<32x40xi32, #tpu.memory_space<vmem>> -> memref<16x40xi32, #tpu.memory_space<vmem>>
        %dma_start3A_3903 = arith.constant 0 : i32
        %dma_start3A_3904 = arith.constant 0 : i32
        %dma_start3A_3905 = tpu.memref_slice %arg4[%add3A, %add3A_3900, %dma_start3A_3903, %dma_start3A_3904] : memref<32x16x16x40xi32, #tpu.memory_space<hbm>> -> memref<1x1x16x40xi32, #tpu.memory_space<hbm>>
        %dma_start3A_3906 = tpu.memref_squeeze %dma_start3A_3905 : memref<1x1x16x40xi32, #tpu.memory_space<hbm>> -> memref<16x40xi32, #tpu.memory_space<hbm>>
        %dma_start3A_3907 = arith.constant 0 : i32
        %dma_start3A_3908 = tpu.memref_slice %arg9[%mul3A_113, %dma_start3A_3907] : memref<32x40xi32, #tpu.memory_space<vmem>> -> memref<16x40xi32, #tpu.memory_space<vmem>>
        %dma_start3A_3909 = arith.constant 0 : i32
        %dma_start3A_3910 = arith.constant 0 : i32
        %dma_start3A_3911 = tpu.memref_slice %arg4[%add3A, %add3A_3900, %dma_start3A_3909, %dma_start3A_3910] : memref<32x16x16x40xi32, #tpu.memory_space<hbm>> -> memref<1x1x16x40xi32, #tpu.memory_space<hbm>>
        %dma_start3A_3912 = tpu.memref_squeeze %dma_start3A_3911 : memref<1x1x16x40xi32, #tpu.memory_space<hbm>> -> memref<16x40xi32, #tpu.memory_space<hbm>>
        tpu.enqueue_dma source(%dma_start3A_3912 : memref<16x40xi32, #tpu.memory_space<hbm>>) target(%dma_start3A_3908 : memref<16x40xi32, #tpu.memory_space<vmem>>) target_semaphore(%arg16 : memref<!tpu.dma_semaphore, #tpu.memory_space<semaphore_mem>>)
        %add3A_3913 = arith.constant 1 : i32
        %add3A_3914 = arith.addi %select_n3A, %add3A_3913 : i32
        %dma_start3A_3915 = arith.constant 0 : i32
        %dma_start3A_3916 = tpu.memref_slice %arg10[%mul3A_113, %dma_start3A_3915] : memref<32x40xf32, #tpu.memory_space<vmem>> -> memref<16x40xf32, #tpu.memory_space<vmem>>
        %dma_start3A_3917 = arith.constant 0 : i32
        %dma_start3A_3918 = arith.constant 0 : i32
        %dma_start3A_3919 = tpu.memref_slice %arg5[%add3A, %add3A_3914, %dma_start3A_3917, %dma_start3A_3918] : memref<32x16x16x40xf32, #tpu.memory_space<hbm>> -> memref<1x1x16x40xf32, #tpu.memory_space<hbm>>
        %dma_start3A_3920 = tpu.memref_squeeze %dma_start3A_3919 : memref<1x1x16x40xf32, #tpu.memory_space<hbm>> -> memref<16x40xf32, #tpu.memory_space<hbm>>
        %dma_start3A_3921 = arith.constant 0 : i32
        %dma_start3A_3922 = tpu.memref_slice %arg10[%mul3A_113, %dma_start3A_3921] : memref<32x40xf32, #tpu.memory_space<vmem>> -> memref<16x40xf32, #tpu.memory_space<vmem>>
        %dma_start3A_3923 = arith.constant 0 : i32
        %dma_start3A_3924 = arith.constant 0 : i32
        %dma_start3A_3925 = tpu.memref_slice %arg5[%add3A, %add3A_3914, %dma_start3A_3923, %dma_start3A_3924] : memref<32x16x16x40xf32, #tpu.memory_space<hbm>> -> memref<1x1x16x40xf32, #tpu.memory_space<hbm>>
        %dma_start3A_3926 = tpu.memref_squeeze %dma_start3A_3925 : memref<1x1x16x40xf32, #tpu.memory_space<hbm>> -> memref<16x40xf32, #tpu.memory_space<hbm>>
        tpu.enqueue_dma source(%dma_start3A_3926 : memref<16x40xf32, #tpu.memory_space<hbm>>) target(%dma_start3A_3922 : memref<16x40xf32, #tpu.memory_space<vmem>>) target_semaphore(%arg16 : memref<!tpu.dma_semaphore, #tpu.memory_space<semaphore_mem>>)
      } else {
      }
      %le3A = arith.constant 14 : i32
      %le3A_166 = arith.cmpi sle, %sub3A_76, %le3A : i32
      %convert_element_type3A_167 = arith.extui %le3A_166 : i1 to i32
      %cond3A_168 = arith.constant 0 : i32
      %cond3A_169 = arith.cmpi ne, %convert_element_type3A_167, %cond3A_168 : i32
      scf.if %cond3A_169 {
        %add3A_3885 = arith.constant 1 : i32
        %add3A_3886 = arith.addi %add3A_114, %add3A_3885 : i32
        %dma_start3A_3887 = arith.constant 0 : i32
        %dma_start3A_3888 = arith.constant 0 : i32
        %dma_start3A_3889 = tpu.memref_slice %arg11[%select_n3A_148, %dma_start3A_3887, %dma_start3A_3888] : memref<3x40x128xf32, #tpu.memory_space<vmem>> -> memref<1x40x128xf32, #tpu.memory_space<vmem>>
        %dma_start3A_3890 = tpu.memref_squeeze %dma_start3A_3889 : memref<1x40x128xf32, #tpu.memory_space<vmem>> -> memref<40x128xf32, #tpu.memory_space<vmem>>
        %dma_start3A_3891 = arith.constant 0 : i32
        %dma_start3A_3892 = tpu.memref_slice %arg9[%add3A_3886, %dma_start3A_3891] : memref<32x40xi32, #tpu.memory_space<vmem>> -> memref<1x40xi32, #tpu.memory_space<vmem>>
        %dma_start3A_3893 = tpu.memref_squeeze %dma_start3A_3892 : memref<1x40xi32, #tpu.memory_space<vmem>> -> memref<40xi32, #tpu.memory_space<vmem>>
        %dma_start3A_3894 = arith.constant 0 : i32
        %dma_start3A_3895 = arith.constant 0 : i32
        %dma_start3A_3896 = tpu.memref_slice %arg2[%dma_start3A_3894, %dma_start3A_3895] : memref<10000x128xf32, #tpu.memory_space<hbm>> -> memref<10000x128xf32, #tpu.memory_space<hbm>>
        %dma_start3A_3897 = tpu.memref_slice %arg14[%select_n3A_148] : memref<3x!tpu.dma_semaphore, #tpu.memory_space<semaphore_mem>> -> memref<1x!tpu.dma_semaphore, #tpu.memory_space<semaphore_mem>>
        %dma_start3A_3898 = tpu.memref_squeeze %dma_start3A_3897 : memref<1x!tpu.dma_semaphore, #tpu.memory_space<semaphore_mem>> -> memref<!tpu.dma_semaphore, #tpu.memory_space<semaphore_mem>>
        tpu.enqueue_indirect_dma source(%dma_start3A_3896 : memref<10000x128xf32, #tpu.memory_space<hbm>>) target(%dma_start3A_3890 : memref<40x128xf32, #tpu.memory_space<vmem>>) offsets(%dma_start3A_3893 : memref<40xi32, #tpu.memory_space<vmem>>) semaphore(%dma_start3A_3898 : memref<!tpu.dma_semaphore, #tpu.memory_space<semaphore_mem>>)
      } else {
      }
      %eq3A_170 = arith.constant 15 : i32
      %eq3A_171 = arith.cmpi eq, %sub3A_76, %eq3A_170 : i32
      %lt3A_172 = arith.constant 255 : i32
      %lt3A_173 = arith.cmpi slt, %scan3A_56, %lt3A_172 : i32
      %and3A_174 = arith.andi %eq3A_171, %lt3A_173 : i1
      %convert_element_type3A_175 = arith.extui %and3A_174 : i1 to i32
      %cond3A_176 = arith.constant 0 : i32
      %cond3A_177 = arith.cmpi ne, %convert_element_type3A_175, %cond3A_176 : i32
      scf.if %cond3A_177 {
        %dma_wait3A_3885 = arith.constant 0 : i32
        %dma_wait3A_3886 = arith.constant 0 : i32
        %dma_wait3A_3887 = tpu.memref_slice %arg8[%mul3A_113, %dma_wait3A_3886] : memref<32x40xi32, #tpu.memory_space<vmem>> -> memref<16x40xi32, #tpu.memory_space<vmem>>
        %dma_wait3A_3888 = arith.constant 0 : i32
        %dma_wait3A_3889 = arith.constant 0 : i32
        %dma_wait3A_3890 = tpu.memref_slice %arg3[%add3A, %dma_wait3A_3885, %dma_wait3A_3888, %dma_wait3A_3889] : memref<32x16x16x40xi32, #tpu.memory_space<hbm>> -> memref<1x1x16x40xi32, #tpu.memory_space<hbm>>
        %dma_wait3A_3891 = tpu.memref_squeeze %dma_wait3A_3890 : memref<1x1x16x40xi32, #tpu.memory_space<hbm>> -> memref<16x40xi32, #tpu.memory_space<hbm>>
        %dma_wait3A_3892 = arith.constant 0 : i32
        %dma_wait3A_3893 = tpu.memref_slice %arg8[%mul3A_113, %dma_wait3A_3892] : memref<32x40xi32, #tpu.memory_space<vmem>> -> memref<16x40xi32, #tpu.memory_space<vmem>>
        %dma_wait3A_3894 = arith.constant 0 : i32
        %dma_wait3A_3895 = arith.constant 0 : i32
        %dma_wait3A_3896 = tpu.memref_slice %arg3[%add3A, %dma_wait3A_3885, %dma_wait3A_3894, %dma_wait3A_3895] : memref<32x16x16x40xi32, #tpu.memory_space<hbm>> -> memref<1x1x16x40xi32, #tpu.memory_space<hbm>>
        %dma_wait3A_3897 = tpu.memref_squeeze %dma_wait3A_3896 : memref<1x1x16x40xi32, #tpu.memory_space<hbm>> -> memref<16x40xi32, #tpu.memory_space<hbm>>
        tpu.wait_dma2 semaphore(%arg16 : memref<!tpu.dma_semaphore, #tpu.memory_space<semaphore_mem>>) src(%dma_wait3A_3897 : memref<16x40xi32, #tpu.memory_space<hbm>>) dst(%dma_wait3A_3893 : memref<16x40xi32, #tpu.memory_space<vmem>>)
        %dma_wait3A_3898 = arith.constant 0 : i32
        %dma_wait3A_3899 = arith.constant 0 : i32
        %dma_wait3A_3900 = tpu.memref_slice %arg9[%mul3A_113, %dma_wait3A_3899] : memref<32x40xi32, #tpu.memory_space<vmem>> -> memref<16x40xi32, #tpu.memory_space<vmem>>
        %dma_wait3A_3901 = arith.constant 0 : i32
        %dma_wait3A_3902 = arith.constant 0 : i32
        %dma_wait3A_3903 = tpu.memref_slice %arg4[%add3A, %dma_wait3A_3898, %dma_wait3A_3901, %dma_wait3A_3902] : memref<32x16x16x40xi32, #tpu.memory_space<hbm>> -> memref<1x1x16x40xi32, #tpu.memory_space<hbm>>
        %dma_wait3A_3904 = tpu.memref_squeeze %dma_wait3A_3903 : memref<1x1x16x40xi32, #tpu.memory_space<hbm>> -> memref<16x40xi32, #tpu.memory_space<hbm>>
        %dma_wait3A_3905 = arith.constant 0 : i32
        %dma_wait3A_3906 = tpu.memref_slice %arg9[%mul3A_113, %dma_wait3A_3905] : memref<32x40xi32, #tpu.memory_space<vmem>> -> memref<16x40xi32, #tpu.memory_space<vmem>>
        %dma_wait3A_3907 = arith.constant 0 : i32
        %dma_wait3A_3908 = arith.constant 0 : i32
        %dma_wait3A_3909 = tpu.memref_slice %arg4[%add3A, %dma_wait3A_3898, %dma_wait3A_3907, %dma_wait3A_3908] : memref<32x16x16x40xi32, #tpu.memory_space<hbm>> -> memref<1x1x16x40xi32, #tpu.memory_space<hbm>>
        %dma_wait3A_3910 = tpu.memref_squeeze %dma_wait3A_3909 : memref<1x1x16x40xi32, #tpu.memory_space<hbm>> -> memref<16x40xi32, #tpu.memory_space<hbm>>
        tpu.wait_dma2 semaphore(%arg16 : memref<!tpu.dma_semaphore, #tpu.memory_space<semaphore_mem>>) src(%dma_wait3A_3910 : memref<16x40xi32, #tpu.memory_space<hbm>>) dst(%dma_wait3A_3906 : memref<16x40xi32, #tpu.memory_space<vmem>>)
        %dma_wait3A_3911 = arith.constant 0 : i32
        %dma_wait3A_3912 = arith.constant 0 : i32
        %dma_wait3A_3913 = tpu.memref_slice %arg10[%mul3A_113, %dma_wait3A_3912] : memref<32x40xf32, #tpu.memory_space<vmem>> -> memref<16x40xf32, #tpu.memory_space<vmem>>
        %dma_wait3A_3914 = arith.constant 0 : i32
        %dma_wait3A_3915 = arith.constant 0 : i32
        %dma_wait3A_3916 = tpu.memref_slice %arg5[%add3A, %dma_wait3A_3911, %dma_wait3A_3914, %dma_wait3A_3915] : memref<32x16x16x40xf32, #tpu.memory_space<hbm>> -> memref<1x1x16x40xf32, #tpu.memory_space<hbm>>
        %dma_wait3A_3917 = tpu.memref_squeeze %dma_wait3A_3916 : memref<1x1x16x40xf32, #tpu.memory_space<hbm>> -> memref<16x40xf32, #tpu.memory_space<hbm>>
        %dma_wait3A_3918 = arith.constant 0 : i32
        %dma_wait3A_3919 = tpu.memref_slice %arg10[%mul3A_113, %dma_wait3A_3918] : memref<32x40xf32, #tpu.memory_space<vmem>> -> memref<16x40xf32, #tpu.memory_space<vmem>>
        %dma_wait3A_3920 = arith.constant 0 : i32
        %dma_wait3A_3921 = arith.constant 0 : i32
        %dma_wait3A_3922 = tpu.memref_slice %arg5[%add3A, %dma_wait3A_3911, %dma_wait3A_3920, %dma_wait3A_3921] : memref<32x16x16x40xf32, #tpu.memory_space<hbm>> -> memref<1x1x16x40xf32, #tpu.memory_space<hbm>>
        %dma_wait3A_3923 = tpu.memref_squeeze %dma_wait3A_3922 : memref<1x1x16x40xf32, #tpu.memory_space<hbm>> -> memref<16x40xf32, #tpu.memory_space<hbm>>
        tpu.wait_dma2 semaphore(%arg16 : memref<!tpu.dma_semaphore, #tpu.memory_space<semaphore_mem>>) src(%dma_wait3A_3923 : memref<16x40xf32, #tpu.memory_space<hbm>>) dst(%dma_wait3A_3919 : memref<16x40xf32, #tpu.memory_space<vmem>>)
        %dma_start3A_3924 = arith.constant 0 : i32
        %dma_start3A_3925 = arith.constant 0 : i32
        %dma_start3A_3926 = tpu.memref_slice %arg11[%select_n3A_148, %dma_start3A_3924, %dma_start3A_3925] : memref<3x40x128xf32, #tpu.memory_space<vmem>> -> memref<1x40x128xf32, #tpu.memory_space<vmem>>
        %dma_start3A_3927 = tpu.memref_squeeze %dma_start3A_3926 : memref<1x40x128xf32, #tpu.memory_space<vmem>> -> memref<40x128xf32, #tpu.memory_space<vmem>>
        %dma_start3A_3928 = arith.constant 0 : i32
        %dma_start3A_3929 = tpu.memref_slice %arg9[%mul3A_113, %dma_start3A_3928] : memref<32x40xi32, #tpu.memory_space<vmem>> -> memref<1x40xi32, #tpu.memory_space<vmem>>
        %dma_start3A_3930 = tpu.memref_squeeze %dma_start3A_3929 : memref<1x40xi32, #tpu.memory_space<vmem>> -> memref<40xi32, #tpu.memory_space<vmem>>
        %dma_start3A_3931 = arith.constant 0 : i32
        %dma_start3A_3932 = arith.constant 0 : i32
        %dma_start3A_3933 = tpu.memref_slice %arg2[%dma_start3A_3931, %dma_start3A_3932] : memref<10000x128xf32, #tpu.memory_space<hbm>> -> memref<10000x128xf32, #tpu.memory_space<hbm>>
        %dma_start3A_3934 = tpu.memref_slice %arg14[%select_n3A_148] : memref<3x!tpu.dma_semaphore, #tpu.memory_space<semaphore_mem>> -> memref<1x!tpu.dma_semaphore, #tpu.memory_space<semaphore_mem>>
        %dma_start3A_3935 = tpu.memref_squeeze %dma_start3A_3934 : memref<1x!tpu.dma_semaphore, #tpu.memory_space<semaphore_mem>> -> memref<!tpu.dma_semaphore, #tpu.memory_space<semaphore_mem>>
        tpu.enqueue_indirect_dma source(%dma_start3A_3933 : memref<10000x128xf32, #tpu.memory_space<hbm>>) target(%dma_start3A_3927 : memref<40x128xf32, #tpu.memory_space<vmem>>) offsets(%dma_start3A_3930 : memref<40xi32, #tpu.memory_space<vmem>>) semaphore(%dma_start3A_3935 : memref<!tpu.dma_semaphore, #tpu.memory_space<semaphore_mem>>)
      } else {
      }
      %dma_wait3A_178 = arith.constant 0 : i32
      %dma_wait3A_179 = arith.constant 0 : i32
      %dma_wait3A_180 = tpu.memref_slice %arg11[%select_n3A_130, %dma_wait3A_178, %dma_wait3A_179] : memref<3x40x128xf32, #tpu.memory_space<vmem>> -> memref<1x40x128xf32, #tpu.memory_space<vmem>>
      %dma_wait3A_181 = tpu.memref_squeeze %dma_wait3A_180 : memref<1x40x128xf32, #tpu.memory_space<vmem>> -> memref<40x128xf32, #tpu.memory_space<vmem>>
      %dma_wait3A_182 = tpu.memref_slice %arg14[%select_n3A_130] : memref<3x!tpu.dma_semaphore, #tpu.memory_space<semaphore_mem>> -> memref<1x!tpu.dma_semaphore, #tpu.memory_space<semaphore_mem>>
      %dma_wait3A_183 = tpu.memref_squeeze %dma_wait3A_182 : memref<1x!tpu.dma_semaphore, #tpu.memory_space<semaphore_mem>> -> memref<!tpu.dma_semaphore, #tpu.memory_space<semaphore_mem>>
      %dma_wait3A_184 = arith.constant 0 : i32
      %dma_wait3A_185 = arith.constant 0 : i32
      %dma_wait3A_186 = tpu.memref_slice %arg11[%select_n3A_130, %dma_wait3A_184, %dma_wait3A_185] : memref<3x40x128xf32, #tpu.memory_space<vmem>> -> memref<1x40x128xf32, #tpu.memory_space<vmem>>
      %dma_wait3A_187 = tpu.memref_squeeze %dma_wait3A_186 : memref<1x40x128xf32, #tpu.memory_space<vmem>> -> memref<40x128xf32, #tpu.memory_space<vmem>>
      tpu.wait_dma2 semaphore(%dma_wait3A_183 : memref<!tpu.dma_semaphore, #tpu.memory_space<semaphore_mem>>) src(%arg6 : memref<40x128xf32, #tpu.memory_space<hbm>>) dst(%dma_wait3A_187 : memref<40x128xf32, #tpu.memory_space<vmem>>)
      %get3A = arith.index_cast %add3A_114 : i32 to index
      %get3A_188 = arith.constant 0 : index
      %get3A_189 = tpu.vector_load %arg10[%get3A, %get3A_188] {strides = array<i32>} : memref<32x40xf32, #tpu.memory_space<vmem>>, vector<16xf32>,
      %broadcast_in_dim3A = arith.constant 0 : i32
      %broadcast_in_dim3A_190 = vector.broadcast %broadcast_in_dim3A : i32 to vector<16x1xi32>
      %gather3A = vector.shape_cast %broadcast_in_dim3A_190 : vector<16x1xi32> to vector<16xi32>
      %gather3A_191 = tpu.dynamic_gather %get3A_189[%gather3A] in [0] : vector<16xf32>, vector<16xi32> -> vector<16xf32>
      %get3A_192 = arith.constant 0 : i32
      %get3A_193 = arith.index_cast %select_n3A_130 : i32 to index
      %get3A_194 = arith.index_cast %get3A_192 : i32 to index
      %get3A_195 = arith.constant 0 : index
      %get3A_196 = tpu.vector_load %arg11[%get3A_193, %get3A_194, %get3A_195] {strides = array<i32>} : memref<3x40x128xf32, #tpu.memory_space<vmem>>, vector<16xf32>,
      %mul3A_197 = arith.mulf %get3A_196, %gather3A_191 : vector<16xf32>
      %swap3A = arith.constant 0 : i32
      %swap3A_198 = arith.index_cast %select_n3A_130 : i32 to index
      %swap3A_199 = arith.index_cast %swap3A : i32 to index
      %swap3A_200 = arith.constant 0 : index
      %swap3A_201 = tpu.vector_load %arg11[%swap3A_198, %swap3A_199, %swap3A_200] {strides = array<i32>} : memref<3x40x128xf32, #tpu.memory_space<vmem>>, vector<16xf32>,
      tpu.vector_store %arg11[%swap3A_198, %swap3A_199, %swap3A_200], %mul3A_197 {strides = array<i32>} : memref<3x40x128xf32, #tpu.memory_space<vmem>>, vector<16xf32>,
      %get3A_202 = arith.constant 0 : i32
      %get3A_203 = arith.index_cast %select_n3A_130 : i32 to index
      %get3A_204 = arith.index_cast %get3A_202 : i32 to index
      %get3A_205 = arith.constant 16 : index
      %get3A_206 = tpu.vector_load %arg11[%get3A_203, %get3A_204, %get3A_205] {strides = array<i32>} : memref<3x40x128xf32, #tpu.memory_space<vmem>>, vector<16xf32>,
      %mul3A_207 = arith.mulf %get3A_206, %gather3A_191 : vector<16xf32>
      %swap3A_208 = arith.constant 0 : i32
      %swap3A_209 = arith.index_cast %select_n3A_130 : i32 to index
      %swap3A_210 = arith.index_cast %swap3A_208 : i32 to index
      %swap3A_211 = arith.constant 16 : index
      %swap3A_212 = tpu.vector_load %arg11[%swap3A_209, %swap3A_210, %swap3A_211] {strides = array<i32>} : memref<3x40x128xf32, #tpu.memory_space<vmem>>, vector<16xf32>,
      tpu.vector_store %arg11[%swap3A_209, %swap3A_210, %swap3A_211], %mul3A_207 {strides = array<i32>} : memref<3x40x128xf32, #tpu.memory_space<vmem>>, vector<16xf32>,
      %get3A_213 = arith.constant 0 : i32
      %get3A_214 = arith.index_cast %select_n3A_130 : i32 to index
      %get3A_215 = arith.index_cast %get3A_213 : i32 to index
      %get3A_216 = arith.constant 32 : index
      %get3A_217 = tpu.vector_load %arg11[%get3A_214, %get3A_215, %get3A_216] {strides = array<i32>} : memref<3x40x128xf32, #tpu.memory_space<vmem>>, vector<16xf32>,
      %mul3A_218 = arith.mulf %get3A_217, %gather3A_191 : vector<16xf32>
      %swap3A_219 = arith.constant 0 : i32
      %swap3A_220 = arith.index_cast %select_n3A_130 : i32 to index
      %swap3A_221 = arith.index_cast %swap3A_219 : i32 to index
      %swap3A_222 = arith.constant 32 : index
      %swap3A_223 = tpu.vector_load %arg11[%swap3A_220, %swap3A_221, %swap3A_222] {strides = array<i32>} : memref<3x40x128xf32, #tpu.memory_space<vmem>>, vector<16xf32>,
      tpu.vector_store %arg11[%swap3A_220, %swap3A_221, %swap3A_222], %mul3A_218 {strides = array<i32>} : memref<3x40x128xf32, #tpu.memory_space<vmem>>, vector<16xf32>,
      %get3A_224 = arith.constant 0 : i32
      %get3A_225 = arith.index_cast %select_n3A_130 : i32 to index
      %get3A_226 = arith.index_cast %get3A_224 : i32 to index
      %get3A_227 = arith.constant 48 : index
      %get3A_228 = tpu.vector_load %arg11[%get3A_225, %get3A_226, %get3A_227] {strides = array<i32>} : memref<3x40x128xf32, #tpu.memory_space<vmem>>, vector<16xf32>,
      %mul3A_229 = arith.mulf %get3A_228, %gather3A_191 : vector<16xf32>
      %swap3A_230 = arith.constant 0 : i32
      %swap3A_231 = arith.index_cast %select_n3A_130 : i32 to index
      %swap3A_232 = arith.index_cast %swap3A_230 : i32 to index
      %swap3A_233 = arith.constant 48 : index
      %swap3A_234 = tpu.vector_load %arg11[%swap3A_231, %swap3A_232, %swap3A_233] {strides = array<i32>} : memref<3x40x128xf32, #tpu.memory_space<vmem>>, vector<16xf32>,
      tpu.vector_store %arg11[%swap3A_231, %swap3A_232, %swap3A_233], %mul3A_229 {strides = array<i32>} : memref<3x40x128xf32, #tpu.memory_space<vmem>>, vector<16xf32>,
      %get3A_235 = arith.constant 0 : i32
      %get3A_236 = arith.index_cast %select_n3A_130 : i32 to index
      %get3A_237 = arith.index_cast %get3A_235 : i32 to index
      %get3A_238 = arith.constant 64 : index
      %get3A_239 = tpu.vector_load %arg11[%get3A_236, %get3A_237, %get3A_238] {strides = array<i32>} : memref<3x40x128xf32, #tpu.memory_space<vmem>>, vector<16xf32>,
      %mul3A_240 = arith.mulf %get3A_239, %gather3A_191 : vector<16xf32>
      %swap3A_241 = arith.constant 0 : i32
      %swap3A_242 = arith.index_cast %select_n3A_130 : i32 to index
      %swap3A_243 = arith.index_cast %swap3A_241 : i32 to index
      %swap3A_244 = arith.constant 64 : index
      %swap3A_245 = tpu.vector_load %arg11[%swap3A_242, %swap3A_243, %swap3A_244] {strides = array<i32>} : memref<3x40x128xf32, #tpu.memory_space<vmem>>, vector<16xf32>,
      tpu.vector_store %arg11[%swap3A_242, %swap3A_243, %swap3A_244], %mul3A_240 {strides = array<i32>} : memref<3x40x128xf32, #tpu.memory_space<vmem>>, vector<16xf32>,
      %get3A_246 = arith.constant 0 : i32
      %get3A_247 = arith.index_cast %select_n3A_130 : i32 to index
      %get3A_248 = arith.index_cast %get3A_246 : i32 to index
      %get3A_249 = arith.constant 80 : index
      %get3A_250 = tpu.vector_load %arg11[%get3A_247, %get3A_248, %get3A_249] {strides = array<i32>} : memref<3x40x128xf32, #tpu.memory_space<vmem>>, vector<16xf32>,
      %mul3A_251 = arith.mulf %get3A_250, %gather3A_191 : vector<16xf32>
      %swap3A_252 = arith.constant 0 : i32
      %swap3A_253 = arith.index_cast %select_n3A_130 : i32 to index
      %swap3A_254 = arith.index_cast %swap3A_252 : i32 to index
      %swap3A_255 = arith.constant 80 : index
      %swap3A_256 = tpu.vector_load %arg11[%swap3A_253, %swap3A_254, %swap3A_255] {strides = array<i32>} : memref<3x40x128xf32, #tpu.memory_space<vmem>>, vector<16xf32>,
      tpu.vector_store %arg11[%swap3A_253, %swap3A_254, %swap3A_255], %mul3A_251 {strides = array<i32>} : memref<3x40x128xf32, #tpu.memory_space<vmem>>, vector<16xf32>,
      %get3A_257 = arith.constant 0 : i32
      %get3A_258 = arith.index_cast %select_n3A_130 : i32 to index
      %get3A_259 = arith.index_cast %get3A_257 : i32 to index
      %get3A_260 = arith.constant 96 : index
      %get3A_261 = tpu.vector_load %arg11[%get3A_258, %get3A_259, %get3A_260] {strides = array<i32>} : memref<3x40x128xf32, #tpu.memory_space<vmem>>, vector<16xf32>,
      %mul3A_262 = arith.mulf %get3A_261, %gather3A_191 : vector<16xf32>
      %swap3A_263 = arith.constant 0 : i32
      %swap3A_264 = arith.index_cast %select_n3A_130 : i32 to index
      %swap3A_265 = arith.index_cast %swap3A_263 : i32 to index
      %swap3A_266 = arith.constant 96 : index
      %swap3A_267 = tpu.vector_load %arg11[%swap3A_264, %swap3A_265, %swap3A_266] {strides = array<i32>} : memref<3x40x128xf32, #tpu.memory_space<vmem>>, vector<16xf32>,
      tpu.vector_store %arg11[%swap3A_264, %swap3A_265, %swap3A_266], %mul3A_262 {strides = array<i32>} : memref<3x40x128xf32, #tpu.memory_space<vmem>>, vector<16xf32>,
      %get3A_268 = arith.constant 0 : i32
      %get3A_269 = arith.index_cast %select_n3A_130 : i32 to index
      %get3A_270 = arith.index_cast %get3A_268 : i32 to index
      %get3A_271 = arith.constant 112 : index
      %get3A_272 = tpu.vector_load %arg11[%get3A_269, %get3A_270, %get3A_271] {strides = array<i32>} : memref<3x40x128xf32, #tpu.memory_space<vmem>>, vector<16xf32>,
      %mul3A_273 = arith.mulf %get3A_272, %gather3A_191 : vector<16xf32>
      %swap3A_274 = arith.constant 0 : i32
      %swap3A_275 = arith.index_cast %select_n3A_130 : i32 to index
      %swap3A_276 = arith.index_cast %swap3A_274 : i32 to index
      %swap3A_277 = arith.constant 112 : index
      %swap3A_278 = tpu.vector_load %arg11[%swap3A_275, %swap3A_276, %swap3A_277] {strides = array<i32>} : memref<3x40x128xf32, #tpu.memory_space<vmem>>, vector<16xf32>,
      tpu.vector_store %arg11[%swap3A_275, %swap3A_276, %swap3A_277], %mul3A_273 {strides = array<i32>} : memref<3x40x128xf32, #tpu.memory_space<vmem>>, vector<16xf32>,
      %broadcast_in_dim3A_279 = arith.constant 1 : i32
      %broadcast_in_dim3A_280 = vector.broadcast %broadcast_in_dim3A_279 : i32 to vector<16x1xi32>
      %gather3A_281 = vector.shape_cast %broadcast_in_dim3A_280 : vector<16x1xi32> to vector<16xi32>
      %gather3A_282 = tpu.dynamic_gather %get3A_189[%gather3A_281] in [0] : vector<16xf32>, vector<16xi32> -> vector<16xf32>
      %get3A_283 = arith.constant 1 : i32
      %get3A_284 = arith.index_cast %select_n3A_130 : i32 to index
      %get3A_285 = arith.index_cast %get3A_283 : i32 to index
      %get3A_286 = arith.constant 0 : index
      %get3A_287 = tpu.vector_load %arg11[%get3A_284, %get3A_285, %get3A_286] {strides = array<i32>} : memref<3x40x128xf32, #tpu.memory_space<vmem>>, vector<16xf32>,
      %mul3A_288 = arith.mulf %get3A_287, %gather3A_282 : vector<16xf32>
      %swap3A_289 = arith.constant 1 : i32
      %swap3A_290 = arith.index_cast %select_n3A_130 : i32 to index
      %swap3A_291 = arith.index_cast %swap3A_289 : i32 to index
      %swap3A_292 = arith.constant 0 : index
      %swap3A_293 = tpu.vector_load %arg11[%swap3A_290, %swap3A_291, %swap3A_292] {strides = array<i32>} : memref<3x40x128xf32, #tpu.memory_space<vmem>>, vector<16xf32>,
      tpu.vector_store %arg11[%swap3A_290, %swap3A_291, %swap3A_292], %mul3A_288 {strides = array<i32>} : memref<3x40x128xf32, #tpu.memory_space<vmem>>, vector<16xf32>,
      %get3A_294 = arith.constant 1 : i32
      %get3A_295 = arith.index_cast %select_n3A_130 : i32 to index
      %get3A_296 = arith.index_cast %get3A_294 : i32 to index
      %get3A_297 = arith.constant 16 : index
      %get3A_298 = tpu.vector_load %arg11[%get3A_295, %get3A_296, %get3A_297] {strides = array<i32>} : memref<3x40x128xf32, #tpu.memory_space<vmem>>, vector<16xf32>,
      %mul3A_299 = arith.mulf %get3A_298, %gather3A_282 : vector<16xf32>
      %swap3A_300 = arith.constant 1 : i32
      %swap3A_301 = arith.index_cast %select_n3A_130 : i32 to index
      %swap3A_302 = arith.index_cast %swap3A_300 : i32 to index
      %swap3A_303 = arith.constant 16 : index
      %swap3A_304 = tpu.vector_load %arg11[%swap3A_301, %swap3A_302, %swap3A_303] {strides = array<i32>} : memref<3x40x128xf32, #tpu.memory_space<vmem>>, vector<16xf32>,
      tpu.vector_store %arg11[%swap3A_301, %swap3A_302, %swap3A_303], %mul3A_299 {strides = array<i32>} : memref<3x40x128xf32, #tpu.memory_space<vmem>>, vector<16xf32>,
      %get3A_305 = arith.constant 1 : i32
      %get3A_306 = arith.index_cast %select_n3A_130 : i32 to index
      %get3A_307 = arith.index_cast %get3A_305 : i32 to index
      %get3A_308 = arith.constant 32 : index
      %get3A_309 = tpu.vector_load %arg11[%get3A_306, %get3A_307, %get3A_308] {strides = array<i32>} : memref<3x40x128xf32, #tpu.memory_space<vmem>>, vector<16xf32>,
      %mul3A_310 = arith.mulf %get3A_309, %gather3A_282 : vector<16xf32>
      %swap3A_311 = arith.constant 1 : i32
      %swap3A_312 = arith.index_cast %select_n3A_130 : i32 to index
      %swap3A_313 = arith.index_cast %swap3A_311 : i32 to index
      %swap3A_314 = arith.constant 32 : index
      %swap3A_315 = tpu.vector_load %arg11[%swap3A_312, %swap3A_313, %swap3A_314] {strides = array<i32>} : memref<3x40x128xf32, #tpu.memory_space<vmem>>, vector<16xf32>,
      tpu.vector_store %arg11[%swap3A_312, %swap3A_313, %swap3A_314], %mul3A_310 {strides = array<i32>} : memref<3x40x128xf32, #tpu.memory_space<vmem>>, vector<16xf32>,
      %get3A_316 = arith.constant 1 : i32
      %get3A_317 = arith.index_cast %select_n3A_130 : i32 to index
      %get3A_318 = arith.index_cast %get3A_316 : i32 to index
      %get3A_319 = arith.constant 48 : index
      %get3A_320 = tpu.vector_load %arg11[%get3A_317, %get3A_318, %get3A_319] {strides = array<i32>} : memref<3x40x128xf32, #tpu.memory_space<vmem>>, vector<16xf32>,
      %mul3A_321 = arith.mulf %get3A_320, %gather3A_282 : vector<16xf32>
      %swap3A_322 = arith.constant 1 : i32
      %swap3A_323 = arith.index_cast %select_n3A_130 : i32 to index
      %swap3A_324 = arith.index_cast %swap3A_322 : i32 to index
      %swap3A_325 = arith.constant 48 : index
      %swap3A_326 = tpu.vector_load %arg11[%swap3A_323, %swap3A_324, %swap3A_325] {strides = array<i32>} : memref<3x40x128xf32, #tpu.memory_space<vmem>>, vector<16xf32>,
      tpu.vector_store %arg11[%swap3A_323, %swap3A_324, %swap3A_325], %mul3A_321 {strides = array<i32>} : memref<3x40x128xf32, #tpu.memory_space<vmem>>, vector<16xf32>,
      %get3A_327 = arith.constant 1 : i32
      %get3A_328 = arith.index_cast %select_n3A_130 : i32 to index
      %get3A_329 = arith.index_cast %get3A_327 : i32 to index
      %get3A_330 = arith.constant 64 : index
      %get3A_331 = tpu.vector_load %arg11[%get3A_328, %get3A_329, %get3A_330] {strides = array<i32>} : memref<3x40x128xf32, #tpu.memory_space<vmem>>, vector<16xf32>,
      %mul3A_332 = arith.mulf %get3A_331, %gather3A_282 : vector<16xf32>
      %swap3A_333 = arith.constant 1 : i32
      %swap3A_334 = arith.index_cast %select_n3A_130 : i32 to index
      %swap3A_335 = arith.index_cast %swap3A_333 : i32 to index
      %swap3A_336 = arith.constant 64 : index
      %swap3A_337 = tpu.vector_load %arg11[%swap3A_334, %swap3A_335, %swap3A_336] {strides = array<i32>} : memref<3x40x128xf32, #tpu.memory_space<vmem>>, vector<16xf32>,
      tpu.vector_store %arg11[%swap3A_334, %swap3A_335, %swap3A_336], %mul3A_332 {strides = array<i32>} : memref<3x40x128xf32, #tpu.memory_space<vmem>>, vector<16xf32>,
      %get3A_338 = arith.constant 1 : i32
      %get3A_339 = arith.index_cast %select_n3A_130 : i32 to index
      %get3A_340 = arith.index_cast %get3A_338 : i32 to index
      %get3A_341 = arith.constant 80 : index
      %get3A_342 = tpu.vector_load %arg11[%get3A_339, %get3A_340, %get3A_341] {strides = array<i32>} : memref<3x40x128xf32, #tpu.memory_space<vmem>>, vector<16xf32>,
      %mul3A_343 = arith.mulf %get3A_342, %gather3A_282 : vector<16xf32>
      %swap3A_344 = arith.constant 1 : i32
      %swap3A_345 = arith.index_cast %select_n3A_130 : i32 to index
      %swap3A_346 = arith.index_cast %swap3A_344 : i32 to index
      %swap3A_347 = arith.constant 80 : index
      %swap3A_348 = tpu.vector_load %arg11[%swap3A_345, %swap3A_346, %swap3A_347] {strides = array<i32>} : memref<3x40x128xf32, #tpu.memory_space<vmem>>, vector<16xf32>,
      tpu.vector_store %arg11[%swap3A_345, %swap3A_346, %swap3A_347], %mul3A_343 {strides = array<i32>} : memref<3x40x128xf32, #tpu.memory_space<vmem>>, vector<16xf32>,
      %get3A_349 = arith.constant 1 : i32
      %get3A_350 = arith.index_cast %select_n3A_130 : i32 to index
      %get3A_351 = arith.index_cast %get3A_349 : i32 to index
      %get3A_352 = arith.constant 96 : index
      %get3A_353 = tpu.vector_load %arg11[%get3A_350, %get3A_351, %get3A_352] {strides = array<i32>} : memref<3x40x128xf32, #tpu.memory_space<vmem>>, vector<16xf32>,
      %mul3A_354 = arith.mulf %get3A_353, %gather3A_282 : vector<16xf32>
      %swap3A_355 = arith.constant 1 : i32
      %swap3A_356 = arith.index_cast %select_n3A_130 : i32 to index
      %swap3A_357 = arith.index_cast %swap3A_355 : i32 to index
      %swap3A_358 = arith.constant 96 : index
      %swap3A_359 = tpu.vector_load %arg11[%swap3A_356, %swap3A_357, %swap3A_358] {strides = array<i32>} : memref<3x40x128xf32, #tpu.memory_space<vmem>>, vector<16xf32>,
      tpu.vector_store %arg11[%swap3A_356, %swap3A_357, %swap3A_358], %mul3A_354 {strides = array<i32>} : memref<3x40x128xf32, #tpu.memory_space<vmem>>, vector<16xf32>,
      %get3A_360 = arith.constant 1 : i32
      %get3A_361 = arith.index_cast %select_n3A_130 : i32 to index
      %get3A_362 = arith.index_cast %get3A_360 : i32 to index
      %get3A_363 = arith.constant 112 : index
      %get3A_364 = tpu.vector_load %arg11[%get3A_361, %get3A_362, %get3A_363] {strides = array<i32>} : memref<3x40x128xf32, #tpu.memory_space<vmem>>, vector<16xf32>,
      %mul3A_365 = arith.mulf %get3A_364, %gather3A_282 : vector<16xf32>
      %swap3A_366 = arith.constant 1 : i32
      %swap3A_367 = arith.index_cast %select_n3A_130 : i32 to index
      %swap3A_368 = arith.index_cast %swap3A_366 : i32 to index
      %swap3A_369 = arith.constant 112 : index
      %swap3A_370 = tpu.vector_load %arg11[%swap3A_367, %swap3A_368, %swap3A_369] {strides = array<i32>} : memref<3x40x128xf32, #tpu.memory_space<vmem>>, vector<16xf32>,
      tpu.vector_store %arg11[%swap3A_367, %swap3A_368, %swap3A_369], %mul3A_365 {strides = array<i32>} : memref<3x40x128xf32, #tpu.memory_space<vmem>>, vector<16xf32>,
      %broadcast_in_dim3A_371 = arith.constant 2 : i32
      %broadcast_in_dim3A_372 = vector.broadcast %broadcast_in_dim3A_371 : i32 to vector<16x1xi32>
      %gather3A_373 = vector.shape_cast %broadcast_in_dim3A_372 : vector<16x1xi32> to vector<16xi32>
      %gather3A_374 = tpu.dynamic_gather %get3A_189[%gather3A_373] in [0] : vector<16xf32>, vector<16xi32> -> vector<16xf32>
      %get3A_375 = arith.constant 2 : i32
      %get3A_376 = arith.index_cast %select_n3A_130 : i32 to index
      %get3A_377 = arith.index_cast %get3A_375 : i32 to index
      %get3A_378 = arith.constant 0 : index
      %get3A_379 = tpu.vector_load %arg11[%get3A_376, %get3A_377, %get3A_378] {strides = array<i32>} : memref<3x40x128xf32, #tpu.memory_space<vmem>>, vector<16xf32>,
      %mul3A_380 = arith.mulf %get3A_379, %gather3A_374 : vector<16xf32>
      %swap3A_381 = arith.constant 2 : i32
      %swap3A_382 = arith.index_cast %select_n3A_130 : i32 to index
      %swap3A_383 = arith.index_cast %swap3A_381 : i32 to index
      %swap3A_384 = arith.constant 0 : index
      %swap3A_385 = tpu.vector_load %arg11[%swap3A_382, %swap3A_383, %swap3A_384] {strides = array<i32>} : memref<3x40x128xf32, #tpu.memory_space<vmem>>, vector<16xf32>,
      tpu.vector_store %arg11[%swap3A_382, %swap3A_383, %swap3A_384], %mul3A_380 {strides = array<i32>} : memref<3x40x128xf32, #tpu.memory_space<vmem>>, vector<16xf32>,
      %get3A_386 = arith.constant 2 : i32
      %get3A_387 = arith.index_cast %select_n3A_130 : i32 to index
      %get3A_388 = arith.index_cast %get3A_386 : i32 to index
      %get3A_389 = arith.constant 16 : index
      %get3A_390 = tpu.vector_load %arg11[%get3A_387, %get3A_388, %get3A_389] {strides = array<i32>} : memref<3x40x128xf32, #tpu.memory_space<vmem>>, vector<16xf32>,
      %mul3A_391 = arith.mulf %get3A_390, %gather3A_374 : vector<16xf32>
      %swap3A_392 = arith.constant 2 : i32
      %swap3A_393 = arith.index_cast %select_n3A_130 : i32 to index
      %swap3A_394 = arith.index_cast %swap3A_392 : i32 to index
      %swap3A_395 = arith.constant 16 : index
      %swap3A_396 = tpu.vector_load %arg11[%swap3A_393, %swap3A_394, %swap3A_395] {strides = array<i32>} : memref<3x40x128xf32, #tpu.memory_space<vmem>>, vector<16xf32>,
      tpu.vector_store %arg11[%swap3A_393, %swap3A_394, %swap3A_395], %mul3A_391 {strides = array<i32>} : memref<3x40x128xf32, #tpu.memory_space<vmem>>, vector<16xf32>,
      %get3A_397 = arith.constant 2 : i32
      %get3A_398 = arith.index_cast %select_n3A_130 : i32 to index
      %get3A_399 = arith.index_cast %get3A_397 : i32 to index
      %get3A_400 = arith.constant 32 : index
      %get3A_401 = tpu.vector_load %arg11[%get3A_398, %get3A_399, %get3A_400] {strides = array<i32>} : memref<3x40x128xf32, #tpu.memory_space<vmem>>, vector<16xf32>,
      %mul3A_402 = arith.mulf %get3A_401, %gather3A_374 : vector<16xf32>
      %swap3A_403 = arith.constant 2 : i32
      %swap3A_404 = arith.index_cast %select_n3A_130 : i32 to index
      %swap3A_405 = arith.index_cast %swap3A_403 : i32 to index
      %swap3A_406 = arith.constant 32 : index
      %swap3A_407 = tpu.vector_load %arg11[%swap3A_404, %swap3A_405, %swap3A_406] {strides = array<i32>} : memref<3x40x128xf32, #tpu.memory_space<vmem>>, vector<16xf32>,
      tpu.vector_store %arg11[%swap3A_404, %swap3A_405, %swap3A_406], %mul3A_402 {strides = array<i32>} : memref<3x40x128xf32, #tpu.memory_space<vmem>>, vector<16xf32>,
      %get3A_408 = arith.constant 2 : i32
      %get3A_409 = arith.index_cast %select_n3A_130 : i32 to index
      %get3A_410 = arith.index_cast %get3A_408 : i32 to index
      %get3A_411 = arith.constant 48 : index
      %get3A_412 = tpu.vector_load %arg11[%get3A_409, %get3A_410, %get3A_411] {strides = array<i32>} : memref<3x40x128xf32, #tpu.memory_space<vmem>>, vector<16xf32>,
      %mul3A_413 = arith.mulf %get3A_412, %gather3A_374 : vector<16xf32>
      %swap3A_414 = arith.constant 2 : i32
      %swap3A_415 = arith.index_cast %select_n3A_130 : i32 to index
      %swap3A_416 = arith.index_cast %swap3A_414 : i32 to index
      %swap3A_417 = arith.constant 48 : index
      %swap3A_418 = tpu.vector_load %arg11[%swap3A_415, %swap3A_416, %swap3A_417] {strides = array<i32>} : memref<3x40x128xf32, #tpu.memory_space<vmem>>, vector<16xf32>,
      tpu.vector_store %arg11[%swap3A_415, %swap3A_416, %swap3A_417], %mul3A_413 {strides = array<i32>} : memref<3x40x128xf32, #tpu.memory_space<vmem>>, vector<16xf32>,
      %get3A_419 = arith.constant 2 : i32
      %get3A_420 = arith.index_cast %select_n3A_130 : i32 to index
      %get3A_421 = arith.index_cast %get3A_419 : i32 to index
      %get3A_422 = arith.constant 64 : index
      %get3A_423 = tpu.vector_load %arg11[%get3A_420, %get3A_421, %get3A_422] {strides = array<i32>} : memref<3x40x128xf32, #tpu.memory_space<vmem>>, vector<16xf32>,
      %mul3A_424 = arith.mulf %get3A_423, %gather3A_374 : vector<16xf32>
      %swap3A_425 = arith.constant 2 : i32
      %swap3A_426 = arith.index_cast %select_n3A_130 : i32 to index
      %swap3A_427 = arith.index_cast %swap3A_425 : i32 to index
      %swap3A_428 = arith.constant 64 : index
      %swap3A_429 = tpu.vector_load %arg11[%swap3A_426, %swap3A_427, %swap3A_428] {strides = array<i32>} : memref<3x40x128xf32, #tpu.memory_space<vmem>>, vector<16xf32>,
      tpu.vector_store %arg11[%swap3A_426, %swap3A_427, %swap3A_428], %mul3A_424 {strides = array<i32>} : memref<3x40x128xf32, #tpu.memory_space<vmem>>, vector<16xf32>,
      %get3A_430 = arith.constant 2 : i32
      %get3A_431 = arith.index_cast %select_n3A_130 : i32 to index
      %get3A_432 = arith.index_cast %get3A_430 : i32 to index
      %get3A_433 = arith.constant 80 : index
      %get3A_434 = tpu.vector_load %arg11[%get3A_431, %get3A_432, %get3A_433] {strides = array<i32>} : memref<3x40x128xf32, #tpu.memory_space<vmem>>, vector<16xf32>,
      %mul3A_435 = arith.mulf %get3A_434, %gather3A_374 : vector<16xf32>
      %swap3A_436 = arith.constant 2 : i32
      %swap3A_437 = arith.index_cast %select_n3A_130 : i32 to index
      %swap3A_438 = arith.index_cast %swap3A_436 : i32 to index
      %swap3A_439 = arith.constant 80 : index
      %swap3A_440 = tpu.vector_load %arg11[%swap3A_437, %swap3A_438, %swap3A_439] {strides = array<i32>} : memref<3x40x128xf32, #tpu.memory_space<vmem>>, vector<16xf32>,
      tpu.vector_store %arg11[%swap3A_437, %swap3A_438, %swap3A_439], %mul3A_435 {strides = array<i32>} : memref<3x40x128xf32, #tpu.memory_space<vmem>>, vector<16xf32>,
      %get3A_441 = arith.constant 2 : i32
      %get3A_442 = arith.index_cast %select_n3A_130 : i32 to index
      %get3A_443 = arith.index_cast %get3A_441 : i32 to index
      %get3A_444 = arith.constant 96 : index
      %get3A_445 = tpu.vector_load %arg11[%get3A_442, %get3A_443, %get3A_444] {strides = array<i32>} : memref<3x40x128xf32, #tpu.memory_space<vmem>>, vector<16xf32>,
      %mul3A_446 = arith.mulf %get3A_445, %gather3A_374 : vector<16xf32>
      %swap3A_447 = arith.constant 2 : i32
      %swap3A_448 = arith.index_cast %select_n3A_130 : i32 to index
      %swap3A_449 = arith.index_cast %swap3A_447 : i32 to index
      %swap3A_450 = arith.constant 96 : index
      %swap3A_451 = tpu.vector_load %arg11[%swap3A_448, %swap3A_449, %swap3A_450] {strides = array<i32>} : memref<3x40x128xf32, #tpu.memory_space<vmem>>, vector<16xf32>,
      tpu.vector_store %arg11[%swap3A_448, %swap3A_449, %swap3A_450], %mul3A_446 {strides = array<i32>} : memref<3x40x128xf32, #tpu.memory_space<vmem>>, vector<16xf32>,
      %get3A_452 = arith.constant 2 : i32
      %get3A_453 = arith.index_cast %select_n3A_130 : i32 to index
      %get3A_454 = arith.index_cast %get3A_452 : i32 to index
      %get3A_455 = arith.constant 112 : index
      %get3A_456 = tpu.vector_load %arg11[%get3A_453, %get3A_454, %get3A_455] {strides = array<i32>} : memref<3x40x128xf32, #tpu.memory_space<vmem>>, vector<16xf32>,
      %mul3A_457 = arith.mulf %get3A_456, %gather3A_374 : vector<16xf32>
      %swap3A_458 = arith.constant 2 : i32
      %swap3A_459 = arith.index_cast %select_n3A_130 : i32 to index
      %swap3A_460 = arith.index_cast %swap3A_458 : i32 to index
      %swap3A_461 = arith.constant 112 : index
      %swap3A_462 = tpu.vector_load %arg11[%swap3A_459, %swap3A_460, %swap3A_461] {strides = array<i32>} : memref<3x40x128xf32, #tpu.memory_space<vmem>>, vector<16xf32>,
      tpu.vector_store %arg11[%swap3A_459, %swap3A_460, %swap3A_461], %mul3A_457 {strides = array<i32>} : memref<3x40x128xf32, #tpu.memory_space<vmem>>, vector<16xf32>,
      %broadcast_in_dim3A_463 = arith.constant 3 : i32
      %broadcast_in_dim3A_464 = vector.broadcast %broadcast_in_dim3A_463 : i32 to vector<16x1xi32>
      %gather3A_465 = vector.shape_cast %broadcast_in_dim3A_464 : vector<16x1xi32> to vector<16xi32>
      %gather3A_466 = tpu.dynamic_gather %get3A_189[%gather3A_465] in [0] : vector<16xf32>, vector<16xi32> -> vector<16xf32>
      %get3A_467 = arith.constant 3 : i32
      %get3A_468 = arith.index_cast %select_n3A_130 : i32 to index
      %get3A_469 = arith.index_cast %get3A_467 : i32 to index
      %get3A_470 = arith.constant 0 : index
      %get3A_471 = tpu.vector_load %arg11[%get3A_468, %get3A_469, %get3A_470] {strides = array<i32>} : memref<3x40x128xf32, #tpu.memory_space<vmem>>, vector<16xf32>,
      %mul3A_472 = arith.mulf %get3A_471, %gather3A_466 : vector<16xf32>
      %swap3A_473 = arith.constant 3 : i32
      %swap3A_474 = arith.index_cast %select_n3A_130 : i32 to index
      %swap3A_475 = arith.index_cast %swap3A_473 : i32 to index
      %swap3A_476 = arith.constant 0 : index
      %swap3A_477 = tpu.vector_load %arg11[%swap3A_474, %swap3A_475, %swap3A_476] {strides = array<i32>} : memref<3x40x128xf32, #tpu.memory_space<vmem>>, vector<16xf32>,
      tpu.vector_store %arg11[%swap3A_474, %swap3A_475, %swap3A_476], %mul3A_472 {strides = array<i32>} : memref<3x40x128xf32, #tpu.memory_space<vmem>>, vector<16xf32>,
      %get3A_478 = arith.constant 3 : i32
      %get3A_479 = arith.index_cast %select_n3A_130 : i32 to index
      %get3A_480 = arith.index_cast %get3A_478 : i32 to index
      %get3A_481 = arith.constant 16 : index
      %get3A_482 = tpu.vector_load %arg11[%get3A_479, %get3A_480, %get3A_481] {strides = array<i32>} : memref<3x40x128xf32, #tpu.memory_space<vmem>>, vector<16xf32>,
      %mul3A_483 = arith.mulf %get3A_482, %gather3A_466 : vector<16xf32>
      %swap3A_484 = arith.constant 3 : i32
      %swap3A_485 = arith.index_cast %select_n3A_130 : i32 to index
      %swap3A_486 = arith.index_cast %swap3A_484 : i32 to index
      %swap3A_487 = arith.constant 16 : index
      %swap3A_488 = tpu.vector_load %arg11[%swap3A_485, %swap3A_486, %swap3A_487] {strides = array<i32>} : memref<3x40x128xf32, #tpu.memory_space<vmem>>, vector<16xf32>,
      tpu.vector_store %arg11[%swap3A_485, %swap3A_486, %swap3A_487], %mul3A_483 {strides = array<i32>} : memref<3x40x128xf32, #tpu.memory_space<vmem>>, vector<16xf32>,
      %get3A_489 = arith.constant 3 : i32
      %get3A_490 = arith.index_cast %select_n3A_130 : i32 to index
      %get3A_491 = arith.index_cast %get3A_489 : i32 to index
      %get3A_492 = arith.constant 32 : index
      %get3A_493 = tpu.vector_load %arg11[%get3A_490, %get3A_491, %get3A_492] {strides = array<i32>} : memref<3x40x128xf32, #tpu.memory_space<vmem>>, vector<16xf32>,
      %mul3A_494 = arith.mulf %get3A_493, %gather3A_466 : vector<16xf32>
      %swap3A_495 = arith.constant 3 : i32
      %swap3A_496 = arith.index_cast %select_n3A_130 : i32 to index
      %swap3A_497 = arith.index_cast %swap3A_495 : i32 to index
      %swap3A_498 = arith.constant 32 : index
      %swap3A_499 = tpu.vector_load %arg11[%swap3A_496, %swap3A_497, %swap3A_498] {strides = array<i32>} : memref<3x40x128xf32, #tpu.memory_space<vmem>>, vector<16xf32>,
      tpu.vector_store %arg11[%swap3A_496, %swap3A_497, %swap3A_498], %mul3A_494 {strides = array<i32>} : memref<3x40x128xf32, #tpu.memory_space<vmem>>, vector<16xf32>,
      %get3A_500 = arith.constant 3 : i32
      %get3A_501 = arith.index_cast %select_n3A_130 : i32 to index
      %get3A_502 = arith.index_cast %get3A_500 : i32 to index
      %get3A_503 = arith.constant 48 : index
      %get3A_504 = tpu.vector_load %arg11[%get3A_501, %get3A_502, %get3A_503] {strides = array<i32>} : memref<3x40x128xf32, #tpu.memory_space<vmem>>, vector<16xf32>,
      %mul3A_505 = arith.mulf %get3A_504, %gather3A_466 : vector<16xf32>
      %swap3A_506 = arith.constant 3 : i32
      %swap3A_507 = arith.index_cast %select_n3A_130 : i32 to index
      %swap3A_508 = arith.index_cast %swap3A_506 : i32 to index
      %swap3A_509 = arith.constant 48 : index
      %swap3A_510 = tpu.vector_load %arg11[%swap3A_507, %swap3A_508, %swap3A_509] {strides = array<i32>} : memref<3x40x128xf32, #tpu.memory_space<vmem>>, vector<16xf32>,
      tpu.vector_store %arg11[%swap3A_507, %swap3A_508, %swap3A_509], %mul3A_505 {strides = array<i32>} : memref<3x40x128xf32, #tpu.memory_space<vmem>>, vector<16xf32>,
      %get3A_511 = arith.constant 3 : i32
      %get3A_512 = arith.index_cast %select_n3A_130 : i32 to index
      %get3A_513 = arith.index_cast %get3A_511 : i32 to index
      %get3A_514 = arith.constant 64 : index
      %get3A_515 = tpu.vector_load %arg11[%get3A_512, %get3A_513, %get3A_514] {strides = array<i32>} : memref<3x40x128xf32, #tpu.memory_space<vmem>>, vector<16xf32>,
      %mul3A_516 = arith.mulf %get3A_515, %gather3A_466 : vector<16xf32>
      %swap3A_517 = arith.constant 3 : i32
      %swap3A_518 = arith.index_cast %select_n3A_130 : i32 to index
      %swap3A_519 = arith.index_cast %swap3A_517 : i32 to index
      %swap3A_520 = arith.constant 64 : index
      %swap3A_521 = tpu.vector_load %arg11[%swap3A_518, %swap3A_519, %swap3A_520] {strides = array<i32>} : memref<3x40x128xf32, #tpu.memory_space<vmem>>, vector<16xf32>,
      tpu.vector_store %arg11[%swap3A_518, %swap3A_519, %swap3A_520], %mul3A_516 {strides = array<i32>} : memref<3x40x128xf32, #tpu.memory_space<vmem>>, vector<16xf32>,
      %get3A_522 = arith.constant 3 : i32
      %get3A_523 = arith.index_cast %select_n3A_130 : i32 to index
      %get3A_524 = arith.index_cast %get3A_522 : i32 to index
      %get3A_525 = arith.constant 80 : index
      %get3A_526 = tpu.vector_load %arg11[%get3A_523, %get3A_524, %get3A_525] {strides = array<i32>} : memref<3x40x128xf32, #tpu.memory_space<vmem>>, vector<16xf32>,
      %mul3A_527 = arith.mulf %get3A_526, %gather3A_466 : vector<16xf32>
      %swap3A_528 = arith.constant 3 : i32
      %swap3A_529 = arith.index_cast %select_n3A_130 : i32 to index
      %swap3A_530 = arith.index_cast %swap3A_528 : i32 to index
      %swap3A_531 = arith.constant 80 : index
      %swap3A_532 = tpu.vector_load %arg11[%swap3A_529, %swap3A_530, %swap3A_531] {strides = array<i32>} : memref<3x40x128xf32, #tpu.memory_space<vmem>>, vector<16xf32>,
      tpu.vector_store %arg11[%swap3A_529, %swap3A_530, %swap3A_531], %mul3A_527 {strides = array<i32>} : memref<3x40x128xf32, #tpu.memory_space<vmem>>, vector<16xf32>,
      %get3A_533 = arith.constant 3 : i32
      %get3A_534 = arith.index_cast %select_n3A_130 : i32 to index
      %get3A_535 = arith.index_cast %get3A_533 : i32 to index
      %get3A_536 = arith.constant 96 : index
      %get3A_537 = tpu.vector_load %arg11[%get3A_534, %get3A_535, %get3A_536] {strides = array<i32>} : memref<3x40x128xf32, #tpu.memory_space<vmem>>, vector<16xf32>,
      %mul3A_538 = arith.mulf %get3A_537, %gather3A_466 : vector<16xf32>
      %swap3A_539 = arith.constant 3 : i32
      %swap3A_540 = arith.index_cast %select_n3A_130 : i32 to index
      %swap3A_541 = arith.index_cast %swap3A_539 : i32 to index
      %swap3A_542 = arith.constant 96 : index
      %swap3A_543 = tpu.vector_load %arg11[%swap3A_540, %swap3A_541, %swap3A_542] {strides = array<i32>} : memref<3x40x128xf32, #tpu.memory_space<vmem>>, vector<16xf32>,
      tpu.vector_store %arg11[%swap3A_540, %swap3A_541, %swap3A_542], %mul3A_538 {strides = array<i32>} : memref<3x40x128xf32, #tpu.memory_space<vmem>>, vector<16xf32>,
      %get3A_544 = arith.constant 3 : i32
      %get3A_545 = arith.index_cast %select_n3A_130 : i32 to index
      %get3A_546 = arith.index_cast %get3A_544 : i32 to index
      %get3A_547 = arith.constant 112 : index
      %get3A_548 = tpu.vector_load %arg11[%get3A_545, %get3A_546, %get3A_547] {strides = array<i32>} : memref<3x40x128xf32, #tpu.memory_space<vmem>>, vector<16xf32>,
      %mul3A_549 = arith.mulf %get3A_548, %gather3A_466 : vector<16xf32>
      %swap3A_550 = arith.constant 3 : i32
      %swap3A_551 = arith.index_cast %select_n3A_130 : i32 to index
      %swap3A_552 = arith.index_cast %swap3A_550 : i32 to index
      %swap3A_553 = arith.constant 112 : index
      %swap3A_554 = tpu.vector_load %arg11[%swap3A_551, %swap3A_552, %swap3A_553] {strides = array<i32>} : memref<3x40x128xf32, #tpu.memory_space<vmem>>, vector<16xf32>,
      tpu.vector_store %arg11[%swap3A_551, %swap3A_552, %swap3A_553], %mul3A_549 {strides = array<i32>} : memref<3x40x128xf32, #tpu.memory_space<vmem>>, vector<16xf32>,
      %broadcast_in_dim3A_555 = arith.constant 4 : i32
      %broadcast_in_dim3A_556 = vector.broadcast %broadcast_in_dim3A_555 : i32 to vector<16x1xi32>
      %gather3A_557 = vector.shape_cast %broadcast_in_dim3A_556 : vector<16x1xi32> to vector<16xi32>
      %gather3A_558 = tpu.dynamic_gather %get3A_189[%gather3A_557] in [0] : vector<16xf32>, vector<16xi32> -> vector<16xf32>
      %get3A_559 = arith.constant 4 : i32
      %get3A_560 = arith.index_cast %select_n3A_130 : i32 to index
      %get3A_561 = arith.index_cast %get3A_559 : i32 to index
      %get3A_562 = arith.constant 0 : index
      %get3A_563 = tpu.vector_load %arg11[%get3A_560, %get3A_561, %get3A_562] {strides = array<i32>} : memref<3x40x128xf32, #tpu.memory_space<vmem>>, vector<16xf32>,
      %mul3A_564 = arith.mulf %get3A_563, %gather3A_558 : vector<16xf32>
      %swap3A_565 = arith.constant 4 : i32
      %swap3A_566 = arith.index_cast %select_n3A_130 : i32 to index
      %swap3A_567 = arith.index_cast %swap3A_565 : i32 to index
      %swap3A_568 = arith.constant 0 : index
      %swap3A_569 = tpu.vector_load %arg11[%swap3A_566, %swap3A_567, %swap3A_568] {strides = array<i32>} : memref<3x40x128xf32, #tpu.memory_space<vmem>>, vector<16xf32>,
      tpu.vector_store %arg11[%swap3A_566, %swap3A_567, %swap3A_568], %mul3A_564 {strides = array<i32>} : memref<3x40x128xf32, #tpu.memory_space<vmem>>, vector<16xf32>,
      %get3A_570 = arith.constant 4 : i32
      %get3A_571 = arith.index_cast %select_n3A_130 : i32 to index
      %get3A_572 = arith.index_cast %get3A_570 : i32 to index
      %get3A_573 = arith.constant 16 : index
      %get3A_574 = tpu.vector_load %arg11[%get3A_571, %get3A_572, %get3A_573] {strides = array<i32>} : memref<3x40x128xf32, #tpu.memory_space<vmem>>, vector<16xf32>,
      %mul3A_575 = arith.mulf %get3A_574, %gather3A_558 : vector<16xf32>
      %swap3A_576 = arith.constant 4 : i32
      %swap3A_577 = arith.index_cast %select_n3A_130 : i32 to index
      %swap3A_578 = arith.index_cast %swap3A_576 : i32 to index
      %swap3A_579 = arith.constant 16 : index
      %swap3A_580 = tpu.vector_load %arg11[%swap3A_577, %swap3A_578, %swap3A_579] {strides = array<i32>} : memref<3x40x128xf32, #tpu.memory_space<vmem>>, vector<16xf32>,
      tpu.vector_store %arg11[%swap3A_577, %swap3A_578, %swap3A_579], %mul3A_575 {strides = array<i32>} : memref<3x40x128xf32, #tpu.memory_space<vmem>>, vector<16xf32>,
      %get3A_581 = arith.constant 4 : i32
      %get3A_582 = arith.index_cast %select_n3A_130 : i32 to index
      %get3A_583 = arith.index_cast %get3A_581 : i32 to index
      %get3A_584 = arith.constant 32 : index
      %get3A_585 = tpu.vector_load %arg11[%get3A_582, %get3A_583, %get3A_584] {strides = array<i32>} : memref<3x40x128xf32, #tpu.memory_space<vmem>>, vector<16xf32>,
      %mul3A_586 = arith.mulf %get3A_585, %gather3A_558 : vector<16xf32>
      %swap3A_587 = arith.constant 4 : i32
      %swap3A_588 = arith.index_cast %select_n3A_130 : i32 to index
      %swap3A_589 = arith.index_cast %swap3A_587 : i32 to index
      %swap3A_590 = arith.constant 32 : index
      %swap3A_591 = tpu.vector_load %arg11[%swap3A_588, %swap3A_589, %swap3A_590] {strides = array<i32>} : memref<3x40x128xf32, #tpu.memory_space<vmem>>, vector<16xf32>,
      tpu.vector_store %arg11[%swap3A_588, %swap3A_589, %swap3A_590], %mul3A_586 {strides = array<i32>} : memref<3x40x128xf32, #tpu.memory_space<vmem>>, vector<16xf32>,
      %get3A_592 = arith.constant 4 : i32
      %get3A_593 = arith.index_cast %select_n3A_130 : i32 to index
      %get3A_594 = arith.index_cast %get3A_592 : i32 to index
      %get3A_595 = arith.constant 48 : index
      %get3A_596 = tpu.vector_load %arg11[%get3A_593, %get3A_594, %get3A_595] {strides = array<i32>} : memref<3x40x128xf32, #tpu.memory_space<vmem>>, vector<16xf32>,
      %mul3A_597 = arith.mulf %get3A_596, %gather3A_558 : vector<16xf32>
      %swap3A_598 = arith.constant 4 : i32
      %swap3A_599 = arith.index_cast %select_n3A_130 : i32 to index
      %swap3A_600 = arith.index_cast %swap3A_598 : i32 to index
      %swap3A_601 = arith.constant 48 : index
      %swap3A_602 = tpu.vector_load %arg11[%swap3A_599, %swap3A_600, %swap3A_601] {strides = array<i32>} : memref<3x40x128xf32, #tpu.memory_space<vmem>>, vector<16xf32>,
      tpu.vector_store %arg11[%swap3A_599, %swap3A_600, %swap3A_601], %mul3A_597 {strides = array<i32>} : memref<3x40x128xf32, #tpu.memory_space<vmem>>, vector<16xf32>,
      %get3A_603 = arith.constant 4 : i32
      %get3A_604 = arith.index_cast %select_n3A_130 : i32 to index
      %get3A_605 = arith.index_cast %get3A_603 : i32 to index
      %get3A_606 = arith.constant 64 : index
      %get3A_607 = tpu.vector_load %arg11[%get3A_604, %get3A_605, %get3A_606] {strides = array<i32>} : memref<3x40x128xf32, #tpu.memory_space<vmem>>, vector<16xf32>,
      %mul3A_608 = arith.mulf %get3A_607, %gather3A_558 : vector<16xf32>
      %swap3A_609 = arith.constant 4 : i32
      %swap3A_610 = arith.index_cast %select_n3A_130 : i32 to index
      %swap3A_611 = arith.index_cast %swap3A_609 : i32 to index
      %swap3A_612 = arith.constant 64 : index
      %swap3A_613 = tpu.vector_load %arg11[%swap3A_610, %swap3A_611, %swap3A_612] {strides = array<i32>} : memref<3x40x128xf32, #tpu.memory_space<vmem>>, vector<16xf32>,
      tpu.vector_store %arg11[%swap3A_610, %swap3A_611, %swap3A_612], %mul3A_608 {strides = array<i32>} : memref<3x40x128xf32, #tpu.memory_space<vmem>>, vector<16xf32>,
      %get3A_614 = arith.constant 4 : i32
      %get3A_615 = arith.index_cast %select_n3A_130 : i32 to index
      %get3A_616 = arith.index_cast %get3A_614 : i32 to index
      %get3A_617 = arith.constant 80 : index
      %get3A_618 = tpu.vector_load %arg11[%get3A_615, %get3A_616, %get3A_617] {strides = array<i32>} : memref<3x40x128xf32, #tpu.memory_space<vmem>>, vector<16xf32>,
      %mul3A_619 = arith.mulf %get3A_618, %gather3A_558 : vector<16xf32>
      %swap3A_620 = arith.constant 4 : i32
      %swap3A_621 = arith.index_cast %select_n3A_130 : i32 to index
      %swap3A_622 = arith.index_cast %swap3A_620 : i32 to index
      %swap3A_623 = arith.constant 80 : index
      %swap3A_624 = tpu.vector_load %arg11[%swap3A_621, %swap3A_622, %swap3A_623] {strides = array<i32>} : memref<3x40x128xf32, #tpu.memory_space<vmem>>, vector<16xf32>,
      tpu.vector_store %arg11[%swap3A_621, %swap3A_622, %swap3A_623], %mul3A_619 {strides = array<i32>} : memref<3x40x128xf32, #tpu.memory_space<vmem>>, vector<16xf32>,
      %get3A_625 = arith.constant 4 : i32
      %get3A_626 = arith.index_cast %select_n3A_130 : i32 to index
      %get3A_627 = arith.index_cast %get3A_625 : i32 to index
      %get3A_628 = arith.constant 96 : index
      %get3A_629 = tpu.vector_load %arg11[%get3A_626, %get3A_627, %get3A_628] {strides = array<i32>} : memref<3x40x128xf32, #tpu.memory_space<vmem>>, vector<16xf32>,
      %mul3A_630 = arith.mulf %get3A_629, %gather3A_558 : vector<16xf32>
      %swap3A_631 = arith.constant 4 : i32
      %swap3A_632 = arith.index_cast %select_n3A_130 : i32 to index
      %swap3A_633 = arith.index_cast %swap3A_631 : i32 to index
      %swap3A_634 = arith.constant 96 : index
      %swap3A_635 = tpu.vector_load %arg11[%swap3A_632, %swap3A_633, %swap3A_634] {strides = array<i32>} : memref<3x40x128xf32, #tpu.memory_space<vmem>>, vector<16xf32>,
      tpu.vector_store %arg11[%swap3A_632, %swap3A_633, %swap3A_634], %mul3A_630 {strides = array<i32>} : memref<3x40x128xf32, #tpu.memory_space<vmem>>, vector<16xf32>,
      %get3A_636 = arith.constant 4 : i32
      %get3A_637 = arith.index_cast %select_n3A_130 : i32 to index
      %get3A_638 = arith.index_cast %get3A_636 : i32 to index
      %get3A_639 = arith.constant 112 : index
      %get3A_640 = tpu.vector_load %arg11[%get3A_637, %get3A_638, %get3A_639] {strides = array<i32>} : memref<3x40x128xf32, #tpu.memory_space<vmem>>, vector<16xf32>,
      %mul3A_641 = arith.mulf %get3A_640, %gather3A_558 : vector<16xf32>
      %swap3A_642 = arith.constant 4 : i32
      %swap3A_643 = arith.index_cast %select_n3A_130 : i32 to index
      %swap3A_644 = arith.index_cast %swap3A_642 : i32 to index
      %swap3A_645 = arith.constant 112 : index
      %swap3A_646 = tpu.vector_load %arg11[%swap3A_643, %swap3A_644, %swap3A_645] {strides = array<i32>} : memref<3x40x128xf32, #tpu.memory_space<vmem>>, vector<16xf32>,
      tpu.vector_store %arg11[%swap3A_643, %swap3A_644, %swap3A_645], %mul3A_641 {strides = array<i32>} : memref<3x40x128xf32, #tpu.memory_space<vmem>>, vector<16xf32>,
      %broadcast_in_dim3A_647 = arith.constant 5 : i32
      %broadcast_in_dim3A_648 = vector.broadcast %broadcast_in_dim3A_647 : i32 to vector<16x1xi32>
      %gather3A_649 = vector.shape_cast %broadcast_in_dim3A_648 : vector<16x1xi32> to vector<16xi32>
      %gather3A_650 = tpu.dynamic_gather %get3A_189[%gather3A_649] in [0] : vector<16xf32>, vector<16xi32> -> vector<16xf32>
      %get3A_651 = arith.constant 5 : i32
      %get3A_652 = arith.index_cast %select_n3A_130 : i32 to index
      %get3A_653 = arith.index_cast %get3A_651 : i32 to index
      %get3A_654 = arith.constant 0 : index
      %get3A_655 = tpu.vector_load %arg11[%get3A_652, %get3A_653, %get3A_654] {strides = array<i32>} : memref<3x40x128xf32, #tpu.memory_space<vmem>>, vector<16xf32>,
      %mul3A_656 = arith.mulf %get3A_655, %gather3A_650 : vector<16xf32>
      %swap3A_657 = arith.constant 5 : i32
      %swap3A_658 = arith.index_cast %select_n3A_130 : i32 to index
      %swap3A_659 = arith.index_cast %swap3A_657 : i32 to index
      %swap3A_660 = arith.constant 0 : index
      %swap3A_661 = tpu.vector_load %arg11[%swap3A_658, %swap3A_659, %swap3A_660] {strides = array<i32>} : memref<3x40x128xf32, #tpu.memory_space<vmem>>, vector<16xf32>,
      tpu.vector_store %arg11[%swap3A_658, %swap3A_659, %swap3A_660], %mul3A_656 {strides = array<i32>} : memref<3x40x128xf32, #tpu.memory_space<vmem>>, vector<16xf32>,
      %get3A_662 = arith.constant 5 : i32
      %get3A_663 = arith.index_cast %select_n3A_130 : i32 to index
      %get3A_664 = arith.index_cast %get3A_662 : i32 to index
      %get3A_665 = arith.constant 16 : index
      %get3A_666 = tpu.vector_load %arg11[%get3A_663, %get3A_664, %get3A_665] {strides = array<i32>} : memref<3x40x128xf32, #tpu.memory_space<vmem>>, vector<16xf32>,
      %mul3A_667 = arith.mulf %get3A_666, %gather3A_650 : vector<16xf32>
      %swap3A_668 = arith.constant 5 : i32
      %swap3A_669 = arith.index_cast %select_n3A_130 : i32 to index
      %swap3A_670 = arith.index_cast %swap3A_668 : i32 to index
      %swap3A_671 = arith.constant 16 : index
      %swap3A_672 = tpu.vector_load %arg11[%swap3A_669, %swap3A_670, %swap3A_671] {strides = array<i32>} : memref<3x40x128xf32, #tpu.memory_space<vmem>>, vector<16xf32>,
      tpu.vector_store %arg11[%swap3A_669, %swap3A_670, %swap3A_671], %mul3A_667 {strides = array<i32>} : memref<3x40x128xf32, #tpu.memory_space<vmem>>, vector<16xf32>,
      %get3A_673 = arith.constant 5 : i32
      %get3A_674 = arith.index_cast %select_n3A_130 : i32 to index
      %get3A_675 = arith.index_cast %get3A_673 : i32 to index
      %get3A_676 = arith.constant 32 : index
      %get3A_677 = tpu.vector_load %arg11[%get3A_674, %get3A_675, %get3A_676] {strides = array<i32>} : memref<3x40x128xf32, #tpu.memory_space<vmem>>, vector<16xf32>,
      %mul3A_678 = arith.mulf %get3A_677, %gather3A_650 : vector<16xf32>
      %swap3A_679 = arith.constant 5 : i32
      %swap3A_680 = arith.index_cast %select_n3A_130 : i32 to index
      %swap3A_681 = arith.index_cast %swap3A_679 : i32 to index
      %swap3A_682 = arith.constant 32 : index
      %swap3A_683 = tpu.vector_load %arg11[%swap3A_680, %swap3A_681, %swap3A_682] {strides = array<i32>} : memref<3x40x128xf32, #tpu.memory_space<vmem>>, vector<16xf32>,
      tpu.vector_store %arg11[%swap3A_680, %swap3A_681, %swap3A_682], %mul3A_678 {strides = array<i32>} : memref<3x40x128xf32, #tpu.memory_space<vmem>>, vector<16xf32>,
      %get3A_684 = arith.constant 5 : i32
      %get3A_685 = arith.index_cast %select_n3A_130 : i32 to index
      %get3A_686 = arith.index_cast %get3A_684 : i32 to index
      %get3A_687 = arith.constant 48 : index
      %get3A_688 = tpu.vector_load %arg11[%get3A_685, %get3A_686, %get3A_687] {strides = array<i32>} : memref<3x40x128xf32, #tpu.memory_space<vmem>>, vector<16xf32>,
      %mul3A_689 = arith.mulf %get3A_688, %gather3A_650 : vector<16xf32>
      %swap3A_690 = arith.constant 5 : i32
      %swap3A_691 = arith.index_cast %select_n3A_130 : i32 to index
      %swap3A_692 = arith.index_cast %swap3A_690 : i32 to index
      %swap3A_693 = arith.constant 48 : index
      %swap3A_694 = tpu.vector_load %arg11[%swap3A_691, %swap3A_692, %swap3A_693] {strides = array<i32>} : memref<3x40x128xf32, #tpu.memory_space<vmem>>, vector<16xf32>,
      tpu.vector_store %arg11[%swap3A_691, %swap3A_692, %swap3A_693], %mul3A_689 {strides = array<i32>} : memref<3x40x128xf32, #tpu.memory_space<vmem>>, vector<16xf32>,
      %get3A_695 = arith.constant 5 : i32
      %get3A_696 = arith.index_cast %select_n3A_130 : i32 to index
      %get3A_697 = arith.index_cast %get3A_695 : i32 to index
      %get3A_698 = arith.constant 64 : index
      %get3A_699 = tpu.vector_load %arg11[%get3A_696, %get3A_697, %get3A_698] {strides = array<i32>} : memref<3x40x128xf32, #tpu.memory_space<vmem>>, vector<16xf32>,
      %mul3A_700 = arith.mulf %get3A_699, %gather3A_650 : vector<16xf32>
      %swap3A_701 = arith.constant 5 : i32
      %swap3A_702 = arith.index_cast %select_n3A_130 : i32 to index
      %swap3A_703 = arith.index_cast %swap3A_701 : i32 to index
      %swap3A_704 = arith.constant 64 : index
      %swap3A_705 = tpu.vector_load %arg11[%swap3A_702, %swap3A_703, %swap3A_704] {strides = array<i32>} : memref<3x40x128xf32, #tpu.memory_space<vmem>>, vector<16xf32>,
      tpu.vector_store %arg11[%swap3A_702, %swap3A_703, %swap3A_704], %mul3A_700 {strides = array<i32>} : memref<3x40x128xf32, #tpu.memory_space<vmem>>, vector<16xf32>,
      %get3A_706 = arith.constant 5 : i32
      %get3A_707 = arith.index_cast %select_n3A_130 : i32 to index
      %get3A_708 = arith.index_cast %get3A_706 : i32 to index
      %get3A_709 = arith.constant 80 : index
      %get3A_710 = tpu.vector_load %arg11[%get3A_707, %get3A_708, %get3A_709] {strides = array<i32>} : memref<3x40x128xf32, #tpu.memory_space<vmem>>, vector<16xf32>,
      %mul3A_711 = arith.mulf %get3A_710, %gather3A_650 : vector<16xf32>
      %swap3A_712 = arith.constant 5 : i32
      %swap3A_713 = arith.index_cast %select_n3A_130 : i32 to index
      %swap3A_714 = arith.index_cast %swap3A_712 : i32 to index
      %swap3A_715 = arith.constant 80 : index
      %swap3A_716 = tpu.vector_load %arg11[%swap3A_713, %swap3A_714, %swap3A_715] {strides = array<i32>} : memref<3x40x128xf32, #tpu.memory_space<vmem>>, vector<16xf32>,
      tpu.vector_store %arg11[%swap3A_713, %swap3A_714, %swap3A_715], %mul3A_711 {strides = array<i32>} : memref<3x40x128xf32, #tpu.memory_space<vmem>>, vector<16xf32>,
      %get3A_717 = arith.constant 5 : i32
      %get3A_718 = arith.index_cast %select_n3A_130 : i32 to index
      %get3A_719 = arith.index_cast %get3A_717 : i32 to index
      %get3A_720 = arith.constant 96 : index
      %get3A_721 = tpu.vector_load %arg11[%get3A_718, %get3A_719, %get3A_720] {strides = array<i32>} : memref<3x40x128xf32, #tpu.memory_space<vmem>>, vector<16xf32>,
      %mul3A_722 = arith.mulf %get3A_721, %gather3A_650 : vector<16xf32>
      %swap3A_723 = arith.constant 5 : i32
      %swap3A_724 = arith.index_cast %select_n3A_130 : i32 to index
      %swap3A_725 = arith.index_cast %swap3A_723 : i32 to index
      %swap3A_726 = arith.constant 96 : index
      %swap3A_727 = tpu.vector_load %arg11[%swap3A_724, %swap3A_725, %swap3A_726] {strides = array<i32>} : memref<3x40x128xf32, #tpu.memory_space<vmem>>, vector<16xf32>,
      tpu.vector_store %arg11[%swap3A_724, %swap3A_725, %swap3A_726], %mul3A_722 {strides = array<i32>} : memref<3x40x128xf32, #tpu.memory_space<vmem>>, vector<16xf32>,
      %get3A_728 = arith.constant 5 : i32
      %get3A_729 = arith.index_cast %select_n3A_130 : i32 to index
      %get3A_730 = arith.index_cast %get3A_728 : i32 to index
      %get3A_731 = arith.constant 112 : index
      %get3A_732 = tpu.vector_load %arg11[%get3A_729, %get3A_730, %get3A_731] {strides = array<i32>} : memref<3x40x128xf32, #tpu.memory_space<vmem>>, vector<16xf32>,
      %mul3A_733 = arith.mulf %get3A_732, %gather3A_650 : vector<16xf32>
      %swap3A_734 = arith.constant 5 : i32
      %swap3A_735 = arith.index_cast %select_n3A_130 : i32 to index
      %swap3A_736 = arith.index_cast %swap3A_734 : i32 to index
      %swap3A_737 = arith.constant 112 : index
      %swap3A_738 = tpu.vector_load %arg11[%swap3A_735, %swap3A_736, %swap3A_737] {strides = array<i32>} : memref<3x40x128xf32, #tpu.memory_space<vmem>>, vector<16xf32>,
      tpu.vector_store %arg11[%swap3A_735, %swap3A_736, %swap3A_737], %mul3A_733 {strides = array<i32>} : memref<3x40x128xf32, #tpu.memory_space<vmem>>, vector<16xf32>,
      %broadcast_in_dim3A_739 = arith.constant 6 : i32
      %broadcast_in_dim3A_740 = vector.broadcast %broadcast_in_dim3A_739 : i32 to vector<16x1xi32>
      %gather3A_741 = vector.shape_cast %broadcast_in_dim3A_740 : vector<16x1xi32> to vector<16xi32>
      %gather3A_742 = tpu.dynamic_gather %get3A_189[%gather3A_741] in [0] : vector<16xf32>, vector<16xi32> -> vector<16xf32>
      %get3A_743 = arith.constant 6 : i32
      %get3A_744 = arith.index_cast %select_n3A_130 : i32 to index
      %get3A_745 = arith.index_cast %get3A_743 : i32 to index
      %get3A_746 = arith.constant 0 : index
      %get3A_747 = tpu.vector_load %arg11[%get3A_744, %get3A_745, %get3A_746] {strides = array<i32>} : memref<3x40x128xf32, #tpu.memory_space<vmem>>, vector<16xf32>,
      %mul3A_748 = arith.mulf %get3A_747, %gather3A_742 : vector<16xf32>
      %swap3A_749 = arith.constant 6 : i32
      %swap3A_750 = arith.index_cast %select_n3A_130 : i32 to index
      %swap3A_751 = arith.index_cast %swap3A_749 : i32 to index
      %swap3A_752 = arith.constant 0 : index
      %swap3A_753 = tpu.vector_load %arg11[%swap3A_750, %swap3A_751, %swap3A_752] {strides = array<i32>} : memref<3x40x128xf32, #tpu.memory_space<vmem>>, vector<16xf32>,
      tpu.vector_store %arg11[%swap3A_750, %swap3A_751, %swap3A_752], %mul3A_748 {strides = array<i32>} : memref<3x40x128xf32, #tpu.memory_space<vmem>>, vector<16xf32>,
      %get3A_754 = arith.constant 6 : i32
      %get3A_755 = arith.index_cast %select_n3A_130 : i32 to index
      %get3A_756 = arith.index_cast %get3A_754 : i32 to index
      %get3A_757 = arith.constant 16 : index
      %get3A_758 = tpu.vector_load %arg11[%get3A_755, %get3A_756, %get3A_757] {strides = array<i32>} : memref<3x40x128xf32, #tpu.memory_space<vmem>>, vector<16xf32>,
      %mul3A_759 = arith.mulf %get3A_758, %gather3A_742 : vector<16xf32>
      %swap3A_760 = arith.constant 6 : i32
      %swap3A_761 = arith.index_cast %select_n3A_130 : i32 to index
      %swap3A_762 = arith.index_cast %swap3A_760 : i32 to index
      %swap3A_763 = arith.constant 16 : index
      %swap3A_764 = tpu.vector_load %arg11[%swap3A_761, %swap3A_762, %swap3A_763] {strides = array<i32>} : memref<3x40x128xf32, #tpu.memory_space<vmem>>, vector<16xf32>,
      tpu.vector_store %arg11[%swap3A_761, %swap3A_762, %swap3A_763], %mul3A_759 {strides = array<i32>} : memref<3x40x128xf32, #tpu.memory_space<vmem>>, vector<16xf32>,
      %get3A_765 = arith.constant 6 : i32
      %get3A_766 = arith.index_cast %select_n3A_130 : i32 to index
      %get3A_767 = arith.index_cast %get3A_765 : i32 to index
      %get3A_768 = arith.constant 32 : index
      %get3A_769 = tpu.vector_load %arg11[%get3A_766, %get3A_767, %get3A_768] {strides = array<i32>} : memref<3x40x128xf32, #tpu.memory_space<vmem>>, vector<16xf32>,
      %mul3A_770 = arith.mulf %get3A_769, %gather3A_742 : vector<16xf32>
      %swap3A_771 = arith.constant 6 : i32
      %swap3A_772 = arith.index_cast %select_n3A_130 : i32 to index
      %swap3A_773 = arith.index_cast %swap3A_771 : i32 to index
      %swap3A_774 = arith.constant 32 : index
      %swap3A_775 = tpu.vector_load %arg11[%swap3A_772, %swap3A_773, %swap3A_774] {strides = array<i32>} : memref<3x40x128xf32, #tpu.memory_space<vmem>>, vector<16xf32>,
      tpu.vector_store %arg11[%swap3A_772, %swap3A_773, %swap3A_774], %mul3A_770 {strides = array<i32>} : memref<3x40x128xf32, #tpu.memory_space<vmem>>, vector<16xf32>,
      %get3A_776 = arith.constant 6 : i32
      %get3A_777 = arith.index_cast %select_n3A_130 : i32 to index
      %get3A_778 = arith.index_cast %get3A_776 : i32 to index
      %get3A_779 = arith.constant 48 : index
      %get3A_780 = tpu.vector_load %arg11[%get3A_777, %get3A_778, %get3A_779] {strides = array<i32>} : memref<3x40x128xf32, #tpu.memory_space<vmem>>, vector<16xf32>,
      %mul3A_781 = arith.mulf %get3A_780, %gather3A_742 : vector<16xf32>
      %swap3A_782 = arith.constant 6 : i32
      %swap3A_783 = arith.index_cast %select_n3A_130 : i32 to index
      %swap3A_784 = arith.index_cast %swap3A_782 : i32 to index
      %swap3A_785 = arith.constant 48 : index
      %swap3A_786 = tpu.vector_load %arg11[%swap3A_783, %swap3A_784, %swap3A_785] {strides = array<i32>} : memref<3x40x128xf32, #tpu.memory_space<vmem>>, vector<16xf32>,
      tpu.vector_store %arg11[%swap3A_783, %swap3A_784, %swap3A_785], %mul3A_781 {strides = array<i32>} : memref<3x40x128xf32, #tpu.memory_space<vmem>>, vector<16xf32>,
      %get3A_787 = arith.constant 6 : i32
      %get3A_788 = arith.index_cast %select_n3A_130 : i32 to index
      %get3A_789 = arith.index_cast %get3A_787 : i32 to index
      %get3A_790 = arith.constant 64 : index
      %get3A_791 = tpu.vector_load %arg11[%get3A_788, %get3A_789, %get3A_790] {strides = array<i32>} : memref<3x40x128xf32, #tpu.memory_space<vmem>>, vector<16xf32>,
      %mul3A_792 = arith.mulf %get3A_791, %gather3A_742 : vector<16xf32>
      %swap3A_793 = arith.constant 6 : i32
      %swap3A_794 = arith.index_cast %select_n3A_130 : i32 to index
      %swap3A_795 = arith.index_cast %swap3A_793 : i32 to index
      %swap3A_796 = arith.constant 64 : index
      %swap3A_797 = tpu.vector_load %arg11[%swap3A_794, %swap3A_795, %swap3A_796] {strides = array<i32>} : memref<3x40x128xf32, #tpu.memory_space<vmem>>, vector<16xf32>,
      tpu.vector_store %arg11[%swap3A_794, %swap3A_795, %swap3A_796], %mul3A_792 {strides = array<i32>} : memref<3x40x128xf32, #tpu.memory_space<vmem>>, vector<16xf32>,
      %get3A_798 = arith.constant 6 : i32
      %get3A_799 = arith.index_cast %select_n3A_130 : i32 to index
      %get3A_800 = arith.index_cast %get3A_798 : i32 to index
      %get3A_801 = arith.constant 80 : index
      %get3A_802 = tpu.vector_load %arg11[%get3A_799, %get3A_800, %get3A_801] {strides = array<i32>} : memref<3x40x128xf32, #tpu.memory_space<vmem>>, vector<16xf32>,
      %mul3A_803 = arith.mulf %get3A_802, %gather3A_742 : vector<16xf32>
      %swap3A_804 = arith.constant 6 : i32
      %swap3A_805 = arith.index_cast %select_n3A_130 : i32 to index
      %swap3A_806 = arith.index_cast %swap3A_804 : i32 to index
      %swap3A_807 = arith.constant 80 : index
      %swap3A_808 = tpu.vector_load %arg11[%swap3A_805, %swap3A_806, %swap3A_807] {strides = array<i32>} : memref<3x40x128xf32, #tpu.memory_space<vmem>>, vector<16xf32>,
      tpu.vector_store %arg11[%swap3A_805, %swap3A_806, %swap3A_807], %mul3A_803 {strides = array<i32>} : memref<3x40x128xf32, #tpu.memory_space<vmem>>, vector<16xf32>,
      %get3A_809 = arith.constant 6 : i32
      %get3A_810 = arith.index_cast %select_n3A_130 : i32 to index
      %get3A_811 = arith.index_cast %get3A_809 : i32 to index
      %get3A_812 = arith.constant 96 : index
      %get3A_813 = tpu.vector_load %arg11[%get3A_810, %get3A_811, %get3A_812] {strides = array<i32>} : memref<3x40x128xf32, #tpu.memory_space<vmem>>, vector<16xf32>,
      %mul3A_814 = arith.mulf %get3A_813, %gather3A_742 : vector<16xf32>
      %swap3A_815 = arith.constant 6 : i32
      %swap3A_816 = arith.index_cast %select_n3A_130 : i32 to index
      %swap3A_817 = arith.index_cast %swap3A_815 : i32 to index
      %swap3A_818 = arith.constant 96 : index
      %swap3A_819 = tpu.vector_load %arg11[%swap3A_816, %swap3A_817, %swap3A_818] {strides = array<i32>} : memref<3x40x128xf32, #tpu.memory_space<vmem>>, vector<16xf32>,
      tpu.vector_store %arg11[%swap3A_816, %swap3A_817, %swap3A_818], %mul3A_814 {strides = array<i32>} : memref<3x40x128xf32, #tpu.memory_space<vmem>>, vector<16xf32>,
      %get3A_820 = arith.constant 6 : i32
      %get3A_821 = arith.index_cast %select_n3A_130 : i32 to index
      %get3A_822 = arith.index_cast %get3A_820 : i32 to index
      %get3A_823 = arith.constant 112 : index
      %get3A_824 = tpu.vector_load %arg11[%get3A_821, %get3A_822, %get3A_823] {strides = array<i32>} : memref<3x40x128xf32, #tpu.memory_space<vmem>>, vector<16xf32>,
      %mul3A_825 = arith.mulf %get3A_824, %gather3A_742 : vector<16xf32>
      %swap3A_826 = arith.constant 6 : i32
      %swap3A_827 = arith.index_cast %select_n3A_130 : i32 to index
      %swap3A_828 = arith.index_cast %swap3A_826 : i32 to index
      %swap3A_829 = arith.constant 112 : index
      %swap3A_830 = tpu.vector_load %arg11[%swap3A_827, %swap3A_828, %swap3A_829] {strides = array<i32>} : memref<3x40x128xf32, #tpu.memory_space<vmem>>, vector<16xf32>,
      tpu.vector_store %arg11[%swap3A_827, %swap3A_828, %swap3A_829], %mul3A_825 {strides = array<i32>} : memref<3x40x128xf32, #tpu.memory_space<vmem>>, vector<16xf32>,
      %broadcast_in_dim3A_831 = arith.constant 7 : i32
      %broadcast_in_dim3A_832 = vector.broadcast %broadcast_in_dim3A_831 : i32 to vector<16x1xi32>
      %gather3A_833 = vector.shape_cast %broadcast_in_dim3A_832 : vector<16x1xi32> to vector<16xi32>
      %gather3A_834 = tpu.dynamic_gather %get3A_189[%gather3A_833] in [0] : vector<16xf32>, vector<16xi32> -> vector<16xf32>
      %get3A_835 = arith.constant 7 : i32
      %get3A_836 = arith.index_cast %select_n3A_130 : i32 to index
      %get3A_837 = arith.index_cast %get3A_835 : i32 to index
      %get3A_838 = arith.constant 0 : index
      %get3A_839 = tpu.vector_load %arg11[%get3A_836, %get3A_837, %get3A_838] {strides = array<i32>} : memref<3x40x128xf32, #tpu.memory_space<vmem>>, vector<16xf32>,
      %mul3A_840 = arith.mulf %get3A_839, %gather3A_834 : vector<16xf32>
      %swap3A_841 = arith.constant 7 : i32
      %swap3A_842 = arith.index_cast %select_n3A_130 : i32 to index
      %swap3A_843 = arith.index_cast %swap3A_841 : i32 to index
      %swap3A_844 = arith.constant 0 : index
      %swap3A_845 = tpu.vector_load %arg11[%swap3A_842, %swap3A_843, %swap3A_844] {strides = array<i32>} : memref<3x40x128xf32, #tpu.memory_space<vmem>>, vector<16xf32>,
      tpu.vector_store %arg11[%swap3A_842, %swap3A_843, %swap3A_844], %mul3A_840 {strides = array<i32>} : memref<3x40x128xf32, #tpu.memory_space<vmem>>, vector<16xf32>,
      %get3A_846 = arith.constant 7 : i32
      %get3A_847 = arith.index_cast %select_n3A_130 : i32 to index
      %get3A_848 = arith.index_cast %get3A_846 : i32 to index
      %get3A_849 = arith.constant 16 : index
      %get3A_850 = tpu.vector_load %arg11[%get3A_847, %get3A_848, %get3A_849] {strides = array<i32>} : memref<3x40x128xf32, #tpu.memory_space<vmem>>, vector<16xf32>,
      %mul3A_851 = arith.mulf %get3A_850, %gather3A_834 : vector<16xf32>
      %swap3A_852 = arith.constant 7 : i32
      %swap3A_853 = arith.index_cast %select_n3A_130 : i32 to index
      %swap3A_854 = arith.index_cast %swap3A_852 : i32 to index
      %swap3A_855 = arith.constant 16 : index
      %swap3A_856 = tpu.vector_load %arg11[%swap3A_853, %swap3A_854, %swap3A_855] {strides = array<i32>} : memref<3x40x128xf32, #tpu.memory_space<vmem>>, vector<16xf32>,
      tpu.vector_store %arg11[%swap3A_853, %swap3A_854, %swap3A_855], %mul3A_851 {strides = array<i32>} : memref<3x40x128xf32, #tpu.memory_space<vmem>>, vector<16xf32>,
      %get3A_857 = arith.constant 7 : i32
      %get3A_858 = arith.index_cast %select_n3A_130 : i32 to index
      %get3A_859 = arith.index_cast %get3A_857 : i32 to index
      %get3A_860 = arith.constant 32 : index
      %get3A_861 = tpu.vector_load %arg11[%get3A_858, %get3A_859, %get3A_860] {strides = array<i32>} : memref<3x40x128xf32, #tpu.memory_space<vmem>>, vector<16xf32>,
      %mul3A_862 = arith.mulf %get3A_861, %gather3A_834 : vector<16xf32>
      %swap3A_863 = arith.constant 7 : i32
      %swap3A_864 = arith.index_cast %select_n3A_130 : i32 to index
      %swap3A_865 = arith.index_cast %swap3A_863 : i32 to index
      %swap3A_866 = arith.constant 32 : index
      %swap3A_867 = tpu.vector_load %arg11[%swap3A_864, %swap3A_865, %swap3A_866] {strides = array<i32>} : memref<3x40x128xf32, #tpu.memory_space<vmem>>, vector<16xf32>,
      tpu.vector_store %arg11[%swap3A_864, %swap3A_865, %swap3A_866], %mul3A_862 {strides = array<i32>} : memref<3x40x128xf32, #tpu.memory_space<vmem>>, vector<16xf32>,
      %get3A_868 = arith.constant 7 : i32
      %get3A_869 = arith.index_cast %select_n3A_130 : i32 to index
      %get3A_870 = arith.index_cast %get3A_868 : i32 to index
      %get3A_871 = arith.constant 48 : index
      %get3A_872 = tpu.vector_load %arg11[%get3A_869, %get3A_870, %get3A_871] {strides = array<i32>} : memref<3x40x128xf32, #tpu.memory_space<vmem>>, vector<16xf32>,
      %mul3A_873 = arith.mulf %get3A_872, %gather3A_834 : vector<16xf32>
      %swap3A_874 = arith.constant 7 : i32
      %swap3A_875 = arith.index_cast %select_n3A_130 : i32 to index
      %swap3A_876 = arith.index_cast %swap3A_874 : i32 to index
      %swap3A_877 = arith.constant 48 : index
      %swap3A_878 = tpu.vector_load %arg11[%swap3A_875, %swap3A_876, %swap3A_877] {strides = array<i32>} : memref<3x40x128xf32, #tpu.memory_space<vmem>>, vector<16xf32>,
      tpu.vector_store %arg11[%swap3A_875, %swap3A_876, %swap3A_877], %mul3A_873 {strides = array<i32>} : memref<3x40x128xf32, #tpu.memory_space<vmem>>, vector<16xf32>,
      %get3A_879 = arith.constant 7 : i32
      %get3A_880 = arith.index_cast %select_n3A_130 : i32 to index
      %get3A_881 = arith.index_cast %get3A_879 : i32 to index
      %get3A_882 = arith.constant 64 : index
      %get3A_883 = tpu.vector_load %arg11[%get3A_880, %get3A_881, %get3A_882] {strides = array<i32>} : memref<3x40x128xf32, #tpu.memory_space<vmem>>, vector<16xf32>,
      %mul3A_884 = arith.mulf %get3A_883, %gather3A_834 : vector<16xf32>
      %swap3A_885 = arith.constant 7 : i32
      %swap3A_886 = arith.index_cast %select_n3A_130 : i32 to index
      %swap3A_887 = arith.index_cast %swap3A_885 : i32 to index
      %swap3A_888 = arith.constant 64 : index
      %swap3A_889 = tpu.vector_load %arg11[%swap3A_886, %swap3A_887, %swap3A_888] {strides = array<i32>} : memref<3x40x128xf32, #tpu.memory_space<vmem>>, vector<16xf32>,
      tpu.vector_store %arg11[%swap3A_886, %swap3A_887, %swap3A_888], %mul3A_884 {strides = array<i32>} : memref<3x40x128xf32, #tpu.memory_space<vmem>>, vector<16xf32>,
      %get3A_890 = arith.constant 7 : i32
      %get3A_891 = arith.index_cast %select_n3A_130 : i32 to index
      %get3A_892 = arith.index_cast %get3A_890 : i32 to index
      %get3A_893 = arith.constant 80 : index
      %get3A_894 = tpu.vector_load %arg11[%get3A_891, %get3A_892, %get3A_893] {strides = array<i32>} : memref<3x40x128xf32, #tpu.memory_space<vmem>>, vector<16xf32>,
      %mul3A_895 = arith.mulf %get3A_894, %gather3A_834 : vector<16xf32>
      %swap3A_896 = arith.constant 7 : i32
      %swap3A_897 = arith.index_cast %select_n3A_130 : i32 to index
      %swap3A_898 = arith.index_cast %swap3A_896 : i32 to index
      %swap3A_899 = arith.constant 80 : index
      %swap3A_900 = tpu.vector_load %arg11[%swap3A_897, %swap3A_898, %swap3A_899] {strides = array<i32>} : memref<3x40x128xf32, #tpu.memory_space<vmem>>, vector<16xf32>,
      tpu.vector_store %arg11[%swap3A_897, %swap3A_898, %swap3A_899], %mul3A_895 {strides = array<i32>} : memref<3x40x128xf32, #tpu.memory_space<vmem>>, vector<16xf32>,
      %get3A_901 = arith.constant 7 : i32
      %get3A_902 = arith.index_cast %select_n3A_130 : i32 to index
      %get3A_903 = arith.index_cast %get3A_901 : i32 to index
      %get3A_904 = arith.constant 96 : index
      %get3A_905 = tpu.vector_load %arg11[%get3A_902, %get3A_903, %get3A_904] {strides = array<i32>} : memref<3x40x128xf32, #tpu.memory_space<vmem>>, vector<16xf32>,
      %mul3A_906 = arith.mulf %get3A_905, %gather3A_834 : vector<16xf32>
      %swap3A_907 = arith.constant 7 : i32
      %swap3A_908 = arith.index_cast %select_n3A_130 : i32 to index
      %swap3A_909 = arith.index_cast %swap3A_907 : i32 to index
      %swap3A_910 = arith.constant 96 : index
      %swap3A_911 = tpu.vector_load %arg11[%swap3A_908, %swap3A_909, %swap3A_910] {strides = array<i32>} : memref<3x40x128xf32, #tpu.memory_space<vmem>>, vector<16xf32>,
      tpu.vector_store %arg11[%swap3A_908, %swap3A_909, %swap3A_910], %mul3A_906 {strides = array<i32>} : memref<3x40x128xf32, #tpu.memory_space<vmem>>, vector<16xf32>,
      %get3A_912 = arith.constant 7 : i32
      %get3A_913 = arith.index_cast %select_n3A_130 : i32 to index
      %get3A_914 = arith.index_cast %get3A_912 : i32 to index
      %get3A_915 = arith.constant 112 : index
      %get3A_916 = tpu.vector_load %arg11[%get3A_913, %get3A_914, %get3A_915] {strides = array<i32>} : memref<3x40x128xf32, #tpu.memory_space<vmem>>, vector<16xf32>,
      %mul3A_917 = arith.mulf %get3A_916, %gather3A_834 : vector<16xf32>
      %swap3A_918 = arith.constant 7 : i32
      %swap3A_919 = arith.index_cast %select_n3A_130 : i32 to index
      %swap3A_920 = arith.index_cast %swap3A_918 : i32 to index
      %swap3A_921 = arith.constant 112 : index
      %swap3A_922 = tpu.vector_load %arg11[%swap3A_919, %swap3A_920, %swap3A_921] {strides = array<i32>} : memref<3x40x128xf32, #tpu.memory_space<vmem>>, vector<16xf32>,
      tpu.vector_store %arg11[%swap3A_919, %swap3A_920, %swap3A_921], %mul3A_917 {strides = array<i32>} : memref<3x40x128xf32, #tpu.memory_space<vmem>>, vector<16xf32>,
      %broadcast_in_dim3A_923 = arith.constant 8 : i32
      %broadcast_in_dim3A_924 = vector.broadcast %broadcast_in_dim3A_923 : i32 to vector<16x1xi32>
      %gather3A_925 = vector.shape_cast %broadcast_in_dim3A_924 : vector<16x1xi32> to vector<16xi32>
      %gather3A_926 = tpu.dynamic_gather %get3A_189[%gather3A_925] in [0] : vector<16xf32>, vector<16xi32> -> vector<16xf32>
      %get3A_927 = arith.constant 8 : i32
      %get3A_928 = arith.index_cast %select_n3A_130 : i32 to index
      %get3A_929 = arith.index_cast %get3A_927 : i32 to index
      %get3A_930 = arith.constant 0 : index
      %get3A_931 = tpu.vector_load %arg11[%get3A_928, %get3A_929, %get3A_930] {strides = array<i32>} : memref<3x40x128xf32, #tpu.memory_space<vmem>>, vector<16xf32>,
      %mul3A_932 = arith.mulf %get3A_931, %gather3A_926 : vector<16xf32>
      %swap3A_933 = arith.constant 8 : i32
      %swap3A_934 = arith.index_cast %select_n3A_130 : i32 to index
      %swap3A_935 = arith.index_cast %swap3A_933 : i32 to index
      %swap3A_936 = arith.constant 0 : index
      %swap3A_937 = tpu.vector_load %arg11[%swap3A_934, %swap3A_935, %swap3A_936] {strides = array<i32>} : memref<3x40x128xf32, #tpu.memory_space<vmem>>, vector<16xf32>,
      tpu.vector_store %arg11[%swap3A_934, %swap3A_935, %swap3A_936], %mul3A_932 {strides = array<i32>} : memref<3x40x128xf32, #tpu.memory_space<vmem>>, vector<16xf32>,
      %get3A_938 = arith.constant 8 : i32
      %get3A_939 = arith.index_cast %select_n3A_130 : i32 to index
      %get3A_940 = arith.index_cast %get3A_938 : i32 to index
      %get3A_941 = arith.constant 16 : index
      %get3A_942 = tpu.vector_load %arg11[%get3A_939, %get3A_940, %get3A_941] {strides = array<i32>} : memref<3x40x128xf32, #tpu.memory_space<vmem>>, vector<16xf32>,
      %mul3A_943 = arith.mulf %get3A_942, %gather3A_926 : vector<16xf32>
      %swap3A_944 = arith.constant 8 : i32
      %swap3A_945 = arith.index_cast %select_n3A_130 : i32 to index
      %swap3A_946 = arith.index_cast %swap3A_944 : i32 to index
      %swap3A_947 = arith.constant 16 : index
      %swap3A_948 = tpu.vector_load %arg11[%swap3A_945, %swap3A_946, %swap3A_947] {strides = array<i32>} : memref<3x40x128xf32, #tpu.memory_space<vmem>>, vector<16xf32>,
      tpu.vector_store %arg11[%swap3A_945, %swap3A_946, %swap3A_947], %mul3A_943 {strides = array<i32>} : memref<3x40x128xf32, #tpu.memory_space<vmem>>, vector<16xf32>,
      %get3A_949 = arith.constant 8 : i32
      %get3A_950 = arith.index_cast %select_n3A_130 : i32 to index
      %get3A_951 = arith.index_cast %get3A_949 : i32 to index
      %get3A_952 = arith.constant 32 : index
      %get3A_953 = tpu.vector_load %arg11[%get3A_950, %get3A_951, %get3A_952] {strides = array<i32>} : memref<3x40x128xf32, #tpu.memory_space<vmem>>, vector<16xf32>,
      %mul3A_954 = arith.mulf %get3A_953, %gather3A_926 : vector<16xf32>
      %swap3A_955 = arith.constant 8 : i32
      %swap3A_956 = arith.index_cast %select_n3A_130 : i32 to index
      %swap3A_957 = arith.index_cast %swap3A_955 : i32 to index
      %swap3A_958 = arith.constant 32 : index
      %swap3A_959 = tpu.vector_load %arg11[%swap3A_956, %swap3A_957, %swap3A_958] {strides = array<i32>} : memref<3x40x128xf32, #tpu.memory_space<vmem>>, vector<16xf32>,
      tpu.vector_store %arg11[%swap3A_956, %swap3A_957, %swap3A_958], %mul3A_954 {strides = array<i32>} : memref<3x40x128xf32, #tpu.memory_space<vmem>>, vector<16xf32>,
      %get3A_960 = arith.constant 8 : i32
      %get3A_961 = arith.index_cast %select_n3A_130 : i32 to index
      %get3A_962 = arith.index_cast %get3A_960 : i32 to index
      %get3A_963 = arith.constant 48 : index
      %get3A_964 = tpu.vector_load %arg11[%get3A_961, %get3A_962, %get3A_963] {strides = array<i32>} : memref<3x40x128xf32, #tpu.memory_space<vmem>>, vector<16xf32>,
      %mul3A_965 = arith.mulf %get3A_964, %gather3A_926 : vector<16xf32>
      %swap3A_966 = arith.constant 8 : i32
      %swap3A_967 = arith.index_cast %select_n3A_130 : i32 to index
      %swap3A_968 = arith.index_cast %swap3A_966 : i32 to index
      %swap3A_969 = arith.constant 48 : index
      %swap3A_970 = tpu.vector_load %arg11[%swap3A_967, %swap3A_968, %swap3A_969] {strides = array<i32>} : memref<3x40x128xf32, #tpu.memory_space<vmem>>, vector<16xf32>,
      tpu.vector_store %arg11[%swap3A_967, %swap3A_968, %swap3A_969], %mul3A_965 {strides = array<i32>} : memref<3x40x128xf32, #tpu.memory_space<vmem>>, vector<16xf32>,
      %get3A_971 = arith.constant 8 : i32
      %get3A_972 = arith.index_cast %select_n3A_130 : i32 to index
      %get3A_973 = arith.index_cast %get3A_971 : i32 to index
      %get3A_974 = arith.constant 64 : index
      %get3A_975 = tpu.vector_load %arg11[%get3A_972, %get3A_973, %get3A_974] {strides = array<i32>} : memref<3x40x128xf32, #tpu.memory_space<vmem>>, vector<16xf32>,
      %mul3A_976 = arith.mulf %get3A_975, %gather3A_926 : vector<16xf32>
      %swap3A_977 = arith.constant 8 : i32
      %swap3A_978 = arith.index_cast %select_n3A_130 : i32 to index
      %swap3A_979 = arith.index_cast %swap3A_977 : i32 to index
      %swap3A_980 = arith.constant 64 : index
      %swap3A_981 = tpu.vector_load %arg11[%swap3A_978, %swap3A_979, %swap3A_980] {strides = array<i32>} : memref<3x40x128xf32, #tpu.memory_space<vmem>>, vector<16xf32>,
      tpu.vector_store %arg11[%swap3A_978, %swap3A_979, %swap3A_980], %mul3A_976 {strides = array<i32>} : memref<3x40x128xf32, #tpu.memory_space<vmem>>, vector<16xf32>,
      %get3A_982 = arith.constant 8 : i32
      %get3A_983 = arith.index_cast %select_n3A_130 : i32 to index
      %get3A_984 = arith.index_cast %get3A_982 : i32 to index
      %get3A_985 = arith.constant 80 : index
      %get3A_986 = tpu.vector_load %arg11[%get3A_983, %get3A_984, %get3A_985] {strides = array<i32>} : memref<3x40x128xf32, #tpu.memory_space<vmem>>, vector<16xf32>,
      %mul3A_987 = arith.mulf %get3A_986, %gather3A_926 : vector<16xf32>
      %swap3A_988 = arith.constant 8 : i32
      %swap3A_989 = arith.index_cast %select_n3A_130 : i32 to index
      %swap3A_990 = arith.index_cast %swap3A_988 : i32 to index
      %swap3A_991 = arith.constant 80 : index
      %swap3A_992 = tpu.vector_load %arg11[%swap3A_989, %swap3A_990, %swap3A_991] {strides = array<i32>} : memref<3x40x128xf32, #tpu.memory_space<vmem>>, vector<16xf32>,
      tpu.vector_store %arg11[%swap3A_989, %swap3A_990, %swap3A_991], %mul3A_987 {strides = array<i32>} : memref<3x40x128xf32, #tpu.memory_space<vmem>>, vector<16xf32>,
      %get3A_993 = arith.constant 8 : i32
      %get3A_994 = arith.index_cast %select_n3A_130 : i32 to index
      %get3A_995 = arith.index_cast %get3A_993 : i32 to index
      %get3A_996 = arith.constant 96 : index
      %get3A_997 = tpu.vector_load %arg11[%get3A_994, %get3A_995, %get3A_996] {strides = array<i32>} : memref<3x40x128xf32, #tpu.memory_space<vmem>>, vector<16xf32>,
      %mul3A_998 = arith.mulf %get3A_997, %gather3A_926 : vector<16xf32>
      %swap3A_999 = arith.constant 8 : i32
      %swap3A_1000 = arith.index_cast %select_n3A_130 : i32 to index
      %swap3A_1001 = arith.index_cast %swap3A_999 : i32 to index
      %swap3A_1002 = arith.constant 96 : index
      %swap3A_1003 = tpu.vector_load %arg11[%swap3A_1000, %swap3A_1001, %swap3A_1002] {strides = array<i32>} : memref<3x40x128xf32, #tpu.memory_space<vmem>>, vector<16xf32>,
      tpu.vector_store %arg11[%swap3A_1000, %swap3A_1001, %swap3A_1002], %mul3A_998 {strides = array<i32>} : memref<3x40x128xf32, #tpu.memory_space<vmem>>, vector<16xf32>,
      %get3A_1004 = arith.constant 8 : i32
      %get3A_1005 = arith.index_cast %select_n3A_130 : i32 to index
      %get3A_1006 = arith.index_cast %get3A_1004 : i32 to index
      %get3A_1007 = arith.constant 112 : index
      %get3A_1008 = tpu.vector_load %arg11[%get3A_1005, %get3A_1006, %get3A_1007] {strides = array<i32>} : memref<3x40x128xf32, #tpu.memory_space<vmem>>, vector<16xf32>,
      %mul3A_1009 = arith.mulf %get3A_1008, %gather3A_926 : vector<16xf32>
      %swap3A_1010 = arith.constant 8 : i32
      %swap3A_1011 = arith.index_cast %select_n3A_130 : i32 to index
      %swap3A_1012 = arith.index_cast %swap3A_1010 : i32 to index
      %swap3A_1013 = arith.constant 112 : index
      %swap3A_1014 = tpu.vector_load %arg11[%swap3A_1011, %swap3A_1012, %swap3A_1013] {strides = array<i32>} : memref<3x40x128xf32, #tpu.memory_space<vmem>>, vector<16xf32>,
      tpu.vector_store %arg11[%swap3A_1011, %swap3A_1012, %swap3A_1013], %mul3A_1009 {strides = array<i32>} : memref<3x40x128xf32, #tpu.memory_space<vmem>>, vector<16xf32>,
      %broadcast_in_dim3A_1015 = arith.constant 9 : i32
      %broadcast_in_dim3A_1016 = vector.broadcast %broadcast_in_dim3A_1015 : i32 to vector<16x1xi32>
      %gather3A_1017 = vector.shape_cast %broadcast_in_dim3A_1016 : vector<16x1xi32> to vector<16xi32>
      %gather3A_1018 = tpu.dynamic_gather %get3A_189[%gather3A_1017] in [0] : vector<16xf32>, vector<16xi32> -> vector<16xf32>
      %get3A_1019 = arith.constant 9 : i32
      %get3A_1020 = arith.index_cast %select_n3A_130 : i32 to index
      %get3A_1021 = arith.index_cast %get3A_1019 : i32 to index
      %get3A_1022 = arith.constant 0 : index
      %get3A_1023 = tpu.vector_load %arg11[%get3A_1020, %get3A_1021, %get3A_1022] {strides = array<i32>} : memref<3x40x128xf32, #tpu.memory_space<vmem>>, vector<16xf32>,
      %mul3A_1024 = arith.mulf %get3A_1023, %gather3A_1018 : vector<16xf32>
      %swap3A_1025 = arith.constant 9 : i32
      %swap3A_1026 = arith.index_cast %select_n3A_130 : i32 to index
      %swap3A_1027 = arith.index_cast %swap3A_1025 : i32 to index
      %swap3A_1028 = arith.constant 0 : index
      %swap3A_1029 = tpu.vector_load %arg11[%swap3A_1026, %swap3A_1027, %swap3A_1028] {strides = array<i32>} : memref<3x40x128xf32, #tpu.memory_space<vmem>>, vector<16xf32>,
      tpu.vector_store %arg11[%swap3A_1026, %swap3A_1027, %swap3A_1028], %mul3A_1024 {strides = array<i32>} : memref<3x40x128xf32, #tpu.memory_space<vmem>>, vector<16xf32>,
      %get3A_1030 = arith.constant 9 : i32
      %get3A_1031 = arith.index_cast %select_n3A_130 : i32 to index
      %get3A_1032 = arith.index_cast %get3A_1030 : i32 to index
      %get3A_1033 = arith.constant 16 : index
      %get3A_1034 = tpu.vector_load %arg11[%get3A_1031, %get3A_1032, %get3A_1033] {strides = array<i32>} : memref<3x40x128xf32, #tpu.memory_space<vmem>>, vector<16xf32>,
      %mul3A_1035 = arith.mulf %get3A_1034, %gather3A_1018 : vector<16xf32>
      %swap3A_1036 = arith.constant 9 : i32
      %swap3A_1037 = arith.index_cast %select_n3A_130 : i32 to index
      %swap3A_1038 = arith.index_cast %swap3A_1036 : i32 to index
      %swap3A_1039 = arith.constant 16 : index
      %swap3A_1040 = tpu.vector_load %arg11[%swap3A_1037, %swap3A_1038, %swap3A_1039] {strides = array<i32>} : memref<3x40x128xf32, #tpu.memory_space<vmem>>, vector<16xf32>,
      tpu.vector_store %arg11[%swap3A_1037, %swap3A_1038, %swap3A_1039], %mul3A_1035 {strides = array<i32>} : memref<3x40x128xf32, #tpu.memory_space<vmem>>, vector<16xf32>,
      %get3A_1041 = arith.constant 9 : i32
      %get3A_1042 = arith.index_cast %select_n3A_130 : i32 to index
      %get3A_1043 = arith.index_cast %get3A_1041 : i32 to index
      %get3A_1044 = arith.constant 32 : index
      %get3A_1045 = tpu.vector_load %arg11[%get3A_1042, %get3A_1043, %get3A_1044] {strides = array<i32>} : memref<3x40x128xf32, #tpu.memory_space<vmem>>, vector<16xf32>,
      %mul3A_1046 = arith.mulf %get3A_1045, %gather3A_1018 : vector<16xf32>
      %swap3A_1047 = arith.constant 9 : i32
      %swap3A_1048 = arith.index_cast %select_n3A_130 : i32 to index
      %swap3A_1049 = arith.index_cast %swap3A_1047 : i32 to index
      %swap3A_1050 = arith.constant 32 : index
      %swap3A_1051 = tpu.vector_load %arg11[%swap3A_1048, %swap3A_1049, %swap3A_1050] {strides = array<i32>} : memref<3x40x128xf32, #tpu.memory_space<vmem>>, vector<16xf32>,
      tpu.vector_store %arg11[%swap3A_1048, %swap3A_1049, %swap3A_1050], %mul3A_1046 {strides = array<i32>} : memref<3x40x128xf32, #tpu.memory_space<vmem>>, vector<16xf32>,
      %get3A_1052 = arith.constant 9 : i32
      %get3A_1053 = arith.index_cast %select_n3A_130 : i32 to index
      %get3A_1054 = arith.index_cast %get3A_1052 : i32 to index
      %get3A_1055 = arith.constant 48 : index
      %get3A_1056 = tpu.vector_load %arg11[%get3A_1053, %get3A_1054, %get3A_1055] {strides = array<i32>} : memref<3x40x128xf32, #tpu.memory_space<vmem>>, vector<16xf32>,
      %mul3A_1057 = arith.mulf %get3A_1056, %gather3A_1018 : vector<16xf32>
      %swap3A_1058 = arith.constant 9 : i32
      %swap3A_1059 = arith.index_cast %select_n3A_130 : i32 to index
      %swap3A_1060 = arith.index_cast %swap3A_1058 : i32 to index
      %swap3A_1061 = arith.constant 48 : index
      %swap3A_1062 = tpu.vector_load %arg11[%swap3A_1059, %swap3A_1060, %swap3A_1061] {strides = array<i32>} : memref<3x40x128xf32, #tpu.memory_space<vmem>>, vector<16xf32>,
      tpu.vector_store %arg11[%swap3A_1059, %swap3A_1060, %swap3A_1061], %mul3A_1057 {strides = array<i32>} : memref<3x40x128xf32, #tpu.memory_space<vmem>>, vector<16xf32>,
      %get3A_1063 = arith.constant 9 : i32
      %get3A_1064 = arith.index_cast %select_n3A_130 : i32 to index
      %get3A_1065 = arith.index_cast %get3A_1063 : i32 to index
      %get3A_1066 = arith.constant 64 : index
      %get3A_1067 = tpu.vector_load %arg11[%get3A_1064, %get3A_1065, %get3A_1066] {strides = array<i32>} : memref<3x40x128xf32, #tpu.memory_space<vmem>>, vector<16xf32>,
      %mul3A_1068 = arith.mulf %get3A_1067, %gather3A_1018 : vector<16xf32>
      %swap3A_1069 = arith.constant 9 : i32
      %swap3A_1070 = arith.index_cast %select_n3A_130 : i32 to index
      %swap3A_1071 = arith.index_cast %swap3A_1069 : i32 to index
      %swap3A_1072 = arith.constant 64 : index
      %swap3A_1073 = tpu.vector_load %arg11[%swap3A_1070, %swap3A_1071, %swap3A_1072] {strides = array<i32>} : memref<3x40x128xf32, #tpu.memory_space<vmem>>, vector<16xf32>,
      tpu.vector_store %arg11[%swap3A_1070, %swap3A_1071, %swap3A_1072], %mul3A_1068 {strides = array<i32>} : memref<3x40x128xf32, #tpu.memory_space<vmem>>, vector<16xf32>,
      %get3A_1074 = arith.constant 9 : i32
      %get3A_1075 = arith.index_cast %select_n3A_130 : i32 to index
      %get3A_1076 = arith.index_cast %get3A_1074 : i32 to index
      %get3A_1077 = arith.constant 80 : index
      %get3A_1078 = tpu.vector_load %arg11[%get3A_1075, %get3A_1076, %get3A_1077] {strides = array<i32>} : memref<3x40x128xf32, #tpu.memory_space<vmem>>, vector<16xf32>,
      %mul3A_1079 = arith.mulf %get3A_1078, %gather3A_1018 : vector<16xf32>
      %swap3A_1080 = arith.constant 9 : i32
      %swap3A_1081 = arith.index_cast %select_n3A_130 : i32 to index
      %swap3A_1082 = arith.index_cast %swap3A_1080 : i32 to index
      %swap3A_1083 = arith.constant 80 : index
      %swap3A_1084 = tpu.vector_load %arg11[%swap3A_1081, %swap3A_1082, %swap3A_1083] {strides = array<i32>} : memref<3x40x128xf32, #tpu.memory_space<vmem>>, vector<16xf32>,
      tpu.vector_store %arg11[%swap3A_1081, %swap3A_1082, %swap3A_1083], %mul3A_1079 {strides = array<i32>} : memref<3x40x128xf32, #tpu.memory_space<vmem>>, vector<16xf32>,
      %get3A_1085 = arith.constant 9 : i32
      %get3A_1086 = arith.index_cast %select_n3A_130 : i32 to index
      %get3A_1087 = arith.index_cast %get3A_1085 : i32 to index
      %get3A_1088 = arith.constant 96 : index
      %get3A_1089 = tpu.vector_load %arg11[%get3A_1086, %get3A_1087, %get3A_1088] {strides = array<i32>} : memref<3x40x128xf32, #tpu.memory_space<vmem>>, vector<16xf32>,
      %mul3A_1090 = arith.mulf %get3A_1089, %gather3A_1018 : vector<16xf32>
      %swap3A_1091 = arith.constant 9 : i32
      %swap3A_1092 = arith.index_cast %select_n3A_130 : i32 to index
      %swap3A_1093 = arith.index_cast %swap3A_1091 : i32 to index
      %swap3A_1094 = arith.constant 96 : index
      %swap3A_1095 = tpu.vector_load %arg11[%swap3A_1092, %swap3A_1093, %swap3A_1094] {strides = array<i32>} : memref<3x40x128xf32, #tpu.memory_space<vmem>>, vector<16xf32>,
      tpu.vector_store %arg11[%swap3A_1092, %swap3A_1093, %swap3A_1094], %mul3A_1090 {strides = array<i32>} : memref<3x40x128xf32, #tpu.memory_space<vmem>>, vector<16xf32>,
      %get3A_1096 = arith.constant 9 : i32
      %get3A_1097 = arith.index_cast %select_n3A_130 : i32 to index
      %get3A_1098 = arith.index_cast %get3A_1096 : i32 to index
      %get3A_1099 = arith.constant 112 : index
      %get3A_1100 = tpu.vector_load %arg11[%get3A_1097, %get3A_1098, %get3A_1099] {strides = array<i32>} : memref<3x40x128xf32, #tpu.memory_space<vmem>>, vector<16xf32>,
      %mul3A_1101 = arith.mulf %get3A_1100, %gather3A_1018 : vector<16xf32>
      %swap3A_1102 = arith.constant 9 : i32
      %swap3A_1103 = arith.index_cast %select_n3A_130 : i32 to index
      %swap3A_1104 = arith.index_cast %swap3A_1102 : i32 to index
      %swap3A_1105 = arith.constant 112 : index
      %swap3A_1106 = tpu.vector_load %arg11[%swap3A_1103, %swap3A_1104, %swap3A_1105] {strides = array<i32>} : memref<3x40x128xf32, #tpu.memory_space<vmem>>, vector<16xf32>,
      tpu.vector_store %arg11[%swap3A_1103, %swap3A_1104, %swap3A_1105], %mul3A_1101 {strides = array<i32>} : memref<3x40x128xf32, #tpu.memory_space<vmem>>, vector<16xf32>,
      %broadcast_in_dim3A_1107 = arith.constant 10 : i32
      %broadcast_in_dim3A_1108 = vector.broadcast %broadcast_in_dim3A_1107 : i32 to vector<16x1xi32>
      %gather3A_1109 = vector.shape_cast %broadcast_in_dim3A_1108 : vector<16x1xi32> to vector<16xi32>
      %gather3A_1110 = tpu.dynamic_gather %get3A_189[%gather3A_1109] in [0] : vector<16xf32>, vector<16xi32> -> vector<16xf32>
      %get3A_1111 = arith.constant 10 : i32
      %get3A_1112 = arith.index_cast %select_n3A_130 : i32 to index
      %get3A_1113 = arith.index_cast %get3A_1111 : i32 to index
      %get3A_1114 = arith.constant 0 : index
      %get3A_1115 = tpu.vector_load %arg11[%get3A_1112, %get3A_1113, %get3A_1114] {strides = array<i32>} : memref<3x40x128xf32, #tpu.memory_space<vmem>>, vector<16xf32>,
      %mul3A_1116 = arith.mulf %get3A_1115, %gather3A_1110 : vector<16xf32>
      %swap3A_1117 = arith.constant 10 : i32
      %swap3A_1118 = arith.index_cast %select_n3A_130 : i32 to index
      %swap3A_1119 = arith.index_cast %swap3A_1117 : i32 to index
      %swap3A_1120 = arith.constant 0 : index
      %swap3A_1121 = tpu.vector_load %arg11[%swap3A_1118, %swap3A_1119, %swap3A_1120] {strides = array<i32>} : memref<3x40x128xf32, #tpu.memory_space<vmem>>, vector<16xf32>,
      tpu.vector_store %arg11[%swap3A_1118, %swap3A_1119, %swap3A_1120], %mul3A_1116 {strides = array<i32>} : memref<3x40x128xf32, #tpu.memory_space<vmem>>, vector<16xf32>,
      %get3A_1122 = arith.constant 10 : i32
      %get3A_1123 = arith.index_cast %select_n3A_130 : i32 to index
      %get3A_1124 = arith.index_cast %get3A_1122 : i32 to index
      %get3A_1125 = arith.constant 16 : index
      %get3A_1126 = tpu.vector_load %arg11[%get3A_1123, %get3A_1124, %get3A_1125] {strides = array<i32>} : memref<3x40x128xf32, #tpu.memory_space<vmem>>, vector<16xf32>,
      %mul3A_1127 = arith.mulf %get3A_1126, %gather3A_1110 : vector<16xf32>
      %swap3A_1128 = arith.constant 10 : i32
      %swap3A_1129 = arith.index_cast %select_n3A_130 : i32 to index
      %swap3A_1130 = arith.index_cast %swap3A_1128 : i32 to index
      %swap3A_1131 = arith.constant 16 : index
      %swap3A_1132 = tpu.vector_load %arg11[%swap3A_1129, %swap3A_1130, %swap3A_1131] {strides = array<i32>} : memref<3x40x128xf32, #tpu.memory_space<vmem>>, vector<16xf32>,
      tpu.vector_store %arg11[%swap3A_1129, %swap3A_1130, %swap3A_1131], %mul3A_1127 {strides = array<i32>} : memref<3x40x128xf32, #tpu.memory_space<vmem>>, vector<16xf32>,
      %get3A_1133 = arith.constant 10 : i32
      %get3A_1134 = arith.index_cast %select_n3A_130 : i32 to index
      %get3A_1135 = arith.index_cast %get3A_1133 : i32 to index
      %get3A_1136 = arith.constant 32 : index
      %get3A_1137 = tpu.vector_load %arg11[%get3A_1134, %get3A_1135, %get3A_1136] {strides = array<i32>} : memref<3x40x128xf32, #tpu.memory_space<vmem>>, vector<16xf32>,
      %mul3A_1138 = arith.mulf %get3A_1137, %gather3A_1110 : vector<16xf32>
      %swap3A_1139 = arith.constant 10 : i32
      %swap3A_1140 = arith.index_cast %select_n3A_130 : i32 to index
      %swap3A_1141 = arith.index_cast %swap3A_1139 : i32 to index
      %swap3A_1142 = arith.constant 32 : index
      %swap3A_1143 = tpu.vector_load %arg11[%swap3A_1140, %swap3A_1141, %swap3A_1142] {strides = array<i32>} : memref<3x40x128xf32, #tpu.memory_space<vmem>>, vector<16xf32>,
      tpu.vector_store %arg11[%swap3A_1140, %swap3A_1141, %swap3A_1142], %mul3A_1138 {strides = array<i32>} : memref<3x40x128xf32, #tpu.memory_space<vmem>>, vector<16xf32>,
      %get3A_1144 = arith.constant 10 : i32
      %get3A_1145 = arith.index_cast %select_n3A_130 : i32 to index
      %get3A_1146 = arith.index_cast %get3A_1144 : i32 to index
      %get3A_1147 = arith.constant 48 : index
      %get3A_1148 = tpu.vector_load %arg11[%get3A_1145, %get3A_1146, %get3A_1147] {strides = array<i32>} : memref<3x40x128xf32, #tpu.memory_space<vmem>>, vector<16xf32>,
      %mul3A_1149 = arith.mulf %get3A_1148, %gather3A_1110 : vector<16xf32>
      %swap3A_1150 = arith.constant 10 : i32
      %swap3A_1151 = arith.index_cast %select_n3A_130 : i32 to index
      %swap3A_1152 = arith.index_cast %swap3A_1150 : i32 to index
      %swap3A_1153 = arith.constant 48 : index
      %swap3A_1154 = tpu.vector_load %arg11[%swap3A_1151, %swap3A_1152, %swap3A_1153] {strides = array<i32>} : memref<3x40x128xf32, #tpu.memory_space<vmem>>, vector<16xf32>,
      tpu.vector_store %arg11[%swap3A_1151, %swap3A_1152, %swap3A_1153], %mul3A_1149 {strides = array<i32>} : memref<3x40x128xf32, #tpu.memory_space<vmem>>, vector<16xf32>,
      %get3A_1155 = arith.constant 10 : i32
      %get3A_1156 = arith.index_cast %select_n3A_130 : i32 to index
      %get3A_1157 = arith.index_cast %get3A_1155 : i32 to index
      %get3A_1158 = arith.constant 64 : index
      %get3A_1159 = tpu.vector_load %arg11[%get3A_1156, %get3A_1157, %get3A_1158] {strides = array<i32>} : memref<3x40x128xf32, #tpu.memory_space<vmem>>, vector<16xf32>,
      %mul3A_1160 = arith.mulf %get3A_1159, %gather3A_1110 : vector<16xf32>
      %swap3A_1161 = arith.constant 10 : i32
      %swap3A_1162 = arith.index_cast %select_n3A_130 : i32 to index
      %swap3A_1163 = arith.index_cast %swap3A_1161 : i32 to index
      %swap3A_1164 = arith.constant 64 : index
      %swap3A_1165 = tpu.vector_load %arg11[%swap3A_1162, %swap3A_1163, %swap3A_1164] {strides = array<i32>} : memref<3x40x128xf32, #tpu.memory_space<vmem>>, vector<16xf32>,
      tpu.vector_store %arg11[%swap3A_1162, %swap3A_1163, %swap3A_1164], %mul3A_1160 {strides = array<i32>} : memref<3x40x128xf32, #tpu.memory_space<vmem>>, vector<16xf32>,
      %get3A_1166 = arith.constant 10 : i32
      %get3A_1167 = arith.index_cast %select_n3A_130 : i32 to index
      %get3A_1168 = arith.index_cast %get3A_1166 : i32 to index
      %get3A_1169 = arith.constant 80 : index
      %get3A_1170 = tpu.vector_load %arg11[%get3A_1167, %get3A_1168, %get3A_1169] {strides = array<i32>} : memref<3x40x128xf32, #tpu.memory_space<vmem>>, vector<16xf32>,
      %mul3A_1171 = arith.mulf %get3A_1170, %gather3A_1110 : vector<16xf32>
      %swap3A_1172 = arith.constant 10 : i32
      %swap3A_1173 = arith.index_cast %select_n3A_130 : i32 to index
      %swap3A_1174 = arith.index_cast %swap3A_1172 : i32 to index
      %swap3A_1175 = arith.constant 80 : index
      %swap3A_1176 = tpu.vector_load %arg11[%swap3A_1173, %swap3A_1174, %swap3A_1175] {strides = array<i32>} : memref<3x40x128xf32, #tpu.memory_space<vmem>>, vector<16xf32>,
      tpu.vector_store %arg11[%swap3A_1173, %swap3A_1174, %swap3A_1175], %mul3A_1171 {strides = array<i32>} : memref<3x40x128xf32, #tpu.memory_space<vmem>>, vector<16xf32>,
      %get3A_1177 = arith.constant 10 : i32
      %get3A_1178 = arith.index_cast %select_n3A_130 : i32 to index
      %get3A_1179 = arith.index_cast %get3A_1177 : i32 to index
      %get3A_1180 = arith.constant 96 : index
      %get3A_1181 = tpu.vector_load %arg11[%get3A_1178, %get3A_1179, %get3A_1180] {strides = array<i32>} : memref<3x40x128xf32, #tpu.memory_space<vmem>>, vector<16xf32>,
      %mul3A_1182 = arith.mulf %get3A_1181, %gather3A_1110 : vector<16xf32>
      %swap3A_1183 = arith.constant 10 : i32
      %swap3A_1184 = arith.index_cast %select_n3A_130 : i32 to index
      %swap3A_1185 = arith.index_cast %swap3A_1183 : i32 to index
      %swap3A_1186 = arith.constant 96 : index
      %swap3A_1187 = tpu.vector_load %arg11[%swap3A_1184, %swap3A_1185, %swap3A_1186] {strides = array<i32>} : memref<3x40x128xf32, #tpu.memory_space<vmem>>, vector<16xf32>,
      tpu.vector_store %arg11[%swap3A_1184, %swap3A_1185, %swap3A_1186], %mul3A_1182 {strides = array<i32>} : memref<3x40x128xf32, #tpu.memory_space<vmem>>, vector<16xf32>,
      %get3A_1188 = arith.constant 10 : i32
      %get3A_1189 = arith.index_cast %select_n3A_130 : i32 to index
      %get3A_1190 = arith.index_cast %get3A_1188 : i32 to index
      %get3A_1191 = arith.constant 112 : index
      %get3A_1192 = tpu.vector_load %arg11[%get3A_1189, %get3A_1190, %get3A_1191] {strides = array<i32>} : memref<3x40x128xf32, #tpu.memory_space<vmem>>, vector<16xf32>,
      %mul3A_1193 = arith.mulf %get3A_1192, %gather3A_1110 : vector<16xf32>
      %swap3A_1194 = arith.constant 10 : i32
      %swap3A_1195 = arith.index_cast %select_n3A_130 : i32 to index
      %swap3A_1196 = arith.index_cast %swap3A_1194 : i32 to index
      %swap3A_1197 = arith.constant 112 : index
      %swap3A_1198 = tpu.vector_load %arg11[%swap3A_1195, %swap3A_1196, %swap3A_1197] {strides = array<i32>} : memref<3x40x128xf32, #tpu.memory_space<vmem>>, vector<16xf32>,
      tpu.vector_store %arg11[%swap3A_1195, %swap3A_1196, %swap3A_1197], %mul3A_1193 {strides = array<i32>} : memref<3x40x128xf32, #tpu.memory_space<vmem>>, vector<16xf32>,
      %broadcast_in_dim3A_1199 = arith.constant 11 : i32
      %broadcast_in_dim3A_1200 = vector.broadcast %broadcast_in_dim3A_1199 : i32 to vector<16x1xi32>
      %gather3A_1201 = vector.shape_cast %broadcast_in_dim3A_1200 : vector<16x1xi32> to vector<16xi32>
      %gather3A_1202 = tpu.dynamic_gather %get3A_189[%gather3A_1201] in [0] : vector<16xf32>, vector<16xi32> -> vector<16xf32>
      %get3A_1203 = arith.constant 11 : i32
      %get3A_1204 = arith.index_cast %select_n3A_130 : i32 to index
      %get3A_1205 = arith.index_cast %get3A_1203 : i32 to index
      %get3A_1206 = arith.constant 0 : index
      %get3A_1207 = tpu.vector_load %arg11[%get3A_1204, %get3A_1205, %get3A_1206] {strides = array<i32>} : memref<3x40x128xf32, #tpu.memory_space<vmem>>, vector<16xf32>,
      %mul3A_1208 = arith.mulf %get3A_1207, %gather3A_1202 : vector<16xf32>
      %swap3A_1209 = arith.constant 11 : i32
      %swap3A_1210 = arith.index_cast %select_n3A_130 : i32 to index
      %swap3A_1211 = arith.index_cast %swap3A_1209 : i32 to index
      %swap3A_1212 = arith.constant 0 : index
      %swap3A_1213 = tpu.vector_load %arg11[%swap3A_1210, %swap3A_1211, %swap3A_1212] {strides = array<i32>} : memref<3x40x128xf32, #tpu.memory_space<vmem>>, vector<16xf32>,
      tpu.vector_store %arg11[%swap3A_1210, %swap3A_1211, %swap3A_1212], %mul3A_1208 {strides = array<i32>} : memref<3x40x128xf32, #tpu.memory_space<vmem>>, vector<16xf32>,
      %get3A_1214 = arith.constant 11 : i32
      %get3A_1215 = arith.index_cast %select_n3A_130 : i32 to index
      %get3A_1216 = arith.index_cast %get3A_1214 : i32 to index
      %get3A_1217 = arith.constant 16 : index
      %get3A_1218 = tpu.vector_load %arg11[%get3A_1215, %get3A_1216, %get3A_1217] {strides = array<i32>} : memref<3x40x128xf32, #tpu.memory_space<vmem>>, vector<16xf32>,
      %mul3A_1219 = arith.mulf %get3A_1218, %gather3A_1202 : vector<16xf32>
      %swap3A_1220 = arith.constant 11 : i32
      %swap3A_1221 = arith.index_cast %select_n3A_130 : i32 to index
      %swap3A_1222 = arith.index_cast %swap3A_1220 : i32 to index
      %swap3A_1223 = arith.constant 16 : index
      %swap3A_1224 = tpu.vector_load %arg11[%swap3A_1221, %swap3A_1222, %swap3A_1223] {strides = array<i32>} : memref<3x40x128xf32, #tpu.memory_space<vmem>>, vector<16xf32>,
      tpu.vector_store %arg11[%swap3A_1221, %swap3A_1222, %swap3A_1223], %mul3A_1219 {strides = array<i32>} : memref<3x40x128xf32, #tpu.memory_space<vmem>>, vector<16xf32>,
      %get3A_1225 = arith.constant 11 : i32
      %get3A_1226 = arith.index_cast %select_n3A_130 : i32 to index
      %get3A_1227 = arith.index_cast %get3A_1225 : i32 to index
      %get3A_1228 = arith.constant 32 : index
      %get3A_1229 = tpu.vector_load %arg11[%get3A_1226, %get3A_1227, %get3A_1228] {strides = array<i32>} : memref<3x40x128xf32, #tpu.memory_space<vmem>>, vector<16xf32>,
      %mul3A_1230 = arith.mulf %get3A_1229, %gather3A_1202 : vector<16xf32>
      %swap3A_1231 = arith.constant 11 : i32
      %swap3A_1232 = arith.index_cast %select_n3A_130 : i32 to index
      %swap3A_1233 = arith.index_cast %swap3A_1231 : i32 to index
      %swap3A_1234 = arith.constant 32 : index
      %swap3A_1235 = tpu.vector_load %arg11[%swap3A_1232, %swap3A_1233, %swap3A_1234] {strides = array<i32>} : memref<3x40x128xf32, #tpu.memory_space<vmem>>, vector<16xf32>,
      tpu.vector_store %arg11[%swap3A_1232, %swap3A_1233, %swap3A_1234], %mul3A_1230 {strides = array<i32>} : memref<3x40x128xf32, #tpu.memory_space<vmem>>, vector<16xf32>,
      %get3A_1236 = arith.constant 11 : i32
      %get3A_1237 = arith.index_cast %select_n3A_130 : i32 to index
      %get3A_1238 = arith.index_cast %get3A_1236 : i32 to index
      %get3A_1239 = arith.constant 48 : index
      %get3A_1240 = tpu.vector_load %arg11[%get3A_1237, %get3A_1238, %get3A_1239] {strides = array<i32>} : memref<3x40x128xf32, #tpu.memory_space<vmem>>, vector<16xf32>,
      %mul3A_1241 = arith.mulf %get3A_1240, %gather3A_1202 : vector<16xf32>
      %swap3A_1242 = arith.constant 11 : i32
      %swap3A_1243 = arith.index_cast %select_n3A_130 : i32 to index
      %swap3A_1244 = arith.index_cast %swap3A_1242 : i32 to index
      %swap3A_1245 = arith.constant 48 : index
      %swap3A_1246 = tpu.vector_load %arg11[%swap3A_1243, %swap3A_1244, %swap3A_1245] {strides = array<i32>} : memref<3x40x128xf32, #tpu.memory_space<vmem>>, vector<16xf32>,
      tpu.vector_store %arg11[%swap3A_1243, %swap3A_1244, %swap3A_1245], %mul3A_1241 {strides = array<i32>} : memref<3x40x128xf32, #tpu.memory_space<vmem>>, vector<16xf32>,
      %get3A_1247 = arith.constant 11 : i32
      %get3A_1248 = arith.index_cast %select_n3A_130 : i32 to index
      %get3A_1249 = arith.index_cast %get3A_1247 : i32 to index
      %get3A_1250 = arith.constant 64 : index
      %get3A_1251 = tpu.vector_load %arg11[%get3A_1248, %get3A_1249, %get3A_1250] {strides = array<i32>} : memref<3x40x128xf32, #tpu.memory_space<vmem>>, vector<16xf32>,
      %mul3A_1252 = arith.mulf %get3A_1251, %gather3A_1202 : vector<16xf32>
      %swap3A_1253 = arith.constant 11 : i32
      %swap3A_1254 = arith.index_cast %select_n3A_130 : i32 to index
      %swap3A_1255 = arith.index_cast %swap3A_1253 : i32 to index
      %swap3A_1256 = arith.constant 64 : index
      %swap3A_1257 = tpu.vector_load %arg11[%swap3A_1254, %swap3A_1255, %swap3A_1256] {strides = array<i32>} : memref<3x40x128xf32, #tpu.memory_space<vmem>>, vector<16xf32>,
      tpu.vector_store %arg11[%swap3A_1254, %swap3A_1255, %swap3A_1256], %mul3A_1252 {strides = array<i32>} : memref<3x40x128xf32, #tpu.memory_space<vmem>>, vector<16xf32>,
      %get3A_1258 = arith.constant 11 : i32
      %get3A_1259 = arith.index_cast %select_n3A_130 : i32 to index
      %get3A_1260 = arith.index_cast %get3A_1258 : i32 to index
      %get3A_1261 = arith.constant 80 : index
      %get3A_1262 = tpu.vector_load %arg11[%get3A_1259, %get3A_1260, %get3A_1261] {strides = array<i32>} : memref<3x40x128xf32, #tpu.memory_space<vmem>>, vector<16xf32>,
      %mul3A_1263 = arith.mulf %get3A_1262, %gather3A_1202 : vector<16xf32>
      %swap3A_1264 = arith.constant 11 : i32
      %swap3A_1265 = arith.index_cast %select_n3A_130 : i32 to index
      %swap3A_1266 = arith.index_cast %swap3A_1264 : i32 to index
      %swap3A_1267 = arith.constant 80 : index
      %swap3A_1268 = tpu.vector_load %arg11[%swap3A_1265, %swap3A_1266, %swap3A_1267] {strides = array<i32>} : memref<3x40x128xf32, #tpu.memory_space<vmem>>, vector<16xf32>,
      tpu.vector_store %arg11[%swap3A_1265, %swap3A_1266, %swap3A_1267], %mul3A_1263 {strides = array<i32>} : memref<3x40x128xf32, #tpu.memory_space<vmem>>, vector<16xf32>,
      %get3A_1269 = arith.constant 11 : i32
      %get3A_1270 = arith.index_cast %select_n3A_130 : i32 to index
      %get3A_1271 = arith.index_cast %get3A_1269 : i32 to index
      %get3A_1272 = arith.constant 96 : index
      %get3A_1273 = tpu.vector_load %arg11[%get3A_1270, %get3A_1271, %get3A_1272] {strides = array<i32>} : memref<3x40x128xf32, #tpu.memory_space<vmem>>, vector<16xf32>,
      %mul3A_1274 = arith.mulf %get3A_1273, %gather3A_1202 : vector<16xf32>
      %swap3A_1275 = arith.constant 11 : i32
      %swap3A_1276 = arith.index_cast %select_n3A_130 : i32 to index
      %swap3A_1277 = arith.index_cast %swap3A_1275 : i32 to index
      %swap3A_1278 = arith.constant 96 : index
      %swap3A_1279 = tpu.vector_load %arg11[%swap3A_1276, %swap3A_1277, %swap3A_1278] {strides = array<i32>} : memref<3x40x128xf32, #tpu.memory_space<vmem>>, vector<16xf32>,
      tpu.vector_store %arg11[%swap3A_1276, %swap3A_1277, %swap3A_1278], %mul3A_1274 {strides = array<i32>} : memref<3x40x128xf32, #tpu.memory_space<vmem>>, vector<16xf32>,
      %get3A_1280 = arith.constant 11 : i32
      %get3A_1281 = arith.index_cast %select_n3A_130 : i32 to index
      %get3A_1282 = arith.index_cast %get3A_1280 : i32 to index
      %get3A_1283 = arith.constant 112 : index
      %get3A_1284 = tpu.vector_load %arg11[%get3A_1281, %get3A_1282, %get3A_1283] {strides = array<i32>} : memref<3x40x128xf32, #tpu.memory_space<vmem>>, vector<16xf32>,
      %mul3A_1285 = arith.mulf %get3A_1284, %gather3A_1202 : vector<16xf32>
      %swap3A_1286 = arith.constant 11 : i32
      %swap3A_1287 = arith.index_cast %select_n3A_130 : i32 to index
      %swap3A_1288 = arith.index_cast %swap3A_1286 : i32 to index
      %swap3A_1289 = arith.constant 112 : index
      %swap3A_1290 = tpu.vector_load %arg11[%swap3A_1287, %swap3A_1288, %swap3A_1289] {strides = array<i32>} : memref<3x40x128xf32, #tpu.memory_space<vmem>>, vector<16xf32>,
      tpu.vector_store %arg11[%swap3A_1287, %swap3A_1288, %swap3A_1289], %mul3A_1285 {strides = array<i32>} : memref<3x40x128xf32, #tpu.memory_space<vmem>>, vector<16xf32>,
      %broadcast_in_dim3A_1291 = arith.constant 12 : i32
      %broadcast_in_dim3A_1292 = vector.broadcast %broadcast_in_dim3A_1291 : i32 to vector<16x1xi32>
      %gather3A_1293 = vector.shape_cast %broadcast_in_dim3A_1292 : vector<16x1xi32> to vector<16xi32>
      %gather3A_1294 = tpu.dynamic_gather %get3A_189[%gather3A_1293] in [0] : vector<16xf32>, vector<16xi32> -> vector<16xf32>
      %get3A_1295 = arith.constant 12 : i32
      %get3A_1296 = arith.index_cast %select_n3A_130 : i32 to index
      %get3A_1297 = arith.index_cast %get3A_1295 : i32 to index
      %get3A_1298 = arith.constant 0 : index
      %get3A_1299 = tpu.vector_load %arg11[%get3A_1296, %get3A_1297, %get3A_1298] {strides = array<i32>} : memref<3x40x128xf32, #tpu.memory_space<vmem>>, vector<16xf32>,
      %mul3A_1300 = arith.mulf %get3A_1299, %gather3A_1294 : vector<16xf32>
      %swap3A_1301 = arith.constant 12 : i32
      %swap3A_1302 = arith.index_cast %select_n3A_130 : i32 to index
      %swap3A_1303 = arith.index_cast %swap3A_1301 : i32 to index
      %swap3A_1304 = arith.constant 0 : index
      %swap3A_1305 = tpu.vector_load %arg11[%swap3A_1302, %swap3A_1303, %swap3A_1304] {strides = array<i32>} : memref<3x40x128xf32, #tpu.memory_space<vmem>>, vector<16xf32>,
      tpu.vector_store %arg11[%swap3A_1302, %swap3A_1303, %swap3A_1304], %mul3A_1300 {strides = array<i32>} : memref<3x40x128xf32, #tpu.memory_space<vmem>>, vector<16xf32>,
      %get3A_1306 = arith.constant 12 : i32
      %get3A_1307 = arith.index_cast %select_n3A_130 : i32 to index
      %get3A_1308 = arith.index_cast %get3A_1306 : i32 to index
      %get3A_1309 = arith.constant 16 : index
      %get3A_1310 = tpu.vector_load %arg11[%get3A_1307, %get3A_1308, %get3A_1309] {strides = array<i32>} : memref<3x40x128xf32, #tpu.memory_space<vmem>>, vector<16xf32>,
      %mul3A_1311 = arith.mulf %get3A_1310, %gather3A_1294 : vector<16xf32>
      %swap3A_1312 = arith.constant 12 : i32
      %swap3A_1313 = arith.index_cast %select_n3A_130 : i32 to index
      %swap3A_1314 = arith.index_cast %swap3A_1312 : i32 to index
      %swap3A_1315 = arith.constant 16 : index
      %swap3A_1316 = tpu.vector_load %arg11[%swap3A_1313, %swap3A_1314, %swap3A_1315] {strides = array<i32>} : memref<3x40x128xf32, #tpu.memory_space<vmem>>, vector<16xf32>,
      tpu.vector_store %arg11[%swap3A_1313, %swap3A_1314, %swap3A_1315], %mul3A_1311 {strides = array<i32>} : memref<3x40x128xf32, #tpu.memory_space<vmem>>, vector<16xf32>,
      %get3A_1317 = arith.constant 12 : i32
      %get3A_1318 = arith.index_cast %select_n3A_130 : i32 to index
      %get3A_1319 = arith.index_cast %get3A_1317 : i32 to index
      %get3A_1320 = arith.constant 32 : index
      %get3A_1321 = tpu.vector_load %arg11[%get3A_1318, %get3A_1319, %get3A_1320] {strides = array<i32>} : memref<3x40x128xf32, #tpu.memory_space<vmem>>, vector<16xf32>,
      %mul3A_1322 = arith.mulf %get3A_1321, %gather3A_1294 : vector<16xf32>
      %swap3A_1323 = arith.constant 12 : i32
      %swap3A_1324 = arith.index_cast %select_n3A_130 : i32 to index
      %swap3A_1325 = arith.index_cast %swap3A_1323 : i32 to index
      %swap3A_1326 = arith.constant 32 : index
      %swap3A_1327 = tpu.vector_load %arg11[%swap3A_1324, %swap3A_1325, %swap3A_1326] {strides = array<i32>} : memref<3x40x128xf32, #tpu.memory_space<vmem>>, vector<16xf32>,
      tpu.vector_store %arg11[%swap3A_1324, %swap3A_1325, %swap3A_1326], %mul3A_1322 {strides = array<i32>} : memref<3x40x128xf32, #tpu.memory_space<vmem>>, vector<16xf32>,
      %get3A_1328 = arith.constant 12 : i32
      %get3A_1329 = arith.index_cast %select_n3A_130 : i32 to index
      %get3A_1330 = arith.index_cast %get3A_1328 : i32 to index
      %get3A_1331 = arith.constant 48 : index
      %get3A_1332 = tpu.vector_load %arg11[%get3A_1329, %get3A_1330, %get3A_1331] {strides = array<i32>} : memref<3x40x128xf32, #tpu.memory_space<vmem>>, vector<16xf32>,
      %mul3A_1333 = arith.mulf %get3A_1332, %gather3A_1294 : vector<16xf32>
      %swap3A_1334 = arith.constant 12 : i32
      %swap3A_1335 = arith.index_cast %select_n3A_130 : i32 to index
      %swap3A_1336 = arith.index_cast %swap3A_1334 : i32 to index
      %swap3A_1337 = arith.constant 48 : index
      %swap3A_1338 = tpu.vector_load %arg11[%swap3A_1335, %swap3A_1336, %swap3A_1337] {strides = array<i32>} : memref<3x40x128xf32, #tpu.memory_space<vmem>>, vector<16xf32>,
      tpu.vector_store %arg11[%swap3A_1335, %swap3A_1336, %swap3A_1337], %mul3A_1333 {strides = array<i32>} : memref<3x40x128xf32, #tpu.memory_space<vmem>>, vector<16xf32>,
      %get3A_1339 = arith.constant 12 : i32
      %get3A_1340 = arith.index_cast %select_n3A_130 : i32 to index
      %get3A_1341 = arith.index_cast %get3A_1339 : i32 to index
      %get3A_1342 = arith.constant 64 : index
      %get3A_1343 = tpu.vector_load %arg11[%get3A_1340, %get3A_1341, %get3A_1342] {strides = array<i32>} : memref<3x40x128xf32, #tpu.memory_space<vmem>>, vector<16xf32>,
      %mul3A_1344 = arith.mulf %get3A_1343, %gather3A_1294 : vector<16xf32>
      %swap3A_1345 = arith.constant 12 : i32
      %swap3A_1346 = arith.index_cast %select_n3A_130 : i32 to index
      %swap3A_1347 = arith.index_cast %swap3A_1345 : i32 to index
      %swap3A_1348 = arith.constant 64 : index
      %swap3A_1349 = tpu.vector_load %arg11[%swap3A_1346, %swap3A_1347, %swap3A_1348] {strides = array<i32>} : memref<3x40x128xf32, #tpu.memory_space<vmem>>, vector<16xf32>,
      tpu.vector_store %arg11[%swap3A_1346, %swap3A_1347, %swap3A_1348], %mul3A_1344 {strides = array<i32>} : memref<3x40x128xf32, #tpu.memory_space<vmem>>, vector<16xf32>,
      %get3A_1350 = arith.constant 12 : i32
      %get3A_1351 = arith.index_cast %select_n3A_130 : i32 to index
      %get3A_1352 = arith.index_cast %get3A_1350 : i32 to index
      %get3A_1353 = arith.constant 80 : index
      %get3A_1354 = tpu.vector_load %arg11[%get3A_1351, %get3A_1352, %get3A_1353] {strides = array<i32>} : memref<3x40x128xf32, #tpu.memory_space<vmem>>, vector<16xf32>,
      %mul3A_1355 = arith.mulf %get3A_1354, %gather3A_1294 : vector<16xf32>
      %swap3A_1356 = arith.constant 12 : i32
      %swap3A_1357 = arith.index_cast %select_n3A_130 : i32 to index
      %swap3A_1358 = arith.index_cast %swap3A_1356 : i32 to index
      %swap3A_1359 = arith.constant 80 : index
      %swap3A_1360 = tpu.vector_load %arg11[%swap3A_1357, %swap3A_1358, %swap3A_1359] {strides = array<i32>} : memref<3x40x128xf32, #tpu.memory_space<vmem>>, vector<16xf32>,
      tpu.vector_store %arg11[%swap3A_1357, %swap3A_1358, %swap3A_1359], %mul3A_1355 {strides = array<i32>} : memref<3x40x128xf32, #tpu.memory_space<vmem>>, vector<16xf32>,
      %get3A_1361 = arith.constant 12 : i32
      %get3A_1362 = arith.index_cast %select_n3A_130 : i32 to index
      %get3A_1363 = arith.index_cast %get3A_1361 : i32 to index
      %get3A_1364 = arith.constant 96 : index
      %get3A_1365 = tpu.vector_load %arg11[%get3A_1362, %get3A_1363, %get3A_1364] {strides = array<i32>} : memref<3x40x128xf32, #tpu.memory_space<vmem>>, vector<16xf32>,
      %mul3A_1366 = arith.mulf %get3A_1365, %gather3A_1294 : vector<16xf32>
      %swap3A_1367 = arith.constant 12 : i32
      %swap3A_1368 = arith.index_cast %select_n3A_130 : i32 to index
      %swap3A_1369 = arith.index_cast %swap3A_1367 : i32 to index
      %swap3A_1370 = arith.constant 96 : index
      %swap3A_1371 = tpu.vector_load %arg11[%swap3A_1368, %swap3A_1369, %swap3A_1370] {strides = array<i32>} : memref<3x40x128xf32, #tpu.memory_space<vmem>>, vector<16xf32>,
      tpu.vector_store %arg11[%swap3A_1368, %swap3A_1369, %swap3A_1370], %mul3A_1366 {strides = array<i32>} : memref<3x40x128xf32, #tpu.memory_space<vmem>>, vector<16xf32>,
      %get3A_1372 = arith.constant 12 : i32
      %get3A_1373 = arith.index_cast %select_n3A_130 : i32 to index
      %get3A_1374 = arith.index_cast %get3A_1372 : i32 to index
      %get3A_1375 = arith.constant 112 : index
      %get3A_1376 = tpu.vector_load %arg11[%get3A_1373, %get3A_1374, %get3A_1375] {strides = array<i32>} : memref<3x40x128xf32, #tpu.memory_space<vmem>>, vector<16xf32>,
      %mul3A_1377 = arith.mulf %get3A_1376, %gather3A_1294 : vector<16xf32>
      %swap3A_1378 = arith.constant 12 : i32
      %swap3A_1379 = arith.index_cast %select_n3A_130 : i32 to index
      %swap3A_1380 = arith.index_cast %swap3A_1378 : i32 to index
      %swap3A_1381 = arith.constant 112 : index
      %swap3A_1382 = tpu.vector_load %arg11[%swap3A_1379, %swap3A_1380, %swap3A_1381] {strides = array<i32>} : memref<3x40x128xf32, #tpu.memory_space<vmem>>, vector<16xf32>,
      tpu.vector_store %arg11[%swap3A_1379, %swap3A_1380, %swap3A_1381], %mul3A_1377 {strides = array<i32>} : memref<3x40x128xf32, #tpu.memory_space<vmem>>, vector<16xf32>,
      %broadcast_in_dim3A_1383 = arith.constant 13 : i32
      %broadcast_in_dim3A_1384 = vector.broadcast %broadcast_in_dim3A_1383 : i32 to vector<16x1xi32>
      %gather3A_1385 = vector.shape_cast %broadcast_in_dim3A_1384 : vector<16x1xi32> to vector<16xi32>
      %gather3A_1386 = tpu.dynamic_gather %get3A_189[%gather3A_1385] in [0] : vector<16xf32>, vector<16xi32> -> vector<16xf32>
      %get3A_1387 = arith.constant 13 : i32
      %get3A_1388 = arith.index_cast %select_n3A_130 : i32 to index
      %get3A_1389 = arith.index_cast %get3A_1387 : i32 to index
      %get3A_1390 = arith.constant 0 : index
      %get3A_1391 = tpu.vector_load %arg11[%get3A_1388, %get3A_1389, %get3A_1390] {strides = array<i32>} : memref<3x40x128xf32, #tpu.memory_space<vmem>>, vector<16xf32>,
      %mul3A_1392 = arith.mulf %get3A_1391, %gather3A_1386 : vector<16xf32>
      %swap3A_1393 = arith.constant 13 : i32
      %swap3A_1394 = arith.index_cast %select_n3A_130 : i32 to index
      %swap3A_1395 = arith.index_cast %swap3A_1393 : i32 to index
      %swap3A_1396 = arith.constant 0 : index
      %swap3A_1397 = tpu.vector_load %arg11[%swap3A_1394, %swap3A_1395, %swap3A_1396] {strides = array<i32>} : memref<3x40x128xf32, #tpu.memory_space<vmem>>, vector<16xf32>,
      tpu.vector_store %arg11[%swap3A_1394, %swap3A_1395, %swap3A_1396], %mul3A_1392 {strides = array<i32>} : memref<3x40x128xf32, #tpu.memory_space<vmem>>, vector<16xf32>,
      %get3A_1398 = arith.constant 13 : i32
      %get3A_1399 = arith.index_cast %select_n3A_130 : i32 to index
      %get3A_1400 = arith.index_cast %get3A_1398 : i32 to index
      %get3A_1401 = arith.constant 16 : index
      %get3A_1402 = tpu.vector_load %arg11[%get3A_1399, %get3A_1400, %get3A_1401] {strides = array<i32>} : memref<3x40x128xf32, #tpu.memory_space<vmem>>, vector<16xf32>,
      %mul3A_1403 = arith.mulf %get3A_1402, %gather3A_1386 : vector<16xf32>
      %swap3A_1404 = arith.constant 13 : i32
      %swap3A_1405 = arith.index_cast %select_n3A_130 : i32 to index
      %swap3A_1406 = arith.index_cast %swap3A_1404 : i32 to index
      %swap3A_1407 = arith.constant 16 : index
      %swap3A_1408 = tpu.vector_load %arg11[%swap3A_1405, %swap3A_1406, %swap3A_1407] {strides = array<i32>} : memref<3x40x128xf32, #tpu.memory_space<vmem>>, vector<16xf32>,
      tpu.vector_store %arg11[%swap3A_1405, %swap3A_1406, %swap3A_1407], %mul3A_1403 {strides = array<i32>} : memref<3x40x128xf32, #tpu.memory_space<vmem>>, vector<16xf32>,
      %get3A_1409 = arith.constant 13 : i32
      %get3A_1410 = arith.index_cast %select_n3A_130 : i32 to index
      %get3A_1411 = arith.index_cast %get3A_1409 : i32 to index
      %get3A_1412 = arith.constant 32 : index
      %get3A_1413 = tpu.vector_load %arg11[%get3A_1410, %get3A_1411, %get3A_1412] {strides = array<i32>} : memref<3x40x128xf32, #tpu.memory_space<vmem>>, vector<16xf32>,
      %mul3A_1414 = arith.mulf %get3A_1413, %gather3A_1386 : vector<16xf32>
      %swap3A_1415 = arith.constant 13 : i32
      %swap3A_1416 = arith.index_cast %select_n3A_130 : i32 to index
      %swap3A_1417 = arith.index_cast %swap3A_1415 : i32 to index
      %swap3A_1418 = arith.constant 32 : index
      %swap3A_1419 = tpu.vector_load %arg11[%swap3A_1416, %swap3A_1417, %swap3A_1418] {strides = array<i32>} : memref<3x40x128xf32, #tpu.memory_space<vmem>>, vector<16xf32>,
      tpu.vector_store %arg11[%swap3A_1416, %swap3A_1417, %swap3A_1418], %mul3A_1414 {strides = array<i32>} : memref<3x40x128xf32, #tpu.memory_space<vmem>>, vector<16xf32>,
      %get3A_1420 = arith.constant 13 : i32
      %get3A_1421 = arith.index_cast %select_n3A_130 : i32 to index
      %get3A_1422 = arith.index_cast %get3A_1420 : i32 to index
      %get3A_1423 = arith.constant 48 : index
      %get3A_1424 = tpu.vector_load %arg11[%get3A_1421, %get3A_1422, %get3A_1423] {strides = array<i32>} : memref<3x40x128xf32, #tpu.memory_space<vmem>>, vector<16xf32>,
      %mul3A_1425 = arith.mulf %get3A_1424, %gather3A_1386 : vector<16xf32>
      %swap3A_1426 = arith.constant 13 : i32
      %swap3A_1427 = arith.index_cast %select_n3A_130 : i32 to index
      %swap3A_1428 = arith.index_cast %swap3A_1426 : i32 to index
      %swap3A_1429 = arith.constant 48 : index
      %swap3A_1430 = tpu.vector_load %arg11[%swap3A_1427, %swap3A_1428, %swap3A_1429] {strides = array<i32>} : memref<3x40x128xf32, #tpu.memory_space<vmem>>, vector<16xf32>,
      tpu.vector_store %arg11[%swap3A_1427, %swap3A_1428, %swap3A_1429], %mul3A_1425 {strides = array<i32>} : memref<3x40x128xf32, #tpu.memory_space<vmem>>, vector<16xf32>,
      %get3A_1431 = arith.constant 13 : i32
      %get3A_1432 = arith.index_cast %select_n3A_130 : i32 to index
      %get3A_1433 = arith.index_cast %get3A_1431 : i32 to index
      %get3A_1434 = arith.constant 64 : index
      %get3A_1435 = tpu.vector_load %arg11[%get3A_1432, %get3A_1433, %get3A_1434] {strides = array<i32>} : memref<3x40x128xf32, #tpu.memory_space<vmem>>, vector<16xf32>,
      %mul3A_1436 = arith.mulf %get3A_1435, %gather3A_1386 : vector<16xf32>
      %swap3A_1437 = arith.constant 13 : i32
      %swap3A_1438 = arith.index_cast %select_n3A_130 : i32 to index
      %swap3A_1439 = arith.index_cast %swap3A_1437 : i32 to index
      %swap3A_1440 = arith.constant 64 : index
      %swap3A_1441 = tpu.vector_load %arg11[%swap3A_1438, %swap3A_1439, %swap3A_1440] {strides = array<i32>} : memref<3x40x128xf32, #tpu.memory_space<vmem>>, vector<16xf32>,
      tpu.vector_store %arg11[%swap3A_1438, %swap3A_1439, %swap3A_1440], %mul3A_1436 {strides = array<i32>} : memref<3x40x128xf32, #tpu.memory_space<vmem>>, vector<16xf32>,
      %get3A_1442 = arith.constant 13 : i32
      %get3A_1443 = arith.index_cast %select_n3A_130 : i32 to index
      %get3A_1444 = arith.index_cast %get3A_1442 : i32 to index
      %get3A_1445 = arith.constant 80 : index
      %get3A_1446 = tpu.vector_load %arg11[%get3A_1443, %get3A_1444, %get3A_1445] {strides = array<i32>} : memref<3x40x128xf32, #tpu.memory_space<vmem>>, vector<16xf32>,
      %mul3A_1447 = arith.mulf %get3A_1446, %gather3A_1386 : vector<16xf32>
      %swap3A_1448 = arith.constant 13 : i32
      %swap3A_1449 = arith.index_cast %select_n3A_130 : i32 to index
      %swap3A_1450 = arith.index_cast %swap3A_1448 : i32 to index
      %swap3A_1451 = arith.constant 80 : index
      %swap3A_1452 = tpu.vector_load %arg11[%swap3A_1449, %swap3A_1450, %swap3A_1451] {strides = array<i32>} : memref<3x40x128xf32, #tpu.memory_space<vmem>>, vector<16xf32>,
      tpu.vector_store %arg11[%swap3A_1449, %swap3A_1450, %swap3A_1451], %mul3A_1447 {strides = array<i32>} : memref<3x40x128xf32, #tpu.memory_space<vmem>>, vector<16xf32>,
      %get3A_1453 = arith.constant 13 : i32
      %get3A_1454 = arith.index_cast %select_n3A_130 : i32 to index
      %get3A_1455 = arith.index_cast %get3A_1453 : i32 to index
      %get3A_1456 = arith.constant 96 : index
      %get3A_1457 = tpu.vector_load %arg11[%get3A_1454, %get3A_1455, %get3A_1456] {strides = array<i32>} : memref<3x40x128xf32, #tpu.memory_space<vmem>>, vector<16xf32>,
      %mul3A_1458 = arith.mulf %get3A_1457, %gather3A_1386 : vector<16xf32>
      %swap3A_1459 = arith.constant 13 : i32
      %swap3A_1460 = arith.index_cast %select_n3A_130 : i32 to index
      %swap3A_1461 = arith.index_cast %swap3A_1459 : i32 to index
      %swap3A_1462 = arith.constant 96 : index
      %swap3A_1463 = tpu.vector_load %arg11[%swap3A_1460, %swap3A_1461, %swap3A_1462] {strides = array<i32>} : memref<3x40x128xf32, #tpu.memory_space<vmem>>, vector<16xf32>,
      tpu.vector_store %arg11[%swap3A_1460, %swap3A_1461, %swap3A_1462], %mul3A_1458 {strides = array<i32>} : memref<3x40x128xf32, #tpu.memory_space<vmem>>, vector<16xf32>,
      %get3A_1464 = arith.constant 13 : i32
      %get3A_1465 = arith.index_cast %select_n3A_130 : i32 to index
      %get3A_1466 = arith.index_cast %get3A_1464 : i32 to index
      %get3A_1467 = arith.constant 112 : index
      %get3A_1468 = tpu.vector_load %arg11[%get3A_1465, %get3A_1466, %get3A_1467] {strides = array<i32>} : memref<3x40x128xf32, #tpu.memory_space<vmem>>, vector<16xf32>,
      %mul3A_1469 = arith.mulf %get3A_1468, %gather3A_1386 : vector<16xf32>
      %swap3A_1470 = arith.constant 13 : i32
      %swap3A_1471 = arith.index_cast %select_n3A_130 : i32 to index
      %swap3A_1472 = arith.index_cast %swap3A_1470 : i32 to index
      %swap3A_1473 = arith.constant 112 : index
      %swap3A_1474 = tpu.vector_load %arg11[%swap3A_1471, %swap3A_1472, %swap3A_1473] {strides = array<i32>} : memref<3x40x128xf32, #tpu.memory_space<vmem>>, vector<16xf32>,
      tpu.vector_store %arg11[%swap3A_1471, %swap3A_1472, %swap3A_1473], %mul3A_1469 {strides = array<i32>} : memref<3x40x128xf32, #tpu.memory_space<vmem>>, vector<16xf32>,
      %broadcast_in_dim3A_1475 = arith.constant 14 : i32
      %broadcast_in_dim3A_1476 = vector.broadcast %broadcast_in_dim3A_1475 : i32 to vector<16x1xi32>
      %gather3A_1477 = vector.shape_cast %broadcast_in_dim3A_1476 : vector<16x1xi32> to vector<16xi32>
      %gather3A_1478 = tpu.dynamic_gather %get3A_189[%gather3A_1477] in [0] : vector<16xf32>, vector<16xi32> -> vector<16xf32>
      %get3A_1479 = arith.constant 14 : i32
      %get3A_1480 = arith.index_cast %select_n3A_130 : i32 to index
      %get3A_1481 = arith.index_cast %get3A_1479 : i32 to index
      %get3A_1482 = arith.constant 0 : index
      %get3A_1483 = tpu.vector_load %arg11[%get3A_1480, %get3A_1481, %get3A_1482] {strides = array<i32>} : memref<3x40x128xf32, #tpu.memory_space<vmem>>, vector<16xf32>,
      %mul3A_1484 = arith.mulf %get3A_1483, %gather3A_1478 : vector<16xf32>
      %swap3A_1485 = arith.constant 14 : i32
      %swap3A_1486 = arith.index_cast %select_n3A_130 : i32 to index
      %swap3A_1487 = arith.index_cast %swap3A_1485 : i32 to index
      %swap3A_1488 = arith.constant 0 : index
      %swap3A_1489 = tpu.vector_load %arg11[%swap3A_1486, %swap3A_1487, %swap3A_1488] {strides = array<i32>} : memref<3x40x128xf32, #tpu.memory_space<vmem>>, vector<16xf32>,
      tpu.vector_store %arg11[%swap3A_1486, %swap3A_1487, %swap3A_1488], %mul3A_1484 {strides = array<i32>} : memref<3x40x128xf32, #tpu.memory_space<vmem>>, vector<16xf32>,
      %get3A_1490 = arith.constant 14 : i32
      %get3A_1491 = arith.index_cast %select_n3A_130 : i32 to index
      %get3A_1492 = arith.index_cast %get3A_1490 : i32 to index
      %get3A_1493 = arith.constant 16 : index
      %get3A_1494 = tpu.vector_load %arg11[%get3A_1491, %get3A_1492, %get3A_1493] {strides = array<i32>} : memref<3x40x128xf32, #tpu.memory_space<vmem>>, vector<16xf32>,
      %mul3A_1495 = arith.mulf %get3A_1494, %gather3A_1478 : vector<16xf32>
      %swap3A_1496 = arith.constant 14 : i32
      %swap3A_1497 = arith.index_cast %select_n3A_130 : i32 to index
      %swap3A_1498 = arith.index_cast %swap3A_1496 : i32 to index
      %swap3A_1499 = arith.constant 16 : index
      %swap3A_1500 = tpu.vector_load %arg11[%swap3A_1497, %swap3A_1498, %swap3A_1499] {strides = array<i32>} : memref<3x40x128xf32, #tpu.memory_space<vmem>>, vector<16xf32>,
      tpu.vector_store %arg11[%swap3A_1497, %swap3A_1498, %swap3A_1499], %mul3A_1495 {strides = array<i32>} : memref<3x40x128xf32, #tpu.memory_space<vmem>>, vector<16xf32>,
      %get3A_1501 = arith.constant 14 : i32
      %get3A_1502 = arith.index_cast %select_n3A_130 : i32 to index
      %get3A_1503 = arith.index_cast %get3A_1501 : i32 to index
      %get3A_1504 = arith.constant 32 : index
      %get3A_1505 = tpu.vector_load %arg11[%get3A_1502, %get3A_1503, %get3A_1504] {strides = array<i32>} : memref<3x40x128xf32, #tpu.memory_space<vmem>>, vector<16xf32>,
      %mul3A_1506 = arith.mulf %get3A_1505, %gather3A_1478 : vector<16xf32>
      %swap3A_1507 = arith.constant 14 : i32
      %swap3A_1508 = arith.index_cast %select_n3A_130 : i32 to index
      %swap3A_1509 = arith.index_cast %swap3A_1507 : i32 to index
      %swap3A_1510 = arith.constant 32 : index
      %swap3A_1511 = tpu.vector_load %arg11[%swap3A_1508, %swap3A_1509, %swap3A_1510] {strides = array<i32>} : memref<3x40x128xf32, #tpu.memory_space<vmem>>, vector<16xf32>,
      tpu.vector_store %arg11[%swap3A_1508, %swap3A_1509, %swap3A_1510], %mul3A_1506 {strides = array<i32>} : memref<3x40x128xf32, #tpu.memory_space<vmem>>, vector<16xf32>,
      %get3A_1512 = arith.constant 14 : i32
      %get3A_1513 = arith.index_cast %select_n3A_130 : i32 to index
      %get3A_1514 = arith.index_cast %get3A_1512 : i32 to index
      %get3A_1515 = arith.constant 48 : index
      %get3A_1516 = tpu.vector_load %arg11[%get3A_1513, %get3A_1514, %get3A_1515] {strides = array<i32>} : memref<3x40x128xf32, #tpu.memory_space<vmem>>, vector<16xf32>,
      %mul3A_1517 = arith.mulf %get3A_1516, %gather3A_1478 : vector<16xf32>
      %swap3A_1518 = arith.constant 14 : i32
      %swap3A_1519 = arith.index_cast %select_n3A_130 : i32 to index
      %swap3A_1520 = arith.index_cast %swap3A_1518 : i32 to index
      %swap3A_1521 = arith.constant 48 : index
      %swap3A_1522 = tpu.vector_load %arg11[%swap3A_1519, %swap3A_1520, %swap3A_1521] {strides = array<i32>} : memref<3x40x128xf32, #tpu.memory_space<vmem>>, vector<16xf32>,
      tpu.vector_store %arg11[%swap3A_1519, %swap3A_1520, %swap3A_1521], %mul3A_1517 {strides = array<i32>} : memref<3x40x128xf32, #tpu.memory_space<vmem>>, vector<16xf32>,
      %get3A_1523 = arith.constant 14 : i32
      %get3A_1524 = arith.index_cast %select_n3A_130 : i32 to index
      %get3A_1525 = arith.index_cast %get3A_1523 : i32 to index
      %get3A_1526 = arith.constant 64 : index
      %get3A_1527 = tpu.vector_load %arg11[%get3A_1524, %get3A_1525, %get3A_1526] {strides = array<i32>} : memref<3x40x128xf32, #tpu.memory_space<vmem>>, vector<16xf32>,
      %mul3A_1528 = arith.mulf %get3A_1527, %gather3A_1478 : vector<16xf32>
      %swap3A_1529 = arith.constant 14 : i32
      %swap3A_1530 = arith.index_cast %select_n3A_130 : i32 to index
      %swap3A_1531 = arith.index_cast %swap3A_1529 : i32 to index
      %swap3A_1532 = arith.constant 64 : index
      %swap3A_1533 = tpu.vector_load %arg11[%swap3A_1530, %swap3A_1531, %swap3A_1532] {strides = array<i32>} : memref<3x40x128xf32, #tpu.memory_space<vmem>>, vector<16xf32>,
      tpu.vector_store %arg11[%swap3A_1530, %swap3A_1531, %swap3A_1532], %mul3A_1528 {strides = array<i32>} : memref<3x40x128xf32, #tpu.memory_space<vmem>>, vector<16xf32>,
      %get3A_1534 = arith.constant 14 : i32
      %get3A_1535 = arith.index_cast %select_n3A_130 : i32 to index
      %get3A_1536 = arith.index_cast %get3A_1534 : i32 to index
      %get3A_1537 = arith.constant 80 : index
      %get3A_1538 = tpu.vector_load %arg11[%get3A_1535, %get3A_1536, %get3A_1537] {strides = array<i32>} : memref<3x40x128xf32, #tpu.memory_space<vmem>>, vector<16xf32>,
      %mul3A_1539 = arith.mulf %get3A_1538, %gather3A_1478 : vector<16xf32>
      %swap3A_1540 = arith.constant 14 : i32
      %swap3A_1541 = arith.index_cast %select_n3A_130 : i32 to index
      %swap3A_1542 = arith.index_cast %swap3A_1540 : i32 to index
      %swap3A_1543 = arith.constant 80 : index
      %swap3A_1544 = tpu.vector_load %arg11[%swap3A_1541, %swap3A_1542, %swap3A_1543] {strides = array<i32>} : memref<3x40x128xf32, #tpu.memory_space<vmem>>, vector<16xf32>,
      tpu.vector_store %arg11[%swap3A_1541, %swap3A_1542, %swap3A_1543], %mul3A_1539 {strides = array<i32>} : memref<3x40x128xf32, #tpu.memory_space<vmem>>, vector<16xf32>,
      %get3A_1545 = arith.constant 14 : i32
      %get3A_1546 = arith.index_cast %select_n3A_130 : i32 to index
      %get3A_1547 = arith.index_cast %get3A_1545 : i32 to index
      %get3A_1548 = arith.constant 96 : index
      %get3A_1549 = tpu.vector_load %arg11[%get3A_1546, %get3A_1547, %get3A_1548] {strides = array<i32>} : memref<3x40x128xf32, #tpu.memory_space<vmem>>, vector<16xf32>,
      %mul3A_1550 = arith.mulf %get3A_1549, %gather3A_1478 : vector<16xf32>
      %swap3A_1551 = arith.constant 14 : i32
      %swap3A_1552 = arith.index_cast %select_n3A_130 : i32 to index
      %swap3A_1553 = arith.index_cast %swap3A_1551 : i32 to index
      %swap3A_1554 = arith.constant 96 : index
      %swap3A_1555 = tpu.vector_load %arg11[%swap3A_1552, %swap3A_1553, %swap3A_1554] {strides = array<i32>} : memref<3x40x128xf32, #tpu.memory_space<vmem>>, vector<16xf32>,
      tpu.vector_store %arg11[%swap3A_1552, %swap3A_1553, %swap3A_1554], %mul3A_1550 {strides = array<i32>} : memref<3x40x128xf32, #tpu.memory_space<vmem>>, vector<16xf32>,
      %get3A_1556 = arith.constant 14 : i32
      %get3A_1557 = arith.index_cast %select_n3A_130 : i32 to index
      %get3A_1558 = arith.index_cast %get3A_1556 : i32 to index
      %get3A_1559 = arith.constant 112 : index
      %get3A_1560 = tpu.vector_load %arg11[%get3A_1557, %get3A_1558, %get3A_1559] {strides = array<i32>} : memref<3x40x128xf32, #tpu.memory_space<vmem>>, vector<16xf32>,
      %mul3A_1561 = arith.mulf %get3A_1560, %gather3A_1478 : vector<16xf32>
      %swap3A_1562 = arith.constant 14 : i32
      %swap3A_1563 = arith.index_cast %select_n3A_130 : i32 to index
      %swap3A_1564 = arith.index_cast %swap3A_1562 : i32 to index
      %swap3A_1565 = arith.constant 112 : index
      %swap3A_1566 = tpu.vector_load %arg11[%swap3A_1563, %swap3A_1564, %swap3A_1565] {strides = array<i32>} : memref<3x40x128xf32, #tpu.memory_space<vmem>>, vector<16xf32>,
      tpu.vector_store %arg11[%swap3A_1563, %swap3A_1564, %swap3A_1565], %mul3A_1561 {strides = array<i32>} : memref<3x40x128xf32, #tpu.memory_space<vmem>>, vector<16xf32>,
      %broadcast_in_dim3A_1567 = arith.constant 15 : i32
      %broadcast_in_dim3A_1568 = vector.broadcast %broadcast_in_dim3A_1567 : i32 to vector<16x1xi32>
      %gather3A_1569 = vector.shape_cast %broadcast_in_dim3A_1568 : vector<16x1xi32> to vector<16xi32>
      %gather3A_1570 = tpu.dynamic_gather %get3A_189[%gather3A_1569] in [0] : vector<16xf32>, vector<16xi32> -> vector<16xf32>
      %get3A_1571 = arith.constant 15 : i32
      %get3A_1572 = arith.index_cast %select_n3A_130 : i32 to index
      %get3A_1573 = arith.index_cast %get3A_1571 : i32 to index
      %get3A_1574 = arith.constant 0 : index
      %get3A_1575 = tpu.vector_load %arg11[%get3A_1572, %get3A_1573, %get3A_1574] {strides = array<i32>} : memref<3x40x128xf32, #tpu.memory_space<vmem>>, vector<16xf32>,
      %mul3A_1576 = arith.mulf %get3A_1575, %gather3A_1570 : vector<16xf32>
      %swap3A_1577 = arith.constant 15 : i32
      %swap3A_1578 = arith.index_cast %select_n3A_130 : i32 to index
      %swap3A_1579 = arith.index_cast %swap3A_1577 : i32 to index
      %swap3A_1580 = arith.constant 0 : index
      %swap3A_1581 = tpu.vector_load %arg11[%swap3A_1578, %swap3A_1579, %swap3A_1580] {strides = array<i32>} : memref<3x40x128xf32, #tpu.memory_space<vmem>>, vector<16xf32>,
      tpu.vector_store %arg11[%swap3A_1578, %swap3A_1579, %swap3A_1580], %mul3A_1576 {strides = array<i32>} : memref<3x40x128xf32, #tpu.memory_space<vmem>>, vector<16xf32>,
      %get3A_1582 = arith.constant 15 : i32
      %get3A_1583 = arith.index_cast %select_n3A_130 : i32 to index
      %get3A_1584 = arith.index_cast %get3A_1582 : i32 to index
      %get3A_1585 = arith.constant 16 : index
      %get3A_1586 = tpu.vector_load %arg11[%get3A_1583, %get3A_1584, %get3A_1585] {strides = array<i32>} : memref<3x40x128xf32, #tpu.memory_space<vmem>>, vector<16xf32>,
      %mul3A_1587 = arith.mulf %get3A_1586, %gather3A_1570 : vector<16xf32>
      %swap3A_1588 = arith.constant 15 : i32
      %swap3A_1589 = arith.index_cast %select_n3A_130 : i32 to index
      %swap3A_1590 = arith.index_cast %swap3A_1588 : i32 to index
      %swap3A_1591 = arith.constant 16 : index
      %swap3A_1592 = tpu.vector_load %arg11[%swap3A_1589, %swap3A_1590, %swap3A_1591] {strides = array<i32>} : memref<3x40x128xf32, #tpu.memory_space<vmem>>, vector<16xf32>,
      tpu.vector_store %arg11[%swap3A_1589, %swap3A_1590, %swap3A_1591], %mul3A_1587 {strides = array<i32>} : memref<3x40x128xf32, #tpu.memory_space<vmem>>, vector<16xf32>,
      %get3A_1593 = arith.constant 15 : i32
      %get3A_1594 = arith.index_cast %select_n3A_130 : i32 to index
      %get3A_1595 = arith.index_cast %get3A_1593 : i32 to index
      %get3A_1596 = arith.constant 32 : index
      %get3A_1597 = tpu.vector_load %arg11[%get3A_1594, %get3A_1595, %get3A_1596] {strides = array<i32>} : memref<3x40x128xf32, #tpu.memory_space<vmem>>, vector<16xf32>,
      %mul3A_1598 = arith.mulf %get3A_1597, %gather3A_1570 : vector<16xf32>
      %swap3A_1599 = arith.constant 15 : i32
      %swap3A_1600 = arith.index_cast %select_n3A_130 : i32 to index
      %swap3A_1601 = arith.index_cast %swap3A_1599 : i32 to index
      %swap3A_1602 = arith.constant 32 : index
      %swap3A_1603 = tpu.vector_load %arg11[%swap3A_1600, %swap3A_1601, %swap3A_1602] {strides = array<i32>} : memref<3x40x128xf32, #tpu.memory_space<vmem>>, vector<16xf32>,
      tpu.vector_store %arg11[%swap3A_1600, %swap3A_1601, %swap3A_1602], %mul3A_1598 {strides = array<i32>} : memref<3x40x128xf32, #tpu.memory_space<vmem>>, vector<16xf32>,
      %get3A_1604 = arith.constant 15 : i32
      %get3A_1605 = arith.index_cast %select_n3A_130 : i32 to index
      %get3A_1606 = arith.index_cast %get3A_1604 : i32 to index
      %get3A_1607 = arith.constant 48 : index
      %get3A_1608 = tpu.vector_load %arg11[%get3A_1605, %get3A_1606, %get3A_1607] {strides = array<i32>} : memref<3x40x128xf32, #tpu.memory_space<vmem>>, vector<16xf32>,
      %mul3A_1609 = arith.mulf %get3A_1608, %gather3A_1570 : vector<16xf32>
      %swap3A_1610 = arith.constant 15 : i32
      %swap3A_1611 = arith.index_cast %select_n3A_130 : i32 to index
      %swap3A_1612 = arith.index_cast %swap3A_1610 : i32 to index
      %swap3A_1613 = arith.constant 48 : index
      %swap3A_1614 = tpu.vector_load %arg11[%swap3A_1611, %swap3A_1612, %swap3A_1613] {strides = array<i32>} : memref<3x40x128xf32, #tpu.memory_space<vmem>>, vector<16xf32>,
      tpu.vector_store %arg11[%swap3A_1611, %swap3A_1612, %swap3A_1613], %mul3A_1609 {strides = array<i32>} : memref<3x40x128xf32, #tpu.memory_space<vmem>>, vector<16xf32>,
      %get3A_1615 = arith.constant 15 : i32
      %get3A_1616 = arith.index_cast %select_n3A_130 : i32 to index
      %get3A_1617 = arith.index_cast %get3A_1615 : i32 to index
      %get3A_1618 = arith.constant 64 : index
      %get3A_1619 = tpu.vector_load %arg11[%get3A_1616, %get3A_1617, %get3A_1618] {strides = array<i32>} : memref<3x40x128xf32, #tpu.memory_space<vmem>>, vector<16xf32>,
      %mul3A_1620 = arith.mulf %get3A_1619, %gather3A_1570 : vector<16xf32>
      %swap3A_1621 = arith.constant 15 : i32
      %swap3A_1622 = arith.index_cast %select_n3A_130 : i32 to index
      %swap3A_1623 = arith.index_cast %swap3A_1621 : i32 to index
      %swap3A_1624 = arith.constant 64 : index
      %swap3A_1625 = tpu.vector_load %arg11[%swap3A_1622, %swap3A_1623, %swap3A_1624] {strides = array<i32>} : memref<3x40x128xf32, #tpu.memory_space<vmem>>, vector<16xf32>,
      tpu.vector_store %arg11[%swap3A_1622, %swap3A_1623, %swap3A_1624], %mul3A_1620 {strides = array<i32>} : memref<3x40x128xf32, #tpu.memory_space<vmem>>, vector<16xf32>,
      %get3A_1626 = arith.constant 15 : i32
      %get3A_1627 = arith.index_cast %select_n3A_130 : i32 to index
      %get3A_1628 = arith.index_cast %get3A_1626 : i32 to index
      %get3A_1629 = arith.constant 80 : index
      %get3A_1630 = tpu.vector_load %arg11[%get3A_1627, %get3A_1628, %get3A_1629] {strides = array<i32>} : memref<3x40x128xf32, #tpu.memory_space<vmem>>, vector<16xf32>,
      %mul3A_1631 = arith.mulf %get3A_1630, %gather3A_1570 : vector<16xf32>
      %swap3A_1632 = arith.constant 15 : i32
      %swap3A_1633 = arith.index_cast %select_n3A_130 : i32 to index
      %swap3A_1634 = arith.index_cast %swap3A_1632 : i32 to index
      %swap3A_1635 = arith.constant 80 : index
      %swap3A_1636 = tpu.vector_load %arg11[%swap3A_1633, %swap3A_1634, %swap3A_1635] {strides = array<i32>} : memref<3x40x128xf32, #tpu.memory_space<vmem>>, vector<16xf32>,
      tpu.vector_store %arg11[%swap3A_1633, %swap3A_1634, %swap3A_1635], %mul3A_1631 {strides = array<i32>} : memref<3x40x128xf32, #tpu.memory_space<vmem>>, vector<16xf32>,
      %get3A_1637 = arith.constant 15 : i32
      %get3A_1638 = arith.index_cast %select_n3A_130 : i32 to index
      %get3A_1639 = arith.index_cast %get3A_1637 : i32 to index
      %get3A_1640 = arith.constant 96 : index
      %get3A_1641 = tpu.vector_load %arg11[%get3A_1638, %get3A_1639, %get3A_1640] {strides = array<i32>} : memref<3x40x128xf32, #tpu.memory_space<vmem>>, vector<16xf32>,
      %mul3A_1642 = arith.mulf %get3A_1641, %gather3A_1570 : vector<16xf32>
      %swap3A_1643 = arith.constant 15 : i32
      %swap3A_1644 = arith.index_cast %select_n3A_130 : i32 to index
      %swap3A_1645 = arith.index_cast %swap3A_1643 : i32 to index
      %swap3A_1646 = arith.constant 96 : index
      %swap3A_1647 = tpu.vector_load %arg11[%swap3A_1644, %swap3A_1645, %swap3A_1646] {strides = array<i32>} : memref<3x40x128xf32, #tpu.memory_space<vmem>>, vector<16xf32>,
      tpu.vector_store %arg11[%swap3A_1644, %swap3A_1645, %swap3A_1646], %mul3A_1642 {strides = array<i32>} : memref<3x40x128xf32, #tpu.memory_space<vmem>>, vector<16xf32>,
      %get3A_1648 = arith.constant 15 : i32
      %get3A_1649 = arith.index_cast %select_n3A_130 : i32 to index
      %get3A_1650 = arith.index_cast %get3A_1648 : i32 to index
      %get3A_1651 = arith.constant 112 : index
      %get3A_1652 = tpu.vector_load %arg11[%get3A_1649, %get3A_1650, %get3A_1651] {strides = array<i32>} : memref<3x40x128xf32, #tpu.memory_space<vmem>>, vector<16xf32>,
      %mul3A_1653 = arith.mulf %get3A_1652, %gather3A_1570 : vector<16xf32>
      %swap3A_1654 = arith.constant 15 : i32
      %swap3A_1655 = arith.index_cast %select_n3A_130 : i32 to index
      %swap3A_1656 = arith.index_cast %swap3A_1654 : i32 to index
      %swap3A_1657 = arith.constant 112 : index
      %swap3A_1658 = tpu.vector_load %arg11[%swap3A_1655, %swap3A_1656, %swap3A_1657] {strides = array<i32>} : memref<3x40x128xf32, #tpu.memory_space<vmem>>, vector<16xf32>,
      tpu.vector_store %arg11[%swap3A_1655, %swap3A_1656, %swap3A_1657], %mul3A_1653 {strides = array<i32>} : memref<3x40x128xf32, #tpu.memory_space<vmem>>, vector<16xf32>,
      %get3A_1659 = arith.index_cast %add3A_114 : i32 to index
      %get3A_1660 = arith.constant 16 : index
      %get3A_1661 = tpu.vector_load %arg10[%get3A_1659, %get3A_1660] {strides = array<i32>} : memref<32x40xf32, #tpu.memory_space<vmem>>, vector<16xf32>,
      %broadcast_in_dim3A_1662 = arith.constant 0 : i32
      %broadcast_in_dim3A_1663 = vector.broadcast %broadcast_in_dim3A_1662 : i32 to vector<16x1xi32>
      %gather3A_1664 = vector.shape_cast %broadcast_in_dim3A_1663 : vector<16x1xi32> to vector<16xi32>
      %gather3A_1665 = tpu.dynamic_gather %get3A_1661[%gather3A_1664] in [0] : vector<16xf32>, vector<16xi32> -> vector<16xf32>
      %get3A_1666 = arith.constant 16 : i32
      %get3A_1667 = arith.index_cast %select_n3A_130 : i32 to index
      %get3A_1668 = arith.index_cast %get3A_1666 : i32 to index
      %get3A_1669 = arith.constant 0 : index
      %get3A_1670 = tpu.vector_load %arg11[%get3A_1667, %get3A_1668, %get3A_1669] {strides = array<i32>} : memref<3x40x128xf32, #tpu.memory_space<vmem>>, vector<16xf32>,
      %mul3A_1671 = arith.mulf %get3A_1670, %gather3A_1665 : vector<16xf32>
      %swap3A_1672 = arith.constant 16 : i32
      %swap3A_1673 = arith.index_cast %select_n3A_130 : i32 to index
      %swap3A_1674 = arith.index_cast %swap3A_1672 : i32 to index
      %swap3A_1675 = arith.constant 0 : index
      %swap3A_1676 = tpu.vector_load %arg11[%swap3A_1673, %swap3A_1674, %swap3A_1675] {strides = array<i32>} : memref<3x40x128xf32, #tpu.memory_space<vmem>>, vector<16xf32>,
      tpu.vector_store %arg11[%swap3A_1673, %swap3A_1674, %swap3A_1675], %mul3A_1671 {strides = array<i32>} : memref<3x40x128xf32, #tpu.memory_space<vmem>>, vector<16xf32>,
      %get3A_1677 = arith.constant 16 : i32
      %get3A_1678 = arith.index_cast %select_n3A_130 : i32 to index
      %get3A_1679 = arith.index_cast %get3A_1677 : i32 to index
      %get3A_1680 = arith.constant 16 : index
      %get3A_1681 = tpu.vector_load %arg11[%get3A_1678, %get3A_1679, %get3A_1680] {strides = array<i32>} : memref<3x40x128xf32, #tpu.memory_space<vmem>>, vector<16xf32>,
      %mul3A_1682 = arith.mulf %get3A_1681, %gather3A_1665 : vector<16xf32>
      %swap3A_1683 = arith.constant 16 : i32
      %swap3A_1684 = arith.index_cast %select_n3A_130 : i32 to index
      %swap3A_1685 = arith.index_cast %swap3A_1683 : i32 to index
      %swap3A_1686 = arith.constant 16 : index
      %swap3A_1687 = tpu.vector_load %arg11[%swap3A_1684, %swap3A_1685, %swap3A_1686] {strides = array<i32>} : memref<3x40x128xf32, #tpu.memory_space<vmem>>, vector<16xf32>,
      tpu.vector_store %arg11[%swap3A_1684, %swap3A_1685, %swap3A_1686], %mul3A_1682 {strides = array<i32>} : memref<3x40x128xf32, #tpu.memory_space<vmem>>, vector<16xf32>,
      %get3A_1688 = arith.constant 16 : i32
      %get3A_1689 = arith.index_cast %select_n3A_130 : i32 to index
      %get3A_1690 = arith.index_cast %get3A_1688 : i32 to index
      %get3A_1691 = arith.constant 32 : index
      %get3A_1692 = tpu.vector_load %arg11[%get3A_1689, %get3A_1690, %get3A_1691] {strides = array<i32>} : memref<3x40x128xf32, #tpu.memory_space<vmem>>, vector<16xf32>,
      %mul3A_1693 = arith.mulf %get3A_1692, %gather3A_1665 : vector<16xf32>
      %swap3A_1694 = arith.constant 16 : i32
      %swap3A_1695 = arith.index_cast %select_n3A_130 : i32 to index
      %swap3A_1696 = arith.index_cast %swap3A_1694 : i32 to index
      %swap3A_1697 = arith.constant 32 : index
      %swap3A_1698 = tpu.vector_load %arg11[%swap3A_1695, %swap3A_1696, %swap3A_1697] {strides = array<i32>} : memref<3x40x128xf32, #tpu.memory_space<vmem>>, vector<16xf32>,
      tpu.vector_store %arg11[%swap3A_1695, %swap3A_1696, %swap3A_1697], %mul3A_1693 {strides = array<i32>} : memref<3x40x128xf32, #tpu.memory_space<vmem>>, vector<16xf32>,
      %get3A_1699 = arith.constant 16 : i32
      %get3A_1700 = arith.index_cast %select_n3A_130 : i32 to index
      %get3A_1701 = arith.index_cast %get3A_1699 : i32 to index
      %get3A_1702 = arith.constant 48 : index
      %get3A_1703 = tpu.vector_load %arg11[%get3A_1700, %get3A_1701, %get3A_1702] {strides = array<i32>} : memref<3x40x128xf32, #tpu.memory_space<vmem>>, vector<16xf32>,
      %mul3A_1704 = arith.mulf %get3A_1703, %gather3A_1665 : vector<16xf32>
      %swap3A_1705 = arith.constant 16 : i32
      %swap3A_1706 = arith.index_cast %select_n3A_130 : i32 to index
      %swap3A_1707 = arith.index_cast %swap3A_1705 : i32 to index
      %swap3A_1708 = arith.constant 48 : index
      %swap3A_1709 = tpu.vector_load %arg11[%swap3A_1706, %swap3A_1707, %swap3A_1708] {strides = array<i32>} : memref<3x40x128xf32, #tpu.memory_space<vmem>>, vector<16xf32>,
      tpu.vector_store %arg11[%swap3A_1706, %swap3A_1707, %swap3A_1708], %mul3A_1704 {strides = array<i32>} : memref<3x40x128xf32, #tpu.memory_space<vmem>>, vector<16xf32>,
      %get3A_1710 = arith.constant 16 : i32
      %get3A_1711 = arith.index_cast %select_n3A_130 : i32 to index
      %get3A_1712 = arith.index_cast %get3A_1710 : i32 to index
      %get3A_1713 = arith.constant 64 : index
      %get3A_1714 = tpu.vector_load %arg11[%get3A_1711, %get3A_1712, %get3A_1713] {strides = array<i32>} : memref<3x40x128xf32, #tpu.memory_space<vmem>>, vector<16xf32>,
      %mul3A_1715 = arith.mulf %get3A_1714, %gather3A_1665 : vector<16xf32>
      %swap3A_1716 = arith.constant 16 : i32
      %swap3A_1717 = arith.index_cast %select_n3A_130 : i32 to index
      %swap3A_1718 = arith.index_cast %swap3A_1716 : i32 to index
      %swap3A_1719 = arith.constant 64 : index
      %swap3A_1720 = tpu.vector_load %arg11[%swap3A_1717, %swap3A_1718, %swap3A_1719] {strides = array<i32>} : memref<3x40x128xf32, #tpu.memory_space<vmem>>, vector<16xf32>,
      tpu.vector_store %arg11[%swap3A_1717, %swap3A_1718, %swap3A_1719], %mul3A_1715 {strides = array<i32>} : memref<3x40x128xf32, #tpu.memory_space<vmem>>, vector<16xf32>,
      %get3A_1721 = arith.constant 16 : i32
      %get3A_1722 = arith.index_cast %select_n3A_130 : i32 to index
      %get3A_1723 = arith.index_cast %get3A_1721 : i32 to index
      %get3A_1724 = arith.constant 80 : index
      %get3A_1725 = tpu.vector_load %arg11[%get3A_1722, %get3A_1723, %get3A_1724] {strides = array<i32>} : memref<3x40x128xf32, #tpu.memory_space<vmem>>, vector<16xf32>,
      %mul3A_1726 = arith.mulf %get3A_1725, %gather3A_1665 : vector<16xf32>
      %swap3A_1727 = arith.constant 16 : i32
      %swap3A_1728 = arith.index_cast %select_n3A_130 : i32 to index
      %swap3A_1729 = arith.index_cast %swap3A_1727 : i32 to index
      %swap3A_1730 = arith.constant 80 : index
      %swap3A_1731 = tpu.vector_load %arg11[%swap3A_1728, %swap3A_1729, %swap3A_1730] {strides = array<i32>} : memref<3x40x128xf32, #tpu.memory_space<vmem>>, vector<16xf32>,
      tpu.vector_store %arg11[%swap3A_1728, %swap3A_1729, %swap3A_1730], %mul3A_1726 {strides = array<i32>} : memref<3x40x128xf32, #tpu.memory_space<vmem>>, vector<16xf32>,
      %get3A_1732 = arith.constant 16 : i32
      %get3A_1733 = arith.index_cast %select_n3A_130 : i32 to index
      %get3A_1734 = arith.index_cast %get3A_1732 : i32 to index
      %get3A_1735 = arith.constant 96 : index
      %get3A_1736 = tpu.vector_load %arg11[%get3A_1733, %get3A_1734, %get3A_1735] {strides = array<i32>} : memref<3x40x128xf32, #tpu.memory_space<vmem>>, vector<16xf32>,
      %mul3A_1737 = arith.mulf %get3A_1736, %gather3A_1665 : vector<16xf32>
      %swap3A_1738 = arith.constant 16 : i32
      %swap3A_1739 = arith.index_cast %select_n3A_130 : i32 to index
      %swap3A_1740 = arith.index_cast %swap3A_1738 : i32 to index
      %swap3A_1741 = arith.constant 96 : index
      %swap3A_1742 = tpu.vector_load %arg11[%swap3A_1739, %swap3A_1740, %swap3A_1741] {strides = array<i32>} : memref<3x40x128xf32, #tpu.memory_space<vmem>>, vector<16xf32>,
      tpu.vector_store %arg11[%swap3A_1739, %swap3A_1740, %swap3A_1741], %mul3A_1737 {strides = array<i32>} : memref<3x40x128xf32, #tpu.memory_space<vmem>>, vector<16xf32>,
      %get3A_1743 = arith.constant 16 : i32
      %get3A_1744 = arith.index_cast %select_n3A_130 : i32 to index
      %get3A_1745 = arith.index_cast %get3A_1743 : i32 to index
      %get3A_1746 = arith.constant 112 : index
      %get3A_1747 = tpu.vector_load %arg11[%get3A_1744, %get3A_1745, %get3A_1746] {strides = array<i32>} : memref<3x40x128xf32, #tpu.memory_space<vmem>>, vector<16xf32>,
      %mul3A_1748 = arith.mulf %get3A_1747, %gather3A_1665 : vector<16xf32>
      %swap3A_1749 = arith.constant 16 : i32
      %swap3A_1750 = arith.index_cast %select_n3A_130 : i32 to index
      %swap3A_1751 = arith.index_cast %swap3A_1749 : i32 to index
      %swap3A_1752 = arith.constant 112 : index
      %swap3A_1753 = tpu.vector_load %arg11[%swap3A_1750, %swap3A_1751, %swap3A_1752] {strides = array<i32>} : memref<3x40x128xf32, #tpu.memory_space<vmem>>, vector<16xf32>,
      tpu.vector_store %arg11[%swap3A_1750, %swap3A_1751, %swap3A_1752], %mul3A_1748 {strides = array<i32>} : memref<3x40x128xf32, #tpu.memory_space<vmem>>, vector<16xf32>,
      %broadcast_in_dim3A_1754 = arith.constant 1 : i32
      %broadcast_in_dim3A_1755 = vector.broadcast %broadcast_in_dim3A_1754 : i32 to vector<16x1xi32>
      %gather3A_1756 = vector.shape_cast %broadcast_in_dim3A_1755 : vector<16x1xi32> to vector<16xi32>
      %gather3A_1757 = tpu.dynamic_gather %get3A_1661[%gather3A_1756] in [0] : vector<16xf32>, vector<16xi32> -> vector<16xf32>
      %get3A_1758 = arith.constant 17 : i32
      %get3A_1759 = arith.index_cast %select_n3A_130 : i32 to index
      %get3A_1760 = arith.index_cast %get3A_1758 : i32 to index
      %get3A_1761 = arith.constant 0 : index
      %get3A_1762 = tpu.vector_load %arg11[%get3A_1759, %get3A_1760, %get3A_1761] {strides = array<i32>} : memref<3x40x128xf32, #tpu.memory_space<vmem>>, vector<16xf32>,
      %mul3A_1763 = arith.mulf %get3A_1762, %gather3A_1757 : vector<16xf32>
      %swap3A_1764 = arith.constant 17 : i32
      %swap3A_1765 = arith.index_cast %select_n3A_130 : i32 to index
      %swap3A_1766 = arith.index_cast %swap3A_1764 : i32 to index
      %swap3A_1767 = arith.constant 0 : index
      %swap3A_1768 = tpu.vector_load %arg11[%swap3A_1765, %swap3A_1766, %swap3A_1767] {strides = array<i32>} : memref<3x40x128xf32, #tpu.memory_space<vmem>>, vector<16xf32>,
      tpu.vector_store %arg11[%swap3A_1765, %swap3A_1766, %swap3A_1767], %mul3A_1763 {strides = array<i32>} : memref<3x40x128xf32, #tpu.memory_space<vmem>>, vector<16xf32>,
      %get3A_1769 = arith.constant 17 : i32
      %get3A_1770 = arith.index_cast %select_n3A_130 : i32 to index
      %get3A_1771 = arith.index_cast %get3A_1769 : i32 to index
      %get3A_1772 = arith.constant 16 : index
      %get3A_1773 = tpu.vector_load %arg11[%get3A_1770, %get3A_1771, %get3A_1772] {strides = array<i32>} : memref<3x40x128xf32, #tpu.memory_space<vmem>>, vector<16xf32>,
      %mul3A_1774 = arith.mulf %get3A_1773, %gather3A_1757 : vector<16xf32>
      %swap3A_1775 = arith.constant 17 : i32
      %swap3A_1776 = arith.index_cast %select_n3A_130 : i32 to index
      %swap3A_1777 = arith.index_cast %swap3A_1775 : i32 to index
      %swap3A_1778 = arith.constant 16 : index
      %swap3A_1779 = tpu.vector_load %arg11[%swap3A_1776, %swap3A_1777, %swap3A_1778] {strides = array<i32>} : memref<3x40x128xf32, #tpu.memory_space<vmem>>, vector<16xf32>,
      tpu.vector_store %arg11[%swap3A_1776, %swap3A_1777, %swap3A_1778], %mul3A_1774 {strides = array<i32>} : memref<3x40x128xf32, #tpu.memory_space<vmem>>, vector<16xf32>,
      %get3A_1780 = arith.constant 17 : i32
      %get3A_1781 = arith.index_cast %select_n3A_130 : i32 to index
      %get3A_1782 = arith.index_cast %get3A_1780 : i32 to index
      %get3A_1783 = arith.constant 32 : index
      %get3A_1784 = tpu.vector_load %arg11[%get3A_1781, %get3A_1782, %get3A_1783] {strides = array<i32>} : memref<3x40x128xf32, #tpu.memory_space<vmem>>, vector<16xf32>,
      %mul3A_1785 = arith.mulf %get3A_1784, %gather3A_1757 : vector<16xf32>
      %swap3A_1786 = arith.constant 17 : i32
      %swap3A_1787 = arith.index_cast %select_n3A_130 : i32 to index
      %swap3A_1788 = arith.index_cast %swap3A_1786 : i32 to index
      %swap3A_1789 = arith.constant 32 : index
      %swap3A_1790 = tpu.vector_load %arg11[%swap3A_1787, %swap3A_1788, %swap3A_1789] {strides = array<i32>} : memref<3x40x128xf32, #tpu.memory_space<vmem>>, vector<16xf32>,
      tpu.vector_store %arg11[%swap3A_1787, %swap3A_1788, %swap3A_1789], %mul3A_1785 {strides = array<i32>} : memref<3x40x128xf32, #tpu.memory_space<vmem>>, vector<16xf32>,
      %get3A_1791 = arith.constant 17 : i32
      %get3A_1792 = arith.index_cast %select_n3A_130 : i32 to index
      %get3A_1793 = arith.index_cast %get3A_1791 : i32 to index
      %get3A_1794 = arith.constant 48 : index
      %get3A_1795 = tpu.vector_load %arg11[%get3A_1792, %get3A_1793, %get3A_1794] {strides = array<i32>} : memref<3x40x128xf32, #tpu.memory_space<vmem>>, vector<16xf32>,
      %mul3A_1796 = arith.mulf %get3A_1795, %gather3A_1757 : vector<16xf32>
      %swap3A_1797 = arith.constant 17 : i32
      %swap3A_1798 = arith.index_cast %select_n3A_130 : i32 to index
      %swap3A_1799 = arith.index_cast %swap3A_1797 : i32 to index
      %swap3A_1800 = arith.constant 48 : index
      %swap3A_1801 = tpu.vector_load %arg11[%swap3A_1798, %swap3A_1799, %swap3A_1800] {strides = array<i32>} : memref<3x40x128xf32, #tpu.memory_space<vmem>>, vector<16xf32>,
      tpu.vector_store %arg11[%swap3A_1798, %swap3A_1799, %swap3A_1800], %mul3A_1796 {strides = array<i32>} : memref<3x40x128xf32, #tpu.memory_space<vmem>>, vector<16xf32>,
      %get3A_1802 = arith.constant 17 : i32
      %get3A_1803 = arith.index_cast %select_n3A_130 : i32 to index
      %get3A_1804 = arith.index_cast %get3A_1802 : i32 to index
      %get3A_1805 = arith.constant 64 : index
      %get3A_1806 = tpu.vector_load %arg11[%get3A_1803, %get3A_1804, %get3A_1805] {strides = array<i32>} : memref<3x40x128xf32, #tpu.memory_space<vmem>>, vector<16xf32>,
      %mul3A_1807 = arith.mulf %get3A_1806, %gather3A_1757 : vector<16xf32>
      %swap3A_1808 = arith.constant 17 : i32
      %swap3A_1809 = arith.index_cast %select_n3A_130 : i32 to index
      %swap3A_1810 = arith.index_cast %swap3A_1808 : i32 to index
      %swap3A_1811 = arith.constant 64 : index
      %swap3A_1812 = tpu.vector_load %arg11[%swap3A_1809, %swap3A_1810, %swap3A_1811] {strides = array<i32>} : memref<3x40x128xf32, #tpu.memory_space<vmem>>, vector<16xf32>,
      tpu.vector_store %arg11[%swap3A_1809, %swap3A_1810, %swap3A_1811], %mul3A_1807 {strides = array<i32>} : memref<3x40x128xf32, #tpu.memory_space<vmem>>, vector<16xf32>,
      %get3A_1813 = arith.constant 17 : i32
      %get3A_1814 = arith.index_cast %select_n3A_130 : i32 to index
      %get3A_1815 = arith.index_cast %get3A_1813 : i32 to index
      %get3A_1816 = arith.constant 80 : index
      %get3A_1817 = tpu.vector_load %arg11[%get3A_1814, %get3A_1815, %get3A_1816] {strides = array<i32>} : memref<3x40x128xf32, #tpu.memory_space<vmem>>, vector<16xf32>,
      %mul3A_1818 = arith.mulf %get3A_1817, %gather3A_1757 : vector<16xf32>
      %swap3A_1819 = arith.constant 17 : i32
      %swap3A_1820 = arith.index_cast %select_n3A_130 : i32 to index
      %swap3A_1821 = arith.index_cast %swap3A_1819 : i32 to index
      %swap3A_1822 = arith.constant 80 : index
      %swap3A_1823 = tpu.vector_load %arg11[%swap3A_1820, %swap3A_1821, %swap3A_1822] {strides = array<i32>} : memref<3x40x128xf32, #tpu.memory_space<vmem>>, vector<16xf32>,
      tpu.vector_store %arg11[%swap3A_1820, %swap3A_1821, %swap3A_1822], %mul3A_1818 {strides = array<i32>} : memref<3x40x128xf32, #tpu.memory_space<vmem>>, vector<16xf32>,
      %get3A_1824 = arith.constant 17 : i32
      %get3A_1825 = arith.index_cast %select_n3A_130 : i32 to index
      %get3A_1826 = arith.index_cast %get3A_1824 : i32 to index
      %get3A_1827 = arith.constant 96 : index
      %get3A_1828 = tpu.vector_load %arg11[%get3A_1825, %get3A_1826, %get3A_1827] {strides = array<i32>} : memref<3x40x128xf32, #tpu.memory_space<vmem>>, vector<16xf32>,
      %mul3A_1829 = arith.mulf %get3A_1828, %gather3A_1757 : vector<16xf32>
      %swap3A_1830 = arith.constant 17 : i32
      %swap3A_1831 = arith.index_cast %select_n3A_130 : i32 to index
      %swap3A_1832 = arith.index_cast %swap3A_1830 : i32 to index
      %swap3A_1833 = arith.constant 96 : index
      %swap3A_1834 = tpu.vector_load %arg11[%swap3A_1831, %swap3A_1832, %swap3A_1833] {strides = array<i32>} : memref<3x40x128xf32, #tpu.memory_space<vmem>>, vector<16xf32>,
      tpu.vector_store %arg11[%swap3A_1831, %swap3A_1832, %swap3A_1833], %mul3A_1829 {strides = array<i32>} : memref<3x40x128xf32, #tpu.memory_space<vmem>>, vector<16xf32>,
      %get3A_1835 = arith.constant 17 : i32
      %get3A_1836 = arith.index_cast %select_n3A_130 : i32 to index
      %get3A_1837 = arith.index_cast %get3A_1835 : i32 to index
      %get3A_1838 = arith.constant 112 : index
      %get3A_1839 = tpu.vector_load %arg11[%get3A_1836, %get3A_1837, %get3A_1838] {strides = array<i32>} : memref<3x40x128xf32, #tpu.memory_space<vmem>>, vector<16xf32>,
      %mul3A_1840 = arith.mulf %get3A_1839, %gather3A_1757 : vector<16xf32>
      %swap3A_1841 = arith.constant 17 : i32
      %swap3A_1842 = arith.index_cast %select_n3A_130 : i32 to index
      %swap3A_1843 = arith.index_cast %swap3A_1841 : i32 to index
      %swap3A_1844 = arith.constant 112 : index
      %swap3A_1845 = tpu.vector_load %arg11[%swap3A_1842, %swap3A_1843, %swap3A_1844] {strides = array<i32>} : memref<3x40x128xf32, #tpu.memory_space<vmem>>, vector<16xf32>,
      tpu.vector_store %arg11[%swap3A_1842, %swap3A_1843, %swap3A_1844], %mul3A_1840 {strides = array<i32>} : memref<3x40x128xf32, #tpu.memory_space<vmem>>, vector<16xf32>,
      %broadcast_in_dim3A_1846 = arith.constant 2 : i32
      %broadcast_in_dim3A_1847 = vector.broadcast %broadcast_in_dim3A_1846 : i32 to vector<16x1xi32>
      %gather3A_1848 = vector.shape_cast %broadcast_in_dim3A_1847 : vector<16x1xi32> to vector<16xi32>
      %gather3A_1849 = tpu.dynamic_gather %get3A_1661[%gather3A_1848] in [0] : vector<16xf32>, vector<16xi32> -> vector<16xf32>
      %get3A_1850 = arith.constant 18 : i32
      %get3A_1851 = arith.index_cast %select_n3A_130 : i32 to index
      %get3A_1852 = arith.index_cast %get3A_1850 : i32 to index
      %get3A_1853 = arith.constant 0 : index
      %get3A_1854 = tpu.vector_load %arg11[%get3A_1851, %get3A_1852, %get3A_1853] {strides = array<i32>} : memref<3x40x128xf32, #tpu.memory_space<vmem>>, vector<16xf32>,
      %mul3A_1855 = arith.mulf %get3A_1854, %gather3A_1849 : vector<16xf32>
      %swap3A_1856 = arith.constant 18 : i32
      %swap3A_1857 = arith.index_cast %select_n3A_130 : i32 to index
      %swap3A_1858 = arith.index_cast %swap3A_1856 : i32 to index
      %swap3A_1859 = arith.constant 0 : index
      %swap3A_1860 = tpu.vector_load %arg11[%swap3A_1857, %swap3A_1858, %swap3A_1859] {strides = array<i32>} : memref<3x40x128xf32, #tpu.memory_space<vmem>>, vector<16xf32>,
      tpu.vector_store %arg11[%swap3A_1857, %swap3A_1858, %swap3A_1859], %mul3A_1855 {strides = array<i32>} : memref<3x40x128xf32, #tpu.memory_space<vmem>>, vector<16xf32>,
      %get3A_1861 = arith.constant 18 : i32
      %get3A_1862 = arith.index_cast %select_n3A_130 : i32 to index
      %get3A_1863 = arith.index_cast %get3A_1861 : i32 to index
      %get3A_1864 = arith.constant 16 : index
      %get3A_1865 = tpu.vector_load %arg11[%get3A_1862, %get3A_1863, %get3A_1864] {strides = array<i32>} : memref<3x40x128xf32, #tpu.memory_space<vmem>>, vector<16xf32>,
      %mul3A_1866 = arith.mulf %get3A_1865, %gather3A_1849 : vector<16xf32>
      %swap3A_1867 = arith.constant 18 : i32
      %swap3A_1868 = arith.index_cast %select_n3A_130 : i32 to index
      %swap3A_1869 = arith.index_cast %swap3A_1867 : i32 to index
      %swap3A_1870 = arith.constant 16 : index
      %swap3A_1871 = tpu.vector_load %arg11[%swap3A_1868, %swap3A_1869, %swap3A_1870] {strides = array<i32>} : memref<3x40x128xf32, #tpu.memory_space<vmem>>, vector<16xf32>,
      tpu.vector_store %arg11[%swap3A_1868, %swap3A_1869, %swap3A_1870], %mul3A_1866 {strides = array<i32>} : memref<3x40x128xf32, #tpu.memory_space<vmem>>, vector<16xf32>,
      %get3A_1872 = arith.constant 18 : i32
      %get3A_1873 = arith.index_cast %select_n3A_130 : i32 to index
      %get3A_1874 = arith.index_cast %get3A_1872 : i32 to index
      %get3A_1875 = arith.constant 32 : index
      %get3A_1876 = tpu.vector_load %arg11[%get3A_1873, %get3A_1874, %get3A_1875] {strides = array<i32>} : memref<3x40x128xf32, #tpu.memory_space<vmem>>, vector<16xf32>,
      %mul3A_1877 = arith.mulf %get3A_1876, %gather3A_1849 : vector<16xf32>
      %swap3A_1878 = arith.constant 18 : i32
      %swap3A_1879 = arith.index_cast %select_n3A_130 : i32 to index
      %swap3A_1880 = arith.index_cast %swap3A_1878 : i32 to index
      %swap3A_1881 = arith.constant 32 : index
      %swap3A_1882 = tpu.vector_load %arg11[%swap3A_1879, %swap3A_1880, %swap3A_1881] {strides = array<i32>} : memref<3x40x128xf32, #tpu.memory_space<vmem>>, vector<16xf32>,
      tpu.vector_store %arg11[%swap3A_1879, %swap3A_1880, %swap3A_1881], %mul3A_1877 {strides = array<i32>} : memref<3x40x128xf32, #tpu.memory_space<vmem>>, vector<16xf32>,
      %get3A_1883 = arith.constant 18 : i32
      %get3A_1884 = arith.index_cast %select_n3A_130 : i32 to index
      %get3A_1885 = arith.index_cast %get3A_1883 : i32 to index
      %get3A_1886 = arith.constant 48 : index
      %get3A_1887 = tpu.vector_load %arg11[%get3A_1884, %get3A_1885, %get3A_1886] {strides = array<i32>} : memref<3x40x128xf32, #tpu.memory_space<vmem>>, vector<16xf32>,
      %mul3A_1888 = arith.mulf %get3A_1887, %gather3A_1849 : vector<16xf32>
      %swap3A_1889 = arith.constant 18 : i32
      %swap3A_1890 = arith.index_cast %select_n3A_130 : i32 to index
      %swap3A_1891 = arith.index_cast %swap3A_1889 : i32 to index
      %swap3A_1892 = arith.constant 48 : index
      %swap3A_1893 = tpu.vector_load %arg11[%swap3A_1890, %swap3A_1891, %swap3A_1892] {strides = array<i32>} : memref<3x40x128xf32, #tpu.memory_space<vmem>>, vector<16xf32>,
      tpu.vector_store %arg11[%swap3A_1890, %swap3A_1891, %swap3A_1892], %mul3A_1888 {strides = array<i32>} : memref<3x40x128xf32, #tpu.memory_space<vmem>>, vector<16xf32>,
      %get3A_1894 = arith.constant 18 : i32
      %get3A_1895 = arith.index_cast %select_n3A_130 : i32 to index
      %get3A_1896 = arith.index_cast %get3A_1894 : i32 to index
      %get3A_1897 = arith.constant 64 : index
      %get3A_1898 = tpu.vector_load %arg11[%get3A_1895, %get3A_1896, %get3A_1897] {strides = array<i32>} : memref<3x40x128xf32, #tpu.memory_space<vmem>>, vector<16xf32>,
      %mul3A_1899 = arith.mulf %get3A_1898, %gather3A_1849 : vector<16xf32>
      %swap3A_1900 = arith.constant 18 : i32
      %swap3A_1901 = arith.index_cast %select_n3A_130 : i32 to index
      %swap3A_1902 = arith.index_cast %swap3A_1900 : i32 to index
      %swap3A_1903 = arith.constant 64 : index
      %swap3A_1904 = tpu.vector_load %arg11[%swap3A_1901, %swap3A_1902, %swap3A_1903] {strides = array<i32>} : memref<3x40x128xf32, #tpu.memory_space<vmem>>, vector<16xf32>,
      tpu.vector_store %arg11[%swap3A_1901, %swap3A_1902, %swap3A_1903], %mul3A_1899 {strides = array<i32>} : memref<3x40x128xf32, #tpu.memory_space<vmem>>, vector<16xf32>,
      %get3A_1905 = arith.constant 18 : i32
      %get3A_1906 = arith.index_cast %select_n3A_130 : i32 to index
      %get3A_1907 = arith.index_cast %get3A_1905 : i32 to index
      %get3A_1908 = arith.constant 80 : index
      %get3A_1909 = tpu.vector_load %arg11[%get3A_1906, %get3A_1907, %get3A_1908] {strides = array<i32>} : memref<3x40x128xf32, #tpu.memory_space<vmem>>, vector<16xf32>,
      %mul3A_1910 = arith.mulf %get3A_1909, %gather3A_1849 : vector<16xf32>
      %swap3A_1911 = arith.constant 18 : i32
      %swap3A_1912 = arith.index_cast %select_n3A_130 : i32 to index
      %swap3A_1913 = arith.index_cast %swap3A_1911 : i32 to index
      %swap3A_1914 = arith.constant 80 : index
      %swap3A_1915 = tpu.vector_load %arg11[%swap3A_1912, %swap3A_1913, %swap3A_1914] {strides = array<i32>} : memref<3x40x128xf32, #tpu.memory_space<vmem>>, vector<16xf32>,
      tpu.vector_store %arg11[%swap3A_1912, %swap3A_1913, %swap3A_1914], %mul3A_1910 {strides = array<i32>} : memref<3x40x128xf32, #tpu.memory_space<vmem>>, vector<16xf32>,
      %get3A_1916 = arith.constant 18 : i32
      %get3A_1917 = arith.index_cast %select_n3A_130 : i32 to index
      %get3A_1918 = arith.index_cast %get3A_1916 : i32 to index
      %get3A_1919 = arith.constant 96 : index
      %get3A_1920 = tpu.vector_load %arg11[%get3A_1917, %get3A_1918, %get3A_1919] {strides = array<i32>} : memref<3x40x128xf32, #tpu.memory_space<vmem>>, vector<16xf32>,
      %mul3A_1921 = arith.mulf %get3A_1920, %gather3A_1849 : vector<16xf32>
      %swap3A_1922 = arith.constant 18 : i32
      %swap3A_1923 = arith.index_cast %select_n3A_130 : i32 to index
      %swap3A_1924 = arith.index_cast %swap3A_1922 : i32 to index
      %swap3A_1925 = arith.constant 96 : index
      %swap3A_1926 = tpu.vector_load %arg11[%swap3A_1923, %swap3A_1924, %swap3A_1925] {strides = array<i32>} : memref<3x40x128xf32, #tpu.memory_space<vmem>>, vector<16xf32>,
      tpu.vector_store %arg11[%swap3A_1923, %swap3A_1924, %swap3A_1925], %mul3A_1921 {strides = array<i32>} : memref<3x40x128xf32, #tpu.memory_space<vmem>>, vector<16xf32>,
      %get3A_1927 = arith.constant 18 : i32
      %get3A_1928 = arith.index_cast %select_n3A_130 : i32 to index
      %get3A_1929 = arith.index_cast %get3A_1927 : i32 to index
      %get3A_1930 = arith.constant 112 : index
      %get3A_1931 = tpu.vector_load %arg11[%get3A_1928, %get3A_1929, %get3A_1930] {strides = array<i32>} : memref<3x40x128xf32, #tpu.memory_space<vmem>>, vector<16xf32>,
      %mul3A_1932 = arith.mulf %get3A_1931, %gather3A_1849 : vector<16xf32>
      %swap3A_1933 = arith.constant 18 : i32
      %swap3A_1934 = arith.index_cast %select_n3A_130 : i32 to index
      %swap3A_1935 = arith.index_cast %swap3A_1933 : i32 to index
      %swap3A_1936 = arith.constant 112 : index
      %swap3A_1937 = tpu.vector_load %arg11[%swap3A_1934, %swap3A_1935, %swap3A_1936] {strides = array<i32>} : memref<3x40x128xf32, #tpu.memory_space<vmem>>, vector<16xf32>,
      tpu.vector_store %arg11[%swap3A_1934, %swap3A_1935, %swap3A_1936], %mul3A_1932 {strides = array<i32>} : memref<3x40x128xf32, #tpu.memory_space<vmem>>, vector<16xf32>,
      %broadcast_in_dim3A_1938 = arith.constant 3 : i32
      %broadcast_in_dim3A_1939 = vector.broadcast %broadcast_in_dim3A_1938 : i32 to vector<16x1xi32>
      %gather3A_1940 = vector.shape_cast %broadcast_in_dim3A_1939 : vector<16x1xi32> to vector<16xi32>
      %gather3A_1941 = tpu.dynamic_gather %get3A_1661[%gather3A_1940] in [0] : vector<16xf32>, vector<16xi32> -> vector<16xf32>
      %get3A_1942 = arith.constant 19 : i32
      %get3A_1943 = arith.index_cast %select_n3A_130 : i32 to index
      %get3A_1944 = arith.index_cast %get3A_1942 : i32 to index
      %get3A_1945 = arith.constant 0 : index
      %get3A_1946 = tpu.vector_load %arg11[%get3A_1943, %get3A_1944, %get3A_1945] {strides = array<i32>} : memref<3x40x128xf32, #tpu.memory_space<vmem>>, vector<16xf32>,
      %mul3A_1947 = arith.mulf %get3A_1946, %gather3A_1941 : vector<16xf32>
      %swap3A_1948 = arith.constant 19 : i32
      %swap3A_1949 = arith.index_cast %select_n3A_130 : i32 to index
      %swap3A_1950 = arith.index_cast %swap3A_1948 : i32 to index
      %swap3A_1951 = arith.constant 0 : index
      %swap3A_1952 = tpu.vector_load %arg11[%swap3A_1949, %swap3A_1950, %swap3A_1951] {strides = array<i32>} : memref<3x40x128xf32, #tpu.memory_space<vmem>>, vector<16xf32>,
      tpu.vector_store %arg11[%swap3A_1949, %swap3A_1950, %swap3A_1951], %mul3A_1947 {strides = array<i32>} : memref<3x40x128xf32, #tpu.memory_space<vmem>>, vector<16xf32>,
      %get3A_1953 = arith.constant 19 : i32
      %get3A_1954 = arith.index_cast %select_n3A_130 : i32 to index
      %get3A_1955 = arith.index_cast %get3A_1953 : i32 to index
      %get3A_1956 = arith.constant 16 : index
      %get3A_1957 = tpu.vector_load %arg11[%get3A_1954, %get3A_1955, %get3A_1956] {strides = array<i32>} : memref<3x40x128xf32, #tpu.memory_space<vmem>>, vector<16xf32>,
      %mul3A_1958 = arith.mulf %get3A_1957, %gather3A_1941 : vector<16xf32>
      %swap3A_1959 = arith.constant 19 : i32
      %swap3A_1960 = arith.index_cast %select_n3A_130 : i32 to index
      %swap3A_1961 = arith.index_cast %swap3A_1959 : i32 to index
      %swap3A_1962 = arith.constant 16 : index
      %swap3A_1963 = tpu.vector_load %arg11[%swap3A_1960, %swap3A_1961, %swap3A_1962] {strides = array<i32>} : memref<3x40x128xf32, #tpu.memory_space<vmem>>, vector<16xf32>,
      tpu.vector_store %arg11[%swap3A_1960, %swap3A_1961, %swap3A_1962], %mul3A_1958 {strides = array<i32>} : memref<3x40x128xf32, #tpu.memory_space<vmem>>, vector<16xf32>,
      %get3A_1964 = arith.constant 19 : i32
      %get3A_1965 = arith.index_cast %select_n3A_130 : i32 to index
      %get3A_1966 = arith.index_cast %get3A_1964 : i32 to index
      %get3A_1967 = arith.constant 32 : index
      %get3A_1968 = tpu.vector_load %arg11[%get3A_1965, %get3A_1966, %get3A_1967] {strides = array<i32>} : memref<3x40x128xf32, #tpu.memory_space<vmem>>, vector<16xf32>,
      %mul3A_1969 = arith.mulf %get3A_1968, %gather3A_1941 : vector<16xf32>
      %swap3A_1970 = arith.constant 19 : i32
      %swap3A_1971 = arith.index_cast %select_n3A_130 : i32 to index
      %swap3A_1972 = arith.index_cast %swap3A_1970 : i32 to index
      %swap3A_1973 = arith.constant 32 : index
      %swap3A_1974 = tpu.vector_load %arg11[%swap3A_1971, %swap3A_1972, %swap3A_1973] {strides = array<i32>} : memref<3x40x128xf32, #tpu.memory_space<vmem>>, vector<16xf32>,
      tpu.vector_store %arg11[%swap3A_1971, %swap3A_1972, %swap3A_1973], %mul3A_1969 {strides = array<i32>} : memref<3x40x128xf32, #tpu.memory_space<vmem>>, vector<16xf32>,
      %get3A_1975 = arith.constant 19 : i32
      %get3A_1976 = arith.index_cast %select_n3A_130 : i32 to index
      %get3A_1977 = arith.index_cast %get3A_1975 : i32 to index
      %get3A_1978 = arith.constant 48 : index
      %get3A_1979 = tpu.vector_load %arg11[%get3A_1976, %get3A_1977, %get3A_1978] {strides = array<i32>} : memref<3x40x128xf32, #tpu.memory_space<vmem>>, vector<16xf32>,
      %mul3A_1980 = arith.mulf %get3A_1979, %gather3A_1941 : vector<16xf32>
      %swap3A_1981 = arith.constant 19 : i32
      %swap3A_1982 = arith.index_cast %select_n3A_130 : i32 to index
      %swap3A_1983 = arith.index_cast %swap3A_1981 : i32 to index
      %swap3A_1984 = arith.constant 48 : index
      %swap3A_1985 = tpu.vector_load %arg11[%swap3A_1982, %swap3A_1983, %swap3A_1984] {strides = array<i32>} : memref<3x40x128xf32, #tpu.memory_space<vmem>>, vector<16xf32>,
      tpu.vector_store %arg11[%swap3A_1982, %swap3A_1983, %swap3A_1984], %mul3A_1980 {strides = array<i32>} : memref<3x40x128xf32, #tpu.memory_space<vmem>>, vector<16xf32>,
      %get3A_1986 = arith.constant 19 : i32
      %get3A_1987 = arith.index_cast %select_n3A_130 : i32 to index
      %get3A_1988 = arith.index_cast %get3A_1986 : i32 to index
      %get3A_1989 = arith.constant 64 : index
      %get3A_1990 = tpu.vector_load %arg11[%get3A_1987, %get3A_1988, %get3A_1989] {strides = array<i32>} : memref<3x40x128xf32, #tpu.memory_space<vmem>>, vector<16xf32>,
      %mul3A_1991 = arith.mulf %get3A_1990, %gather3A_1941 : vector<16xf32>
      %swap3A_1992 = arith.constant 19 : i32
      %swap3A_1993 = arith.index_cast %select_n3A_130 : i32 to index
      %swap3A_1994 = arith.index_cast %swap3A_1992 : i32 to index
      %swap3A_1995 = arith.constant 64 : index
      %swap3A_1996 = tpu.vector_load %arg11[%swap3A_1993, %swap3A_1994, %swap3A_1995] {strides = array<i32>} : memref<3x40x128xf32, #tpu.memory_space<vmem>>, vector<16xf32>,
      tpu.vector_store %arg11[%swap3A_1993, %swap3A_1994, %swap3A_1995], %mul3A_1991 {strides = array<i32>} : memref<3x40x128xf32, #tpu.memory_space<vmem>>, vector<16xf32>,
      %get3A_1997 = arith.constant 19 : i32
      %get3A_1998 = arith.index_cast %select_n3A_130 : i32 to index
      %get3A_1999 = arith.index_cast %get3A_1997 : i32 to index
      %get3A_2000 = arith.constant 80 : index
      %get3A_2001 = tpu.vector_load %arg11[%get3A_1998, %get3A_1999, %get3A_2000] {strides = array<i32>} : memref<3x40x128xf32, #tpu.memory_space<vmem>>, vector<16xf32>,
      %mul3A_2002 = arith.mulf %get3A_2001, %gather3A_1941 : vector<16xf32>
      %swap3A_2003 = arith.constant 19 : i32
      %swap3A_2004 = arith.index_cast %select_n3A_130 : i32 to index
      %swap3A_2005 = arith.index_cast %swap3A_2003 : i32 to index
      %swap3A_2006 = arith.constant 80 : index
      %swap3A_2007 = tpu.vector_load %arg11[%swap3A_2004, %swap3A_2005, %swap3A_2006] {strides = array<i32>} : memref<3x40x128xf32, #tpu.memory_space<vmem>>, vector<16xf32>,
      tpu.vector_store %arg11[%swap3A_2004, %swap3A_2005, %swap3A_2006], %mul3A_2002 {strides = array<i32>} : memref<3x40x128xf32, #tpu.memory_space<vmem>>, vector<16xf32>,
      %get3A_2008 = arith.constant 19 : i32
      %get3A_2009 = arith.index_cast %select_n3A_130 : i32 to index
      %get3A_2010 = arith.index_cast %get3A_2008 : i32 to index
      %get3A_2011 = arith.constant 96 : index
      %get3A_2012 = tpu.vector_load %arg11[%get3A_2009, %get3A_2010, %get3A_2011] {strides = array<i32>} : memref<3x40x128xf32, #tpu.memory_space<vmem>>, vector<16xf32>,
      %mul3A_2013 = arith.mulf %get3A_2012, %gather3A_1941 : vector<16xf32>
      %swap3A_2014 = arith.constant 19 : i32
      %swap3A_2015 = arith.index_cast %select_n3A_130 : i32 to index
      %swap3A_2016 = arith.index_cast %swap3A_2014 : i32 to index
      %swap3A_2017 = arith.constant 96 : index
      %swap3A_2018 = tpu.vector_load %arg11[%swap3A_2015, %swap3A_2016, %swap3A_2017] {strides = array<i32>} : memref<3x40x128xf32, #tpu.memory_space<vmem>>, vector<16xf32>,
      tpu.vector_store %arg11[%swap3A_2015, %swap3A_2016, %swap3A_2017], %mul3A_2013 {strides = array<i32>} : memref<3x40x128xf32, #tpu.memory_space<vmem>>, vector<16xf32>,
      %get3A_2019 = arith.constant 19 : i32
      %get3A_2020 = arith.index_cast %select_n3A_130 : i32 to index
      %get3A_2021 = arith.index_cast %get3A_2019 : i32 to index
      %get3A_2022 = arith.constant 112 : index
      %get3A_2023 = tpu.vector_load %arg11[%get3A_2020, %get3A_2021, %get3A_2022] {strides = array<i32>} : memref<3x40x128xf32, #tpu.memory_space<vmem>>, vector<16xf32>,
      %mul3A_2024 = arith.mulf %get3A_2023, %gather3A_1941 : vector<16xf32>
      %swap3A_2025 = arith.constant 19 : i32
      %swap3A_2026 = arith.index_cast %select_n3A_130 : i32 to index
      %swap3A_2027 = arith.index_cast %swap3A_2025 : i32 to index
      %swap3A_2028 = arith.constant 112 : index
      %swap3A_2029 = tpu.vector_load %arg11[%swap3A_2026, %swap3A_2027, %swap3A_2028] {strides = array<i32>} : memref<3x40x128xf32, #tpu.memory_space<vmem>>, vector<16xf32>,
      tpu.vector_store %arg11[%swap3A_2026, %swap3A_2027, %swap3A_2028], %mul3A_2024 {strides = array<i32>} : memref<3x40x128xf32, #tpu.memory_space<vmem>>, vector<16xf32>,
      %broadcast_in_dim3A_2030 = arith.constant 4 : i32
      %broadcast_in_dim3A_2031 = vector.broadcast %broadcast_in_dim3A_2030 : i32 to vector<16x1xi32>
      %gather3A_2032 = vector.shape_cast %broadcast_in_dim3A_2031 : vector<16x1xi32> to vector<16xi32>
      %gather3A_2033 = tpu.dynamic_gather %get3A_1661[%gather3A_2032] in [0] : vector<16xf32>, vector<16xi32> -> vector<16xf32>
      %get3A_2034 = arith.constant 20 : i32
      %get3A_2035 = arith.index_cast %select_n3A_130 : i32 to index
      %get3A_2036 = arith.index_cast %get3A_2034 : i32 to index
      %get3A_2037 = arith.constant 0 : index
      %get3A_2038 = tpu.vector_load %arg11[%get3A_2035, %get3A_2036, %get3A_2037] {strides = array<i32>} : memref<3x40x128xf32, #tpu.memory_space<vmem>>, vector<16xf32>,
      %mul3A_2039 = arith.mulf %get3A_2038, %gather3A_2033 : vector<16xf32>
      %swap3A_2040 = arith.constant 20 : i32
      %swap3A_2041 = arith.index_cast %select_n3A_130 : i32 to index
      %swap3A_2042 = arith.index_cast %swap3A_2040 : i32 to index
      %swap3A_2043 = arith.constant 0 : index
      %swap3A_2044 = tpu.vector_load %arg11[%swap3A_2041, %swap3A_2042, %swap3A_2043] {strides = array<i32>} : memref<3x40x128xf32, #tpu.memory_space<vmem>>, vector<16xf32>,
      tpu.vector_store %arg11[%swap3A_2041, %swap3A_2042, %swap3A_2043], %mul3A_2039 {strides = array<i32>} : memref<3x40x128xf32, #tpu.memory_space<vmem>>, vector<16xf32>,
      %get3A_2045 = arith.constant 20 : i32
      %get3A_2046 = arith.index_cast %select_n3A_130 : i32 to index
      %get3A_2047 = arith.index_cast %get3A_2045 : i32 to index
      %get3A_2048 = arith.constant 16 : index
      %get3A_2049 = tpu.vector_load %arg11[%get3A_2046, %get3A_2047, %get3A_2048] {strides = array<i32>} : memref<3x40x128xf32, #tpu.memory_space<vmem>>, vector<16xf32>,
      %mul3A_2050 = arith.mulf %get3A_2049, %gather3A_2033 : vector<16xf32>
      %swap3A_2051 = arith.constant 20 : i32
      %swap3A_2052 = arith.index_cast %select_n3A_130 : i32 to index
      %swap3A_2053 = arith.index_cast %swap3A_2051 : i32 to index
      %swap3A_2054 = arith.constant 16 : index
      %swap3A_2055 = tpu.vector_load %arg11[%swap3A_2052, %swap3A_2053, %swap3A_2054] {strides = array<i32>} : memref<3x40x128xf32, #tpu.memory_space<vmem>>, vector<16xf32>,
      tpu.vector_store %arg11[%swap3A_2052, %swap3A_2053, %swap3A_2054], %mul3A_2050 {strides = array<i32>} : memref<3x40x128xf32, #tpu.memory_space<vmem>>, vector<16xf32>,
      %get3A_2056 = arith.constant 20 : i32
      %get3A_2057 = arith.index_cast %select_n3A_130 : i32 to index
      %get3A_2058 = arith.index_cast %get3A_2056 : i32 to index
      %get3A_2059 = arith.constant 32 : index
      %get3A_2060 = tpu.vector_load %arg11[%get3A_2057, %get3A_2058, %get3A_2059] {strides = array<i32>} : memref<3x40x128xf32, #tpu.memory_space<vmem>>, vector<16xf32>,
      %mul3A_2061 = arith.mulf %get3A_2060, %gather3A_2033 : vector<16xf32>
      %swap3A_2062 = arith.constant 20 : i32
      %swap3A_2063 = arith.index_cast %select_n3A_130 : i32 to index
      %swap3A_2064 = arith.index_cast %swap3A_2062 : i32 to index
      %swap3A_2065 = arith.constant 32 : index
      %swap3A_2066 = tpu.vector_load %arg11[%swap3A_2063, %swap3A_2064, %swap3A_2065] {strides = array<i32>} : memref<3x40x128xf32, #tpu.memory_space<vmem>>, vector<16xf32>,
      tpu.vector_store %arg11[%swap3A_2063, %swap3A_2064, %swap3A_2065], %mul3A_2061 {strides = array<i32>} : memref<3x40x128xf32, #tpu.memory_space<vmem>>, vector<16xf32>,
      %get3A_2067 = arith.constant 20 : i32
      %get3A_2068 = arith.index_cast %select_n3A_130 : i32 to index
      %get3A_2069 = arith.index_cast %get3A_2067 : i32 to index
      %get3A_2070 = arith.constant 48 : index
      %get3A_2071 = tpu.vector_load %arg11[%get3A_2068, %get3A_2069, %get3A_2070] {strides = array<i32>} : memref<3x40x128xf32, #tpu.memory_space<vmem>>, vector<16xf32>,
      %mul3A_2072 = arith.mulf %get3A_2071, %gather3A_2033 : vector<16xf32>
      %swap3A_2073 = arith.constant 20 : i32
      %swap3A_2074 = arith.index_cast %select_n3A_130 : i32 to index
      %swap3A_2075 = arith.index_cast %swap3A_2073 : i32 to index
      %swap3A_2076 = arith.constant 48 : index
      %swap3A_2077 = tpu.vector_load %arg11[%swap3A_2074, %swap3A_2075, %swap3A_2076] {strides = array<i32>} : memref<3x40x128xf32, #tpu.memory_space<vmem>>, vector<16xf32>,
      tpu.vector_store %arg11[%swap3A_2074, %swap3A_2075, %swap3A_2076], %mul3A_2072 {strides = array<i32>} : memref<3x40x128xf32, #tpu.memory_space<vmem>>, vector<16xf32>,
      %get3A_2078 = arith.constant 20 : i32
      %get3A_2079 = arith.index_cast %select_n3A_130 : i32 to index
      %get3A_2080 = arith.index_cast %get3A_2078 : i32 to index
      %get3A_2081 = arith.constant 64 : index
      %get3A_2082 = tpu.vector_load %arg11[%get3A_2079, %get3A_2080, %get3A_2081] {strides = array<i32>} : memref<3x40x128xf32, #tpu.memory_space<vmem>>, vector<16xf32>,
      %mul3A_2083 = arith.mulf %get3A_2082, %gather3A_2033 : vector<16xf32>
      %swap3A_2084 = arith.constant 20 : i32
      %swap3A_2085 = arith.index_cast %select_n3A_130 : i32 to index
      %swap3A_2086 = arith.index_cast %swap3A_2084 : i32 to index
      %swap3A_2087 = arith.constant 64 : index
      %swap3A_2088 = tpu.vector_load %arg11[%swap3A_2085, %swap3A_2086, %swap3A_2087] {strides = array<i32>} : memref<3x40x128xf32, #tpu.memory_space<vmem>>, vector<16xf32>,
      tpu.vector_store %arg11[%swap3A_2085, %swap3A_2086, %swap3A_2087], %mul3A_2083 {strides = array<i32>} : memref<3x40x128xf32, #tpu.memory_space<vmem>>, vector<16xf32>,
      %get3A_2089 = arith.constant 20 : i32
      %get3A_2090 = arith.index_cast %select_n3A_130 : i32 to index
      %get3A_2091 = arith.index_cast %get3A_2089 : i32 to index
      %get3A_2092 = arith.constant 80 : index
      %get3A_2093 = tpu.vector_load %arg11[%get3A_2090, %get3A_2091, %get3A_2092] {strides = array<i32>} : memref<3x40x128xf32, #tpu.memory_space<vmem>>, vector<16xf32>,
      %mul3A_2094 = arith.mulf %get3A_2093, %gather3A_2033 : vector<16xf32>
      %swap3A_2095 = arith.constant 20 : i32
      %swap3A_2096 = arith.index_cast %select_n3A_130 : i32 to index
      %swap3A_2097 = arith.index_cast %swap3A_2095 : i32 to index
      %swap3A_2098 = arith.constant 80 : index
      %swap3A_2099 = tpu.vector_load %arg11[%swap3A_2096, %swap3A_2097, %swap3A_2098] {strides = array<i32>} : memref<3x40x128xf32, #tpu.memory_space<vmem>>, vector<16xf32>,
      tpu.vector_store %arg11[%swap3A_2096, %swap3A_2097, %swap3A_2098], %mul3A_2094 {strides = array<i32>} : memref<3x40x128xf32, #tpu.memory_space<vmem>>, vector<16xf32>,
      %get3A_2100 = arith.constant 20 : i32
      %get3A_2101 = arith.index_cast %select_n3A_130 : i32 to index
      %get3A_2102 = arith.index_cast %get3A_2100 : i32 to index
      %get3A_2103 = arith.constant 96 : index
      %get3A_2104 = tpu.vector_load %arg11[%get3A_2101, %get3A_2102, %get3A_2103] {strides = array<i32>} : memref<3x40x128xf32, #tpu.memory_space<vmem>>, vector<16xf32>,
      %mul3A_2105 = arith.mulf %get3A_2104, %gather3A_2033 : vector<16xf32>
      %swap3A_2106 = arith.constant 20 : i32
      %swap3A_2107 = arith.index_cast %select_n3A_130 : i32 to index
      %swap3A_2108 = arith.index_cast %swap3A_2106 : i32 to index
      %swap3A_2109 = arith.constant 96 : index
      %swap3A_2110 = tpu.vector_load %arg11[%swap3A_2107, %swap3A_2108, %swap3A_2109] {strides = array<i32>} : memref<3x40x128xf32, #tpu.memory_space<vmem>>, vector<16xf32>,
      tpu.vector_store %arg11[%swap3A_2107, %swap3A_2108, %swap3A_2109], %mul3A_2105 {strides = array<i32>} : memref<3x40x128xf32, #tpu.memory_space<vmem>>, vector<16xf32>,
      %get3A_2111 = arith.constant 20 : i32
      %get3A_2112 = arith.index_cast %select_n3A_130 : i32 to index
      %get3A_2113 = arith.index_cast %get3A_2111 : i32 to index
      %get3A_2114 = arith.constant 112 : index
      %get3A_2115 = tpu.vector_load %arg11[%get3A_2112, %get3A_2113, %get3A_2114] {strides = array<i32>} : memref<3x40x128xf32, #tpu.memory_space<vmem>>, vector<16xf32>,
      %mul3A_2116 = arith.mulf %get3A_2115, %gather3A_2033 : vector<16xf32>
      %swap3A_2117 = arith.constant 20 : i32
      %swap3A_2118 = arith.index_cast %select_n3A_130 : i32 to index
      %swap3A_2119 = arith.index_cast %swap3A_2117 : i32 to index
      %swap3A_2120 = arith.constant 112 : index
      %swap3A_2121 = tpu.vector_load %arg11[%swap3A_2118, %swap3A_2119, %swap3A_2120] {strides = array<i32>} : memref<3x40x128xf32, #tpu.memory_space<vmem>>, vector<16xf32>,
      tpu.vector_store %arg11[%swap3A_2118, %swap3A_2119, %swap3A_2120], %mul3A_2116 {strides = array<i32>} : memref<3x40x128xf32, #tpu.memory_space<vmem>>, vector<16xf32>,
      %broadcast_in_dim3A_2122 = arith.constant 5 : i32
      %broadcast_in_dim3A_2123 = vector.broadcast %broadcast_in_dim3A_2122 : i32 to vector<16x1xi32>
      %gather3A_2124 = vector.shape_cast %broadcast_in_dim3A_2123 : vector<16x1xi32> to vector<16xi32>
      %gather3A_2125 = tpu.dynamic_gather %get3A_1661[%gather3A_2124] in [0] : vector<16xf32>, vector<16xi32> -> vector<16xf32>
      %get3A_2126 = arith.constant 21 : i32
      %get3A_2127 = arith.index_cast %select_n3A_130 : i32 to index
      %get3A_2128 = arith.index_cast %get3A_2126 : i32 to index
      %get3A_2129 = arith.constant 0 : index
      %get3A_2130 = tpu.vector_load %arg11[%get3A_2127, %get3A_2128, %get3A_2129] {strides = array<i32>} : memref<3x40x128xf32, #tpu.memory_space<vmem>>, vector<16xf32>,
      %mul3A_2131 = arith.mulf %get3A_2130, %gather3A_2125 : vector<16xf32>
      %swap3A_2132 = arith.constant 21 : i32
      %swap3A_2133 = arith.index_cast %select_n3A_130 : i32 to index
      %swap3A_2134 = arith.index_cast %swap3A_2132 : i32 to index
      %swap3A_2135 = arith.constant 0 : index
      %swap3A_2136 = tpu.vector_load %arg11[%swap3A_2133, %swap3A_2134, %swap3A_2135] {strides = array<i32>} : memref<3x40x128xf32, #tpu.memory_space<vmem>>, vector<16xf32>,
      tpu.vector_store %arg11[%swap3A_2133, %swap3A_2134, %swap3A_2135], %mul3A_2131 {strides = array<i32>} : memref<3x40x128xf32, #tpu.memory_space<vmem>>, vector<16xf32>,
      %get3A_2137 = arith.constant 21 : i32
      %get3A_2138 = arith.index_cast %select_n3A_130 : i32 to index
      %get3A_2139 = arith.index_cast %get3A_2137 : i32 to index
      %get3A_2140 = arith.constant 16 : index
      %get3A_2141 = tpu.vector_load %arg11[%get3A_2138, %get3A_2139, %get3A_2140] {strides = array<i32>} : memref<3x40x128xf32, #tpu.memory_space<vmem>>, vector<16xf32>,
      %mul3A_2142 = arith.mulf %get3A_2141, %gather3A_2125 : vector<16xf32>
      %swap3A_2143 = arith.constant 21 : i32
      %swap3A_2144 = arith.index_cast %select_n3A_130 : i32 to index
      %swap3A_2145 = arith.index_cast %swap3A_2143 : i32 to index
      %swap3A_2146 = arith.constant 16 : index
      %swap3A_2147 = tpu.vector_load %arg11[%swap3A_2144, %swap3A_2145, %swap3A_2146] {strides = array<i32>} : memref<3x40x128xf32, #tpu.memory_space<vmem>>, vector<16xf32>,
      tpu.vector_store %arg11[%swap3A_2144, %swap3A_2145, %swap3A_2146], %mul3A_2142 {strides = array<i32>} : memref<3x40x128xf32, #tpu.memory_space<vmem>>, vector<16xf32>,
      %get3A_2148 = arith.constant 21 : i32
      %get3A_2149 = arith.index_cast %select_n3A_130 : i32 to index
      %get3A_2150 = arith.index_cast %get3A_2148 : i32 to index
      %get3A_2151 = arith.constant 32 : index
      %get3A_2152 = tpu.vector_load %arg11[%get3A_2149, %get3A_2150, %get3A_2151] {strides = array<i32>} : memref<3x40x128xf32, #tpu.memory_space<vmem>>, vector<16xf32>,
      %mul3A_2153 = arith.mulf %get3A_2152, %gather3A_2125 : vector<16xf32>
      %swap3A_2154 = arith.constant 21 : i32
      %swap3A_2155 = arith.index_cast %select_n3A_130 : i32 to index
      %swap3A_2156 = arith.index_cast %swap3A_2154 : i32 to index
      %swap3A_2157 = arith.constant 32 : index
      %swap3A_2158 = tpu.vector_load %arg11[%swap3A_2155, %swap3A_2156, %swap3A_2157] {strides = array<i32>} : memref<3x40x128xf32, #tpu.memory_space<vmem>>, vector<16xf32>,
      tpu.vector_store %arg11[%swap3A_2155, %swap3A_2156, %swap3A_2157], %mul3A_2153 {strides = array<i32>} : memref<3x40x128xf32, #tpu.memory_space<vmem>>, vector<16xf32>,
      %get3A_2159 = arith.constant 21 : i32
      %get3A_2160 = arith.index_cast %select_n3A_130 : i32 to index
      %get3A_2161 = arith.index_cast %get3A_2159 : i32 to index
      %get3A_2162 = arith.constant 48 : index
      %get3A_2163 = tpu.vector_load %arg11[%get3A_2160, %get3A_2161, %get3A_2162] {strides = array<i32>} : memref<3x40x128xf32, #tpu.memory_space<vmem>>, vector<16xf32>,
      %mul3A_2164 = arith.mulf %get3A_2163, %gather3A_2125 : vector<16xf32>
      %swap3A_2165 = arith.constant 21 : i32
      %swap3A_2166 = arith.index_cast %select_n3A_130 : i32 to index
      %swap3A_2167 = arith.index_cast %swap3A_2165 : i32 to index
      %swap3A_2168 = arith.constant 48 : index
      %swap3A_2169 = tpu.vector_load %arg11[%swap3A_2166, %swap3A_2167, %swap3A_2168] {strides = array<i32>} : memref<3x40x128xf32, #tpu.memory_space<vmem>>, vector<16xf32>,
      tpu.vector_store %arg11[%swap3A_2166, %swap3A_2167, %swap3A_2168], %mul3A_2164 {strides = array<i32>} : memref<3x40x128xf32, #tpu.memory_space<vmem>>, vector<16xf32>,
      %get3A_2170 = arith.constant 21 : i32
      %get3A_2171 = arith.index_cast %select_n3A_130 : i32 to index
      %get3A_2172 = arith.index_cast %get3A_2170 : i32 to index
      %get3A_2173 = arith.constant 64 : index
      %get3A_2174 = tpu.vector_load %arg11[%get3A_2171, %get3A_2172, %get3A_2173] {strides = array<i32>} : memref<3x40x128xf32, #tpu.memory_space<vmem>>, vector<16xf32>,
      %mul3A_2175 = arith.mulf %get3A_2174, %gather3A_2125 : vector<16xf32>
      %swap3A_2176 = arith.constant 21 : i32
      %swap3A_2177 = arith.index_cast %select_n3A_130 : i32 to index
      %swap3A_2178 = arith.index_cast %swap3A_2176 : i32 to index
      %swap3A_2179 = arith.constant 64 : index
      %swap3A_2180 = tpu.vector_load %arg11[%swap3A_2177, %swap3A_2178, %swap3A_2179] {strides = array<i32>} : memref<3x40x128xf32, #tpu.memory_space<vmem>>, vector<16xf32>,
      tpu.vector_store %arg11[%swap3A_2177, %swap3A_2178, %swap3A_2179], %mul3A_2175 {strides = array<i32>} : memref<3x40x128xf32, #tpu.memory_space<vmem>>, vector<16xf32>,
      %get3A_2181 = arith.constant 21 : i32
      %get3A_2182 = arith.index_cast %select_n3A_130 : i32 to index
      %get3A_2183 = arith.index_cast %get3A_2181 : i32 to index
      %get3A_2184 = arith.constant 80 : index
      %get3A_2185 = tpu.vector_load %arg11[%get3A_2182, %get3A_2183, %get3A_2184] {strides = array<i32>} : memref<3x40x128xf32, #tpu.memory_space<vmem>>, vector<16xf32>,
      %mul3A_2186 = arith.mulf %get3A_2185, %gather3A_2125 : vector<16xf32>
      %swap3A_2187 = arith.constant 21 : i32
      %swap3A_2188 = arith.index_cast %select_n3A_130 : i32 to index
      %swap3A_2189 = arith.index_cast %swap3A_2187 : i32 to index
      %swap3A_2190 = arith.constant 80 : index
      %swap3A_2191 = tpu.vector_load %arg11[%swap3A_2188, %swap3A_2189, %swap3A_2190] {strides = array<i32>} : memref<3x40x128xf32, #tpu.memory_space<vmem>>, vector<16xf32>,
      tpu.vector_store %arg11[%swap3A_2188, %swap3A_2189, %swap3A_2190], %mul3A_2186 {strides = array<i32>} : memref<3x40x128xf32, #tpu.memory_space<vmem>>, vector<16xf32>,
      %get3A_2192 = arith.constant 21 : i32
      %get3A_2193 = arith.index_cast %select_n3A_130 : i32 to index
      %get3A_2194 = arith.index_cast %get3A_2192 : i32 to index
      %get3A_2195 = arith.constant 96 : index
      %get3A_2196 = tpu.vector_load %arg11[%get3A_2193, %get3A_2194, %get3A_2195] {strides = array<i32>} : memref<3x40x128xf32, #tpu.memory_space<vmem>>, vector<16xf32>,
      %mul3A_2197 = arith.mulf %get3A_2196, %gather3A_2125 : vector<16xf32>
      %swap3A_2198 = arith.constant 21 : i32
      %swap3A_2199 = arith.index_cast %select_n3A_130 : i32 to index
      %swap3A_2200 = arith.index_cast %swap3A_2198 : i32 to index
      %swap3A_2201 = arith.constant 96 : index
      %swap3A_2202 = tpu.vector_load %arg11[%swap3A_2199, %swap3A_2200, %swap3A_2201] {strides = array<i32>} : memref<3x40x128xf32, #tpu.memory_space<vmem>>, vector<16xf32>,
      tpu.vector_store %arg11[%swap3A_2199, %swap3A_2200, %swap3A_2201], %mul3A_2197 {strides = array<i32>} : memref<3x40x128xf32, #tpu.memory_space<vmem>>, vector<16xf32>,
      %get3A_2203 = arith.constant 21 : i32
      %get3A_2204 = arith.index_cast %select_n3A_130 : i32 to index
      %get3A_2205 = arith.index_cast %get3A_2203 : i32 to index
      %get3A_2206 = arith.constant 112 : index
      %get3A_2207 = tpu.vector_load %arg11[%get3A_2204, %get3A_2205, %get3A_2206] {strides = array<i32>} : memref<3x40x128xf32, #tpu.memory_space<vmem>>, vector<16xf32>,
      %mul3A_2208 = arith.mulf %get3A_2207, %gather3A_2125 : vector<16xf32>
      %swap3A_2209 = arith.constant 21 : i32
      %swap3A_2210 = arith.index_cast %select_n3A_130 : i32 to index
      %swap3A_2211 = arith.index_cast %swap3A_2209 : i32 to index
      %swap3A_2212 = arith.constant 112 : index
      %swap3A_2213 = tpu.vector_load %arg11[%swap3A_2210, %swap3A_2211, %swap3A_2212] {strides = array<i32>} : memref<3x40x128xf32, #tpu.memory_space<vmem>>, vector<16xf32>,
      tpu.vector_store %arg11[%swap3A_2210, %swap3A_2211, %swap3A_2212], %mul3A_2208 {strides = array<i32>} : memref<3x40x128xf32, #tpu.memory_space<vmem>>, vector<16xf32>,
      %broadcast_in_dim3A_2214 = arith.constant 6 : i32
      %broadcast_in_dim3A_2215 = vector.broadcast %broadcast_in_dim3A_2214 : i32 to vector<16x1xi32>
      %gather3A_2216 = vector.shape_cast %broadcast_in_dim3A_2215 : vector<16x1xi32> to vector<16xi32>
      %gather3A_2217 = tpu.dynamic_gather %get3A_1661[%gather3A_2216] in [0] : vector<16xf32>, vector<16xi32> -> vector<16xf32>
      %get3A_2218 = arith.constant 22 : i32
      %get3A_2219 = arith.index_cast %select_n3A_130 : i32 to index
      %get3A_2220 = arith.index_cast %get3A_2218 : i32 to index
      %get3A_2221 = arith.constant 0 : index
      %get3A_2222 = tpu.vector_load %arg11[%get3A_2219, %get3A_2220, %get3A_2221] {strides = array<i32>} : memref<3x40x128xf32, #tpu.memory_space<vmem>>, vector<16xf32>,
      %mul3A_2223 = arith.mulf %get3A_2222, %gather3A_2217 : vector<16xf32>
      %swap3A_2224 = arith.constant 22 : i32
      %swap3A_2225 = arith.index_cast %select_n3A_130 : i32 to index
      %swap3A_2226 = arith.index_cast %swap3A_2224 : i32 to index
      %swap3A_2227 = arith.constant 0 : index
      %swap3A_2228 = tpu.vector_load %arg11[%swap3A_2225, %swap3A_2226, %swap3A_2227] {strides = array<i32>} : memref<3x40x128xf32, #tpu.memory_space<vmem>>, vector<16xf32>,
      tpu.vector_store %arg11[%swap3A_2225, %swap3A_2226, %swap3A_2227], %mul3A_2223 {strides = array<i32>} : memref<3x40x128xf32, #tpu.memory_space<vmem>>, vector<16xf32>,
      %get3A_2229 = arith.constant 22 : i32
      %get3A_2230 = arith.index_cast %select_n3A_130 : i32 to index
      %get3A_2231 = arith.index_cast %get3A_2229 : i32 to index
      %get3A_2232 = arith.constant 16 : index
      %get3A_2233 = tpu.vector_load %arg11[%get3A_2230, %get3A_2231, %get3A_2232] {strides = array<i32>} : memref<3x40x128xf32, #tpu.memory_space<vmem>>, vector<16xf32>,
      %mul3A_2234 = arith.mulf %get3A_2233, %gather3A_2217 : vector<16xf32>
      %swap3A_2235 = arith.constant 22 : i32
      %swap3A_2236 = arith.index_cast %select_n3A_130 : i32 to index
      %swap3A_2237 = arith.index_cast %swap3A_2235 : i32 to index
      %swap3A_2238 = arith.constant 16 : index
      %swap3A_2239 = tpu.vector_load %arg11[%swap3A_2236, %swap3A_2237, %swap3A_2238] {strides = array<i32>} : memref<3x40x128xf32, #tpu.memory_space<vmem>>, vector<16xf32>,
      tpu.vector_store %arg11[%swap3A_2236, %swap3A_2237, %swap3A_2238], %mul3A_2234 {strides = array<i32>} : memref<3x40x128xf32, #tpu.memory_space<vmem>>, vector<16xf32>,
      %get3A_2240 = arith.constant 22 : i32
      %get3A_2241 = arith.index_cast %select_n3A_130 : i32 to index
      %get3A_2242 = arith.index_cast %get3A_2240 : i32 to index
      %get3A_2243 = arith.constant 32 : index
      %get3A_2244 = tpu.vector_load %arg11[%get3A_2241, %get3A_2242, %get3A_2243] {strides = array<i32>} : memref<3x40x128xf32, #tpu.memory_space<vmem>>, vector<16xf32>,
      %mul3A_2245 = arith.mulf %get3A_2244, %gather3A_2217 : vector<16xf32>
      %swap3A_2246 = arith.constant 22 : i32
      %swap3A_2247 = arith.index_cast %select_n3A_130 : i32 to index
      %swap3A_2248 = arith.index_cast %swap3A_2246 : i32 to index
      %swap3A_2249 = arith.constant 32 : index
      %swap3A_2250 = tpu.vector_load %arg11[%swap3A_2247, %swap3A_2248, %swap3A_2249] {strides = array<i32>} : memref<3x40x128xf32, #tpu.memory_space<vmem>>, vector<16xf32>,
      tpu.vector_store %arg11[%swap3A_2247, %swap3A_2248, %swap3A_2249], %mul3A_2245 {strides = array<i32>} : memref<3x40x128xf32, #tpu.memory_space<vmem>>, vector<16xf32>,
      %get3A_2251 = arith.constant 22 : i32
      %get3A_2252 = arith.index_cast %select_n3A_130 : i32 to index
      %get3A_2253 = arith.index_cast %get3A_2251 : i32 to index
      %get3A_2254 = arith.constant 48 : index
      %get3A_2255 = tpu.vector_load %arg11[%get3A_2252, %get3A_2253, %get3A_2254] {strides = array<i32>} : memref<3x40x128xf32, #tpu.memory_space<vmem>>, vector<16xf32>,
      %mul3A_2256 = arith.mulf %get3A_2255, %gather3A_2217 : vector<16xf32>
      %swap3A_2257 = arith.constant 22 : i32
      %swap3A_2258 = arith.index_cast %select_n3A_130 : i32 to index
      %swap3A_2259 = arith.index_cast %swap3A_2257 : i32 to index
      %swap3A_2260 = arith.constant 48 : index
      %swap3A_2261 = tpu.vector_load %arg11[%swap3A_2258, %swap3A_2259, %swap3A_2260] {strides = array<i32>} : memref<3x40x128xf32, #tpu.memory_space<vmem>>, vector<16xf32>,
      tpu.vector_store %arg11[%swap3A_2258, %swap3A_2259, %swap3A_2260], %mul3A_2256 {strides = array<i32>} : memref<3x40x128xf32, #tpu.memory_space<vmem>>, vector<16xf32>,
      %get3A_2262 = arith.constant 22 : i32
      %get3A_2263 = arith.index_cast %select_n3A_130 : i32 to index
      %get3A_2264 = arith.index_cast %get3A_2262 : i32 to index
      %get3A_2265 = arith.constant 64 : index
      %get3A_2266 = tpu.vector_load %arg11[%get3A_2263, %get3A_2264, %get3A_2265] {strides = array<i32>} : memref<3x40x128xf32, #tpu.memory_space<vmem>>, vector<16xf32>,
      %mul3A_2267 = arith.mulf %get3A_2266, %gather3A_2217 : vector<16xf32>
      %swap3A_2268 = arith.constant 22 : i32
      %swap3A_2269 = arith.index_cast %select_n3A_130 : i32 to index
      %swap3A_2270 = arith.index_cast %swap3A_2268 : i32 to index
      %swap3A_2271 = arith.constant 64 : index
      %swap3A_2272 = tpu.vector_load %arg11[%swap3A_2269, %swap3A_2270, %swap3A_2271] {strides = array<i32>} : memref<3x40x128xf32, #tpu.memory_space<vmem>>, vector<16xf32>,
      tpu.vector_store %arg11[%swap3A_2269, %swap3A_2270, %swap3A_2271], %mul3A_2267 {strides = array<i32>} : memref<3x40x128xf32, #tpu.memory_space<vmem>>, vector<16xf32>,
      %get3A_2273 = arith.constant 22 : i32
      %get3A_2274 = arith.index_cast %select_n3A_130 : i32 to index
      %get3A_2275 = arith.index_cast %get3A_2273 : i32 to index
      %get3A_2276 = arith.constant 80 : index
      %get3A_2277 = tpu.vector_load %arg11[%get3A_2274, %get3A_2275, %get3A_2276] {strides = array<i32>} : memref<3x40x128xf32, #tpu.memory_space<vmem>>, vector<16xf32>,
      %mul3A_2278 = arith.mulf %get3A_2277, %gather3A_2217 : vector<16xf32>
      %swap3A_2279 = arith.constant 22 : i32
      %swap3A_2280 = arith.index_cast %select_n3A_130 : i32 to index
      %swap3A_2281 = arith.index_cast %swap3A_2279 : i32 to index
      %swap3A_2282 = arith.constant 80 : index
      %swap3A_2283 = tpu.vector_load %arg11[%swap3A_2280, %swap3A_2281, %swap3A_2282] {strides = array<i32>} : memref<3x40x128xf32, #tpu.memory_space<vmem>>, vector<16xf32>,
      tpu.vector_store %arg11[%swap3A_2280, %swap3A_2281, %swap3A_2282], %mul3A_2278 {strides = array<i32>} : memref<3x40x128xf32, #tpu.memory_space<vmem>>, vector<16xf32>,
      %get3A_2284 = arith.constant 22 : i32
      %get3A_2285 = arith.index_cast %select_n3A_130 : i32 to index
      %get3A_2286 = arith.index_cast %get3A_2284 : i32 to index
      %get3A_2287 = arith.constant 96 : index
      %get3A_2288 = tpu.vector_load %arg11[%get3A_2285, %get3A_2286, %get3A_2287] {strides = array<i32>} : memref<3x40x128xf32, #tpu.memory_space<vmem>>, vector<16xf32>,
      %mul3A_2289 = arith.mulf %get3A_2288, %gather3A_2217 : vector<16xf32>
      %swap3A_2290 = arith.constant 22 : i32
      %swap3A_2291 = arith.index_cast %select_n3A_130 : i32 to index
      %swap3A_2292 = arith.index_cast %swap3A_2290 : i32 to index
      %swap3A_2293 = arith.constant 96 : index
      %swap3A_2294 = tpu.vector_load %arg11[%swap3A_2291, %swap3A_2292, %swap3A_2293] {strides = array<i32>} : memref<3x40x128xf32, #tpu.memory_space<vmem>>, vector<16xf32>,
      tpu.vector_store %arg11[%swap3A_2291, %swap3A_2292, %swap3A_2293], %mul3A_2289 {strides = array<i32>} : memref<3x40x128xf32, #tpu.memory_space<vmem>>, vector<16xf32>,
      %get3A_2295 = arith.constant 22 : i32
      %get3A_2296 = arith.index_cast %select_n3A_130 : i32 to index
      %get3A_2297 = arith.index_cast %get3A_2295 : i32 to index
      %get3A_2298 = arith.constant 112 : index
      %get3A_2299 = tpu.vector_load %arg11[%get3A_2296, %get3A_2297, %get3A_2298] {strides = array<i32>} : memref<3x40x128xf32, #tpu.memory_space<vmem>>, vector<16xf32>,
      %mul3A_2300 = arith.mulf %get3A_2299, %gather3A_2217 : vector<16xf32>
      %swap3A_2301 = arith.constant 22 : i32
      %swap3A_2302 = arith.index_cast %select_n3A_130 : i32 to index
      %swap3A_2303 = arith.index_cast %swap3A_2301 : i32 to index
      %swap3A_2304 = arith.constant 112 : index
      %swap3A_2305 = tpu.vector_load %arg11[%swap3A_2302, %swap3A_2303, %swap3A_2304] {strides = array<i32>} : memref<3x40x128xf32, #tpu.memory_space<vmem>>, vector<16xf32>,
      tpu.vector_store %arg11[%swap3A_2302, %swap3A_2303, %swap3A_2304], %mul3A_2300 {strides = array<i32>} : memref<3x40x128xf32, #tpu.memory_space<vmem>>, vector<16xf32>,
      %broadcast_in_dim3A_2306 = arith.constant 7 : i32
      %broadcast_in_dim3A_2307 = vector.broadcast %broadcast_in_dim3A_2306 : i32 to vector<16x1xi32>
      %gather3A_2308 = vector.shape_cast %broadcast_in_dim3A_2307 : vector<16x1xi32> to vector<16xi32>
      %gather3A_2309 = tpu.dynamic_gather %get3A_1661[%gather3A_2308] in [0] : vector<16xf32>, vector<16xi32> -> vector<16xf32>
      %get3A_2310 = arith.constant 23 : i32
      %get3A_2311 = arith.index_cast %select_n3A_130 : i32 to index
      %get3A_2312 = arith.index_cast %get3A_2310 : i32 to index
      %get3A_2313 = arith.constant 0 : index
      %get3A_2314 = tpu.vector_load %arg11[%get3A_2311, %get3A_2312, %get3A_2313] {strides = array<i32>} : memref<3x40x128xf32, #tpu.memory_space<vmem>>, vector<16xf32>,
      %mul3A_2315 = arith.mulf %get3A_2314, %gather3A_2309 : vector<16xf32>
      %swap3A_2316 = arith.constant 23 : i32
      %swap3A_2317 = arith.index_cast %select_n3A_130 : i32 to index
      %swap3A_2318 = arith.index_cast %swap3A_2316 : i32 to index
      %swap3A_2319 = arith.constant 0 : index
      %swap3A_2320 = tpu.vector_load %arg11[%swap3A_2317, %swap3A_2318, %swap3A_2319] {strides = array<i32>} : memref<3x40x128xf32, #tpu.memory_space<vmem>>, vector<16xf32>,
      tpu.vector_store %arg11[%swap3A_2317, %swap3A_2318, %swap3A_2319], %mul3A_2315 {strides = array<i32>} : memref<3x40x128xf32, #tpu.memory_space<vmem>>, vector<16xf32>,
      %get3A_2321 = arith.constant 23 : i32
      %get3A_2322 = arith.index_cast %select_n3A_130 : i32 to index
      %get3A_2323 = arith.index_cast %get3A_2321 : i32 to index
      %get3A_2324 = arith.constant 16 : index
      %get3A_2325 = tpu.vector_load %arg11[%get3A_2322, %get3A_2323, %get3A_2324] {strides = array<i32>} : memref<3x40x128xf32, #tpu.memory_space<vmem>>, vector<16xf32>,
      %mul3A_2326 = arith.mulf %get3A_2325, %gather3A_2309 : vector<16xf32>
      %swap3A_2327 = arith.constant 23 : i32
      %swap3A_2328 = arith.index_cast %select_n3A_130 : i32 to index
      %swap3A_2329 = arith.index_cast %swap3A_2327 : i32 to index
      %swap3A_2330 = arith.constant 16 : index
      %swap3A_2331 = tpu.vector_load %arg11[%swap3A_2328, %swap3A_2329, %swap3A_2330] {strides = array<i32>} : memref<3x40x128xf32, #tpu.memory_space<vmem>>, vector<16xf32>,
      tpu.vector_store %arg11[%swap3A_2328, %swap3A_2329, %swap3A_2330], %mul3A_2326 {strides = array<i32>} : memref<3x40x128xf32, #tpu.memory_space<vmem>>, vector<16xf32>,
      %get3A_2332 = arith.constant 23 : i32
      %get3A_2333 = arith.index_cast %select_n3A_130 : i32 to index
      %get3A_2334 = arith.index_cast %get3A_2332 : i32 to index
      %get3A_2335 = arith.constant 32 : index
      %get3A_2336 = tpu.vector_load %arg11[%get3A_2333, %get3A_2334, %get3A_2335] {strides = array<i32>} : memref<3x40x128xf32, #tpu.memory_space<vmem>>, vector<16xf32>,
      %mul3A_2337 = arith.mulf %get3A_2336, %gather3A_2309 : vector<16xf32>
      %swap3A_2338 = arith.constant 23 : i32
      %swap3A_2339 = arith.index_cast %select_n3A_130 : i32 to index
      %swap3A_2340 = arith.index_cast %swap3A_2338 : i32 to index
      %swap3A_2341 = arith.constant 32 : index
      %swap3A_2342 = tpu.vector_load %arg11[%swap3A_2339, %swap3A_2340, %swap3A_2341] {strides = array<i32>} : memref<3x40x128xf32, #tpu.memory_space<vmem>>, vector<16xf32>,
      tpu.vector_store %arg11[%swap3A_2339, %swap3A_2340, %swap3A_2341], %mul3A_2337 {strides = array<i32>} : memref<3x40x128xf32, #tpu.memory_space<vmem>>, vector<16xf32>,
      %get3A_2343 = arith.constant 23 : i32
      %get3A_2344 = arith.index_cast %select_n3A_130 : i32 to index
      %get3A_2345 = arith.index_cast %get3A_2343 : i32 to index
      %get3A_2346 = arith.constant 48 : index
      %get3A_2347 = tpu.vector_load %arg11[%get3A_2344, %get3A_2345, %get3A_2346] {strides = array<i32>} : memref<3x40x128xf32, #tpu.memory_space<vmem>>, vector<16xf32>,
      %mul3A_2348 = arith.mulf %get3A_2347, %gather3A_2309 : vector<16xf32>
      %swap3A_2349 = arith.constant 23 : i32
      %swap3A_2350 = arith.index_cast %select_n3A_130 : i32 to index
      %swap3A_2351 = arith.index_cast %swap3A_2349 : i32 to index
      %swap3A_2352 = arith.constant 48 : index
      %swap3A_2353 = tpu.vector_load %arg11[%swap3A_2350, %swap3A_2351, %swap3A_2352] {strides = array<i32>} : memref<3x40x128xf32, #tpu.memory_space<vmem>>, vector<16xf32>,
      tpu.vector_store %arg11[%swap3A_2350, %swap3A_2351, %swap3A_2352], %mul3A_2348 {strides = array<i32>} : memref<3x40x128xf32, #tpu.memory_space<vmem>>, vector<16xf32>,
      %get3A_2354 = arith.constant 23 : i32
      %get3A_2355 = arith.index_cast %select_n3A_130 : i32 to index
      %get3A_2356 = arith.index_cast %get3A_2354 : i32 to index
      %get3A_2357 = arith.constant 64 : index
      %get3A_2358 = tpu.vector_load %arg11[%get3A_2355, %get3A_2356, %get3A_2357] {strides = array<i32>} : memref<3x40x128xf32, #tpu.memory_space<vmem>>, vector<16xf32>,
      %mul3A_2359 = arith.mulf %get3A_2358, %gather3A_2309 : vector<16xf32>
      %swap3A_2360 = arith.constant 23 : i32
      %swap3A_2361 = arith.index_cast %select_n3A_130 : i32 to index
      %swap3A_2362 = arith.index_cast %swap3A_2360 : i32 to index
      %swap3A_2363 = arith.constant 64 : index
      %swap3A_2364 = tpu.vector_load %arg11[%swap3A_2361, %swap3A_2362, %swap3A_2363] {strides = array<i32>} : memref<3x40x128xf32, #tpu.memory_space<vmem>>, vector<16xf32>,
      tpu.vector_store %arg11[%swap3A_2361, %swap3A_2362, %swap3A_2363], %mul3A_2359 {strides = array<i32>} : memref<3x40x128xf32, #tpu.memory_space<vmem>>, vector<16xf32>,
      %get3A_2365 = arith.constant 23 : i32
      %get3A_2366 = arith.index_cast %select_n3A_130 : i32 to index
      %get3A_2367 = arith.index_cast %get3A_2365 : i32 to index
      %get3A_2368 = arith.constant 80 : index
      %get3A_2369 = tpu.vector_load %arg11[%get3A_2366, %get3A_2367, %get3A_2368] {strides = array<i32>} : memref<3x40x128xf32, #tpu.memory_space<vmem>>, vector<16xf32>,
      %mul3A_2370 = arith.mulf %get3A_2369, %gather3A_2309 : vector<16xf32>
      %swap3A_2371 = arith.constant 23 : i32
      %swap3A_2372 = arith.index_cast %select_n3A_130 : i32 to index
      %swap3A_2373 = arith.index_cast %swap3A_2371 : i32 to index
      %swap3A_2374 = arith.constant 80 : index
      %swap3A_2375 = tpu.vector_load %arg11[%swap3A_2372, %swap3A_2373, %swap3A_2374] {strides = array<i32>} : memref<3x40x128xf32, #tpu.memory_space<vmem>>, vector<16xf32>,
      tpu.vector_store %arg11[%swap3A_2372, %swap3A_2373, %swap3A_2374], %mul3A_2370 {strides = array<i32>} : memref<3x40x128xf32, #tpu.memory_space<vmem>>, vector<16xf32>,
      %get3A_2376 = arith.constant 23 : i32
      %get3A_2377 = arith.index_cast %select_n3A_130 : i32 to index
      %get3A_2378 = arith.index_cast %get3A_2376 : i32 to index
      %get3A_2379 = arith.constant 96 : index
      %get3A_2380 = tpu.vector_load %arg11[%get3A_2377, %get3A_2378, %get3A_2379] {strides = array<i32>} : memref<3x40x128xf32, #tpu.memory_space<vmem>>, vector<16xf32>,
      %mul3A_2381 = arith.mulf %get3A_2380, %gather3A_2309 : vector<16xf32>
      %swap3A_2382 = arith.constant 23 : i32
      %swap3A_2383 = arith.index_cast %select_n3A_130 : i32 to index
      %swap3A_2384 = arith.index_cast %swap3A_2382 : i32 to index
      %swap3A_2385 = arith.constant 96 : index
      %swap3A_2386 = tpu.vector_load %arg11[%swap3A_2383, %swap3A_2384, %swap3A_2385] {strides = array<i32>} : memref<3x40x128xf32, #tpu.memory_space<vmem>>, vector<16xf32>,
      tpu.vector_store %arg11[%swap3A_2383, %swap3A_2384, %swap3A_2385], %mul3A_2381 {strides = array<i32>} : memref<3x40x128xf32, #tpu.memory_space<vmem>>, vector<16xf32>,
      %get3A_2387 = arith.constant 23 : i32
      %get3A_2388 = arith.index_cast %select_n3A_130 : i32 to index
      %get3A_2389 = arith.index_cast %get3A_2387 : i32 to index
      %get3A_2390 = arith.constant 112 : index
      %get3A_2391 = tpu.vector_load %arg11[%get3A_2388, %get3A_2389, %get3A_2390] {strides = array<i32>} : memref<3x40x128xf32, #tpu.memory_space<vmem>>, vector<16xf32>,
      %mul3A_2392 = arith.mulf %get3A_2391, %gather3A_2309 : vector<16xf32>
      %swap3A_2393 = arith.constant 23 : i32
      %swap3A_2394 = arith.index_cast %select_n3A_130 : i32 to index
      %swap3A_2395 = arith.index_cast %swap3A_2393 : i32 to index
      %swap3A_2396 = arith.constant 112 : index
      %swap3A_2397 = tpu.vector_load %arg11[%swap3A_2394, %swap3A_2395, %swap3A_2396] {strides = array<i32>} : memref<3x40x128xf32, #tpu.memory_space<vmem>>, vector<16xf32>,
      tpu.vector_store %arg11[%swap3A_2394, %swap3A_2395, %swap3A_2396], %mul3A_2392 {strides = array<i32>} : memref<3x40x128xf32, #tpu.memory_space<vmem>>, vector<16xf32>,
      %broadcast_in_dim3A_2398 = arith.constant 8 : i32
      %broadcast_in_dim3A_2399 = vector.broadcast %broadcast_in_dim3A_2398 : i32 to vector<16x1xi32>
      %gather3A_2400 = vector.shape_cast %broadcast_in_dim3A_2399 : vector<16x1xi32> to vector<16xi32>
      %gather3A_2401 = tpu.dynamic_gather %get3A_1661[%gather3A_2400] in [0] : vector<16xf32>, vector<16xi32> -> vector<16xf32>
      %get3A_2402 = arith.constant 24 : i32
      %get3A_2403 = arith.index_cast %select_n3A_130 : i32 to index
      %get3A_2404 = arith.index_cast %get3A_2402 : i32 to index
      %get3A_2405 = arith.constant 0 : index
      %get3A_2406 = tpu.vector_load %arg11[%get3A_2403, %get3A_2404, %get3A_2405] {strides = array<i32>} : memref<3x40x128xf32, #tpu.memory_space<vmem>>, vector<16xf32>,
      %mul3A_2407 = arith.mulf %get3A_2406, %gather3A_2401 : vector<16xf32>
      %swap3A_2408 = arith.constant 24 : i32
      %swap3A_2409 = arith.index_cast %select_n3A_130 : i32 to index
      %swap3A_2410 = arith.index_cast %swap3A_2408 : i32 to index
      %swap3A_2411 = arith.constant 0 : index
      %swap3A_2412 = tpu.vector_load %arg11[%swap3A_2409, %swap3A_2410, %swap3A_2411] {strides = array<i32>} : memref<3x40x128xf32, #tpu.memory_space<vmem>>, vector<16xf32>,
      tpu.vector_store %arg11[%swap3A_2409, %swap3A_2410, %swap3A_2411], %mul3A_2407 {strides = array<i32>} : memref<3x40x128xf32, #tpu.memory_space<vmem>>, vector<16xf32>,
      %get3A_2413 = arith.constant 24 : i32
      %get3A_2414 = arith.index_cast %select_n3A_130 : i32 to index
      %get3A_2415 = arith.index_cast %get3A_2413 : i32 to index
      %get3A_2416 = arith.constant 16 : index
      %get3A_2417 = tpu.vector_load %arg11[%get3A_2414, %get3A_2415, %get3A_2416] {strides = array<i32>} : memref<3x40x128xf32, #tpu.memory_space<vmem>>, vector<16xf32>,
      %mul3A_2418 = arith.mulf %get3A_2417, %gather3A_2401 : vector<16xf32>
      %swap3A_2419 = arith.constant 24 : i32
      %swap3A_2420 = arith.index_cast %select_n3A_130 : i32 to index
      %swap3A_2421 = arith.index_cast %swap3A_2419 : i32 to index
      %swap3A_2422 = arith.constant 16 : index
      %swap3A_2423 = tpu.vector_load %arg11[%swap3A_2420, %swap3A_2421, %swap3A_2422] {strides = array<i32>} : memref<3x40x128xf32, #tpu.memory_space<vmem>>, vector<16xf32>,
      tpu.vector_store %arg11[%swap3A_2420, %swap3A_2421, %swap3A_2422], %mul3A_2418 {strides = array<i32>} : memref<3x40x128xf32, #tpu.memory_space<vmem>>, vector<16xf32>,
      %get3A_2424 = arith.constant 24 : i32
      %get3A_2425 = arith.index_cast %select_n3A_130 : i32 to index
      %get3A_2426 = arith.index_cast %get3A_2424 : i32 to index
      %get3A_2427 = arith.constant 32 : index
      %get3A_2428 = tpu.vector_load %arg11[%get3A_2425, %get3A_2426, %get3A_2427] {strides = array<i32>} : memref<3x40x128xf32, #tpu.memory_space<vmem>>, vector<16xf32>,
      %mul3A_2429 = arith.mulf %get3A_2428, %gather3A_2401 : vector<16xf32>
      %swap3A_2430 = arith.constant 24 : i32
      %swap3A_2431 = arith.index_cast %select_n3A_130 : i32 to index
      %swap3A_2432 = arith.index_cast %swap3A_2430 : i32 to index
      %swap3A_2433 = arith.constant 32 : index
      %swap3A_2434 = tpu.vector_load %arg11[%swap3A_2431, %swap3A_2432, %swap3A_2433] {strides = array<i32>} : memref<3x40x128xf32, #tpu.memory_space<vmem>>, vector<16xf32>,
      tpu.vector_store %arg11[%swap3A_2431, %swap3A_2432, %swap3A_2433], %mul3A_2429 {strides = array<i32>} : memref<3x40x128xf32, #tpu.memory_space<vmem>>, vector<16xf32>,
      %get3A_2435 = arith.constant 24 : i32
      %get3A_2436 = arith.index_cast %select_n3A_130 : i32 to index
      %get3A_2437 = arith.index_cast %get3A_2435 : i32 to index
      %get3A_2438 = arith.constant 48 : index
      %get3A_2439 = tpu.vector_load %arg11[%get3A_2436, %get3A_2437, %get3A_2438] {strides = array<i32>} : memref<3x40x128xf32, #tpu.memory_space<vmem>>, vector<16xf32>,
      %mul3A_2440 = arith.mulf %get3A_2439, %gather3A_2401 : vector<16xf32>
      %swap3A_2441 = arith.constant 24 : i32
      %swap3A_2442 = arith.index_cast %select_n3A_130 : i32 to index
      %swap3A_2443 = arith.index_cast %swap3A_2441 : i32 to index
      %swap3A_2444 = arith.constant 48 : index
      %swap3A_2445 = tpu.vector_load %arg11[%swap3A_2442, %swap3A_2443, %swap3A_2444] {strides = array<i32>} : memref<3x40x128xf32, #tpu.memory_space<vmem>>, vector<16xf32>,
      tpu.vector_store %arg11[%swap3A_2442, %swap3A_2443, %swap3A_2444], %mul3A_2440 {strides = array<i32>} : memref<3x40x128xf32, #tpu.memory_space<vmem>>, vector<16xf32>,
      %get3A_2446 = arith.constant 24 : i32
      %get3A_2447 = arith.index_cast %select_n3A_130 : i32 to index
      %get3A_2448 = arith.index_cast %get3A_2446 : i32 to index
      %get3A_2449 = arith.constant 64 : index
      %get3A_2450 = tpu.vector_load %arg11[%get3A_2447, %get3A_2448, %get3A_2449] {strides = array<i32>} : memref<3x40x128xf32, #tpu.memory_space<vmem>>, vector<16xf32>,
      %mul3A_2451 = arith.mulf %get3A_2450, %gather3A_2401 : vector<16xf32>
      %swap3A_2452 = arith.constant 24 : i32
      %swap3A_2453 = arith.index_cast %select_n3A_130 : i32 to index
      %swap3A_2454 = arith.index_cast %swap3A_2452 : i32 to index
      %swap3A_2455 = arith.constant 64 : index
      %swap3A_2456 = tpu.vector_load %arg11[%swap3A_2453, %swap3A_2454, %swap3A_2455] {strides = array<i32>} : memref<3x40x128xf32, #tpu.memory_space<vmem>>, vector<16xf32>,
      tpu.vector_store %arg11[%swap3A_2453, %swap3A_2454, %swap3A_2455], %mul3A_2451 {strides = array<i32>} : memref<3x40x128xf32, #tpu.memory_space<vmem>>, vector<16xf32>,
      %get3A_2457 = arith.constant 24 : i32
      %get3A_2458 = arith.index_cast %select_n3A_130 : i32 to index
      %get3A_2459 = arith.index_cast %get3A_2457 : i32 to index
      %get3A_2460 = arith.constant 80 : index
      %get3A_2461 = tpu.vector_load %arg11[%get3A_2458, %get3A_2459, %get3A_2460] {strides = array<i32>} : memref<3x40x128xf32, #tpu.memory_space<vmem>>, vector<16xf32>,
      %mul3A_2462 = arith.mulf %get3A_2461, %gather3A_2401 : vector<16xf32>
      %swap3A_2463 = arith.constant 24 : i32
      %swap3A_2464 = arith.index_cast %select_n3A_130 : i32 to index
      %swap3A_2465 = arith.index_cast %swap3A_2463 : i32 to index
      %swap3A_2466 = arith.constant 80 : index
      %swap3A_2467 = tpu.vector_load %arg11[%swap3A_2464, %swap3A_2465, %swap3A_2466] {strides = array<i32>} : memref<3x40x128xf32, #tpu.memory_space<vmem>>, vector<16xf32>,
      tpu.vector_store %arg11[%swap3A_2464, %swap3A_2465, %swap3A_2466], %mul3A_2462 {strides = array<i32>} : memref<3x40x128xf32, #tpu.memory_space<vmem>>, vector<16xf32>,
      %get3A_2468 = arith.constant 24 : i32
      %get3A_2469 = arith.index_cast %select_n3A_130 : i32 to index
      %get3A_2470 = arith.index_cast %get3A_2468 : i32 to index
      %get3A_2471 = arith.constant 96 : index
      %get3A_2472 = tpu.vector_load %arg11[%get3A_2469, %get3A_2470, %get3A_2471] {strides = array<i32>} : memref<3x40x128xf32, #tpu.memory_space<vmem>>, vector<16xf32>,
      %mul3A_2473 = arith.mulf %get3A_2472, %gather3A_2401 : vector<16xf32>
      %swap3A_2474 = arith.constant 24 : i32
      %swap3A_2475 = arith.index_cast %select_n3A_130 : i32 to index
      %swap3A_2476 = arith.index_cast %swap3A_2474 : i32 to index
      %swap3A_2477 = arith.constant 96 : index
      %swap3A_2478 = tpu.vector_load %arg11[%swap3A_2475, %swap3A_2476, %swap3A_2477] {strides = array<i32>} : memref<3x40x128xf32, #tpu.memory_space<vmem>>, vector<16xf32>,
      tpu.vector_store %arg11[%swap3A_2475, %swap3A_2476, %swap3A_2477], %mul3A_2473 {strides = array<i32>} : memref<3x40x128xf32, #tpu.memory_space<vmem>>, vector<16xf32>,
      %get3A_2479 = arith.constant 24 : i32
      %get3A_2480 = arith.index_cast %select_n3A_130 : i32 to index
      %get3A_2481 = arith.index_cast %get3A_2479 : i32 to index
      %get3A_2482 = arith.constant 112 : index
      %get3A_2483 = tpu.vector_load %arg11[%get3A_2480, %get3A_2481, %get3A_2482] {strides = array<i32>} : memref<3x40x128xf32, #tpu.memory_space<vmem>>, vector<16xf32>,
      %mul3A_2484 = arith.mulf %get3A_2483, %gather3A_2401 : vector<16xf32>
      %swap3A_2485 = arith.constant 24 : i32
      %swap3A_2486 = arith.index_cast %select_n3A_130 : i32 to index
      %swap3A_2487 = arith.index_cast %swap3A_2485 : i32 to index
      %swap3A_2488 = arith.constant 112 : index
      %swap3A_2489 = tpu.vector_load %arg11[%swap3A_2486, %swap3A_2487, %swap3A_2488] {strides = array<i32>} : memref<3x40x128xf32, #tpu.memory_space<vmem>>, vector<16xf32>,
      tpu.vector_store %arg11[%swap3A_2486, %swap3A_2487, %swap3A_2488], %mul3A_2484 {strides = array<i32>} : memref<3x40x128xf32, #tpu.memory_space<vmem>>, vector<16xf32>,
      %broadcast_in_dim3A_2490 = arith.constant 9 : i32
      %broadcast_in_dim3A_2491 = vector.broadcast %broadcast_in_dim3A_2490 : i32 to vector<16x1xi32>
      %gather3A_2492 = vector.shape_cast %broadcast_in_dim3A_2491 : vector<16x1xi32> to vector<16xi32>
      %gather3A_2493 = tpu.dynamic_gather %get3A_1661[%gather3A_2492] in [0] : vector<16xf32>, vector<16xi32> -> vector<16xf32>
      %get3A_2494 = arith.constant 25 : i32
      %get3A_2495 = arith.index_cast %select_n3A_130 : i32 to index
      %get3A_2496 = arith.index_cast %get3A_2494 : i32 to index
      %get3A_2497 = arith.constant 0 : index
      %get3A_2498 = tpu.vector_load %arg11[%get3A_2495, %get3A_2496, %get3A_2497] {strides = array<i32>} : memref<3x40x128xf32, #tpu.memory_space<vmem>>, vector<16xf32>,
      %mul3A_2499 = arith.mulf %get3A_2498, %gather3A_2493 : vector<16xf32>
      %swap3A_2500 = arith.constant 25 : i32
      %swap3A_2501 = arith.index_cast %select_n3A_130 : i32 to index
      %swap3A_2502 = arith.index_cast %swap3A_2500 : i32 to index
      %swap3A_2503 = arith.constant 0 : index
      %swap3A_2504 = tpu.vector_load %arg11[%swap3A_2501, %swap3A_2502, %swap3A_2503] {strides = array<i32>} : memref<3x40x128xf32, #tpu.memory_space<vmem>>, vector<16xf32>,
      tpu.vector_store %arg11[%swap3A_2501, %swap3A_2502, %swap3A_2503], %mul3A_2499 {strides = array<i32>} : memref<3x40x128xf32, #tpu.memory_space<vmem>>, vector<16xf32>,
      %get3A_2505 = arith.constant 25 : i32
      %get3A_2506 = arith.index_cast %select_n3A_130 : i32 to index
      %get3A_2507 = arith.index_cast %get3A_2505 : i32 to index
      %get3A_2508 = arith.constant 16 : index
      %get3A_2509 = tpu.vector_load %arg11[%get3A_2506, %get3A_2507, %get3A_2508] {strides = array<i32>} : memref<3x40x128xf32, #tpu.memory_space<vmem>>, vector<16xf32>,
      %mul3A_2510 = arith.mulf %get3A_2509, %gather3A_2493 : vector<16xf32>
      %swap3A_2511 = arith.constant 25 : i32
      %swap3A_2512 = arith.index_cast %select_n3A_130 : i32 to index
      %swap3A_2513 = arith.index_cast %swap3A_2511 : i32 to index
      %swap3A_2514 = arith.constant 16 : index
      %swap3A_2515 = tpu.vector_load %arg11[%swap3A_2512, %swap3A_2513, %swap3A_2514] {strides = array<i32>} : memref<3x40x128xf32, #tpu.memory_space<vmem>>, vector<16xf32>,
      tpu.vector_store %arg11[%swap3A_2512, %swap3A_2513, %swap3A_2514], %mul3A_2510 {strides = array<i32>} : memref<3x40x128xf32, #tpu.memory_space<vmem>>, vector<16xf32>,
      %get3A_2516 = arith.constant 25 : i32
      %get3A_2517 = arith.index_cast %select_n3A_130 : i32 to index
      %get3A_2518 = arith.index_cast %get3A_2516 : i32 to index
      %get3A_2519 = arith.constant 32 : index
      %get3A_2520 = tpu.vector_load %arg11[%get3A_2517, %get3A_2518, %get3A_2519] {strides = array<i32>} : memref<3x40x128xf32, #tpu.memory_space<vmem>>, vector<16xf32>,
      %mul3A_2521 = arith.mulf %get3A_2520, %gather3A_2493 : vector<16xf32>
      %swap3A_2522 = arith.constant 25 : i32
      %swap3A_2523 = arith.index_cast %select_n3A_130 : i32 to index
      %swap3A_2524 = arith.index_cast %swap3A_2522 : i32 to index
      %swap3A_2525 = arith.constant 32 : index
      %swap3A_2526 = tpu.vector_load %arg11[%swap3A_2523, %swap3A_2524, %swap3A_2525] {strides = array<i32>} : memref<3x40x128xf32, #tpu.memory_space<vmem>>, vector<16xf32>,
      tpu.vector_store %arg11[%swap3A_2523, %swap3A_2524, %swap3A_2525], %mul3A_2521 {strides = array<i32>} : memref<3x40x128xf32, #tpu.memory_space<vmem>>, vector<16xf32>,
      %get3A_2527 = arith.constant 25 : i32
      %get3A_2528 = arith.index_cast %select_n3A_130 : i32 to index
      %get3A_2529 = arith.index_cast %get3A_2527 : i32 to index
      %get3A_2530 = arith.constant 48 : index
      %get3A_2531 = tpu.vector_load %arg11[%get3A_2528, %get3A_2529, %get3A_2530] {strides = array<i32>} : memref<3x40x128xf32, #tpu.memory_space<vmem>>, vector<16xf32>,
      %mul3A_2532 = arith.mulf %get3A_2531, %gather3A_2493 : vector<16xf32>
      %swap3A_2533 = arith.constant 25 : i32
      %swap3A_2534 = arith.index_cast %select_n3A_130 : i32 to index
      %swap3A_2535 = arith.index_cast %swap3A_2533 : i32 to index
      %swap3A_2536 = arith.constant 48 : index
      %swap3A_2537 = tpu.vector_load %arg11[%swap3A_2534, %swap3A_2535, %swap3A_2536] {strides = array<i32>} : memref<3x40x128xf32, #tpu.memory_space<vmem>>, vector<16xf32>,
      tpu.vector_store %arg11[%swap3A_2534, %swap3A_2535, %swap3A_2536], %mul3A_2532 {strides = array<i32>} : memref<3x40x128xf32, #tpu.memory_space<vmem>>, vector<16xf32>,
      %get3A_2538 = arith.constant 25 : i32
      %get3A_2539 = arith.index_cast %select_n3A_130 : i32 to index
      %get3A_2540 = arith.index_cast %get3A_2538 : i32 to index
      %get3A_2541 = arith.constant 64 : index
      %get3A_2542 = tpu.vector_load %arg11[%get3A_2539, %get3A_2540, %get3A_2541] {strides = array<i32>} : memref<3x40x128xf32, #tpu.memory_space<vmem>>, vector<16xf32>,
      %mul3A_2543 = arith.mulf %get3A_2542, %gather3A_2493 : vector<16xf32>
      %swap3A_2544 = arith.constant 25 : i32
      %swap3A_2545 = arith.index_cast %select_n3A_130 : i32 to index
      %swap3A_2546 = arith.index_cast %swap3A_2544 : i32 to index
      %swap3A_2547 = arith.constant 64 : index
      %swap3A_2548 = tpu.vector_load %arg11[%swap3A_2545, %swap3A_2546, %swap3A_2547] {strides = array<i32>} : memref<3x40x128xf32, #tpu.memory_space<vmem>>, vector<16xf32>,
      tpu.vector_store %arg11[%swap3A_2545, %swap3A_2546, %swap3A_2547], %mul3A_2543 {strides = array<i32>} : memref<3x40x128xf32, #tpu.memory_space<vmem>>, vector<16xf32>,
      %get3A_2549 = arith.constant 25 : i32
      %get3A_2550 = arith.index_cast %select_n3A_130 : i32 to index
      %get3A_2551 = arith.index_cast %get3A_2549 : i32 to index
      %get3A_2552 = arith.constant 80 : index
      %get3A_2553 = tpu.vector_load %arg11[%get3A_2550, %get3A_2551, %get3A_2552] {strides = array<i32>} : memref<3x40x128xf32, #tpu.memory_space<vmem>>, vector<16xf32>,
      %mul3A_2554 = arith.mulf %get3A_2553, %gather3A_2493 : vector<16xf32>
      %swap3A_2555 = arith.constant 25 : i32
      %swap3A_2556 = arith.index_cast %select_n3A_130 : i32 to index
      %swap3A_2557 = arith.index_cast %swap3A_2555 : i32 to index
      %swap3A_2558 = arith.constant 80 : index
      %swap3A_2559 = tpu.vector_load %arg11[%swap3A_2556, %swap3A_2557, %swap3A_2558] {strides = array<i32>} : memref<3x40x128xf32, #tpu.memory_space<vmem>>, vector<16xf32>,
      tpu.vector_store %arg11[%swap3A_2556, %swap3A_2557, %swap3A_2558], %mul3A_2554 {strides = array<i32>} : memref<3x40x128xf32, #tpu.memory_space<vmem>>, vector<16xf32>,
      %get3A_2560 = arith.constant 25 : i32
      %get3A_2561 = arith.index_cast %select_n3A_130 : i32 to index
      %get3A_2562 = arith.index_cast %get3A_2560 : i32 to index
      %get3A_2563 = arith.constant 96 : index
      %get3A_2564 = tpu.vector_load %arg11[%get3A_2561, %get3A_2562, %get3A_2563] {strides = array<i32>} : memref<3x40x128xf32, #tpu.memory_space<vmem>>, vector<16xf32>,
      %mul3A_2565 = arith.mulf %get3A_2564, %gather3A_2493 : vector<16xf32>
      %swap3A_2566 = arith.constant 25 : i32
      %swap3A_2567 = arith.index_cast %select_n3A_130 : i32 to index
      %swap3A_2568 = arith.index_cast %swap3A_2566 : i32 to index
      %swap3A_2569 = arith.constant 96 : index
      %swap3A_2570 = tpu.vector_load %arg11[%swap3A_2567, %swap3A_2568, %swap3A_2569] {strides = array<i32>} : memref<3x40x128xf32, #tpu.memory_space<vmem>>, vector<16xf32>,
      tpu.vector_store %arg11[%swap3A_2567, %swap3A_2568, %swap3A_2569], %mul3A_2565 {strides = array<i32>} : memref<3x40x128xf32, #tpu.memory_space<vmem>>, vector<16xf32>,
      %get3A_2571 = arith.constant 25 : i32
      %get3A_2572 = arith.index_cast %select_n3A_130 : i32 to index
      %get3A_2573 = arith.index_cast %get3A_2571 : i32 to index
      %get3A_2574 = arith.constant 112 : index
      %get3A_2575 = tpu.vector_load %arg11[%get3A_2572, %get3A_2573, %get3A_2574] {strides = array<i32>} : memref<3x40x128xf32, #tpu.memory_space<vmem>>, vector<16xf32>,
      %mul3A_2576 = arith.mulf %get3A_2575, %gather3A_2493 : vector<16xf32>
      %swap3A_2577 = arith.constant 25 : i32
      %swap3A_2578 = arith.index_cast %select_n3A_130 : i32 to index
      %swap3A_2579 = arith.index_cast %swap3A_2577 : i32 to index
      %swap3A_2580 = arith.constant 112 : index
      %swap3A_2581 = tpu.vector_load %arg11[%swap3A_2578, %swap3A_2579, %swap3A_2580] {strides = array<i32>} : memref<3x40x128xf32, #tpu.memory_space<vmem>>, vector<16xf32>,
      tpu.vector_store %arg11[%swap3A_2578, %swap3A_2579, %swap3A_2580], %mul3A_2576 {strides = array<i32>} : memref<3x40x128xf32, #tpu.memory_space<vmem>>, vector<16xf32>,
      %broadcast_in_dim3A_2582 = arith.constant 10 : i32
      %broadcast_in_dim3A_2583 = vector.broadcast %broadcast_in_dim3A_2582 : i32 to vector<16x1xi32>
      %gather3A_2584 = vector.shape_cast %broadcast_in_dim3A_2583 : vector<16x1xi32> to vector<16xi32>
      %gather3A_2585 = tpu.dynamic_gather %get3A_1661[%gather3A_2584] in [0] : vector<16xf32>, vector<16xi32> -> vector<16xf32>
      %get3A_2586 = arith.constant 26 : i32
      %get3A_2587 = arith.index_cast %select_n3A_130 : i32 to index
      %get3A_2588 = arith.index_cast %get3A_2586 : i32 to index
      %get3A_2589 = arith.constant 0 : index
      %get3A_2590 = tpu.vector_load %arg11[%get3A_2587, %get3A_2588, %get3A_2589] {strides = array<i32>} : memref<3x40x128xf32, #tpu.memory_space<vmem>>, vector<16xf32>,
      %mul3A_2591 = arith.mulf %get3A_2590, %gather3A_2585 : vector<16xf32>
      %swap3A_2592 = arith.constant 26 : i32
      %swap3A_2593 = arith.index_cast %select_n3A_130 : i32 to index
      %swap3A_2594 = arith.index_cast %swap3A_2592 : i32 to index
      %swap3A_2595 = arith.constant 0 : index
      %swap3A_2596 = tpu.vector_load %arg11[%swap3A_2593, %swap3A_2594, %swap3A_2595] {strides = array<i32>} : memref<3x40x128xf32, #tpu.memory_space<vmem>>, vector<16xf32>,
      tpu.vector_store %arg11[%swap3A_2593, %swap3A_2594, %swap3A_2595], %mul3A_2591 {strides = array<i32>} : memref<3x40x128xf32, #tpu.memory_space<vmem>>, vector<16xf32>,
      %get3A_2597 = arith.constant 26 : i32
      %get3A_2598 = arith.index_cast %select_n3A_130 : i32 to index
      %get3A_2599 = arith.index_cast %get3A_2597 : i32 to index
      %get3A_2600 = arith.constant 16 : index
      %get3A_2601 = tpu.vector_load %arg11[%get3A_2598, %get3A_2599, %get3A_2600] {strides = array<i32>} : memref<3x40x128xf32, #tpu.memory_space<vmem>>, vector<16xf32>,
      %mul3A_2602 = arith.mulf %get3A_2601, %gather3A_2585 : vector<16xf32>
      %swap3A_2603 = arith.constant 26 : i32
      %swap3A_2604 = arith.index_cast %select_n3A_130 : i32 to index
      %swap3A_2605 = arith.index_cast %swap3A_2603 : i32 to index
      %swap3A_2606 = arith.constant 16 : index
      %swap3A_2607 = tpu.vector_load %arg11[%swap3A_2604, %swap3A_2605, %swap3A_2606] {strides = array<i32>} : memref<3x40x128xf32, #tpu.memory_space<vmem>>, vector<16xf32>,
      tpu.vector_store %arg11[%swap3A_2604, %swap3A_2605, %swap3A_2606], %mul3A_2602 {strides = array<i32>} : memref<3x40x128xf32, #tpu.memory_space<vmem>>, vector<16xf32>,
      %get3A_2608 = arith.constant 26 : i32
      %get3A_2609 = arith.index_cast %select_n3A_130 : i32 to index
      %get3A_2610 = arith.index_cast %get3A_2608 : i32 to index
      %get3A_2611 = arith.constant 32 : index
      %get3A_2612 = tpu.vector_load %arg11[%get3A_2609, %get3A_2610, %get3A_2611] {strides = array<i32>} : memref<3x40x128xf32, #tpu.memory_space<vmem>>, vector<16xf32>,
      %mul3A_2613 = arith.mulf %get3A_2612, %gather3A_2585 : vector<16xf32>
      %swap3A_2614 = arith.constant 26 : i32
      %swap3A_2615 = arith.index_cast %select_n3A_130 : i32 to index
      %swap3A_2616 = arith.index_cast %swap3A_2614 : i32 to index
      %swap3A_2617 = arith.constant 32 : index
      %swap3A_2618 = tpu.vector_load %arg11[%swap3A_2615, %swap3A_2616, %swap3A_2617] {strides = array<i32>} : memref<3x40x128xf32, #tpu.memory_space<vmem>>, vector<16xf32>,
      tpu.vector_store %arg11[%swap3A_2615, %swap3A_2616, %swap3A_2617], %mul3A_2613 {strides = array<i32>} : memref<3x40x128xf32, #tpu.memory_space<vmem>>, vector<16xf32>,
      %get3A_2619 = arith.constant 26 : i32
      %get3A_2620 = arith.index_cast %select_n3A_130 : i32 to index
      %get3A_2621 = arith.index_cast %get3A_2619 : i32 to index
      %get3A_2622 = arith.constant 48 : index
      %get3A_2623 = tpu.vector_load %arg11[%get3A_2620, %get3A_2621, %get3A_2622] {strides = array<i32>} : memref<3x40x128xf32, #tpu.memory_space<vmem>>, vector<16xf32>,
      %mul3A_2624 = arith.mulf %get3A_2623, %gather3A_2585 : vector<16xf32>
      %swap3A_2625 = arith.constant 26 : i32
      %swap3A_2626 = arith.index_cast %select_n3A_130 : i32 to index
      %swap3A_2627 = arith.index_cast %swap3A_2625 : i32 to index
      %swap3A_2628 = arith.constant 48 : index
      %swap3A_2629 = tpu.vector_load %arg11[%swap3A_2626, %swap3A_2627, %swap3A_2628] {strides = array<i32>} : memref<3x40x128xf32, #tpu.memory_space<vmem>>, vector<16xf32>,
      tpu.vector_store %arg11[%swap3A_2626, %swap3A_2627, %swap3A_2628], %mul3A_2624 {strides = array<i32>} : memref<3x40x128xf32, #tpu.memory_space<vmem>>, vector<16xf32>,
      %get3A_2630 = arith.constant 26 : i32
      %get3A_2631 = arith.index_cast %select_n3A_130 : i32 to index
      %get3A_2632 = arith.index_cast %get3A_2630 : i32 to index
      %get3A_2633 = arith.constant 64 : index
      %get3A_2634 = tpu.vector_load %arg11[%get3A_2631, %get3A_2632, %get3A_2633] {strides = array<i32>} : memref<3x40x128xf32, #tpu.memory_space<vmem>>, vector<16xf32>,
      %mul3A_2635 = arith.mulf %get3A_2634, %gather3A_2585 : vector<16xf32>
      %swap3A_2636 = arith.constant 26 : i32
      %swap3A_2637 = arith.index_cast %select_n3A_130 : i32 to index
      %swap3A_2638 = arith.index_cast %swap3A_2636 : i32 to index
      %swap3A_2639 = arith.constant 64 : index
      %swap3A_2640 = tpu.vector_load %arg11[%swap3A_2637, %swap3A_2638, %swap3A_2639] {strides = array<i32>} : memref<3x40x128xf32, #tpu.memory_space<vmem>>, vector<16xf32>,
      tpu.vector_store %arg11[%swap3A_2637, %swap3A_2638, %swap3A_2639], %mul3A_2635 {strides = array<i32>} : memref<3x40x128xf32, #tpu.memory_space<vmem>>, vector<16xf32>,
      %get3A_2641 = arith.constant 26 : i32
      %get3A_2642 = arith.index_cast %select_n3A_130 : i32 to index
      %get3A_2643 = arith.index_cast %get3A_2641 : i32 to index
      %get3A_2644 = arith.constant 80 : index
      %get3A_2645 = tpu.vector_load %arg11[%get3A_2642, %get3A_2643, %get3A_2644] {strides = array<i32>} : memref<3x40x128xf32, #tpu.memory_space<vmem>>, vector<16xf32>,
      %mul3A_2646 = arith.mulf %get3A_2645, %gather3A_2585 : vector<16xf32>
      %swap3A_2647 = arith.constant 26 : i32
      %swap3A_2648 = arith.index_cast %select_n3A_130 : i32 to index
      %swap3A_2649 = arith.index_cast %swap3A_2647 : i32 to index
      %swap3A_2650 = arith.constant 80 : index
      %swap3A_2651 = tpu.vector_load %arg11[%swap3A_2648, %swap3A_2649, %swap3A_2650] {strides = array<i32>} : memref<3x40x128xf32, #tpu.memory_space<vmem>>, vector<16xf32>,
      tpu.vector_store %arg11[%swap3A_2648, %swap3A_2649, %swap3A_2650], %mul3A_2646 {strides = array<i32>} : memref<3x40x128xf32, #tpu.memory_space<vmem>>, vector<16xf32>,
      %get3A_2652 = arith.constant 26 : i32
      %get3A_2653 = arith.index_cast %select_n3A_130 : i32 to index
      %get3A_2654 = arith.index_cast %get3A_2652 : i32 to index
      %get3A_2655 = arith.constant 96 : index
      %get3A_2656 = tpu.vector_load %arg11[%get3A_2653, %get3A_2654, %get3A_2655] {strides = array<i32>} : memref<3x40x128xf32, #tpu.memory_space<vmem>>, vector<16xf32>,
      %mul3A_2657 = arith.mulf %get3A_2656, %gather3A_2585 : vector<16xf32>
      %swap3A_2658 = arith.constant 26 : i32
      %swap3A_2659 = arith.index_cast %select_n3A_130 : i32 to index
      %swap3A_2660 = arith.index_cast %swap3A_2658 : i32 to index
      %swap3A_2661 = arith.constant 96 : index
      %swap3A_2662 = tpu.vector_load %arg11[%swap3A_2659, %swap3A_2660, %swap3A_2661] {strides = array<i32>} : memref<3x40x128xf32, #tpu.memory_space<vmem>>, vector<16xf32>,
      tpu.vector_store %arg11[%swap3A_2659, %swap3A_2660, %swap3A_2661], %mul3A_2657 {strides = array<i32>} : memref<3x40x128xf32, #tpu.memory_space<vmem>>, vector<16xf32>,
      %get3A_2663 = arith.constant 26 : i32
      %get3A_2664 = arith.index_cast %select_n3A_130 : i32 to index
      %get3A_2665 = arith.index_cast %get3A_2663 : i32 to index
      %get3A_2666 = arith.constant 112 : index
      %get3A_2667 = tpu.vector_load %arg11[%get3A_2664, %get3A_2665, %get3A_2666] {strides = array<i32>} : memref<3x40x128xf32, #tpu.memory_space<vmem>>, vector<16xf32>,
      %mul3A_2668 = arith.mulf %get3A_2667, %gather3A_2585 : vector<16xf32>
      %swap3A_2669 = arith.constant 26 : i32
      %swap3A_2670 = arith.index_cast %select_n3A_130 : i32 to index
      %swap3A_2671 = arith.index_cast %swap3A_2669 : i32 to index
      %swap3A_2672 = arith.constant 112 : index
      %swap3A_2673 = tpu.vector_load %arg11[%swap3A_2670, %swap3A_2671, %swap3A_2672] {strides = array<i32>} : memref<3x40x128xf32, #tpu.memory_space<vmem>>, vector<16xf32>,
      tpu.vector_store %arg11[%swap3A_2670, %swap3A_2671, %swap3A_2672], %mul3A_2668 {strides = array<i32>} : memref<3x40x128xf32, #tpu.memory_space<vmem>>, vector<16xf32>,
      %broadcast_in_dim3A_2674 = arith.constant 11 : i32
      %broadcast_in_dim3A_2675 = vector.broadcast %broadcast_in_dim3A_2674 : i32 to vector<16x1xi32>
      %gather3A_2676 = vector.shape_cast %broadcast_in_dim3A_2675 : vector<16x1xi32> to vector<16xi32>
      %gather3A_2677 = tpu.dynamic_gather %get3A_1661[%gather3A_2676] in [0] : vector<16xf32>, vector<16xi32> -> vector<16xf32>
      %get3A_2678 = arith.constant 27 : i32
      %get3A_2679 = arith.index_cast %select_n3A_130 : i32 to index
      %get3A_2680 = arith.index_cast %get3A_2678 : i32 to index
      %get3A_2681 = arith.constant 0 : index
      %get3A_2682 = tpu.vector_load %arg11[%get3A_2679, %get3A_2680, %get3A_2681] {strides = array<i32>} : memref<3x40x128xf32, #tpu.memory_space<vmem>>, vector<16xf32>,
      %mul3A_2683 = arith.mulf %get3A_2682, %gather3A_2677 : vector<16xf32>
      %swap3A_2684 = arith.constant 27 : i32
      %swap3A_2685 = arith.index_cast %select_n3A_130 : i32 to index
      %swap3A_2686 = arith.index_cast %swap3A_2684 : i32 to index
      %swap3A_2687 = arith.constant 0 : index
      %swap3A_2688 = tpu.vector_load %arg11[%swap3A_2685, %swap3A_2686, %swap3A_2687] {strides = array<i32>} : memref<3x40x128xf32, #tpu.memory_space<vmem>>, vector<16xf32>,
      tpu.vector_store %arg11[%swap3A_2685, %swap3A_2686, %swap3A_2687], %mul3A_2683 {strides = array<i32>} : memref<3x40x128xf32, #tpu.memory_space<vmem>>, vector<16xf32>,
      %get3A_2689 = arith.constant 27 : i32
      %get3A_2690 = arith.index_cast %select_n3A_130 : i32 to index
      %get3A_2691 = arith.index_cast %get3A_2689 : i32 to index
      %get3A_2692 = arith.constant 16 : index
      %get3A_2693 = tpu.vector_load %arg11[%get3A_2690, %get3A_2691, %get3A_2692] {strides = array<i32>} : memref<3x40x128xf32, #tpu.memory_space<vmem>>, vector<16xf32>,
      %mul3A_2694 = arith.mulf %get3A_2693, %gather3A_2677 : vector<16xf32>
      %swap3A_2695 = arith.constant 27 : i32
      %swap3A_2696 = arith.index_cast %select_n3A_130 : i32 to index
      %swap3A_2697 = arith.index_cast %swap3A_2695 : i32 to index
      %swap3A_2698 = arith.constant 16 : index
      %swap3A_2699 = tpu.vector_load %arg11[%swap3A_2696, %swap3A_2697, %swap3A_2698] {strides = array<i32>} : memref<3x40x128xf32, #tpu.memory_space<vmem>>, vector<16xf32>,
      tpu.vector_store %arg11[%swap3A_2696, %swap3A_2697, %swap3A_2698], %mul3A_2694 {strides = array<i32>} : memref<3x40x128xf32, #tpu.memory_space<vmem>>, vector<16xf32>,
      %get3A_2700 = arith.constant 27 : i32
      %get3A_2701 = arith.index_cast %select_n3A_130 : i32 to index
      %get3A_2702 = arith.index_cast %get3A_2700 : i32 to index
      %get3A_2703 = arith.constant 32 : index
      %get3A_2704 = tpu.vector_load %arg11[%get3A_2701, %get3A_2702, %get3A_2703] {strides = array<i32>} : memref<3x40x128xf32, #tpu.memory_space<vmem>>, vector<16xf32>,
      %mul3A_2705 = arith.mulf %get3A_2704, %gather3A_2677 : vector<16xf32>
      %swap3A_2706 = arith.constant 27 : i32
      %swap3A_2707 = arith.index_cast %select_n3A_130 : i32 to index
      %swap3A_2708 = arith.index_cast %swap3A_2706 : i32 to index
      %swap3A_2709 = arith.constant 32 : index
      %swap3A_2710 = tpu.vector_load %arg11[%swap3A_2707, %swap3A_2708, %swap3A_2709] {strides = array<i32>} : memref<3x40x128xf32, #tpu.memory_space<vmem>>, vector<16xf32>,
      tpu.vector_store %arg11[%swap3A_2707, %swap3A_2708, %swap3A_2709], %mul3A_2705 {strides = array<i32>} : memref<3x40x128xf32, #tpu.memory_space<vmem>>, vector<16xf32>,
      %get3A_2711 = arith.constant 27 : i32
      %get3A_2712 = arith.index_cast %select_n3A_130 : i32 to index
      %get3A_2713 = arith.index_cast %get3A_2711 : i32 to index
      %get3A_2714 = arith.constant 48 : index
      %get3A_2715 = tpu.vector_load %arg11[%get3A_2712, %get3A_2713, %get3A_2714] {strides = array<i32>} : memref<3x40x128xf32, #tpu.memory_space<vmem>>, vector<16xf32>,
      %mul3A_2716 = arith.mulf %get3A_2715, %gather3A_2677 : vector<16xf32>
      %swap3A_2717 = arith.constant 27 : i32
      %swap3A_2718 = arith.index_cast %select_n3A_130 : i32 to index
      %swap3A_2719 = arith.index_cast %swap3A_2717 : i32 to index
      %swap3A_2720 = arith.constant 48 : index
      %swap3A_2721 = tpu.vector_load %arg11[%swap3A_2718, %swap3A_2719, %swap3A_2720] {strides = array<i32>} : memref<3x40x128xf32, #tpu.memory_space<vmem>>, vector<16xf32>,
      tpu.vector_store %arg11[%swap3A_2718, %swap3A_2719, %swap3A_2720], %mul3A_2716 {strides = array<i32>} : memref<3x40x128xf32, #tpu.memory_space<vmem>>, vector<16xf32>,
      %get3A_2722 = arith.constant 27 : i32
      %get3A_2723 = arith.index_cast %select_n3A_130 : i32 to index
      %get3A_2724 = arith.index_cast %get3A_2722 : i32 to index
      %get3A_2725 = arith.constant 64 : index
      %get3A_2726 = tpu.vector_load %arg11[%get3A_2723, %get3A_2724, %get3A_2725] {strides = array<i32>} : memref<3x40x128xf32, #tpu.memory_space<vmem>>, vector<16xf32>,
      %mul3A_2727 = arith.mulf %get3A_2726, %gather3A_2677 : vector<16xf32>
      %swap3A_2728 = arith.constant 27 : i32
      %swap3A_2729 = arith.index_cast %select_n3A_130 : i32 to index
      %swap3A_2730 = arith.index_cast %swap3A_2728 : i32 to index
      %swap3A_2731 = arith.constant 64 : index
      %swap3A_2732 = tpu.vector_load %arg11[%swap3A_2729, %swap3A_2730, %swap3A_2731] {strides = array<i32>} : memref<3x40x128xf32, #tpu.memory_space<vmem>>, vector<16xf32>,
      tpu.vector_store %arg11[%swap3A_2729, %swap3A_2730, %swap3A_2731], %mul3A_2727 {strides = array<i32>} : memref<3x40x128xf32, #tpu.memory_space<vmem>>, vector<16xf32>,
      %get3A_2733 = arith.constant 27 : i32
      %get3A_2734 = arith.index_cast %select_n3A_130 : i32 to index
      %get3A_2735 = arith.index_cast %get3A_2733 : i32 to index
      %get3A_2736 = arith.constant 80 : index
      %get3A_2737 = tpu.vector_load %arg11[%get3A_2734, %get3A_2735, %get3A_2736] {strides = array<i32>} : memref<3x40x128xf32, #tpu.memory_space<vmem>>, vector<16xf32>,
      %mul3A_2738 = arith.mulf %get3A_2737, %gather3A_2677 : vector<16xf32>
      %swap3A_2739 = arith.constant 27 : i32
      %swap3A_2740 = arith.index_cast %select_n3A_130 : i32 to index
      %swap3A_2741 = arith.index_cast %swap3A_2739 : i32 to index
      %swap3A_2742 = arith.constant 80 : index
      %swap3A_2743 = tpu.vector_load %arg11[%swap3A_2740, %swap3A_2741, %swap3A_2742] {strides = array<i32>} : memref<3x40x128xf32, #tpu.memory_space<vmem>>, vector<16xf32>,
      tpu.vector_store %arg11[%swap3A_2740, %swap3A_2741, %swap3A_2742], %mul3A_2738 {strides = array<i32>} : memref<3x40x128xf32, #tpu.memory_space<vmem>>, vector<16xf32>,
      %get3A_2744 = arith.constant 27 : i32
      %get3A_2745 = arith.index_cast %select_n3A_130 : i32 to index
      %get3A_2746 = arith.index_cast %get3A_2744 : i32 to index
      %get3A_2747 = arith.constant 96 : index
      %get3A_2748 = tpu.vector_load %arg11[%get3A_2745, %get3A_2746, %get3A_2747] {strides = array<i32>} : memref<3x40x128xf32, #tpu.memory_space<vmem>>, vector<16xf32>,
      %mul3A_2749 = arith.mulf %get3A_2748, %gather3A_2677 : vector<16xf32>
      %swap3A_2750 = arith.constant 27 : i32
      %swap3A_2751 = arith.index_cast %select_n3A_130 : i32 to index
      %swap3A_2752 = arith.index_cast %swap3A_2750 : i32 to index
      %swap3A_2753 = arith.constant 96 : index
      %swap3A_2754 = tpu.vector_load %arg11[%swap3A_2751, %swap3A_2752, %swap3A_2753] {strides = array<i32>} : memref<3x40x128xf32, #tpu.memory_space<vmem>>, vector<16xf32>,
      tpu.vector_store %arg11[%swap3A_2751, %swap3A_2752, %swap3A_2753], %mul3A_2749 {strides = array<i32>} : memref<3x40x128xf32, #tpu.memory_space<vmem>>, vector<16xf32>,
      %get3A_2755 = arith.constant 27 : i32
      %get3A_2756 = arith.index_cast %select_n3A_130 : i32 to index
      %get3A_2757 = arith.index_cast %get3A_2755 : i32 to index
      %get3A_2758 = arith.constant 112 : index
      %get3A_2759 = tpu.vector_load %arg11[%get3A_2756, %get3A_2757, %get3A_2758] {strides = array<i32>} : memref<3x40x128xf32, #tpu.memory_space<vmem>>, vector<16xf32>,
      %mul3A_2760 = arith.mulf %get3A_2759, %gather3A_2677 : vector<16xf32>
      %swap3A_2761 = arith.constant 27 : i32
      %swap3A_2762 = arith.index_cast %select_n3A_130 : i32 to index
      %swap3A_2763 = arith.index_cast %swap3A_2761 : i32 to index
      %swap3A_2764 = arith.constant 112 : index
      %swap3A_2765 = tpu.vector_load %arg11[%swap3A_2762, %swap3A_2763, %swap3A_2764] {strides = array<i32>} : memref<3x40x128xf32, #tpu.memory_space<vmem>>, vector<16xf32>,
      tpu.vector_store %arg11[%swap3A_2762, %swap3A_2763, %swap3A_2764], %mul3A_2760 {strides = array<i32>} : memref<3x40x128xf32, #tpu.memory_space<vmem>>, vector<16xf32>,
      %broadcast_in_dim3A_2766 = arith.constant 12 : i32
      %broadcast_in_dim3A_2767 = vector.broadcast %broadcast_in_dim3A_2766 : i32 to vector<16x1xi32>
      %gather3A_2768 = vector.shape_cast %broadcast_in_dim3A_2767 : vector<16x1xi32> to vector<16xi32>
      %gather3A_2769 = tpu.dynamic_gather %get3A_1661[%gather3A_2768] in [0] : vector<16xf32>, vector<16xi32> -> vector<16xf32>
      %get3A_2770 = arith.constant 28 : i32
      %get3A_2771 = arith.index_cast %select_n3A_130 : i32 to index
      %get3A_2772 = arith.index_cast %get3A_2770 : i32 to index
      %get3A_2773 = arith.constant 0 : index
      %get3A_2774 = tpu.vector_load %arg11[%get3A_2771, %get3A_2772, %get3A_2773] {strides = array<i32>} : memref<3x40x128xf32, #tpu.memory_space<vmem>>, vector<16xf32>,
      %mul3A_2775 = arith.mulf %get3A_2774, %gather3A_2769 : vector<16xf32>
      %swap3A_2776 = arith.constant 28 : i32
      %swap3A_2777 = arith.index_cast %select_n3A_130 : i32 to index
      %swap3A_2778 = arith.index_cast %swap3A_2776 : i32 to index
      %swap3A_2779 = arith.constant 0 : index
      %swap3A_2780 = tpu.vector_load %arg11[%swap3A_2777, %swap3A_2778, %swap3A_2779] {strides = array<i32>} : memref<3x40x128xf32, #tpu.memory_space<vmem>>, vector<16xf32>,
      tpu.vector_store %arg11[%swap3A_2777, %swap3A_2778, %swap3A_2779], %mul3A_2775 {strides = array<i32>} : memref<3x40x128xf32, #tpu.memory_space<vmem>>, vector<16xf32>,
      %get3A_2781 = arith.constant 28 : i32
      %get3A_2782 = arith.index_cast %select_n3A_130 : i32 to index
      %get3A_2783 = arith.index_cast %get3A_2781 : i32 to index
      %get3A_2784 = arith.constant 16 : index
      %get3A_2785 = tpu.vector_load %arg11[%get3A_2782, %get3A_2783, %get3A_2784] {strides = array<i32>} : memref<3x40x128xf32, #tpu.memory_space<vmem>>, vector<16xf32>,
      %mul3A_2786 = arith.mulf %get3A_2785, %gather3A_2769 : vector<16xf32>
      %swap3A_2787 = arith.constant 28 : i32
      %swap3A_2788 = arith.index_cast %select_n3A_130 : i32 to index
      %swap3A_2789 = arith.index_cast %swap3A_2787 : i32 to index
      %swap3A_2790 = arith.constant 16 : index
      %swap3A_2791 = tpu.vector_load %arg11[%swap3A_2788, %swap3A_2789, %swap3A_2790] {strides = array<i32>} : memref<3x40x128xf32, #tpu.memory_space<vmem>>, vector<16xf32>,
      tpu.vector_store %arg11[%swap3A_2788, %swap3A_2789, %swap3A_2790], %mul3A_2786 {strides = array<i32>} : memref<3x40x128xf32, #tpu.memory_space<vmem>>, vector<16xf32>,
      %get3A_2792 = arith.constant 28 : i32
      %get3A_2793 = arith.index_cast %select_n3A_130 : i32 to index
      %get3A_2794 = arith.index_cast %get3A_2792 : i32 to index
      %get3A_2795 = arith.constant 32 : index
      %get3A_2796 = tpu.vector_load %arg11[%get3A_2793, %get3A_2794, %get3A_2795] {strides = array<i32>} : memref<3x40x128xf32, #tpu.memory_space<vmem>>, vector<16xf32>,
      %mul3A_2797 = arith.mulf %get3A_2796, %gather3A_2769 : vector<16xf32>
      %swap3A_2798 = arith.constant 28 : i32
      %swap3A_2799 = arith.index_cast %select_n3A_130 : i32 to index
      %swap3A_2800 = arith.index_cast %swap3A_2798 : i32 to index
      %swap3A_2801 = arith.constant 32 : index
      %swap3A_2802 = tpu.vector_load %arg11[%swap3A_2799, %swap3A_2800, %swap3A_2801] {strides = array<i32>} : memref<3x40x128xf32, #tpu.memory_space<vmem>>, vector<16xf32>,
      tpu.vector_store %arg11[%swap3A_2799, %swap3A_2800, %swap3A_2801], %mul3A_2797 {strides = array<i32>} : memref<3x40x128xf32, #tpu.memory_space<vmem>>, vector<16xf32>,
      %get3A_2803 = arith.constant 28 : i32
      %get3A_2804 = arith.index_cast %select_n3A_130 : i32 to index
      %get3A_2805 = arith.index_cast %get3A_2803 : i32 to index
      %get3A_2806 = arith.constant 48 : index
      %get3A_2807 = tpu.vector_load %arg11[%get3A_2804, %get3A_2805, %get3A_2806] {strides = array<i32>} : memref<3x40x128xf32, #tpu.memory_space<vmem>>, vector<16xf32>,
      %mul3A_2808 = arith.mulf %get3A_2807, %gather3A_2769 : vector<16xf32>
      %swap3A_2809 = arith.constant 28 : i32
      %swap3A_2810 = arith.index_cast %select_n3A_130 : i32 to index
      %swap3A_2811 = arith.index_cast %swap3A_2809 : i32 to index
      %swap3A_2812 = arith.constant 48 : index
      %swap3A_2813 = tpu.vector_load %arg11[%swap3A_2810, %swap3A_2811, %swap3A_2812] {strides = array<i32>} : memref<3x40x128xf32, #tpu.memory_space<vmem>>, vector<16xf32>,
      tpu.vector_store %arg11[%swap3A_2810, %swap3A_2811, %swap3A_2812], %mul3A_2808 {strides = array<i32>} : memref<3x40x128xf32, #tpu.memory_space<vmem>>, vector<16xf32>,
      %get3A_2814 = arith.constant 28 : i32
      %get3A_2815 = arith.index_cast %select_n3A_130 : i32 to index
      %get3A_2816 = arith.index_cast %get3A_2814 : i32 to index
      %get3A_2817 = arith.constant 64 : index
      %get3A_2818 = tpu.vector_load %arg11[%get3A_2815, %get3A_2816, %get3A_2817] {strides = array<i32>} : memref<3x40x128xf32, #tpu.memory_space<vmem>>, vector<16xf32>,
      %mul3A_2819 = arith.mulf %get3A_2818, %gather3A_2769 : vector<16xf32>
      %swap3A_2820 = arith.constant 28 : i32
      %swap3A_2821 = arith.index_cast %select_n3A_130 : i32 to index
      %swap3A_2822 = arith.index_cast %swap3A_2820 : i32 to index
      %swap3A_2823 = arith.constant 64 : index
      %swap3A_2824 = tpu.vector_load %arg11[%swap3A_2821, %swap3A_2822, %swap3A_2823] {strides = array<i32>} : memref<3x40x128xf32, #tpu.memory_space<vmem>>, vector<16xf32>,
      tpu.vector_store %arg11[%swap3A_2821, %swap3A_2822, %swap3A_2823], %mul3A_2819 {strides = array<i32>} : memref<3x40x128xf32, #tpu.memory_space<vmem>>, vector<16xf32>,
      %get3A_2825 = arith.constant 28 : i32
      %get3A_2826 = arith.index_cast %select_n3A_130 : i32 to index
      %get3A_2827 = arith.index_cast %get3A_2825 : i32 to index
      %get3A_2828 = arith.constant 80 : index
      %get3A_2829 = tpu.vector_load %arg11[%get3A_2826, %get3A_2827, %get3A_2828] {strides = array<i32>} : memref<3x40x128xf32, #tpu.memory_space<vmem>>, vector<16xf32>,
      %mul3A_2830 = arith.mulf %get3A_2829, %gather3A_2769 : vector<16xf32>
      %swap3A_2831 = arith.constant 28 : i32
      %swap3A_2832 = arith.index_cast %select_n3A_130 : i32 to index
      %swap3A_2833 = arith.index_cast %swap3A_2831 : i32 to index
      %swap3A_2834 = arith.constant 80 : index
      %swap3A_2835 = tpu.vector_load %arg11[%swap3A_2832, %swap3A_2833, %swap3A_2834] {strides = array<i32>} : memref<3x40x128xf32, #tpu.memory_space<vmem>>, vector<16xf32>,
      tpu.vector_store %arg11[%swap3A_2832, %swap3A_2833, %swap3A_2834], %mul3A_2830 {strides = array<i32>} : memref<3x40x128xf32, #tpu.memory_space<vmem>>, vector<16xf32>,
      %get3A_2836 = arith.constant 28 : i32
      %get3A_2837 = arith.index_cast %select_n3A_130 : i32 to index
      %get3A_2838 = arith.index_cast %get3A_2836 : i32 to index
      %get3A_2839 = arith.constant 96 : index
      %get3A_2840 = tpu.vector_load %arg11[%get3A_2837, %get3A_2838, %get3A_2839] {strides = array<i32>} : memref<3x40x128xf32, #tpu.memory_space<vmem>>, vector<16xf32>,
      %mul3A_2841 = arith.mulf %get3A_2840, %gather3A_2769 : vector<16xf32>
      %swap3A_2842 = arith.constant 28 : i32
      %swap3A_2843 = arith.index_cast %select_n3A_130 : i32 to index
      %swap3A_2844 = arith.index_cast %swap3A_2842 : i32 to index
      %swap3A_2845 = arith.constant 96 : index
      %swap3A_2846 = tpu.vector_load %arg11[%swap3A_2843, %swap3A_2844, %swap3A_2845] {strides = array<i32>} : memref<3x40x128xf32, #tpu.memory_space<vmem>>, vector<16xf32>,
      tpu.vector_store %arg11[%swap3A_2843, %swap3A_2844, %swap3A_2845], %mul3A_2841 {strides = array<i32>} : memref<3x40x128xf32, #tpu.memory_space<vmem>>, vector<16xf32>,
      %get3A_2847 = arith.constant 28 : i32
      %get3A_2848 = arith.index_cast %select_n3A_130 : i32 to index
      %get3A_2849 = arith.index_cast %get3A_2847 : i32 to index
      %get3A_2850 = arith.constant 112 : index
      %get3A_2851 = tpu.vector_load %arg11[%get3A_2848, %get3A_2849, %get3A_2850] {strides = array<i32>} : memref<3x40x128xf32, #tpu.memory_space<vmem>>, vector<16xf32>,
      %mul3A_2852 = arith.mulf %get3A_2851, %gather3A_2769 : vector<16xf32>
      %swap3A_2853 = arith.constant 28 : i32
      %swap3A_2854 = arith.index_cast %select_n3A_130 : i32 to index
      %swap3A_2855 = arith.index_cast %swap3A_2853 : i32 to index
      %swap3A_2856 = arith.constant 112 : index
      %swap3A_2857 = tpu.vector_load %arg11[%swap3A_2854, %swap3A_2855, %swap3A_2856] {strides = array<i32>} : memref<3x40x128xf32, #tpu.memory_space<vmem>>, vector<16xf32>,
      tpu.vector_store %arg11[%swap3A_2854, %swap3A_2855, %swap3A_2856], %mul3A_2852 {strides = array<i32>} : memref<3x40x128xf32, #tpu.memory_space<vmem>>, vector<16xf32>,
      %broadcast_in_dim3A_2858 = arith.constant 13 : i32
      %broadcast_in_dim3A_2859 = vector.broadcast %broadcast_in_dim3A_2858 : i32 to vector<16x1xi32>
      %gather3A_2860 = vector.shape_cast %broadcast_in_dim3A_2859 : vector<16x1xi32> to vector<16xi32>
      %gather3A_2861 = tpu.dynamic_gather %get3A_1661[%gather3A_2860] in [0] : vector<16xf32>, vector<16xi32> -> vector<16xf32>
      %get3A_2862 = arith.constant 29 : i32
      %get3A_2863 = arith.index_cast %select_n3A_130 : i32 to index
      %get3A_2864 = arith.index_cast %get3A_2862 : i32 to index
      %get3A_2865 = arith.constant 0 : index
      %get3A_2866 = tpu.vector_load %arg11[%get3A_2863, %get3A_2864, %get3A_2865] {strides = array<i32>} : memref<3x40x128xf32, #tpu.memory_space<vmem>>, vector<16xf32>,
      %mul3A_2867 = arith.mulf %get3A_2866, %gather3A_2861 : vector<16xf32>
      %swap3A_2868 = arith.constant 29 : i32
      %swap3A_2869 = arith.index_cast %select_n3A_130 : i32 to index
      %swap3A_2870 = arith.index_cast %swap3A_2868 : i32 to index
      %swap3A_2871 = arith.constant 0 : index
      %swap3A_2872 = tpu.vector_load %arg11[%swap3A_2869, %swap3A_2870, %swap3A_2871] {strides = array<i32>} : memref<3x40x128xf32, #tpu.memory_space<vmem>>, vector<16xf32>,
      tpu.vector_store %arg11[%swap3A_2869, %swap3A_2870, %swap3A_2871], %mul3A_2867 {strides = array<i32>} : memref<3x40x128xf32, #tpu.memory_space<vmem>>, vector<16xf32>,
      %get3A_2873 = arith.constant 29 : i32
      %get3A_2874 = arith.index_cast %select_n3A_130 : i32 to index
      %get3A_2875 = arith.index_cast %get3A_2873 : i32 to index
      %get3A_2876 = arith.constant 16 : index
      %get3A_2877 = tpu.vector_load %arg11[%get3A_2874, %get3A_2875, %get3A_2876] {strides = array<i32>} : memref<3x40x128xf32, #tpu.memory_space<vmem>>, vector<16xf32>,
      %mul3A_2878 = arith.mulf %get3A_2877, %gather3A_2861 : vector<16xf32>
      %swap3A_2879 = arith.constant 29 : i32
      %swap3A_2880 = arith.index_cast %select_n3A_130 : i32 to index
      %swap3A_2881 = arith.index_cast %swap3A_2879 : i32 to index
      %swap3A_2882 = arith.constant 16 : index
      %swap3A_2883 = tpu.vector_load %arg11[%swap3A_2880, %swap3A_2881, %swap3A_2882] {strides = array<i32>} : memref<3x40x128xf32, #tpu.memory_space<vmem>>, vector<16xf32>,
      tpu.vector_store %arg11[%swap3A_2880, %swap3A_2881, %swap3A_2882], %mul3A_2878 {strides = array<i32>} : memref<3x40x128xf32, #tpu.memory_space<vmem>>, vector<16xf32>,
      %get3A_2884 = arith.constant 29 : i32
      %get3A_2885 = arith.index_cast %select_n3A_130 : i32 to index
      %get3A_2886 = arith.index_cast %get3A_2884 : i32 to index
      %get3A_2887 = arith.constant 32 : index
      %get3A_2888 = tpu.vector_load %arg11[%get3A_2885, %get3A_2886, %get3A_2887] {strides = array<i32>} : memref<3x40x128xf32, #tpu.memory_space<vmem>>, vector<16xf32>,
      %mul3A_2889 = arith.mulf %get3A_2888, %gather3A_2861 : vector<16xf32>
      %swap3A_2890 = arith.constant 29 : i32
      %swap3A_2891 = arith.index_cast %select_n3A_130 : i32 to index
      %swap3A_2892 = arith.index_cast %swap3A_2890 : i32 to index
      %swap3A_2893 = arith.constant 32 : index
      %swap3A_2894 = tpu.vector_load %arg11[%swap3A_2891, %swap3A_2892, %swap3A_2893] {strides = array<i32>} : memref<3x40x128xf32, #tpu.memory_space<vmem>>, vector<16xf32>,
      tpu.vector_store %arg11[%swap3A_2891, %swap3A_2892, %swap3A_2893], %mul3A_2889 {strides = array<i32>} : memref<3x40x128xf32, #tpu.memory_space<vmem>>, vector<16xf32>,
      %get3A_2895 = arith.constant 29 : i32
      %get3A_2896 = arith.index_cast %select_n3A_130 : i32 to index
      %get3A_2897 = arith.index_cast %get3A_2895 : i32 to index
      %get3A_2898 = arith.constant 48 : index
      %get3A_2899 = tpu.vector_load %arg11[%get3A_2896, %get3A_2897, %get3A_2898] {strides = array<i32>} : memref<3x40x128xf32, #tpu.memory_space<vmem>>, vector<16xf32>,
      %mul3A_2900 = arith.mulf %get3A_2899, %gather3A_2861 : vector<16xf32>
      %swap3A_2901 = arith.constant 29 : i32
      %swap3A_2902 = arith.index_cast %select_n3A_130 : i32 to index
      %swap3A_2903 = arith.index_cast %swap3A_2901 : i32 to index
      %swap3A_2904 = arith.constant 48 : index
      %swap3A_2905 = tpu.vector_load %arg11[%swap3A_2902, %swap3A_2903, %swap3A_2904] {strides = array<i32>} : memref<3x40x128xf32, #tpu.memory_space<vmem>>, vector<16xf32>,
      tpu.vector_store %arg11[%swap3A_2902, %swap3A_2903, %swap3A_2904], %mul3A_2900 {strides = array<i32>} : memref<3x40x128xf32, #tpu.memory_space<vmem>>, vector<16xf32>,
      %get3A_2906 = arith.constant 29 : i32
      %get3A_2907 = arith.index_cast %select_n3A_130 : i32 to index
      %get3A_2908 = arith.index_cast %get3A_2906 : i32 to index
      %get3A_2909 = arith.constant 64 : index
      %get3A_2910 = tpu.vector_load %arg11[%get3A_2907, %get3A_2908, %get3A_2909] {strides = array<i32>} : memref<3x40x128xf32, #tpu.memory_space<vmem>>, vector<16xf32>,
      %mul3A_2911 = arith.mulf %get3A_2910, %gather3A_2861 : vector<16xf32>
      %swap3A_2912 = arith.constant 29 : i32
      %swap3A_2913 = arith.index_cast %select_n3A_130 : i32 to index
      %swap3A_2914 = arith.index_cast %swap3A_2912 : i32 to index
      %swap3A_2915 = arith.constant 64 : index
      %swap3A_2916 = tpu.vector_load %arg11[%swap3A_2913, %swap3A_2914, %swap3A_2915] {strides = array<i32>} : memref<3x40x128xf32, #tpu.memory_space<vmem>>, vector<16xf32>,
      tpu.vector_store %arg11[%swap3A_2913, %swap3A_2914, %swap3A_2915], %mul3A_2911 {strides = array<i32>} : memref<3x40x128xf32, #tpu.memory_space<vmem>>, vector<16xf32>,
      %get3A_2917 = arith.constant 29 : i32
      %get3A_2918 = arith.index_cast %select_n3A_130 : i32 to index
      %get3A_2919 = arith.index_cast %get3A_2917 : i32 to index
      %get3A_2920 = arith.constant 80 : index
      %get3A_2921 = tpu.vector_load %arg11[%get3A_2918, %get3A_2919, %get3A_2920] {strides = array<i32>} : memref<3x40x128xf32, #tpu.memory_space<vmem>>, vector<16xf32>,
      %mul3A_2922 = arith.mulf %get3A_2921, %gather3A_2861 : vector<16xf32>
      %swap3A_2923 = arith.constant 29 : i32
      %swap3A_2924 = arith.index_cast %select_n3A_130 : i32 to index
      %swap3A_2925 = arith.index_cast %swap3A_2923 : i32 to index
      %swap3A_2926 = arith.constant 80 : index
      %swap3A_2927 = tpu.vector_load %arg11[%swap3A_2924, %swap3A_2925, %swap3A_2926] {strides = array<i32>} : memref<3x40x128xf32, #tpu.memory_space<vmem>>, vector<16xf32>,
      tpu.vector_store %arg11[%swap3A_2924, %swap3A_2925, %swap3A_2926], %mul3A_2922 {strides = array<i32>} : memref<3x40x128xf32, #tpu.memory_space<vmem>>, vector<16xf32>,
      %get3A_2928 = arith.constant 29 : i32
      %get3A_2929 = arith.index_cast %select_n3A_130 : i32 to index
      %get3A_2930 = arith.index_cast %get3A_2928 : i32 to index
      %get3A_2931 = arith.constant 96 : index
      %get3A_2932 = tpu.vector_load %arg11[%get3A_2929, %get3A_2930, %get3A_2931] {strides = array<i32>} : memref<3x40x128xf32, #tpu.memory_space<vmem>>, vector<16xf32>,
      %mul3A_2933 = arith.mulf %get3A_2932, %gather3A_2861 : vector<16xf32>
      %swap3A_2934 = arith.constant 29 : i32
      %swap3A_2935 = arith.index_cast %select_n3A_130 : i32 to index
      %swap3A_2936 = arith.index_cast %swap3A_2934 : i32 to index
      %swap3A_2937 = arith.constant 96 : index
      %swap3A_2938 = tpu.vector_load %arg11[%swap3A_2935, %swap3A_2936, %swap3A_2937] {strides = array<i32>} : memref<3x40x128xf32, #tpu.memory_space<vmem>>, vector<16xf32>,
      tpu.vector_store %arg11[%swap3A_2935, %swap3A_2936, %swap3A_2937], %mul3A_2933 {strides = array<i32>} : memref<3x40x128xf32, #tpu.memory_space<vmem>>, vector<16xf32>,
      %get3A_2939 = arith.constant 29 : i32
      %get3A_2940 = arith.index_cast %select_n3A_130 : i32 to index
      %get3A_2941 = arith.index_cast %get3A_2939 : i32 to index
      %get3A_2942 = arith.constant 112 : index
      %get3A_2943 = tpu.vector_load %arg11[%get3A_2940, %get3A_2941, %get3A_2942] {strides = array<i32>} : memref<3x40x128xf32, #tpu.memory_space<vmem>>, vector<16xf32>,
      %mul3A_2944 = arith.mulf %get3A_2943, %gather3A_2861 : vector<16xf32>
      %swap3A_2945 = arith.constant 29 : i32
      %swap3A_2946 = arith.index_cast %select_n3A_130 : i32 to index
      %swap3A_2947 = arith.index_cast %swap3A_2945 : i32 to index
      %swap3A_2948 = arith.constant 112 : index
      %swap3A_2949 = tpu.vector_load %arg11[%swap3A_2946, %swap3A_2947, %swap3A_2948] {strides = array<i32>} : memref<3x40x128xf32, #tpu.memory_space<vmem>>, vector<16xf32>,
      tpu.vector_store %arg11[%swap3A_2946, %swap3A_2947, %swap3A_2948], %mul3A_2944 {strides = array<i32>} : memref<3x40x128xf32, #tpu.memory_space<vmem>>, vector<16xf32>,
      %broadcast_in_dim3A_2950 = arith.constant 14 : i32
      %broadcast_in_dim3A_2951 = vector.broadcast %broadcast_in_dim3A_2950 : i32 to vector<16x1xi32>
      %gather3A_2952 = vector.shape_cast %broadcast_in_dim3A_2951 : vector<16x1xi32> to vector<16xi32>
      %gather3A_2953 = tpu.dynamic_gather %get3A_1661[%gather3A_2952] in [0] : vector<16xf32>, vector<16xi32> -> vector<16xf32>
      %get3A_2954 = arith.constant 30 : i32
      %get3A_2955 = arith.index_cast %select_n3A_130 : i32 to index
      %get3A_2956 = arith.index_cast %get3A_2954 : i32 to index
      %get3A_2957 = arith.constant 0 : index
      %get3A_2958 = tpu.vector_load %arg11[%get3A_2955, %get3A_2956, %get3A_2957] {strides = array<i32>} : memref<3x40x128xf32, #tpu.memory_space<vmem>>, vector<16xf32>,
      %mul3A_2959 = arith.mulf %get3A_2958, %gather3A_2953 : vector<16xf32>
      %swap3A_2960 = arith.constant 30 : i32
      %swap3A_2961 = arith.index_cast %select_n3A_130 : i32 to index
      %swap3A_2962 = arith.index_cast %swap3A_2960 : i32 to index
      %swap3A_2963 = arith.constant 0 : index
      %swap3A_2964 = tpu.vector_load %arg11[%swap3A_2961, %swap3A_2962, %swap3A_2963] {strides = array<i32>} : memref<3x40x128xf32, #tpu.memory_space<vmem>>, vector<16xf32>,
      tpu.vector_store %arg11[%swap3A_2961, %swap3A_2962, %swap3A_2963], %mul3A_2959 {strides = array<i32>} : memref<3x40x128xf32, #tpu.memory_space<vmem>>, vector<16xf32>,
      %get3A_2965 = arith.constant 30 : i32
      %get3A_2966 = arith.index_cast %select_n3A_130 : i32 to index
      %get3A_2967 = arith.index_cast %get3A_2965 : i32 to index
      %get3A_2968 = arith.constant 16 : index
      %get3A_2969 = tpu.vector_load %arg11[%get3A_2966, %get3A_2967, %get3A_2968] {strides = array<i32>} : memref<3x40x128xf32, #tpu.memory_space<vmem>>, vector<16xf32>,
      %mul3A_2970 = arith.mulf %get3A_2969, %gather3A_2953 : vector<16xf32>
      %swap3A_2971 = arith.constant 30 : i32
      %swap3A_2972 = arith.index_cast %select_n3A_130 : i32 to index
      %swap3A_2973 = arith.index_cast %swap3A_2971 : i32 to index
      %swap3A_2974 = arith.constant 16 : index
      %swap3A_2975 = tpu.vector_load %arg11[%swap3A_2972, %swap3A_2973, %swap3A_2974] {strides = array<i32>} : memref<3x40x128xf32, #tpu.memory_space<vmem>>, vector<16xf32>,
      tpu.vector_store %arg11[%swap3A_2972, %swap3A_2973, %swap3A_2974], %mul3A_2970 {strides = array<i32>} : memref<3x40x128xf32, #tpu.memory_space<vmem>>, vector<16xf32>,
      %get3A_2976 = arith.constant 30 : i32
      %get3A_2977 = arith.index_cast %select_n3A_130 : i32 to index
      %get3A_2978 = arith.index_cast %get3A_2976 : i32 to index
      %get3A_2979 = arith.constant 32 : index
      %get3A_2980 = tpu.vector_load %arg11[%get3A_2977, %get3A_2978, %get3A_2979] {strides = array<i32>} : memref<3x40x128xf32, #tpu.memory_space<vmem>>, vector<16xf32>,
      %mul3A_2981 = arith.mulf %get3A_2980, %gather3A_2953 : vector<16xf32>
      %swap3A_2982 = arith.constant 30 : i32
      %swap3A_2983 = arith.index_cast %select_n3A_130 : i32 to index
      %swap3A_2984 = arith.index_cast %swap3A_2982 : i32 to index
      %swap3A_2985 = arith.constant 32 : index
      %swap3A_2986 = tpu.vector_load %arg11[%swap3A_2983, %swap3A_2984, %swap3A_2985] {strides = array<i32>} : memref<3x40x128xf32, #tpu.memory_space<vmem>>, vector<16xf32>,
      tpu.vector_store %arg11[%swap3A_2983, %swap3A_2984, %swap3A_2985], %mul3A_2981 {strides = array<i32>} : memref<3x40x128xf32, #tpu.memory_space<vmem>>, vector<16xf32>,
      %get3A_2987 = arith.constant 30 : i32
      %get3A_2988 = arith.index_cast %select_n3A_130 : i32 to index
      %get3A_2989 = arith.index_cast %get3A_2987 : i32 to index
      %get3A_2990 = arith.constant 48 : index
      %get3A_2991 = tpu.vector_load %arg11[%get3A_2988, %get3A_2989, %get3A_2990] {strides = array<i32>} : memref<3x40x128xf32, #tpu.memory_space<vmem>>, vector<16xf32>,
      %mul3A_2992 = arith.mulf %get3A_2991, %gather3A_2953 : vector<16xf32>
      %swap3A_2993 = arith.constant 30 : i32
      %swap3A_2994 = arith.index_cast %select_n3A_130 : i32 to index
      %swap3A_2995 = arith.index_cast %swap3A_2993 : i32 to index
      %swap3A_2996 = arith.constant 48 : index
      %swap3A_2997 = tpu.vector_load %arg11[%swap3A_2994, %swap3A_2995, %swap3A_2996] {strides = array<i32>} : memref<3x40x128xf32, #tpu.memory_space<vmem>>, vector<16xf32>,
      tpu.vector_store %arg11[%swap3A_2994, %swap3A_2995, %swap3A_2996], %mul3A_2992 {strides = array<i32>} : memref<3x40x128xf32, #tpu.memory_space<vmem>>, vector<16xf32>,
      %get3A_2998 = arith.constant 30 : i32
      %get3A_2999 = arith.index_cast %select_n3A_130 : i32 to index
      %get3A_3000 = arith.index_cast %get3A_2998 : i32 to index
      %get3A_3001 = arith.constant 64 : index
      %get3A_3002 = tpu.vector_load %arg11[%get3A_2999, %get3A_3000, %get3A_3001] {strides = array<i32>} : memref<3x40x128xf32, #tpu.memory_space<vmem>>, vector<16xf32>,
      %mul3A_3003 = arith.mulf %get3A_3002, %gather3A_2953 : vector<16xf32>
      %swap3A_3004 = arith.constant 30 : i32
      %swap3A_3005 = arith.index_cast %select_n3A_130 : i32 to index
      %swap3A_3006 = arith.index_cast %swap3A_3004 : i32 to index
      %swap3A_3007 = arith.constant 64 : index
      %swap3A_3008 = tpu.vector_load %arg11[%swap3A_3005, %swap3A_3006, %swap3A_3007] {strides = array<i32>} : memref<3x40x128xf32, #tpu.memory_space<vmem>>, vector<16xf32>,
      tpu.vector_store %arg11[%swap3A_3005, %swap3A_3006, %swap3A_3007], %mul3A_3003 {strides = array<i32>} : memref<3x40x128xf32, #tpu.memory_space<vmem>>, vector<16xf32>,
      %get3A_3009 = arith.constant 30 : i32
      %get3A_3010 = arith.index_cast %select_n3A_130 : i32 to index
      %get3A_3011 = arith.index_cast %get3A_3009 : i32 to index
      %get3A_3012 = arith.constant 80 : index
      %get3A_3013 = tpu.vector_load %arg11[%get3A_3010, %get3A_3011, %get3A_3012] {strides = array<i32>} : memref<3x40x128xf32, #tpu.memory_space<vmem>>, vector<16xf32>,
      %mul3A_3014 = arith.mulf %get3A_3013, %gather3A_2953 : vector<16xf32>
      %swap3A_3015 = arith.constant 30 : i32
      %swap3A_3016 = arith.index_cast %select_n3A_130 : i32 to index
      %swap3A_3017 = arith.index_cast %swap3A_3015 : i32 to index
      %swap3A_3018 = arith.constant 80 : index
      %swap3A_3019 = tpu.vector_load %arg11[%swap3A_3016, %swap3A_3017, %swap3A_3018] {strides = array<i32>} : memref<3x40x128xf32, #tpu.memory_space<vmem>>, vector<16xf32>,
      tpu.vector_store %arg11[%swap3A_3016, %swap3A_3017, %swap3A_3018], %mul3A_3014 {strides = array<i32>} : memref<3x40x128xf32, #tpu.memory_space<vmem>>, vector<16xf32>,
      %get3A_3020 = arith.constant 30 : i32
      %get3A_3021 = arith.index_cast %select_n3A_130 : i32 to index
      %get3A_3022 = arith.index_cast %get3A_3020 : i32 to index
      %get3A_3023 = arith.constant 96 : index
      %get3A_3024 = tpu.vector_load %arg11[%get3A_3021, %get3A_3022, %get3A_3023] {strides = array<i32>} : memref<3x40x128xf32, #tpu.memory_space<vmem>>, vector<16xf32>,
      %mul3A_3025 = arith.mulf %get3A_3024, %gather3A_2953 : vector<16xf32>
      %swap3A_3026 = arith.constant 30 : i32
      %swap3A_3027 = arith.index_cast %select_n3A_130 : i32 to index
      %swap3A_3028 = arith.index_cast %swap3A_3026 : i32 to index
      %swap3A_3029 = arith.constant 96 : index
      %swap3A_3030 = tpu.vector_load %arg11[%swap3A_3027, %swap3A_3028, %swap3A_3029] {strides = array<i32>} : memref<3x40x128xf32, #tpu.memory_space<vmem>>, vector<16xf32>,
      tpu.vector_store %arg11[%swap3A_3027, %swap3A_3028, %swap3A_3029], %mul3A_3025 {strides = array<i32>} : memref<3x40x128xf32, #tpu.memory_space<vmem>>, vector<16xf32>,
      %get3A_3031 = arith.constant 30 : i32
      %get3A_3032 = arith.index_cast %select_n3A_130 : i32 to index
      %get3A_3033 = arith.index_cast %get3A_3031 : i32 to index
      %get3A_3034 = arith.constant 112 : index
      %get3A_3035 = tpu.vector_load %arg11[%get3A_3032, %get3A_3033, %get3A_3034] {strides = array<i32>} : memref<3x40x128xf32, #tpu.memory_space<vmem>>, vector<16xf32>,
      %mul3A_3036 = arith.mulf %get3A_3035, %gather3A_2953 : vector<16xf32>
      %swap3A_3037 = arith.constant 30 : i32
      %swap3A_3038 = arith.index_cast %select_n3A_130 : i32 to index
      %swap3A_3039 = arith.index_cast %swap3A_3037 : i32 to index
      %swap3A_3040 = arith.constant 112 : index
      %swap3A_3041 = tpu.vector_load %arg11[%swap3A_3038, %swap3A_3039, %swap3A_3040] {strides = array<i32>} : memref<3x40x128xf32, #tpu.memory_space<vmem>>, vector<16xf32>,
      tpu.vector_store %arg11[%swap3A_3038, %swap3A_3039, %swap3A_3040], %mul3A_3036 {strides = array<i32>} : memref<3x40x128xf32, #tpu.memory_space<vmem>>, vector<16xf32>,
      %broadcast_in_dim3A_3042 = arith.constant 15 : i32
      %broadcast_in_dim3A_3043 = vector.broadcast %broadcast_in_dim3A_3042 : i32 to vector<16x1xi32>
      %gather3A_3044 = vector.shape_cast %broadcast_in_dim3A_3043 : vector<16x1xi32> to vector<16xi32>
      %gather3A_3045 = tpu.dynamic_gather %get3A_1661[%gather3A_3044] in [0] : vector<16xf32>, vector<16xi32> -> vector<16xf32>
      %get3A_3046 = arith.constant 31 : i32
      %get3A_3047 = arith.index_cast %select_n3A_130 : i32 to index
      %get3A_3048 = arith.index_cast %get3A_3046 : i32 to index
      %get3A_3049 = arith.constant 0 : index
      %get3A_3050 = tpu.vector_load %arg11[%get3A_3047, %get3A_3048, %get3A_3049] {strides = array<i32>} : memref<3x40x128xf32, #tpu.memory_space<vmem>>, vector<16xf32>,
      %mul3A_3051 = arith.mulf %get3A_3050, %gather3A_3045 : vector<16xf32>
      %swap3A_3052 = arith.constant 31 : i32
      %swap3A_3053 = arith.index_cast %select_n3A_130 : i32 to index
      %swap3A_3054 = arith.index_cast %swap3A_3052 : i32 to index
      %swap3A_3055 = arith.constant 0 : index
      %swap3A_3056 = tpu.vector_load %arg11[%swap3A_3053, %swap3A_3054, %swap3A_3055] {strides = array<i32>} : memref<3x40x128xf32, #tpu.memory_space<vmem>>, vector<16xf32>,
      tpu.vector_store %arg11[%swap3A_3053, %swap3A_3054, %swap3A_3055], %mul3A_3051 {strides = array<i32>} : memref<3x40x128xf32, #tpu.memory_space<vmem>>, vector<16xf32>,
      %get3A_3057 = arith.constant 31 : i32
      %get3A_3058 = arith.index_cast %select_n3A_130 : i32 to index
      %get3A_3059 = arith.index_cast %get3A_3057 : i32 to index
      %get3A_3060 = arith.constant 16 : index
      %get3A_3061 = tpu.vector_load %arg11[%get3A_3058, %get3A_3059, %get3A_3060] {strides = array<i32>} : memref<3x40x128xf32, #tpu.memory_space<vmem>>, vector<16xf32>,
      %mul3A_3062 = arith.mulf %get3A_3061, %gather3A_3045 : vector<16xf32>
      %swap3A_3063 = arith.constant 31 : i32
      %swap3A_3064 = arith.index_cast %select_n3A_130 : i32 to index
      %swap3A_3065 = arith.index_cast %swap3A_3063 : i32 to index
      %swap3A_3066 = arith.constant 16 : index
      %swap3A_3067 = tpu.vector_load %arg11[%swap3A_3064, %swap3A_3065, %swap3A_3066] {strides = array<i32>} : memref<3x40x128xf32, #tpu.memory_space<vmem>>, vector<16xf32>,
      tpu.vector_store %arg11[%swap3A_3064, %swap3A_3065, %swap3A_3066], %mul3A_3062 {strides = array<i32>} : memref<3x40x128xf32, #tpu.memory_space<vmem>>, vector<16xf32>,
      %get3A_3068 = arith.constant 31 : i32
      %get3A_3069 = arith.index_cast %select_n3A_130 : i32 to index
      %get3A_3070 = arith.index_cast %get3A_3068 : i32 to index
      %get3A_3071 = arith.constant 32 : index
      %get3A_3072 = tpu.vector_load %arg11[%get3A_3069, %get3A_3070, %get3A_3071] {strides = array<i32>} : memref<3x40x128xf32, #tpu.memory_space<vmem>>, vector<16xf32>,
      %mul3A_3073 = arith.mulf %get3A_3072, %gather3A_3045 : vector<16xf32>
      %swap3A_3074 = arith.constant 31 : i32
      %swap3A_3075 = arith.index_cast %select_n3A_130 : i32 to index
      %swap3A_3076 = arith.index_cast %swap3A_3074 : i32 to index
      %swap3A_3077 = arith.constant 32 : index
      %swap3A_3078 = tpu.vector_load %arg11[%swap3A_3075, %swap3A_3076, %swap3A_3077] {strides = array<i32>} : memref<3x40x128xf32, #tpu.memory_space<vmem>>, vector<16xf32>,
      tpu.vector_store %arg11[%swap3A_3075, %swap3A_3076, %swap3A_3077], %mul3A_3073 {strides = array<i32>} : memref<3x40x128xf32, #tpu.memory_space<vmem>>, vector<16xf32>,
      %get3A_3079 = arith.constant 31 : i32
      %get3A_3080 = arith.index_cast %select_n3A_130 : i32 to index
      %get3A_3081 = arith.index_cast %get3A_3079 : i32 to index
      %get3A_3082 = arith.constant 48 : index
      %get3A_3083 = tpu.vector_load %arg11[%get3A_3080, %get3A_3081, %get3A_3082] {strides = array<i32>} : memref<3x40x128xf32, #tpu.memory_space<vmem>>, vector<16xf32>,
      %mul3A_3084 = arith.mulf %get3A_3083, %gather3A_3045 : vector<16xf32>
      %swap3A_3085 = arith.constant 31 : i32
      %swap3A_3086 = arith.index_cast %select_n3A_130 : i32 to index
      %swap3A_3087 = arith.index_cast %swap3A_3085 : i32 to index
      %swap3A_3088 = arith.constant 48 : index
      %swap3A_3089 = tpu.vector_load %arg11[%swap3A_3086, %swap3A_3087, %swap3A_3088] {strides = array<i32>} : memref<3x40x128xf32, #tpu.memory_space<vmem>>, vector<16xf32>,
      tpu.vector_store %arg11[%swap3A_3086, %swap3A_3087, %swap3A_3088], %mul3A_3084 {strides = array<i32>} : memref<3x40x128xf32, #tpu.memory_space<vmem>>, vector<16xf32>,
      %get3A_3090 = arith.constant 31 : i32
      %get3A_3091 = arith.index_cast %select_n3A_130 : i32 to index
      %get3A_3092 = arith.index_cast %get3A_3090 : i32 to index
      %get3A_3093 = arith.constant 64 : index
      %get3A_3094 = tpu.vector_load %arg11[%get3A_3091, %get3A_3092, %get3A_3093] {strides = array<i32>} : memref<3x40x128xf32, #tpu.memory_space<vmem>>, vector<16xf32>,
      %mul3A_3095 = arith.mulf %get3A_3094, %gather3A_3045 : vector<16xf32>
      %swap3A_3096 = arith.constant 31 : i32
      %swap3A_3097 = arith.index_cast %select_n3A_130 : i32 to index
      %swap3A_3098 = arith.index_cast %swap3A_3096 : i32 to index
      %swap3A_3099 = arith.constant 64 : index
      %swap3A_3100 = tpu.vector_load %arg11[%swap3A_3097, %swap3A_3098, %swap3A_3099] {strides = array<i32>} : memref<3x40x128xf32, #tpu.memory_space<vmem>>, vector<16xf32>,
      tpu.vector_store %arg11[%swap3A_3097, %swap3A_3098, %swap3A_3099], %mul3A_3095 {strides = array<i32>} : memref<3x40x128xf32, #tpu.memory_space<vmem>>, vector<16xf32>,
      %get3A_3101 = arith.constant 31 : i32
      %get3A_3102 = arith.index_cast %select_n3A_130 : i32 to index
      %get3A_3103 = arith.index_cast %get3A_3101 : i32 to index
      %get3A_3104 = arith.constant 80 : index
      %get3A_3105 = tpu.vector_load %arg11[%get3A_3102, %get3A_3103, %get3A_3104] {strides = array<i32>} : memref<3x40x128xf32, #tpu.memory_space<vmem>>, vector<16xf32>,
      %mul3A_3106 = arith.mulf %get3A_3105, %gather3A_3045 : vector<16xf32>
      %swap3A_3107 = arith.constant 31 : i32
      %swap3A_3108 = arith.index_cast %select_n3A_130 : i32 to index
      %swap3A_3109 = arith.index_cast %swap3A_3107 : i32 to index
      %swap3A_3110 = arith.constant 80 : index
      %swap3A_3111 = tpu.vector_load %arg11[%swap3A_3108, %swap3A_3109, %swap3A_3110] {strides = array<i32>} : memref<3x40x128xf32, #tpu.memory_space<vmem>>, vector<16xf32>,
      tpu.vector_store %arg11[%swap3A_3108, %swap3A_3109, %swap3A_3110], %mul3A_3106 {strides = array<i32>} : memref<3x40x128xf32, #tpu.memory_space<vmem>>, vector<16xf32>,
      %get3A_3112 = arith.constant 31 : i32
      %get3A_3113 = arith.index_cast %select_n3A_130 : i32 to index
      %get3A_3114 = arith.index_cast %get3A_3112 : i32 to index
      %get3A_3115 = arith.constant 96 : index
      %get3A_3116 = tpu.vector_load %arg11[%get3A_3113, %get3A_3114, %get3A_3115] {strides = array<i32>} : memref<3x40x128xf32, #tpu.memory_space<vmem>>, vector<16xf32>,
      %mul3A_3117 = arith.mulf %get3A_3116, %gather3A_3045 : vector<16xf32>
      %swap3A_3118 = arith.constant 31 : i32
      %swap3A_3119 = arith.index_cast %select_n3A_130 : i32 to index
      %swap3A_3120 = arith.index_cast %swap3A_3118 : i32 to index
      %swap3A_3121 = arith.constant 96 : index
      %swap3A_3122 = tpu.vector_load %arg11[%swap3A_3119, %swap3A_3120, %swap3A_3121] {strides = array<i32>} : memref<3x40x128xf32, #tpu.memory_space<vmem>>, vector<16xf32>,
      tpu.vector_store %arg11[%swap3A_3119, %swap3A_3120, %swap3A_3121], %mul3A_3117 {strides = array<i32>} : memref<3x40x128xf32, #tpu.memory_space<vmem>>, vector<16xf32>,
      %get3A_3123 = arith.constant 31 : i32
      %get3A_3124 = arith.index_cast %select_n3A_130 : i32 to index
      %get3A_3125 = arith.index_cast %get3A_3123 : i32 to index
      %get3A_3126 = arith.constant 112 : index
      %get3A_3127 = tpu.vector_load %arg11[%get3A_3124, %get3A_3125, %get3A_3126] {strides = array<i32>} : memref<3x40x128xf32, #tpu.memory_space<vmem>>, vector<16xf32>,
      %mul3A_3128 = arith.mulf %get3A_3127, %gather3A_3045 : vector<16xf32>
      %swap3A_3129 = arith.constant 31 : i32
      %swap3A_3130 = arith.index_cast %select_n3A_130 : i32 to index
      %swap3A_3131 = arith.index_cast %swap3A_3129 : i32 to index
      %swap3A_3132 = arith.constant 112 : index
      %swap3A_3133 = tpu.vector_load %arg11[%swap3A_3130, %swap3A_3131, %swap3A_3132] {strides = array<i32>} : memref<3x40x128xf32, #tpu.memory_space<vmem>>, vector<16xf32>,
      tpu.vector_store %arg11[%swap3A_3130, %swap3A_3131, %swap3A_3132], %mul3A_3128 {strides = array<i32>} : memref<3x40x128xf32, #tpu.memory_space<vmem>>, vector<16xf32>,
      %get3A_3134 = arith.index_cast %add3A_114 : i32 to index
      %get3A_3135 = arith.constant 24 : index
      %get3A_3136 = tpu.vector_load %arg10[%get3A_3134, %get3A_3135] {strides = array<i32>} : memref<32x40xf32, #tpu.memory_space<vmem>>, vector<16xf32>,
      %broadcast_in_dim3A_3137 = arith.constant 8 : i32
      %broadcast_in_dim3A_3138 = vector.broadcast %broadcast_in_dim3A_3137 : i32 to vector<16x1xi32>
      %gather3A_3139 = vector.shape_cast %broadcast_in_dim3A_3138 : vector<16x1xi32> to vector<16xi32>
      %gather3A_3140 = tpu.dynamic_gather %get3A_3136[%gather3A_3139] in [0] : vector<16xf32>, vector<16xi32> -> vector<16xf32>
      %get3A_3141 = arith.constant 32 : i32
      %get3A_3142 = arith.index_cast %select_n3A_130 : i32 to index
      %get3A_3143 = arith.index_cast %get3A_3141 : i32 to index
      %get3A_3144 = arith.constant 0 : index
      %get3A_3145 = tpu.vector_load %arg11[%get3A_3142, %get3A_3143, %get3A_3144] {strides = array<i32>} : memref<3x40x128xf32, #tpu.memory_space<vmem>>, vector<16xf32>,
      %mul3A_3146 = arith.mulf %get3A_3145, %gather3A_3140 : vector<16xf32>
      %swap3A_3147 = arith.constant 32 : i32
      %swap3A_3148 = arith.index_cast %select_n3A_130 : i32 to index
      %swap3A_3149 = arith.index_cast %swap3A_3147 : i32 to index
      %swap3A_3150 = arith.constant 0 : index
      %swap3A_3151 = tpu.vector_load %arg11[%swap3A_3148, %swap3A_3149, %swap3A_3150] {strides = array<i32>} : memref<3x40x128xf32, #tpu.memory_space<vmem>>, vector<16xf32>,
      tpu.vector_store %arg11[%swap3A_3148, %swap3A_3149, %swap3A_3150], %mul3A_3146 {strides = array<i32>} : memref<3x40x128xf32, #tpu.memory_space<vmem>>, vector<16xf32>,
      %get3A_3152 = arith.constant 32 : i32
      %get3A_3153 = arith.index_cast %select_n3A_130 : i32 to index
      %get3A_3154 = arith.index_cast %get3A_3152 : i32 to index
      %get3A_3155 = arith.constant 16 : index
      %get3A_3156 = tpu.vector_load %arg11[%get3A_3153, %get3A_3154, %get3A_3155] {strides = array<i32>} : memref<3x40x128xf32, #tpu.memory_space<vmem>>, vector<16xf32>,
      %mul3A_3157 = arith.mulf %get3A_3156, %gather3A_3140 : vector<16xf32>
      %swap3A_3158 = arith.constant 32 : i32
      %swap3A_3159 = arith.index_cast %select_n3A_130 : i32 to index
      %swap3A_3160 = arith.index_cast %swap3A_3158 : i32 to index
      %swap3A_3161 = arith.constant 16 : index
      %swap3A_3162 = tpu.vector_load %arg11[%swap3A_3159, %swap3A_3160, %swap3A_3161] {strides = array<i32>} : memref<3x40x128xf32, #tpu.memory_space<vmem>>, vector<16xf32>,
      tpu.vector_store %arg11[%swap3A_3159, %swap3A_3160, %swap3A_3161], %mul3A_3157 {strides = array<i32>} : memref<3x40x128xf32, #tpu.memory_space<vmem>>, vector<16xf32>,
      %get3A_3163 = arith.constant 32 : i32
      %get3A_3164 = arith.index_cast %select_n3A_130 : i32 to index
      %get3A_3165 = arith.index_cast %get3A_3163 : i32 to index
      %get3A_3166 = arith.constant 32 : index
      %get3A_3167 = tpu.vector_load %arg11[%get3A_3164, %get3A_3165, %get3A_3166] {strides = array<i32>} : memref<3x40x128xf32, #tpu.memory_space<vmem>>, vector<16xf32>,
      %mul3A_3168 = arith.mulf %get3A_3167, %gather3A_3140 : vector<16xf32>
      %swap3A_3169 = arith.constant 32 : i32
      %swap3A_3170 = arith.index_cast %select_n3A_130 : i32 to index
      %swap3A_3171 = arith.index_cast %swap3A_3169 : i32 to index
      %swap3A_3172 = arith.constant 32 : index
      %swap3A_3173 = tpu.vector_load %arg11[%swap3A_3170, %swap3A_3171, %swap3A_3172] {strides = array<i32>} : memref<3x40x128xf32, #tpu.memory_space<vmem>>, vector<16xf32>,
      tpu.vector_store %arg11[%swap3A_3170, %swap3A_3171, %swap3A_3172], %mul3A_3168 {strides = array<i32>} : memref<3x40x128xf32, #tpu.memory_space<vmem>>, vector<16xf32>,
      %get3A_3174 = arith.constant 32 : i32
      %get3A_3175 = arith.index_cast %select_n3A_130 : i32 to index
      %get3A_3176 = arith.index_cast %get3A_3174 : i32 to index
      %get3A_3177 = arith.constant 48 : index
      %get3A_3178 = tpu.vector_load %arg11[%get3A_3175, %get3A_3176, %get3A_3177] {strides = array<i32>} : memref<3x40x128xf32, #tpu.memory_space<vmem>>, vector<16xf32>,
      %mul3A_3179 = arith.mulf %get3A_3178, %gather3A_3140 : vector<16xf32>
      %swap3A_3180 = arith.constant 32 : i32
      %swap3A_3181 = arith.index_cast %select_n3A_130 : i32 to index
      %swap3A_3182 = arith.index_cast %swap3A_3180 : i32 to index
      %swap3A_3183 = arith.constant 48 : index
      %swap3A_3184 = tpu.vector_load %arg11[%swap3A_3181, %swap3A_3182, %swap3A_3183] {strides = array<i32>} : memref<3x40x128xf32, #tpu.memory_space<vmem>>, vector<16xf32>,
      tpu.vector_store %arg11[%swap3A_3181, %swap3A_3182, %swap3A_3183], %mul3A_3179 {strides = array<i32>} : memref<3x40x128xf32, #tpu.memory_space<vmem>>, vector<16xf32>,
      %get3A_3185 = arith.constant 32 : i32
      %get3A_3186 = arith.index_cast %select_n3A_130 : i32 to index
      %get3A_3187 = arith.index_cast %get3A_3185 : i32 to index
      %get3A_3188 = arith.constant 64 : index
      %get3A_3189 = tpu.vector_load %arg11[%get3A_3186, %get3A_3187, %get3A_3188] {strides = array<i32>} : memref<3x40x128xf32, #tpu.memory_space<vmem>>, vector<16xf32>,
      %mul3A_3190 = arith.mulf %get3A_3189, %gather3A_3140 : vector<16xf32>
      %swap3A_3191 = arith.constant 32 : i32
      %swap3A_3192 = arith.index_cast %select_n3A_130 : i32 to index
      %swap3A_3193 = arith.index_cast %swap3A_3191 : i32 to index
      %swap3A_3194 = arith.constant 64 : index
      %swap3A_3195 = tpu.vector_load %arg11[%swap3A_3192, %swap3A_3193, %swap3A_3194] {strides = array<i32>} : memref<3x40x128xf32, #tpu.memory_space<vmem>>, vector<16xf32>,
      tpu.vector_store %arg11[%swap3A_3192, %swap3A_3193, %swap3A_3194], %mul3A_3190 {strides = array<i32>} : memref<3x40x128xf32, #tpu.memory_space<vmem>>, vector<16xf32>,
      %get3A_3196 = arith.constant 32 : i32
      %get3A_3197 = arith.index_cast %select_n3A_130 : i32 to index
      %get3A_3198 = arith.index_cast %get3A_3196 : i32 to index
      %get3A_3199 = arith.constant 80 : index
      %get3A_3200 = tpu.vector_load %arg11[%get3A_3197, %get3A_3198, %get3A_3199] {strides = array<i32>} : memref<3x40x128xf32, #tpu.memory_space<vmem>>, vector<16xf32>,
      %mul3A_3201 = arith.mulf %get3A_3200, %gather3A_3140 : vector<16xf32>
      %swap3A_3202 = arith.constant 32 : i32
      %swap3A_3203 = arith.index_cast %select_n3A_130 : i32 to index
      %swap3A_3204 = arith.index_cast %swap3A_3202 : i32 to index
      %swap3A_3205 = arith.constant 80 : index
      %swap3A_3206 = tpu.vector_load %arg11[%swap3A_3203, %swap3A_3204, %swap3A_3205] {strides = array<i32>} : memref<3x40x128xf32, #tpu.memory_space<vmem>>, vector<16xf32>,
      tpu.vector_store %arg11[%swap3A_3203, %swap3A_3204, %swap3A_3205], %mul3A_3201 {strides = array<i32>} : memref<3x40x128xf32, #tpu.memory_space<vmem>>, vector<16xf32>,
      %get3A_3207 = arith.constant 32 : i32
      %get3A_3208 = arith.index_cast %select_n3A_130 : i32 to index
      %get3A_3209 = arith.index_cast %get3A_3207 : i32 to index
      %get3A_3210 = arith.constant 96 : index
      %get3A_3211 = tpu.vector_load %arg11[%get3A_3208, %get3A_3209, %get3A_3210] {strides = array<i32>} : memref<3x40x128xf32, #tpu.memory_space<vmem>>, vector<16xf32>,
      %mul3A_3212 = arith.mulf %get3A_3211, %gather3A_3140 : vector<16xf32>
      %swap3A_3213 = arith.constant 32 : i32
      %swap3A_3214 = arith.index_cast %select_n3A_130 : i32 to index
      %swap3A_3215 = arith.index_cast %swap3A_3213 : i32 to index
      %swap3A_3216 = arith.constant 96 : index
      %swap3A_3217 = tpu.vector_load %arg11[%swap3A_3214, %swap3A_3215, %swap3A_3216] {strides = array<i32>} : memref<3x40x128xf32, #tpu.memory_space<vmem>>, vector<16xf32>,
      tpu.vector_store %arg11[%swap3A_3214, %swap3A_3215, %swap3A_3216], %mul3A_3212 {strides = array<i32>} : memref<3x40x128xf32, #tpu.memory_space<vmem>>, vector<16xf32>,
      %get3A_3218 = arith.constant 32 : i32
      %get3A_3219 = arith.index_cast %select_n3A_130 : i32 to index
      %get3A_3220 = arith.index_cast %get3A_3218 : i32 to index
      %get3A_3221 = arith.constant 112 : index
      %get3A_3222 = tpu.vector_load %arg11[%get3A_3219, %get3A_3220, %get3A_3221] {strides = array<i32>} : memref<3x40x128xf32, #tpu.memory_space<vmem>>, vector<16xf32>,
      %mul3A_3223 = arith.mulf %get3A_3222, %gather3A_3140 : vector<16xf32>
      %swap3A_3224 = arith.constant 32 : i32
      %swap3A_3225 = arith.index_cast %select_n3A_130 : i32 to index
      %swap3A_3226 = arith.index_cast %swap3A_3224 : i32 to index
      %swap3A_3227 = arith.constant 112 : index
      %swap3A_3228 = tpu.vector_load %arg11[%swap3A_3225, %swap3A_3226, %swap3A_3227] {strides = array<i32>} : memref<3x40x128xf32, #tpu.memory_space<vmem>>, vector<16xf32>,
      tpu.vector_store %arg11[%swap3A_3225, %swap3A_3226, %swap3A_3227], %mul3A_3223 {strides = array<i32>} : memref<3x40x128xf32, #tpu.memory_space<vmem>>, vector<16xf32>,
      %broadcast_in_dim3A_3229 = arith.constant 9 : i32
      %broadcast_in_dim3A_3230 = vector.broadcast %broadcast_in_dim3A_3229 : i32 to vector<16x1xi32>
      %gather3A_3231 = vector.shape_cast %broadcast_in_dim3A_3230 : vector<16x1xi32> to vector<16xi32>
      %gather3A_3232 = tpu.dynamic_gather %get3A_3136[%gather3A_3231] in [0] : vector<16xf32>, vector<16xi32> -> vector<16xf32>
      %get3A_3233 = arith.constant 33 : i32
      %get3A_3234 = arith.index_cast %select_n3A_130 : i32 to index
      %get3A_3235 = arith.index_cast %get3A_3233 : i32 to index
      %get3A_3236 = arith.constant 0 : index
      %get3A_3237 = tpu.vector_load %arg11[%get3A_3234, %get3A_3235, %get3A_3236] {strides = array<i32>} : memref<3x40x128xf32, #tpu.memory_space<vmem>>, vector<16xf32>,
      %mul3A_3238 = arith.mulf %get3A_3237, %gather3A_3232 : vector<16xf32>
      %swap3A_3239 = arith.constant 33 : i32
      %swap3A_3240 = arith.index_cast %select_n3A_130 : i32 to index
      %swap3A_3241 = arith.index_cast %swap3A_3239 : i32 to index
      %swap3A_3242 = arith.constant 0 : index
      %swap3A_3243 = tpu.vector_load %arg11[%swap3A_3240, %swap3A_3241, %swap3A_3242] {strides = array<i32>} : memref<3x40x128xf32, #tpu.memory_space<vmem>>, vector<16xf32>,
      tpu.vector_store %arg11[%swap3A_3240, %swap3A_3241, %swap3A_3242], %mul3A_3238 {strides = array<i32>} : memref<3x40x128xf32, #tpu.memory_space<vmem>>, vector<16xf32>,
      %get3A_3244 = arith.constant 33 : i32
      %get3A_3245 = arith.index_cast %select_n3A_130 : i32 to index
      %get3A_3246 = arith.index_cast %get3A_3244 : i32 to index
      %get3A_3247 = arith.constant 16 : index
      %get3A_3248 = tpu.vector_load %arg11[%get3A_3245, %get3A_3246, %get3A_3247] {strides = array<i32>} : memref<3x40x128xf32, #tpu.memory_space<vmem>>, vector<16xf32>,
      %mul3A_3249 = arith.mulf %get3A_3248, %gather3A_3232 : vector<16xf32>
      %swap3A_3250 = arith.constant 33 : i32
      %swap3A_3251 = arith.index_cast %select_n3A_130 : i32 to index
      %swap3A_3252 = arith.index_cast %swap3A_3250 : i32 to index
      %swap3A_3253 = arith.constant 16 : index
      %swap3A_3254 = tpu.vector_load %arg11[%swap3A_3251, %swap3A_3252, %swap3A_3253] {strides = array<i32>} : memref<3x40x128xf32, #tpu.memory_space<vmem>>, vector<16xf32>,
      tpu.vector_store %arg11[%swap3A_3251, %swap3A_3252, %swap3A_3253], %mul3A_3249 {strides = array<i32>} : memref<3x40x128xf32, #tpu.memory_space<vmem>>, vector<16xf32>,
      %get3A_3255 = arith.constant 33 : i32
      %get3A_3256 = arith.index_cast %select_n3A_130 : i32 to index
      %get3A_3257 = arith.index_cast %get3A_3255 : i32 to index
      %get3A_3258 = arith.constant 32 : index
      %get3A_3259 = tpu.vector_load %arg11[%get3A_3256, %get3A_3257, %get3A_3258] {strides = array<i32>} : memref<3x40x128xf32, #tpu.memory_space<vmem>>, vector<16xf32>,
      %mul3A_3260 = arith.mulf %get3A_3259, %gather3A_3232 : vector<16xf32>
      %swap3A_3261 = arith.constant 33 : i32
      %swap3A_3262 = arith.index_cast %select_n3A_130 : i32 to index
      %swap3A_3263 = arith.index_cast %swap3A_3261 : i32 to index
      %swap3A_3264 = arith.constant 32 : index
      %swap3A_3265 = tpu.vector_load %arg11[%swap3A_3262, %swap3A_3263, %swap3A_3264] {strides = array<i32>} : memref<3x40x128xf32, #tpu.memory_space<vmem>>, vector<16xf32>,
      tpu.vector_store %arg11[%swap3A_3262, %swap3A_3263, %swap3A_3264], %mul3A_3260 {strides = array<i32>} : memref<3x40x128xf32, #tpu.memory_space<vmem>>, vector<16xf32>,
      %get3A_3266 = arith.constant 33 : i32
      %get3A_3267 = arith.index_cast %select_n3A_130 : i32 to index
      %get3A_3268 = arith.index_cast %get3A_3266 : i32 to index
      %get3A_3269 = arith.constant 48 : index
      %get3A_3270 = tpu.vector_load %arg11[%get3A_3267, %get3A_3268, %get3A_3269] {strides = array<i32>} : memref<3x40x128xf32, #tpu.memory_space<vmem>>, vector<16xf32>,
      %mul3A_3271 = arith.mulf %get3A_3270, %gather3A_3232 : vector<16xf32>
      %swap3A_3272 = arith.constant 33 : i32
      %swap3A_3273 = arith.index_cast %select_n3A_130 : i32 to index
      %swap3A_3274 = arith.index_cast %swap3A_3272 : i32 to index
      %swap3A_3275 = arith.constant 48 : index
      %swap3A_3276 = tpu.vector_load %arg11[%swap3A_3273, %swap3A_3274, %swap3A_3275] {strides = array<i32>} : memref<3x40x128xf32, #tpu.memory_space<vmem>>, vector<16xf32>,
      tpu.vector_store %arg11[%swap3A_3273, %swap3A_3274, %swap3A_3275], %mul3A_3271 {strides = array<i32>} : memref<3x40x128xf32, #tpu.memory_space<vmem>>, vector<16xf32>,
      %get3A_3277 = arith.constant 33 : i32
      %get3A_3278 = arith.index_cast %select_n3A_130 : i32 to index
      %get3A_3279 = arith.index_cast %get3A_3277 : i32 to index
      %get3A_3280 = arith.constant 64 : index
      %get3A_3281 = tpu.vector_load %arg11[%get3A_3278, %get3A_3279, %get3A_3280] {strides = array<i32>} : memref<3x40x128xf32, #tpu.memory_space<vmem>>, vector<16xf32>,
      %mul3A_3282 = arith.mulf %get3A_3281, %gather3A_3232 : vector<16xf32>
      %swap3A_3283 = arith.constant 33 : i32
      %swap3A_3284 = arith.index_cast %select_n3A_130 : i32 to index
      %swap3A_3285 = arith.index_cast %swap3A_3283 : i32 to index
      %swap3A_3286 = arith.constant 64 : index
      %swap3A_3287 = tpu.vector_load %arg11[%swap3A_3284, %swap3A_3285, %swap3A_3286] {strides = array<i32>} : memref<3x40x128xf32, #tpu.memory_space<vmem>>, vector<16xf32>,
      tpu.vector_store %arg11[%swap3A_3284, %swap3A_3285, %swap3A_3286], %mul3A_3282 {strides = array<i32>} : memref<3x40x128xf32, #tpu.memory_space<vmem>>, vector<16xf32>,
      %get3A_3288 = arith.constant 33 : i32
      %get3A_3289 = arith.index_cast %select_n3A_130 : i32 to index
      %get3A_3290 = arith.index_cast %get3A_3288 : i32 to index
      %get3A_3291 = arith.constant 80 : index
      %get3A_3292 = tpu.vector_load %arg11[%get3A_3289, %get3A_3290, %get3A_3291] {strides = array<i32>} : memref<3x40x128xf32, #tpu.memory_space<vmem>>, vector<16xf32>,
      %mul3A_3293 = arith.mulf %get3A_3292, %gather3A_3232 : vector<16xf32>
      %swap3A_3294 = arith.constant 33 : i32
      %swap3A_3295 = arith.index_cast %select_n3A_130 : i32 to index
      %swap3A_3296 = arith.index_cast %swap3A_3294 : i32 to index
      %swap3A_3297 = arith.constant 80 : index
      %swap3A_3298 = tpu.vector_load %arg11[%swap3A_3295, %swap3A_3296, %swap3A_3297] {strides = array<i32>} : memref<3x40x128xf32, #tpu.memory_space<vmem>>, vector<16xf32>,
      tpu.vector_store %arg11[%swap3A_3295, %swap3A_3296, %swap3A_3297], %mul3A_3293 {strides = array<i32>} : memref<3x40x128xf32, #tpu.memory_space<vmem>>, vector<16xf32>,
      %get3A_3299 = arith.constant 33 : i32
      %get3A_3300 = arith.index_cast %select_n3A_130 : i32 to index
      %get3A_3301 = arith.index_cast %get3A_3299 : i32 to index
      %get3A_3302 = arith.constant 96 : index
      %get3A_3303 = tpu.vector_load %arg11[%get3A_3300, %get3A_3301, %get3A_3302] {strides = array<i32>} : memref<3x40x128xf32, #tpu.memory_space<vmem>>, vector<16xf32>,
      %mul3A_3304 = arith.mulf %get3A_3303, %gather3A_3232 : vector<16xf32>
      %swap3A_3305 = arith.constant 33 : i32
      %swap3A_3306 = arith.index_cast %select_n3A_130 : i32 to index
      %swap3A_3307 = arith.index_cast %swap3A_3305 : i32 to index
      %swap3A_3308 = arith.constant 96 : index
      %swap3A_3309 = tpu.vector_load %arg11[%swap3A_3306, %swap3A_3307, %swap3A_3308] {strides = array<i32>} : memref<3x40x128xf32, #tpu.memory_space<vmem>>, vector<16xf32>,
      tpu.vector_store %arg11[%swap3A_3306, %swap3A_3307, %swap3A_3308], %mul3A_3304 {strides = array<i32>} : memref<3x40x128xf32, #tpu.memory_space<vmem>>, vector<16xf32>,
      %get3A_3310 = arith.constant 33 : i32
      %get3A_3311 = arith.index_cast %select_n3A_130 : i32 to index
      %get3A_3312 = arith.index_cast %get3A_3310 : i32 to index
      %get3A_3313 = arith.constant 112 : index
      %get3A_3314 = tpu.vector_load %arg11[%get3A_3311, %get3A_3312, %get3A_3313] {strides = array<i32>} : memref<3x40x128xf32, #tpu.memory_space<vmem>>, vector<16xf32>,
      %mul3A_3315 = arith.mulf %get3A_3314, %gather3A_3232 : vector<16xf32>
      %swap3A_3316 = arith.constant 33 : i32
      %swap3A_3317 = arith.index_cast %select_n3A_130 : i32 to index
      %swap3A_3318 = arith.index_cast %swap3A_3316 : i32 to index
      %swap3A_3319 = arith.constant 112 : index
      %swap3A_3320 = tpu.vector_load %arg11[%swap3A_3317, %swap3A_3318, %swap3A_3319] {strides = array<i32>} : memref<3x40x128xf32, #tpu.memory_space<vmem>>, vector<16xf32>,
      tpu.vector_store %arg11[%swap3A_3317, %swap3A_3318, %swap3A_3319], %mul3A_3315 {strides = array<i32>} : memref<3x40x128xf32, #tpu.memory_space<vmem>>, vector<16xf32>,
      %broadcast_in_dim3A_3321 = arith.constant 10 : i32
      %broadcast_in_dim3A_3322 = vector.broadcast %broadcast_in_dim3A_3321 : i32 to vector<16x1xi32>
      %gather3A_3323 = vector.shape_cast %broadcast_in_dim3A_3322 : vector<16x1xi32> to vector<16xi32>
      %gather3A_3324 = tpu.dynamic_gather %get3A_3136[%gather3A_3323] in [0] : vector<16xf32>, vector<16xi32> -> vector<16xf32>
      %get3A_3325 = arith.constant 34 : i32
      %get3A_3326 = arith.index_cast %select_n3A_130 : i32 to index
      %get3A_3327 = arith.index_cast %get3A_3325 : i32 to index
      %get3A_3328 = arith.constant 0 : index
      %get3A_3329 = tpu.vector_load %arg11[%get3A_3326, %get3A_3327, %get3A_3328] {strides = array<i32>} : memref<3x40x128xf32, #tpu.memory_space<vmem>>, vector<16xf32>,
      %mul3A_3330 = arith.mulf %get3A_3329, %gather3A_3324 : vector<16xf32>
      %swap3A_3331 = arith.constant 34 : i32
      %swap3A_3332 = arith.index_cast %select_n3A_130 : i32 to index
      %swap3A_3333 = arith.index_cast %swap3A_3331 : i32 to index
      %swap3A_3334 = arith.constant 0 : index
      %swap3A_3335 = tpu.vector_load %arg11[%swap3A_3332, %swap3A_3333, %swap3A_3334] {strides = array<i32>} : memref<3x40x128xf32, #tpu.memory_space<vmem>>, vector<16xf32>,
      tpu.vector_store %arg11[%swap3A_3332, %swap3A_3333, %swap3A_3334], %mul3A_3330 {strides = array<i32>} : memref<3x40x128xf32, #tpu.memory_space<vmem>>, vector<16xf32>,
      %get3A_3336 = arith.constant 34 : i32
      %get3A_3337 = arith.index_cast %select_n3A_130 : i32 to index
      %get3A_3338 = arith.index_cast %get3A_3336 : i32 to index
      %get3A_3339 = arith.constant 16 : index
      %get3A_3340 = tpu.vector_load %arg11[%get3A_3337, %get3A_3338, %get3A_3339] {strides = array<i32>} : memref<3x40x128xf32, #tpu.memory_space<vmem>>, vector<16xf32>,
      %mul3A_3341 = arith.mulf %get3A_3340, %gather3A_3324 : vector<16xf32>
      %swap3A_3342 = arith.constant 34 : i32
      %swap3A_3343 = arith.index_cast %select_n3A_130 : i32 to index
      %swap3A_3344 = arith.index_cast %swap3A_3342 : i32 to index
      %swap3A_3345 = arith.constant 16 : index
      %swap3A_3346 = tpu.vector_load %arg11[%swap3A_3343, %swap3A_3344, %swap3A_3345] {strides = array<i32>} : memref<3x40x128xf32, #tpu.memory_space<vmem>>, vector<16xf32>,
      tpu.vector_store %arg11[%swap3A_3343, %swap3A_3344, %swap3A_3345], %mul3A_3341 {strides = array<i32>} : memref<3x40x128xf32, #tpu.memory_space<vmem>>, vector<16xf32>,
      %get3A_3347 = arith.constant 34 : i32
      %get3A_3348 = arith.index_cast %select_n3A_130 : i32 to index
      %get3A_3349 = arith.index_cast %get3A_3347 : i32 to index
      %get3A_3350 = arith.constant 32 : index
      %get3A_3351 = tpu.vector_load %arg11[%get3A_3348, %get3A_3349, %get3A_3350] {strides = array<i32>} : memref<3x40x128xf32, #tpu.memory_space<vmem>>, vector<16xf32>,
      %mul3A_3352 = arith.mulf %get3A_3351, %gather3A_3324 : vector<16xf32>
      %swap3A_3353 = arith.constant 34 : i32
      %swap3A_3354 = arith.index_cast %select_n3A_130 : i32 to index
      %swap3A_3355 = arith.index_cast %swap3A_3353 : i32 to index
      %swap3A_3356 = arith.constant 32 : index
      %swap3A_3357 = tpu.vector_load %arg11[%swap3A_3354, %swap3A_3355, %swap3A_3356] {strides = array<i32>} : memref<3x40x128xf32, #tpu.memory_space<vmem>>, vector<16xf32>,
      tpu.vector_store %arg11[%swap3A_3354, %swap3A_3355, %swap3A_3356], %mul3A_3352 {strides = array<i32>} : memref<3x40x128xf32, #tpu.memory_space<vmem>>, vector<16xf32>,
      %get3A_3358 = arith.constant 34 : i32
      %get3A_3359 = arith.index_cast %select_n3A_130 : i32 to index
      %get3A_3360 = arith.index_cast %get3A_3358 : i32 to index
      %get3A_3361 = arith.constant 48 : index
      %get3A_3362 = tpu.vector_load %arg11[%get3A_3359, %get3A_3360, %get3A_3361] {strides = array<i32>} : memref<3x40x128xf32, #tpu.memory_space<vmem>>, vector<16xf32>,
      %mul3A_3363 = arith.mulf %get3A_3362, %gather3A_3324 : vector<16xf32>
      %swap3A_3364 = arith.constant 34 : i32
      %swap3A_3365 = arith.index_cast %select_n3A_130 : i32 to index
      %swap3A_3366 = arith.index_cast %swap3A_3364 : i32 to index
      %swap3A_3367 = arith.constant 48 : index
      %swap3A_3368 = tpu.vector_load %arg11[%swap3A_3365, %swap3A_3366, %swap3A_3367] {strides = array<i32>} : memref<3x40x128xf32, #tpu.memory_space<vmem>>, vector<16xf32>,
      tpu.vector_store %arg11[%swap3A_3365, %swap3A_3366, %swap3A_3367], %mul3A_3363 {strides = array<i32>} : memref<3x40x128xf32, #tpu.memory_space<vmem>>, vector<16xf32>,
      %get3A_3369 = arith.constant 34 : i32
      %get3A_3370 = arith.index_cast %select_n3A_130 : i32 to index
      %get3A_3371 = arith.index_cast %get3A_3369 : i32 to index
      %get3A_3372 = arith.constant 64 : index
      %get3A_3373 = tpu.vector_load %arg11[%get3A_3370, %get3A_3371, %get3A_3372] {strides = array<i32>} : memref<3x40x128xf32, #tpu.memory_space<vmem>>, vector<16xf32>,
      %mul3A_3374 = arith.mulf %get3A_3373, %gather3A_3324 : vector<16xf32>
      %swap3A_3375 = arith.constant 34 : i32
      %swap3A_3376 = arith.index_cast %select_n3A_130 : i32 to index
      %swap3A_3377 = arith.index_cast %swap3A_3375 : i32 to index
      %swap3A_3378 = arith.constant 64 : index
      %swap3A_3379 = tpu.vector_load %arg11[%swap3A_3376, %swap3A_3377, %swap3A_3378] {strides = array<i32>} : memref<3x40x128xf32, #tpu.memory_space<vmem>>, vector<16xf32>,
      tpu.vector_store %arg11[%swap3A_3376, %swap3A_3377, %swap3A_3378], %mul3A_3374 {strides = array<i32>} : memref<3x40x128xf32, #tpu.memory_space<vmem>>, vector<16xf32>,
      %get3A_3380 = arith.constant 34 : i32
      %get3A_3381 = arith.index_cast %select_n3A_130 : i32 to index
      %get3A_3382 = arith.index_cast %get3A_3380 : i32 to index
      %get3A_3383 = arith.constant 80 : index
      %get3A_3384 = tpu.vector_load %arg11[%get3A_3381, %get3A_3382, %get3A_3383] {strides = array<i32>} : memref<3x40x128xf32, #tpu.memory_space<vmem>>, vector<16xf32>,
      %mul3A_3385 = arith.mulf %get3A_3384, %gather3A_3324 : vector<16xf32>
      %swap3A_3386 = arith.constant 34 : i32
      %swap3A_3387 = arith.index_cast %select_n3A_130 : i32 to index
      %swap3A_3388 = arith.index_cast %swap3A_3386 : i32 to index
      %swap3A_3389 = arith.constant 80 : index
      %swap3A_3390 = tpu.vector_load %arg11[%swap3A_3387, %swap3A_3388, %swap3A_3389] {strides = array<i32>} : memref<3x40x128xf32, #tpu.memory_space<vmem>>, vector<16xf32>,
      tpu.vector_store %arg11[%swap3A_3387, %swap3A_3388, %swap3A_3389], %mul3A_3385 {strides = array<i32>} : memref<3x40x128xf32, #tpu.memory_space<vmem>>, vector<16xf32>,
      %get3A_3391 = arith.constant 34 : i32
      %get3A_3392 = arith.index_cast %select_n3A_130 : i32 to index
      %get3A_3393 = arith.index_cast %get3A_3391 : i32 to index
      %get3A_3394 = arith.constant 96 : index
      %get3A_3395 = tpu.vector_load %arg11[%get3A_3392, %get3A_3393, %get3A_3394] {strides = array<i32>} : memref<3x40x128xf32, #tpu.memory_space<vmem>>, vector<16xf32>,
      %mul3A_3396 = arith.mulf %get3A_3395, %gather3A_3324 : vector<16xf32>
      %swap3A_3397 = arith.constant 34 : i32
      %swap3A_3398 = arith.index_cast %select_n3A_130 : i32 to index
      %swap3A_3399 = arith.index_cast %swap3A_3397 : i32 to index
      %swap3A_3400 = arith.constant 96 : index
      %swap3A_3401 = tpu.vector_load %arg11[%swap3A_3398, %swap3A_3399, %swap3A_3400] {strides = array<i32>} : memref<3x40x128xf32, #tpu.memory_space<vmem>>, vector<16xf32>,
      tpu.vector_store %arg11[%swap3A_3398, %swap3A_3399, %swap3A_3400], %mul3A_3396 {strides = array<i32>} : memref<3x40x128xf32, #tpu.memory_space<vmem>>, vector<16xf32>,
      %get3A_3402 = arith.constant 34 : i32
      %get3A_3403 = arith.index_cast %select_n3A_130 : i32 to index
      %get3A_3404 = arith.index_cast %get3A_3402 : i32 to index
      %get3A_3405 = arith.constant 112 : index
      %get3A_3406 = tpu.vector_load %arg11[%get3A_3403, %get3A_3404, %get3A_3405] {strides = array<i32>} : memref<3x40x128xf32, #tpu.memory_space<vmem>>, vector<16xf32>,
      %mul3A_3407 = arith.mulf %get3A_3406, %gather3A_3324 : vector<16xf32>
      %swap3A_3408 = arith.constant 34 : i32
      %swap3A_3409 = arith.index_cast %select_n3A_130 : i32 to index
      %swap3A_3410 = arith.index_cast %swap3A_3408 : i32 to index
      %swap3A_3411 = arith.constant 112 : index
      %swap3A_3412 = tpu.vector_load %arg11[%swap3A_3409, %swap3A_3410, %swap3A_3411] {strides = array<i32>} : memref<3x40x128xf32, #tpu.memory_space<vmem>>, vector<16xf32>,
      tpu.vector_store %arg11[%swap3A_3409, %swap3A_3410, %swap3A_3411], %mul3A_3407 {strides = array<i32>} : memref<3x40x128xf32, #tpu.memory_space<vmem>>, vector<16xf32>,
      %broadcast_in_dim3A_3413 = arith.constant 11 : i32
      %broadcast_in_dim3A_3414 = vector.broadcast %broadcast_in_dim3A_3413 : i32 to vector<16x1xi32>
      %gather3A_3415 = vector.shape_cast %broadcast_in_dim3A_3414 : vector<16x1xi32> to vector<16xi32>
      %gather3A_3416 = tpu.dynamic_gather %get3A_3136[%gather3A_3415] in [0] : vector<16xf32>, vector<16xi32> -> vector<16xf32>
      %get3A_3417 = arith.constant 35 : i32
      %get3A_3418 = arith.index_cast %select_n3A_130 : i32 to index
      %get3A_3419 = arith.index_cast %get3A_3417 : i32 to index
      %get3A_3420 = arith.constant 0 : index
      %get3A_3421 = tpu.vector_load %arg11[%get3A_3418, %get3A_3419, %get3A_3420] {strides = array<i32>} : memref<3x40x128xf32, #tpu.memory_space<vmem>>, vector<16xf32>,
      %mul3A_3422 = arith.mulf %get3A_3421, %gather3A_3416 : vector<16xf32>
      %swap3A_3423 = arith.constant 35 : i32
      %swap3A_3424 = arith.index_cast %select_n3A_130 : i32 to index
      %swap3A_3425 = arith.index_cast %swap3A_3423 : i32 to index
      %swap3A_3426 = arith.constant 0 : index
      %swap3A_3427 = tpu.vector_load %arg11[%swap3A_3424, %swap3A_3425, %swap3A_3426] {strides = array<i32>} : memref<3x40x128xf32, #tpu.memory_space<vmem>>, vector<16xf32>,
      tpu.vector_store %arg11[%swap3A_3424, %swap3A_3425, %swap3A_3426], %mul3A_3422 {strides = array<i32>} : memref<3x40x128xf32, #tpu.memory_space<vmem>>, vector<16xf32>,
      %get3A_3428 = arith.constant 35 : i32
      %get3A_3429 = arith.index_cast %select_n3A_130 : i32 to index
      %get3A_3430 = arith.index_cast %get3A_3428 : i32 to index
      %get3A_3431 = arith.constant 16 : index
      %get3A_3432 = tpu.vector_load %arg11[%get3A_3429, %get3A_3430, %get3A_3431] {strides = array<i32>} : memref<3x40x128xf32, #tpu.memory_space<vmem>>, vector<16xf32>,
      %mul3A_3433 = arith.mulf %get3A_3432, %gather3A_3416 : vector<16xf32>
      %swap3A_3434 = arith.constant 35 : i32
      %swap3A_3435 = arith.index_cast %select_n3A_130 : i32 to index
      %swap3A_3436 = arith.index_cast %swap3A_3434 : i32 to index
      %swap3A_3437 = arith.constant 16 : index
      %swap3A_3438 = tpu.vector_load %arg11[%swap3A_3435, %swap3A_3436, %swap3A_3437] {strides = array<i32>} : memref<3x40x128xf32, #tpu.memory_space<vmem>>, vector<16xf32>,
      tpu.vector_store %arg11[%swap3A_3435, %swap3A_3436, %swap3A_3437], %mul3A_3433 {strides = array<i32>} : memref<3x40x128xf32, #tpu.memory_space<vmem>>, vector<16xf32>,
      %get3A_3439 = arith.constant 35 : i32
      %get3A_3440 = arith.index_cast %select_n3A_130 : i32 to index
      %get3A_3441 = arith.index_cast %get3A_3439 : i32 to index
      %get3A_3442 = arith.constant 32 : index
      %get3A_3443 = tpu.vector_load %arg11[%get3A_3440, %get3A_3441, %get3A_3442] {strides = array<i32>} : memref<3x40x128xf32, #tpu.memory_space<vmem>>, vector<16xf32>,
      %mul3A_3444 = arith.mulf %get3A_3443, %gather3A_3416 : vector<16xf32>
      %swap3A_3445 = arith.constant 35 : i32
      %swap3A_3446 = arith.index_cast %select_n3A_130 : i32 to index
      %swap3A_3447 = arith.index_cast %swap3A_3445 : i32 to index
      %swap3A_3448 = arith.constant 32 : index
      %swap3A_3449 = tpu.vector_load %arg11[%swap3A_3446, %swap3A_3447, %swap3A_3448] {strides = array<i32>} : memref<3x40x128xf32, #tpu.memory_space<vmem>>, vector<16xf32>,
      tpu.vector_store %arg11[%swap3A_3446, %swap3A_3447, %swap3A_3448], %mul3A_3444 {strides = array<i32>} : memref<3x40x128xf32, #tpu.memory_space<vmem>>, vector<16xf32>,
      %get3A_3450 = arith.constant 35 : i32
      %get3A_3451 = arith.index_cast %select_n3A_130 : i32 to index
      %get3A_3452 = arith.index_cast %get3A_3450 : i32 to index
      %get3A_3453 = arith.constant 48 : index
      %get3A_3454 = tpu.vector_load %arg11[%get3A_3451, %get3A_3452, %get3A_3453] {strides = array<i32>} : memref<3x40x128xf32, #tpu.memory_space<vmem>>, vector<16xf32>,
      %mul3A_3455 = arith.mulf %get3A_3454, %gather3A_3416 : vector<16xf32>
      %swap3A_3456 = arith.constant 35 : i32
      %swap3A_3457 = arith.index_cast %select_n3A_130 : i32 to index
      %swap3A_3458 = arith.index_cast %swap3A_3456 : i32 to index
      %swap3A_3459 = arith.constant 48 : index
      %swap3A_3460 = tpu.vector_load %arg11[%swap3A_3457, %swap3A_3458, %swap3A_3459] {strides = array<i32>} : memref<3x40x128xf32, #tpu.memory_space<vmem>>, vector<16xf32>,
      tpu.vector_store %arg11[%swap3A_3457, %swap3A_3458, %swap3A_3459], %mul3A_3455 {strides = array<i32>} : memref<3x40x128xf32, #tpu.memory_space<vmem>>, vector<16xf32>,
      %get3A_3461 = arith.constant 35 : i32
      %get3A_3462 = arith.index_cast %select_n3A_130 : i32 to index
      %get3A_3463 = arith.index_cast %get3A_3461 : i32 to index
      %get3A_3464 = arith.constant 64 : index
      %get3A_3465 = tpu.vector_load %arg11[%get3A_3462, %get3A_3463, %get3A_3464] {strides = array<i32>} : memref<3x40x128xf32, #tpu.memory_space<vmem>>, vector<16xf32>,
      %mul3A_3466 = arith.mulf %get3A_3465, %gather3A_3416 : vector<16xf32>
      %swap3A_3467 = arith.constant 35 : i32
      %swap3A_3468 = arith.index_cast %select_n3A_130 : i32 to index
      %swap3A_3469 = arith.index_cast %swap3A_3467 : i32 to index
      %swap3A_3470 = arith.constant 64 : index
      %swap3A_3471 = tpu.vector_load %arg11[%swap3A_3468, %swap3A_3469, %swap3A_3470] {strides = array<i32>} : memref<3x40x128xf32, #tpu.memory_space<vmem>>, vector<16xf32>,
      tpu.vector_store %arg11[%swap3A_3468, %swap3A_3469, %swap3A_3470], %mul3A_3466 {strides = array<i32>} : memref<3x40x128xf32, #tpu.memory_space<vmem>>, vector<16xf32>,
      %get3A_3472 = arith.constant 35 : i32
      %get3A_3473 = arith.index_cast %select_n3A_130 : i32 to index
      %get3A_3474 = arith.index_cast %get3A_3472 : i32 to index
      %get3A_3475 = arith.constant 80 : index
      %get3A_3476 = tpu.vector_load %arg11[%get3A_3473, %get3A_3474, %get3A_3475] {strides = array<i32>} : memref<3x40x128xf32, #tpu.memory_space<vmem>>, vector<16xf32>,
      %mul3A_3477 = arith.mulf %get3A_3476, %gather3A_3416 : vector<16xf32>
      %swap3A_3478 = arith.constant 35 : i32
      %swap3A_3479 = arith.index_cast %select_n3A_130 : i32 to index
      %swap3A_3480 = arith.index_cast %swap3A_3478 : i32 to index
      %swap3A_3481 = arith.constant 80 : index
      %swap3A_3482 = tpu.vector_load %arg11[%swap3A_3479, %swap3A_3480, %swap3A_3481] {strides = array<i32>} : memref<3x40x128xf32, #tpu.memory_space<vmem>>, vector<16xf32>,
      tpu.vector_store %arg11[%swap3A_3479, %swap3A_3480, %swap3A_3481], %mul3A_3477 {strides = array<i32>} : memref<3x40x128xf32, #tpu.memory_space<vmem>>, vector<16xf32>,
      %get3A_3483 = arith.constant 35 : i32
      %get3A_3484 = arith.index_cast %select_n3A_130 : i32 to index
      %get3A_3485 = arith.index_cast %get3A_3483 : i32 to index
      %get3A_3486 = arith.constant 96 : index
      %get3A_3487 = tpu.vector_load %arg11[%get3A_3484, %get3A_3485, %get3A_3486] {strides = array<i32>} : memref<3x40x128xf32, #tpu.memory_space<vmem>>, vector<16xf32>,
      %mul3A_3488 = arith.mulf %get3A_3487, %gather3A_3416 : vector<16xf32>
      %swap3A_3489 = arith.constant 35 : i32
      %swap3A_3490 = arith.index_cast %select_n3A_130 : i32 to index
      %swap3A_3491 = arith.index_cast %swap3A_3489 : i32 to index
      %swap3A_3492 = arith.constant 96 : index
      %swap3A_3493 = tpu.vector_load %arg11[%swap3A_3490, %swap3A_3491, %swap3A_3492] {strides = array<i32>} : memref<3x40x128xf32, #tpu.memory_space<vmem>>, vector<16xf32>,
      tpu.vector_store %arg11[%swap3A_3490, %swap3A_3491, %swap3A_3492], %mul3A_3488 {strides = array<i32>} : memref<3x40x128xf32, #tpu.memory_space<vmem>>, vector<16xf32>,
      %get3A_3494 = arith.constant 35 : i32
      %get3A_3495 = arith.index_cast %select_n3A_130 : i32 to index
      %get3A_3496 = arith.index_cast %get3A_3494 : i32 to index
      %get3A_3497 = arith.constant 112 : index
      %get3A_3498 = tpu.vector_load %arg11[%get3A_3495, %get3A_3496, %get3A_3497] {strides = array<i32>} : memref<3x40x128xf32, #tpu.memory_space<vmem>>, vector<16xf32>,
      %mul3A_3499 = arith.mulf %get3A_3498, %gather3A_3416 : vector<16xf32>
      %swap3A_3500 = arith.constant 35 : i32
      %swap3A_3501 = arith.index_cast %select_n3A_130 : i32 to index
      %swap3A_3502 = arith.index_cast %swap3A_3500 : i32 to index
      %swap3A_3503 = arith.constant 112 : index
      %swap3A_3504 = tpu.vector_load %arg11[%swap3A_3501, %swap3A_3502, %swap3A_3503] {strides = array<i32>} : memref<3x40x128xf32, #tpu.memory_space<vmem>>, vector<16xf32>,
      tpu.vector_store %arg11[%swap3A_3501, %swap3A_3502, %swap3A_3503], %mul3A_3499 {strides = array<i32>} : memref<3x40x128xf32, #tpu.memory_space<vmem>>, vector<16xf32>,
      %broadcast_in_dim3A_3505 = arith.constant 12 : i32
      %broadcast_in_dim3A_3506 = vector.broadcast %broadcast_in_dim3A_3505 : i32 to vector<16x1xi32>
      %gather3A_3507 = vector.shape_cast %broadcast_in_dim3A_3506 : vector<16x1xi32> to vector<16xi32>
      %gather3A_3508 = tpu.dynamic_gather %get3A_3136[%gather3A_3507] in [0] : vector<16xf32>, vector<16xi32> -> vector<16xf32>
      %get3A_3509 = arith.constant 36 : i32
      %get3A_3510 = arith.index_cast %select_n3A_130 : i32 to index
      %get3A_3511 = arith.index_cast %get3A_3509 : i32 to index
      %get3A_3512 = arith.constant 0 : index
      %get3A_3513 = tpu.vector_load %arg11[%get3A_3510, %get3A_3511, %get3A_3512] {strides = array<i32>} : memref<3x40x128xf32, #tpu.memory_space<vmem>>, vector<16xf32>,
      %mul3A_3514 = arith.mulf %get3A_3513, %gather3A_3508 : vector<16xf32>
      %swap3A_3515 = arith.constant 36 : i32
      %swap3A_3516 = arith.index_cast %select_n3A_130 : i32 to index
      %swap3A_3517 = arith.index_cast %swap3A_3515 : i32 to index
      %swap3A_3518 = arith.constant 0 : index
      %swap3A_3519 = tpu.vector_load %arg11[%swap3A_3516, %swap3A_3517, %swap3A_3518] {strides = array<i32>} : memref<3x40x128xf32, #tpu.memory_space<vmem>>, vector<16xf32>,
      tpu.vector_store %arg11[%swap3A_3516, %swap3A_3517, %swap3A_3518], %mul3A_3514 {strides = array<i32>} : memref<3x40x128xf32, #tpu.memory_space<vmem>>, vector<16xf32>,
      %get3A_3520 = arith.constant 36 : i32
      %get3A_3521 = arith.index_cast %select_n3A_130 : i32 to index
      %get3A_3522 = arith.index_cast %get3A_3520 : i32 to index
      %get3A_3523 = arith.constant 16 : index
      %get3A_3524 = tpu.vector_load %arg11[%get3A_3521, %get3A_3522, %get3A_3523] {strides = array<i32>} : memref<3x40x128xf32, #tpu.memory_space<vmem>>, vector<16xf32>,
      %mul3A_3525 = arith.mulf %get3A_3524, %gather3A_3508 : vector<16xf32>
      %swap3A_3526 = arith.constant 36 : i32
      %swap3A_3527 = arith.index_cast %select_n3A_130 : i32 to index
      %swap3A_3528 = arith.index_cast %swap3A_3526 : i32 to index
      %swap3A_3529 = arith.constant 16 : index
      %swap3A_3530 = tpu.vector_load %arg11[%swap3A_3527, %swap3A_3528, %swap3A_3529] {strides = array<i32>} : memref<3x40x128xf32, #tpu.memory_space<vmem>>, vector<16xf32>,
      tpu.vector_store %arg11[%swap3A_3527, %swap3A_3528, %swap3A_3529], %mul3A_3525 {strides = array<i32>} : memref<3x40x128xf32, #tpu.memory_space<vmem>>, vector<16xf32>,
      %get3A_3531 = arith.constant 36 : i32
      %get3A_3532 = arith.index_cast %select_n3A_130 : i32 to index
      %get3A_3533 = arith.index_cast %get3A_3531 : i32 to index
      %get3A_3534 = arith.constant 32 : index
      %get3A_3535 = tpu.vector_load %arg11[%get3A_3532, %get3A_3533, %get3A_3534] {strides = array<i32>} : memref<3x40x128xf32, #tpu.memory_space<vmem>>, vector<16xf32>,
      %mul3A_3536 = arith.mulf %get3A_3535, %gather3A_3508 : vector<16xf32>
      %swap3A_3537 = arith.constant 36 : i32
      %swap3A_3538 = arith.index_cast %select_n3A_130 : i32 to index
      %swap3A_3539 = arith.index_cast %swap3A_3537 : i32 to index
      %swap3A_3540 = arith.constant 32 : index
      %swap3A_3541 = tpu.vector_load %arg11[%swap3A_3538, %swap3A_3539, %swap3A_3540] {strides = array<i32>} : memref<3x40x128xf32, #tpu.memory_space<vmem>>, vector<16xf32>,
      tpu.vector_store %arg11[%swap3A_3538, %swap3A_3539, %swap3A_3540], %mul3A_3536 {strides = array<i32>} : memref<3x40x128xf32, #tpu.memory_space<vmem>>, vector<16xf32>,
      %get3A_3542 = arith.constant 36 : i32
      %get3A_3543 = arith.index_cast %select_n3A_130 : i32 to index
      %get3A_3544 = arith.index_cast %get3A_3542 : i32 to index
      %get3A_3545 = arith.constant 48 : index
      %get3A_3546 = tpu.vector_load %arg11[%get3A_3543, %get3A_3544, %get3A_3545] {strides = array<i32>} : memref<3x40x128xf32, #tpu.memory_space<vmem>>, vector<16xf32>,
      %mul3A_3547 = arith.mulf %get3A_3546, %gather3A_3508 : vector<16xf32>
      %swap3A_3548 = arith.constant 36 : i32
      %swap3A_3549 = arith.index_cast %select_n3A_130 : i32 to index
      %swap3A_3550 = arith.index_cast %swap3A_3548 : i32 to index
      %swap3A_3551 = arith.constant 48 : index
      %swap3A_3552 = tpu.vector_load %arg11[%swap3A_3549, %swap3A_3550, %swap3A_3551] {strides = array<i32>} : memref<3x40x128xf32, #tpu.memory_space<vmem>>, vector<16xf32>,
      tpu.vector_store %arg11[%swap3A_3549, %swap3A_3550, %swap3A_3551], %mul3A_3547 {strides = array<i32>} : memref<3x40x128xf32, #tpu.memory_space<vmem>>, vector<16xf32>,
      %get3A_3553 = arith.constant 36 : i32
      %get3A_3554 = arith.index_cast %select_n3A_130 : i32 to index
      %get3A_3555 = arith.index_cast %get3A_3553 : i32 to index
      %get3A_3556 = arith.constant 64 : index
      %get3A_3557 = tpu.vector_load %arg11[%get3A_3554, %get3A_3555, %get3A_3556] {strides = array<i32>} : memref<3x40x128xf32, #tpu.memory_space<vmem>>, vector<16xf32>,
      %mul3A_3558 = arith.mulf %get3A_3557, %gather3A_3508 : vector<16xf32>
      %swap3A_3559 = arith.constant 36 : i32
      %swap3A_3560 = arith.index_cast %select_n3A_130 : i32 to index
      %swap3A_3561 = arith.index_cast %swap3A_3559 : i32 to index
      %swap3A_3562 = arith.constant 64 : index
      %swap3A_3563 = tpu.vector_load %arg11[%swap3A_3560, %swap3A_3561, %swap3A_3562] {strides = array<i32>} : memref<3x40x128xf32, #tpu.memory_space<vmem>>, vector<16xf32>,
      tpu.vector_store %arg11[%swap3A_3560, %swap3A_3561, %swap3A_3562], %mul3A_3558 {strides = array<i32>} : memref<3x40x128xf32, #tpu.memory_space<vmem>>, vector<16xf32>,
      %get3A_3564 = arith.constant 36 : i32
      %get3A_3565 = arith.index_cast %select_n3A_130 : i32 to index
      %get3A_3566 = arith.index_cast %get3A_3564 : i32 to index
      %get3A_3567 = arith.constant 80 : index
      %get3A_3568 = tpu.vector_load %arg11[%get3A_3565, %get3A_3566, %get3A_3567] {strides = array<i32>} : memref<3x40x128xf32, #tpu.memory_space<vmem>>, vector<16xf32>,
      %mul3A_3569 = arith.mulf %get3A_3568, %gather3A_3508 : vector<16xf32>
      %swap3A_3570 = arith.constant 36 : i32
      %swap3A_3571 = arith.index_cast %select_n3A_130 : i32 to index
      %swap3A_3572 = arith.index_cast %swap3A_3570 : i32 to index
      %swap3A_3573 = arith.constant 80 : index
      %swap3A_3574 = tpu.vector_load %arg11[%swap3A_3571, %swap3A_3572, %swap3A_3573] {strides = array<i32>} : memref<3x40x128xf32, #tpu.memory_space<vmem>>, vector<16xf32>,
      tpu.vector_store %arg11[%swap3A_3571, %swap3A_3572, %swap3A_3573], %mul3A_3569 {strides = array<i32>} : memref<3x40x128xf32, #tpu.memory_space<vmem>>, vector<16xf32>,
      %get3A_3575 = arith.constant 36 : i32
      %get3A_3576 = arith.index_cast %select_n3A_130 : i32 to index
      %get3A_3577 = arith.index_cast %get3A_3575 : i32 to index
      %get3A_3578 = arith.constant 96 : index
      %get3A_3579 = tpu.vector_load %arg11[%get3A_3576, %get3A_3577, %get3A_3578] {strides = array<i32>} : memref<3x40x128xf32, #tpu.memory_space<vmem>>, vector<16xf32>,
      %mul3A_3580 = arith.mulf %get3A_3579, %gather3A_3508 : vector<16xf32>
      %swap3A_3581 = arith.constant 36 : i32
      %swap3A_3582 = arith.index_cast %select_n3A_130 : i32 to index
      %swap3A_3583 = arith.index_cast %swap3A_3581 : i32 to index
      %swap3A_3584 = arith.constant 96 : index
      %swap3A_3585 = tpu.vector_load %arg11[%swap3A_3582, %swap3A_3583, %swap3A_3584] {strides = array<i32>} : memref<3x40x128xf32, #tpu.memory_space<vmem>>, vector<16xf32>,
      tpu.vector_store %arg11[%swap3A_3582, %swap3A_3583, %swap3A_3584], %mul3A_3580 {strides = array<i32>} : memref<3x40x128xf32, #tpu.memory_space<vmem>>, vector<16xf32>,
      %get3A_3586 = arith.constant 36 : i32
      %get3A_3587 = arith.index_cast %select_n3A_130 : i32 to index
      %get3A_3588 = arith.index_cast %get3A_3586 : i32 to index
      %get3A_3589 = arith.constant 112 : index
      %get3A_3590 = tpu.vector_load %arg11[%get3A_3587, %get3A_3588, %get3A_3589] {strides = array<i32>} : memref<3x40x128xf32, #tpu.memory_space<vmem>>, vector<16xf32>,
      %mul3A_3591 = arith.mulf %get3A_3590, %gather3A_3508 : vector<16xf32>
      %swap3A_3592 = arith.constant 36 : i32
      %swap3A_3593 = arith.index_cast %select_n3A_130 : i32 to index
      %swap3A_3594 = arith.index_cast %swap3A_3592 : i32 to index
      %swap3A_3595 = arith.constant 112 : index
      %swap3A_3596 = tpu.vector_load %arg11[%swap3A_3593, %swap3A_3594, %swap3A_3595] {strides = array<i32>} : memref<3x40x128xf32, #tpu.memory_space<vmem>>, vector<16xf32>,
      tpu.vector_store %arg11[%swap3A_3593, %swap3A_3594, %swap3A_3595], %mul3A_3591 {strides = array<i32>} : memref<3x40x128xf32, #tpu.memory_space<vmem>>, vector<16xf32>,
      %broadcast_in_dim3A_3597 = arith.constant 13 : i32
      %broadcast_in_dim3A_3598 = vector.broadcast %broadcast_in_dim3A_3597 : i32 to vector<16x1xi32>
      %gather3A_3599 = vector.shape_cast %broadcast_in_dim3A_3598 : vector<16x1xi32> to vector<16xi32>
      %gather3A_3600 = tpu.dynamic_gather %get3A_3136[%gather3A_3599] in [0] : vector<16xf32>, vector<16xi32> -> vector<16xf32>
      %get3A_3601 = arith.constant 37 : i32
      %get3A_3602 = arith.index_cast %select_n3A_130 : i32 to index
      %get3A_3603 = arith.index_cast %get3A_3601 : i32 to index
      %get3A_3604 = arith.constant 0 : index
      %get3A_3605 = tpu.vector_load %arg11[%get3A_3602, %get3A_3603, %get3A_3604] {strides = array<i32>} : memref<3x40x128xf32, #tpu.memory_space<vmem>>, vector<16xf32>,
      %mul3A_3606 = arith.mulf %get3A_3605, %gather3A_3600 : vector<16xf32>
      %swap3A_3607 = arith.constant 37 : i32
      %swap3A_3608 = arith.index_cast %select_n3A_130 : i32 to index
      %swap3A_3609 = arith.index_cast %swap3A_3607 : i32 to index
      %swap3A_3610 = arith.constant 0 : index
      %swap3A_3611 = tpu.vector_load %arg11[%swap3A_3608, %swap3A_3609, %swap3A_3610] {strides = array<i32>} : memref<3x40x128xf32, #tpu.memory_space<vmem>>, vector<16xf32>,
      tpu.vector_store %arg11[%swap3A_3608, %swap3A_3609, %swap3A_3610], %mul3A_3606 {strides = array<i32>} : memref<3x40x128xf32, #tpu.memory_space<vmem>>, vector<16xf32>,
      %get3A_3612 = arith.constant 37 : i32
      %get3A_3613 = arith.index_cast %select_n3A_130 : i32 to index
      %get3A_3614 = arith.index_cast %get3A_3612 : i32 to index
      %get3A_3615 = arith.constant 16 : index
      %get3A_3616 = tpu.vector_load %arg11[%get3A_3613, %get3A_3614, %get3A_3615] {strides = array<i32>} : memref<3x40x128xf32, #tpu.memory_space<vmem>>, vector<16xf32>,
      %mul3A_3617 = arith.mulf %get3A_3616, %gather3A_3600 : vector<16xf32>
      %swap3A_3618 = arith.constant 37 : i32
      %swap3A_3619 = arith.index_cast %select_n3A_130 : i32 to index
      %swap3A_3620 = arith.index_cast %swap3A_3618 : i32 to index
      %swap3A_3621 = arith.constant 16 : index
      %swap3A_3622 = tpu.vector_load %arg11[%swap3A_3619, %swap3A_3620, %swap3A_3621] {strides = array<i32>} : memref<3x40x128xf32, #tpu.memory_space<vmem>>, vector<16xf32>,
      tpu.vector_store %arg11[%swap3A_3619, %swap3A_3620, %swap3A_3621], %mul3A_3617 {strides = array<i32>} : memref<3x40x128xf32, #tpu.memory_space<vmem>>, vector<16xf32>,
      %get3A_3623 = arith.constant 37 : i32
      %get3A_3624 = arith.index_cast %select_n3A_130 : i32 to index
      %get3A_3625 = arith.index_cast %get3A_3623 : i32 to index
      %get3A_3626 = arith.constant 32 : index
      %get3A_3627 = tpu.vector_load %arg11[%get3A_3624, %get3A_3625, %get3A_3626] {strides = array<i32>} : memref<3x40x128xf32, #tpu.memory_space<vmem>>, vector<16xf32>,
      %mul3A_3628 = arith.mulf %get3A_3627, %gather3A_3600 : vector<16xf32>
      %swap3A_3629 = arith.constant 37 : i32
      %swap3A_3630 = arith.index_cast %select_n3A_130 : i32 to index
      %swap3A_3631 = arith.index_cast %swap3A_3629 : i32 to index
      %swap3A_3632 = arith.constant 32 : index
      %swap3A_3633 = tpu.vector_load %arg11[%swap3A_3630, %swap3A_3631, %swap3A_3632] {strides = array<i32>} : memref<3x40x128xf32, #tpu.memory_space<vmem>>, vector<16xf32>,
      tpu.vector_store %arg11[%swap3A_3630, %swap3A_3631, %swap3A_3632], %mul3A_3628 {strides = array<i32>} : memref<3x40x128xf32, #tpu.memory_space<vmem>>, vector<16xf32>,
      %get3A_3634 = arith.constant 37 : i32
      %get3A_3635 = arith.index_cast %select_n3A_130 : i32 to index
      %get3A_3636 = arith.index_cast %get3A_3634 : i32 to index
      %get3A_3637 = arith.constant 48 : index
      %get3A_3638 = tpu.vector_load %arg11[%get3A_3635, %get3A_3636, %get3A_3637] {strides = array<i32>} : memref<3x40x128xf32, #tpu.memory_space<vmem>>, vector<16xf32>,
      %mul3A_3639 = arith.mulf %get3A_3638, %gather3A_3600 : vector<16xf32>
      %swap3A_3640 = arith.constant 37 : i32
      %swap3A_3641 = arith.index_cast %select_n3A_130 : i32 to index
      %swap3A_3642 = arith.index_cast %swap3A_3640 : i32 to index
      %swap3A_3643 = arith.constant 48 : index
      %swap3A_3644 = tpu.vector_load %arg11[%swap3A_3641, %swap3A_3642, %swap3A_3643] {strides = array<i32>} : memref<3x40x128xf32, #tpu.memory_space<vmem>>, vector<16xf32>,
      tpu.vector_store %arg11[%swap3A_3641, %swap3A_3642, %swap3A_3643], %mul3A_3639 {strides = array<i32>} : memref<3x40x128xf32, #tpu.memory_space<vmem>>, vector<16xf32>,
      %get3A_3645 = arith.constant 37 : i32
      %get3A_3646 = arith.index_cast %select_n3A_130 : i32 to index
      %get3A_3647 = arith.index_cast %get3A_3645 : i32 to index
      %get3A_3648 = arith.constant 64 : index
      %get3A_3649 = tpu.vector_load %arg11[%get3A_3646, %get3A_3647, %get3A_3648] {strides = array<i32>} : memref<3x40x128xf32, #tpu.memory_space<vmem>>, vector<16xf32>,
      %mul3A_3650 = arith.mulf %get3A_3649, %gather3A_3600 : vector<16xf32>
      %swap3A_3651 = arith.constant 37 : i32
      %swap3A_3652 = arith.index_cast %select_n3A_130 : i32 to index
      %swap3A_3653 = arith.index_cast %swap3A_3651 : i32 to index
      %swap3A_3654 = arith.constant 64 : index
      %swap3A_3655 = tpu.vector_load %arg11[%swap3A_3652, %swap3A_3653, %swap3A_3654] {strides = array<i32>} : memref<3x40x128xf32, #tpu.memory_space<vmem>>, vector<16xf32>,
      tpu.vector_store %arg11[%swap3A_3652, %swap3A_3653, %swap3A_3654], %mul3A_3650 {strides = array<i32>} : memref<3x40x128xf32, #tpu.memory_space<vmem>>, vector<16xf32>,
      %get3A_3656 = arith.constant 37 : i32
      %get3A_3657 = arith.index_cast %select_n3A_130 : i32 to index
      %get3A_3658 = arith.index_cast %get3A_3656 : i32 to index
      %get3A_3659 = arith.constant 80 : index
      %get3A_3660 = tpu.vector_load %arg11[%get3A_3657, %get3A_3658, %get3A_3659] {strides = array<i32>} : memref<3x40x128xf32, #tpu.memory_space<vmem>>, vector<16xf32>,
      %mul3A_3661 = arith.mulf %get3A_3660, %gather3A_3600 : vector<16xf32>
      %swap3A_3662 = arith.constant 37 : i32
      %swap3A_3663 = arith.index_cast %select_n3A_130 : i32 to index
      %swap3A_3664 = arith.index_cast %swap3A_3662 : i32 to index
      %swap3A_3665 = arith.constant 80 : index
      %swap3A_3666 = tpu.vector_load %arg11[%swap3A_3663, %swap3A_3664, %swap3A_3665] {strides = array<i32>} : memref<3x40x128xf32, #tpu.memory_space<vmem>>, vector<16xf32>,
      tpu.vector_store %arg11[%swap3A_3663, %swap3A_3664, %swap3A_3665], %mul3A_3661 {strides = array<i32>} : memref<3x40x128xf32, #tpu.memory_space<vmem>>, vector<16xf32>,
      %get3A_3667 = arith.constant 37 : i32
      %get3A_3668 = arith.index_cast %select_n3A_130 : i32 to index
      %get3A_3669 = arith.index_cast %get3A_3667 : i32 to index
      %get3A_3670 = arith.constant 96 : index
      %get3A_3671 = tpu.vector_load %arg11[%get3A_3668, %get3A_3669, %get3A_3670] {strides = array<i32>} : memref<3x40x128xf32, #tpu.memory_space<vmem>>, vector<16xf32>,
      %mul3A_3672 = arith.mulf %get3A_3671, %gather3A_3600 : vector<16xf32>
      %swap3A_3673 = arith.constant 37 : i32
      %swap3A_3674 = arith.index_cast %select_n3A_130 : i32 to index
      %swap3A_3675 = arith.index_cast %swap3A_3673 : i32 to index
      %swap3A_3676 = arith.constant 96 : index
      %swap3A_3677 = tpu.vector_load %arg11[%swap3A_3674, %swap3A_3675, %swap3A_3676] {strides = array<i32>} : memref<3x40x128xf32, #tpu.memory_space<vmem>>, vector<16xf32>,
      tpu.vector_store %arg11[%swap3A_3674, %swap3A_3675, %swap3A_3676], %mul3A_3672 {strides = array<i32>} : memref<3x40x128xf32, #tpu.memory_space<vmem>>, vector<16xf32>,
      %get3A_3678 = arith.constant 37 : i32
      %get3A_3679 = arith.index_cast %select_n3A_130 : i32 to index
      %get3A_3680 = arith.index_cast %get3A_3678 : i32 to index
      %get3A_3681 = arith.constant 112 : index
      %get3A_3682 = tpu.vector_load %arg11[%get3A_3679, %get3A_3680, %get3A_3681] {strides = array<i32>} : memref<3x40x128xf32, #tpu.memory_space<vmem>>, vector<16xf32>,
      %mul3A_3683 = arith.mulf %get3A_3682, %gather3A_3600 : vector<16xf32>
      %swap3A_3684 = arith.constant 37 : i32
      %swap3A_3685 = arith.index_cast %select_n3A_130 : i32 to index
      %swap3A_3686 = arith.index_cast %swap3A_3684 : i32 to index
      %swap3A_3687 = arith.constant 112 : index
      %swap3A_3688 = tpu.vector_load %arg11[%swap3A_3685, %swap3A_3686, %swap3A_3687] {strides = array<i32>} : memref<3x40x128xf32, #tpu.memory_space<vmem>>, vector<16xf32>,
      tpu.vector_store %arg11[%swap3A_3685, %swap3A_3686, %swap3A_3687], %mul3A_3683 {strides = array<i32>} : memref<3x40x128xf32, #tpu.memory_space<vmem>>, vector<16xf32>,
      %broadcast_in_dim3A_3689 = arith.constant 14 : i32
      %broadcast_in_dim3A_3690 = vector.broadcast %broadcast_in_dim3A_3689 : i32 to vector<16x1xi32>
      %gather3A_3691 = vector.shape_cast %broadcast_in_dim3A_3690 : vector<16x1xi32> to vector<16xi32>
      %gather3A_3692 = tpu.dynamic_gather %get3A_3136[%gather3A_3691] in [0] : vector<16xf32>, vector<16xi32> -> vector<16xf32>
      %get3A_3693 = arith.constant 38 : i32
      %get3A_3694 = arith.index_cast %select_n3A_130 : i32 to index
      %get3A_3695 = arith.index_cast %get3A_3693 : i32 to index
      %get3A_3696 = arith.constant 0 : index
      %get3A_3697 = tpu.vector_load %arg11[%get3A_3694, %get3A_3695, %get3A_3696] {strides = array<i32>} : memref<3x40x128xf32, #tpu.memory_space<vmem>>, vector<16xf32>,
      %mul3A_3698 = arith.mulf %get3A_3697, %gather3A_3692 : vector<16xf32>
      %swap3A_3699 = arith.constant 38 : i32
      %swap3A_3700 = arith.index_cast %select_n3A_130 : i32 to index
      %swap3A_3701 = arith.index_cast %swap3A_3699 : i32 to index
      %swap3A_3702 = arith.constant 0 : index
      %swap3A_3703 = tpu.vector_load %arg11[%swap3A_3700, %swap3A_3701, %swap3A_3702] {strides = array<i32>} : memref<3x40x128xf32, #tpu.memory_space<vmem>>, vector<16xf32>,
      tpu.vector_store %arg11[%swap3A_3700, %swap3A_3701, %swap3A_3702], %mul3A_3698 {strides = array<i32>} : memref<3x40x128xf32, #tpu.memory_space<vmem>>, vector<16xf32>,
      %get3A_3704 = arith.constant 38 : i32
      %get3A_3705 = arith.index_cast %select_n3A_130 : i32 to index
      %get3A_3706 = arith.index_cast %get3A_3704 : i32 to index
      %get3A_3707 = arith.constant 16 : index
      %get3A_3708 = tpu.vector_load %arg11[%get3A_3705, %get3A_3706, %get3A_3707] {strides = array<i32>} : memref<3x40x128xf32, #tpu.memory_space<vmem>>, vector<16xf32>,
      %mul3A_3709 = arith.mulf %get3A_3708, %gather3A_3692 : vector<16xf32>
      %swap3A_3710 = arith.constant 38 : i32
      %swap3A_3711 = arith.index_cast %select_n3A_130 : i32 to index
      %swap3A_3712 = arith.index_cast %swap3A_3710 : i32 to index
      %swap3A_3713 = arith.constant 16 : index
      %swap3A_3714 = tpu.vector_load %arg11[%swap3A_3711, %swap3A_3712, %swap3A_3713] {strides = array<i32>} : memref<3x40x128xf32, #tpu.memory_space<vmem>>, vector<16xf32>,
      tpu.vector_store %arg11[%swap3A_3711, %swap3A_3712, %swap3A_3713], %mul3A_3709 {strides = array<i32>} : memref<3x40x128xf32, #tpu.memory_space<vmem>>, vector<16xf32>,
      %get3A_3715 = arith.constant 38 : i32
      %get3A_3716 = arith.index_cast %select_n3A_130 : i32 to index
      %get3A_3717 = arith.index_cast %get3A_3715 : i32 to index
      %get3A_3718 = arith.constant 32 : index
      %get3A_3719 = tpu.vector_load %arg11[%get3A_3716, %get3A_3717, %get3A_3718] {strides = array<i32>} : memref<3x40x128xf32, #tpu.memory_space<vmem>>, vector<16xf32>,
      %mul3A_3720 = arith.mulf %get3A_3719, %gather3A_3692 : vector<16xf32>
      %swap3A_3721 = arith.constant 38 : i32
      %swap3A_3722 = arith.index_cast %select_n3A_130 : i32 to index
      %swap3A_3723 = arith.index_cast %swap3A_3721 : i32 to index
      %swap3A_3724 = arith.constant 32 : index
      %swap3A_3725 = tpu.vector_load %arg11[%swap3A_3722, %swap3A_3723, %swap3A_3724] {strides = array<i32>} : memref<3x40x128xf32, #tpu.memory_space<vmem>>, vector<16xf32>,
      tpu.vector_store %arg11[%swap3A_3722, %swap3A_3723, %swap3A_3724], %mul3A_3720 {strides = array<i32>} : memref<3x40x128xf32, #tpu.memory_space<vmem>>, vector<16xf32>,
      %get3A_3726 = arith.constant 38 : i32
      %get3A_3727 = arith.index_cast %select_n3A_130 : i32 to index
      %get3A_3728 = arith.index_cast %get3A_3726 : i32 to index
      %get3A_3729 = arith.constant 48 : index
      %get3A_3730 = tpu.vector_load %arg11[%get3A_3727, %get3A_3728, %get3A_3729] {strides = array<i32>} : memref<3x40x128xf32, #tpu.memory_space<vmem>>, vector<16xf32>,
      %mul3A_3731 = arith.mulf %get3A_3730, %gather3A_3692 : vector<16xf32>
      %swap3A_3732 = arith.constant 38 : i32
      %swap3A_3733 = arith.index_cast %select_n3A_130 : i32 to index
      %swap3A_3734 = arith.index_cast %swap3A_3732 : i32 to index
      %swap3A_3735 = arith.constant 48 : index
      %swap3A_3736 = tpu.vector_load %arg11[%swap3A_3733, %swap3A_3734, %swap3A_3735] {strides = array<i32>} : memref<3x40x128xf32, #tpu.memory_space<vmem>>, vector<16xf32>,
      tpu.vector_store %arg11[%swap3A_3733, %swap3A_3734, %swap3A_3735], %mul3A_3731 {strides = array<i32>} : memref<3x40x128xf32, #tpu.memory_space<vmem>>, vector<16xf32>,
      %get3A_3737 = arith.constant 38 : i32
      %get3A_3738 = arith.index_cast %select_n3A_130 : i32 to index
      %get3A_3739 = arith.index_cast %get3A_3737 : i32 to index
      %get3A_3740 = arith.constant 64 : index
      %get3A_3741 = tpu.vector_load %arg11[%get3A_3738, %get3A_3739, %get3A_3740] {strides = array<i32>} : memref<3x40x128xf32, #tpu.memory_space<vmem>>, vector<16xf32>,
      %mul3A_3742 = arith.mulf %get3A_3741, %gather3A_3692 : vector<16xf32>
      %swap3A_3743 = arith.constant 38 : i32
      %swap3A_3744 = arith.index_cast %select_n3A_130 : i32 to index
      %swap3A_3745 = arith.index_cast %swap3A_3743 : i32 to index
      %swap3A_3746 = arith.constant 64 : index
      %swap3A_3747 = tpu.vector_load %arg11[%swap3A_3744, %swap3A_3745, %swap3A_3746] {strides = array<i32>} : memref<3x40x128xf32, #tpu.memory_space<vmem>>, vector<16xf32>,
      tpu.vector_store %arg11[%swap3A_3744, %swap3A_3745, %swap3A_3746], %mul3A_3742 {strides = array<i32>} : memref<3x40x128xf32, #tpu.memory_space<vmem>>, vector<16xf32>,
      %get3A_3748 = arith.constant 38 : i32
      %get3A_3749 = arith.index_cast %select_n3A_130 : i32 to index
      %get3A_3750 = arith.index_cast %get3A_3748 : i32 to index
      %get3A_3751 = arith.constant 80 : index
      %get3A_3752 = tpu.vector_load %arg11[%get3A_3749, %get3A_3750, %get3A_3751] {strides = array<i32>} : memref<3x40x128xf32, #tpu.memory_space<vmem>>, vector<16xf32>,
      %mul3A_3753 = arith.mulf %get3A_3752, %gather3A_3692 : vector<16xf32>
      %swap3A_3754 = arith.constant 38 : i32
      %swap3A_3755 = arith.index_cast %select_n3A_130 : i32 to index
      %swap3A_3756 = arith.index_cast %swap3A_3754 : i32 to index
      %swap3A_3757 = arith.constant 80 : index
      %swap3A_3758 = tpu.vector_load %arg11[%swap3A_3755, %swap3A_3756, %swap3A_3757] {strides = array<i32>} : memref<3x40x128xf32, #tpu.memory_space<vmem>>, vector<16xf32>,
      tpu.vector_store %arg11[%swap3A_3755, %swap3A_3756, %swap3A_3757], %mul3A_3753 {strides = array<i32>} : memref<3x40x128xf32, #tpu.memory_space<vmem>>, vector<16xf32>,
      %get3A_3759 = arith.constant 38 : i32
      %get3A_3760 = arith.index_cast %select_n3A_130 : i32 to index
      %get3A_3761 = arith.index_cast %get3A_3759 : i32 to index
      %get3A_3762 = arith.constant 96 : index
      %get3A_3763 = tpu.vector_load %arg11[%get3A_3760, %get3A_3761, %get3A_3762] {strides = array<i32>} : memref<3x40x128xf32, #tpu.memory_space<vmem>>, vector<16xf32>,
      %mul3A_3764 = arith.mulf %get3A_3763, %gather3A_3692 : vector<16xf32>
      %swap3A_3765 = arith.constant 38 : i32
      %swap3A_3766 = arith.index_cast %select_n3A_130 : i32 to index
      %swap3A_3767 = arith.index_cast %swap3A_3765 : i32 to index
      %swap3A_3768 = arith.constant 96 : index
      %swap3A_3769 = tpu.vector_load %arg11[%swap3A_3766, %swap3A_3767, %swap3A_3768] {strides = array<i32>} : memref<3x40x128xf32, #tpu.memory_space<vmem>>, vector<16xf32>,
      tpu.vector_store %arg11[%swap3A_3766, %swap3A_3767, %swap3A_3768], %mul3A_3764 {strides = array<i32>} : memref<3x40x128xf32, #tpu.memory_space<vmem>>, vector<16xf32>,
      %get3A_3770 = arith.constant 38 : i32
      %get3A_3771 = arith.index_cast %select_n3A_130 : i32 to index
      %get3A_3772 = arith.index_cast %get3A_3770 : i32 to index
      %get3A_3773 = arith.constant 112 : index
      %get3A_3774 = tpu.vector_load %arg11[%get3A_3771, %get3A_3772, %get3A_3773] {strides = array<i32>} : memref<3x40x128xf32, #tpu.memory_space<vmem>>, vector<16xf32>,
      %mul3A_3775 = arith.mulf %get3A_3774, %gather3A_3692 : vector<16xf32>
      %swap3A_3776 = arith.constant 38 : i32
      %swap3A_3777 = arith.index_cast %select_n3A_130 : i32 to index
      %swap3A_3778 = arith.index_cast %swap3A_3776 : i32 to index
      %swap3A_3779 = arith.constant 112 : index
      %swap3A_3780 = tpu.vector_load %arg11[%swap3A_3777, %swap3A_3778, %swap3A_3779] {strides = array<i32>} : memref<3x40x128xf32, #tpu.memory_space<vmem>>, vector<16xf32>,
      tpu.vector_store %arg11[%swap3A_3777, %swap3A_3778, %swap3A_3779], %mul3A_3775 {strides = array<i32>} : memref<3x40x128xf32, #tpu.memory_space<vmem>>, vector<16xf32>,
      %broadcast_in_dim3A_3781 = arith.constant 15 : i32
      %broadcast_in_dim3A_3782 = vector.broadcast %broadcast_in_dim3A_3781 : i32 to vector<16x1xi32>
      %gather3A_3783 = vector.shape_cast %broadcast_in_dim3A_3782 : vector<16x1xi32> to vector<16xi32>
      %gather3A_3784 = tpu.dynamic_gather %get3A_3136[%gather3A_3783] in [0] : vector<16xf32>, vector<16xi32> -> vector<16xf32>
      %get3A_3785 = arith.constant 39 : i32
      %get3A_3786 = arith.index_cast %select_n3A_130 : i32 to index
      %get3A_3787 = arith.index_cast %get3A_3785 : i32 to index
      %get3A_3788 = arith.constant 0 : index
      %get3A_3789 = tpu.vector_load %arg11[%get3A_3786, %get3A_3787, %get3A_3788] {strides = array<i32>} : memref<3x40x128xf32, #tpu.memory_space<vmem>>, vector<16xf32>,
      %mul3A_3790 = arith.mulf %get3A_3789, %gather3A_3784 : vector<16xf32>
      %swap3A_3791 = arith.constant 39 : i32
      %swap3A_3792 = arith.index_cast %select_n3A_130 : i32 to index
      %swap3A_3793 = arith.index_cast %swap3A_3791 : i32 to index
      %swap3A_3794 = arith.constant 0 : index
      %swap3A_3795 = tpu.vector_load %arg11[%swap3A_3792, %swap3A_3793, %swap3A_3794] {strides = array<i32>} : memref<3x40x128xf32, #tpu.memory_space<vmem>>, vector<16xf32>,
      tpu.vector_store %arg11[%swap3A_3792, %swap3A_3793, %swap3A_3794], %mul3A_3790 {strides = array<i32>} : memref<3x40x128xf32, #tpu.memory_space<vmem>>, vector<16xf32>,
      %get3A_3796 = arith.constant 39 : i32
      %get3A_3797 = arith.index_cast %select_n3A_130 : i32 to index
      %get3A_3798 = arith.index_cast %get3A_3796 : i32 to index
      %get3A_3799 = arith.constant 16 : index
      %get3A_3800 = tpu.vector_load %arg11[%get3A_3797, %get3A_3798, %get3A_3799] {strides = array<i32>} : memref<3x40x128xf32, #tpu.memory_space<vmem>>, vector<16xf32>,
      %mul3A_3801 = arith.mulf %get3A_3800, %gather3A_3784 : vector<16xf32>
      %swap3A_3802 = arith.constant 39 : i32
      %swap3A_3803 = arith.index_cast %select_n3A_130 : i32 to index
      %swap3A_3804 = arith.index_cast %swap3A_3802 : i32 to index
      %swap3A_3805 = arith.constant 16 : index
      %swap3A_3806 = tpu.vector_load %arg11[%swap3A_3803, %swap3A_3804, %swap3A_3805] {strides = array<i32>} : memref<3x40x128xf32, #tpu.memory_space<vmem>>, vector<16xf32>,
      tpu.vector_store %arg11[%swap3A_3803, %swap3A_3804, %swap3A_3805], %mul3A_3801 {strides = array<i32>} : memref<3x40x128xf32, #tpu.memory_space<vmem>>, vector<16xf32>,
      %get3A_3807 = arith.constant 39 : i32
      %get3A_3808 = arith.index_cast %select_n3A_130 : i32 to index
      %get3A_3809 = arith.index_cast %get3A_3807 : i32 to index
      %get3A_3810 = arith.constant 32 : index
      %get3A_3811 = tpu.vector_load %arg11[%get3A_3808, %get3A_3809, %get3A_3810] {strides = array<i32>} : memref<3x40x128xf32, #tpu.memory_space<vmem>>, vector<16xf32>,
      %mul3A_3812 = arith.mulf %get3A_3811, %gather3A_3784 : vector<16xf32>
      %swap3A_3813 = arith.constant 39 : i32
      %swap3A_3814 = arith.index_cast %select_n3A_130 : i32 to index
      %swap3A_3815 = arith.index_cast %swap3A_3813 : i32 to index
      %swap3A_3816 = arith.constant 32 : index
      %swap3A_3817 = tpu.vector_load %arg11[%swap3A_3814, %swap3A_3815, %swap3A_3816] {strides = array<i32>} : memref<3x40x128xf32, #tpu.memory_space<vmem>>, vector<16xf32>,
      tpu.vector_store %arg11[%swap3A_3814, %swap3A_3815, %swap3A_3816], %mul3A_3812 {strides = array<i32>} : memref<3x40x128xf32, #tpu.memory_space<vmem>>, vector<16xf32>,
      %get3A_3818 = arith.constant 39 : i32
      %get3A_3819 = arith.index_cast %select_n3A_130 : i32 to index
      %get3A_3820 = arith.index_cast %get3A_3818 : i32 to index
      %get3A_3821 = arith.constant 48 : index
      %get3A_3822 = tpu.vector_load %arg11[%get3A_3819, %get3A_3820, %get3A_3821] {strides = array<i32>} : memref<3x40x128xf32, #tpu.memory_space<vmem>>, vector<16xf32>,
      %mul3A_3823 = arith.mulf %get3A_3822, %gather3A_3784 : vector<16xf32>
      %swap3A_3824 = arith.constant 39 : i32
      %swap3A_3825 = arith.index_cast %select_n3A_130 : i32 to index
      %swap3A_3826 = arith.index_cast %swap3A_3824 : i32 to index
      %swap3A_3827 = arith.constant 48 : index
      %swap3A_3828 = tpu.vector_load %arg11[%swap3A_3825, %swap3A_3826, %swap3A_3827] {strides = array<i32>} : memref<3x40x128xf32, #tpu.memory_space<vmem>>, vector<16xf32>,
      tpu.vector_store %arg11[%swap3A_3825, %swap3A_3826, %swap3A_3827], %mul3A_3823 {strides = array<i32>} : memref<3x40x128xf32, #tpu.memory_space<vmem>>, vector<16xf32>,
      %get3A_3829 = arith.constant 39 : i32
      %get3A_3830 = arith.index_cast %select_n3A_130 : i32 to index
      %get3A_3831 = arith.index_cast %get3A_3829 : i32 to index
      %get3A_3832 = arith.constant 64 : index
      %get3A_3833 = tpu.vector_load %arg11[%get3A_3830, %get3A_3831, %get3A_3832] {strides = array<i32>} : memref<3x40x128xf32, #tpu.memory_space<vmem>>, vector<16xf32>,
      %mul3A_3834 = arith.mulf %get3A_3833, %gather3A_3784 : vector<16xf32>
      %swap3A_3835 = arith.constant 39 : i32
      %swap3A_3836 = arith.index_cast %select_n3A_130 : i32 to index
      %swap3A_3837 = arith.index_cast %swap3A_3835 : i32 to index
      %swap3A_3838 = arith.constant 64 : index
      %swap3A_3839 = tpu.vector_load %arg11[%swap3A_3836, %swap3A_3837, %swap3A_3838] {strides = array<i32>} : memref<3x40x128xf32, #tpu.memory_space<vmem>>, vector<16xf32>,
      tpu.vector_store %arg11[%swap3A_3836, %swap3A_3837, %swap3A_3838], %mul3A_3834 {strides = array<i32>} : memref<3x40x128xf32, #tpu.memory_space<vmem>>, vector<16xf32>,
      %get3A_3840 = arith.constant 39 : i32
      %get3A_3841 = arith.index_cast %select_n3A_130 : i32 to index
      %get3A_3842 = arith.index_cast %get3A_3840 : i32 to index
      %get3A_3843 = arith.constant 80 : index
      %get3A_3844 = tpu.vector_load %arg11[%get3A_3841, %get3A_3842, %get3A_3843] {strides = array<i32>} : memref<3x40x128xf32, #tpu.memory_space<vmem>>, vector<16xf32>,
      %mul3A_3845 = arith.mulf %get3A_3844, %gather3A_3784 : vector<16xf32>
      %swap3A_3846 = arith.constant 39 : i32
      %swap3A_3847 = arith.index_cast %select_n3A_130 : i32 to index
      %swap3A_3848 = arith.index_cast %swap3A_3846 : i32 to index
      %swap3A_3849 = arith.constant 80 : index
      %swap3A_3850 = tpu.vector_load %arg11[%swap3A_3847, %swap3A_3848, %swap3A_3849] {strides = array<i32>} : memref<3x40x128xf32, #tpu.memory_space<vmem>>, vector<16xf32>,
      tpu.vector_store %arg11[%swap3A_3847, %swap3A_3848, %swap3A_3849], %mul3A_3845 {strides = array<i32>} : memref<3x40x128xf32, #tpu.memory_space<vmem>>, vector<16xf32>,
      %get3A_3851 = arith.constant 39 : i32
      %get3A_3852 = arith.index_cast %select_n3A_130 : i32 to index
      %get3A_3853 = arith.index_cast %get3A_3851 : i32 to index
      %get3A_3854 = arith.constant 96 : index
      %get3A_3855 = tpu.vector_load %arg11[%get3A_3852, %get3A_3853, %get3A_3854] {strides = array<i32>} : memref<3x40x128xf32, #tpu.memory_space<vmem>>, vector<16xf32>,
      %mul3A_3856 = arith.mulf %get3A_3855, %gather3A_3784 : vector<16xf32>
      %swap3A_3857 = arith.constant 39 : i32
      %swap3A_3858 = arith.index_cast %select_n3A_130 : i32 to index
      %swap3A_3859 = arith.index_cast %swap3A_3857 : i32 to index
      %swap3A_3860 = arith.constant 96 : index
      %swap3A_3861 = tpu.vector_load %arg11[%swap3A_3858, %swap3A_3859, %swap3A_3860] {strides = array<i32>} : memref<3x40x128xf32, #tpu.memory_space<vmem>>, vector<16xf32>,
      tpu.vector_store %arg11[%swap3A_3858, %swap3A_3859, %swap3A_3860], %mul3A_3856 {strides = array<i32>} : memref<3x40x128xf32, #tpu.memory_space<vmem>>, vector<16xf32>,
      %get3A_3862 = arith.constant 39 : i32
      %get3A_3863 = arith.index_cast %select_n3A_130 : i32 to index
      %get3A_3864 = arith.index_cast %get3A_3862 : i32 to index
      %get3A_3865 = arith.constant 112 : index
      %get3A_3866 = tpu.vector_load %arg11[%get3A_3863, %get3A_3864, %get3A_3865] {strides = array<i32>} : memref<3x40x128xf32, #tpu.memory_space<vmem>>, vector<16xf32>,
      %mul3A_3867 = arith.mulf %get3A_3866, %gather3A_3784 : vector<16xf32>
      %swap3A_3868 = arith.constant 39 : i32
      %swap3A_3869 = arith.index_cast %select_n3A_130 : i32 to index
      %swap3A_3870 = arith.index_cast %swap3A_3868 : i32 to index
      %swap3A_3871 = arith.constant 112 : index
      %swap3A_3872 = tpu.vector_load %arg11[%swap3A_3869, %swap3A_3870, %swap3A_3871] {strides = array<i32>} : memref<3x40x128xf32, #tpu.memory_space<vmem>>, vector<16xf32>,
      tpu.vector_store %arg11[%swap3A_3869, %swap3A_3870, %swap3A_3871], %mul3A_3867 {strides = array<i32>} : memref<3x40x128xf32, #tpu.memory_space<vmem>>, vector<16xf32>,
      %dma_start3A = arith.constant 0 : i32
      %dma_start3A_3873 = arith.constant 0 : i32
      %dma_start3A_3874 = tpu.memref_slice %arg11[%select_n3A_130, %dma_start3A, %dma_start3A_3873] : memref<3x40x128xf32, #tpu.memory_space<vmem>> -> memref<1x40x128xf32, #tpu.memory_space<vmem>>
      %dma_start3A_3875 = tpu.memref_squeeze %dma_start3A_3874 : memref<1x40x128xf32, #tpu.memory_space<vmem>> -> memref<40x128xf32, #tpu.memory_space<vmem>>
      %dma_start3A_3876 = arith.constant 0 : i32
      %dma_start3A_3877 = tpu.memref_slice %arg8[%add3A_114, %dma_start3A_3876] : memref<32x40xi32, #tpu.memory_space<vmem>> -> memref<1x40xi32, #tpu.memory_space<vmem>>
      %dma_start3A_3878 = tpu.memref_squeeze %dma_start3A_3877 : memref<1x40xi32, #tpu.memory_space<vmem>> -> memref<40xi32, #tpu.memory_space<vmem>>
      %dma_start3A_3879 = arith.constant 0 : i32
      %dma_start3A_3880 = arith.constant 0 : i32
      %dma_start3A_3881 = tpu.memref_slice %arg13[%dma_start3A_3879, %dma_start3A_3880] : memref<10000x128xf32, #tpu.memory_space<vmem_shared>> -> memref<10000x128xf32, #tpu.memory_space<vmem_shared>>
      %dma_start3A_3882 = tpu.memref_slice %arg15[%select_n3A_130] : memref<3x!tpu.dma_semaphore, #tpu.memory_space<semaphore_mem>> -> memref<1x!tpu.dma_semaphore, #tpu.memory_space<semaphore_mem>>
      %dma_start3A_3883 = tpu.memref_squeeze %dma_start3A_3882 : memref<1x!tpu.dma_semaphore, #tpu.memory_space<semaphore_mem>> -> memref<!tpu.dma_semaphore, #tpu.memory_space<semaphore_mem>>
      tpu.enqueue_indirect_dma source(%dma_start3A_3875 : memref<40x128xf32, #tpu.memory_space<vmem>>) target(%dma_start3A_3881 : memref<10000x128xf32, #tpu.memory_space<vmem_shared>>) offsets(%dma_start3A_3878 : memref<40xi32, #tpu.memory_space<vmem>>) semaphore(%dma_start3A_3883 : memref<!tpu.dma_semaphore, #tpu.memory_space<semaphore_mem>>) {add = true}
      %scan3A_3884 = arith.constant 0 : i32
      scf.yield %scan3A_3884 : i32
    }
    %scan3A_22 = arith.constant 256 : i32
    %dma_wait3A = arith.constant 0 : i32
    %dma_wait3A_23 = arith.constant 0 : i32
    %dma_wait3A_24 = arith.constant 0 : i32
    %dma_wait3A_25 = arith.constant 0 : i32
    %dma_wait3A_26 = tpu.memref_slice %arg11[%dma_wait3A, %dma_wait3A_24, %dma_wait3A_25] : memref<3x40x128xf32, #tpu.memory_space<vmem>> -> memref<1x40x128xf32, #tpu.memory_space<vmem>>
    %dma_wait3A_27 = tpu.memref_squeeze %dma_wait3A_26 : memref<1x40x128xf32, #tpu.memory_space<vmem>> -> memref<40x128xf32, #tpu.memory_space<vmem>>
    %dma_wait3A_28 = tpu.memref_slice %arg15[%dma_wait3A_23] : memref<3x!tpu.dma_semaphore, #tpu.memory_space<semaphore_mem>> -> memref<1x!tpu.dma_semaphore, #tpu.memory_space<semaphore_mem>>
    %dma_wait3A_29 = tpu.memref_squeeze %dma_wait3A_28 : memref<1x!tpu.dma_semaphore, #tpu.memory_space<semaphore_mem>> -> memref<!tpu.dma_semaphore, #tpu.memory_space<semaphore_mem>>
    %dma_wait3A_30 = arith.constant 0 : i32
    %dma_wait3A_31 = arith.constant 0 : i32
    %dma_wait3A_32 = tpu.memref_slice %arg11[%dma_wait3A, %dma_wait3A_30, %dma_wait3A_31] : memref<3x40x128xf32, #tpu.memory_space<vmem>> -> memref<1x40x128xf32, #tpu.memory_space<vmem>>
    %dma_wait3A_33 = tpu.memref_squeeze %dma_wait3A_32 : memref<1x40x128xf32, #tpu.memory_space<vmem>> -> memref<40x128xf32, #tpu.memory_space<vmem>>
    tpu.wait_dma2 semaphore(%dma_wait3A_29 : memref<!tpu.dma_semaphore, #tpu.memory_space<semaphore_mem>>) src(%arg6 : memref<40x128xf32, #tpu.memory_space<hbm>>) dst(%dma_wait3A_33 : memref<40x128xf32, #tpu.memory_space<vmem>>)
    %dma_wait3A_34 = arith.constant 2 : i32
    %dma_wait3A_35 = arith.constant 2 : i32
    %dma_wait3A_36 = arith.constant 0 : i32
    %dma_wait3A_37 = arith.constant 0 : i32
    %dma_wait3A_38 = tpu.memref_slice %arg11[%dma_wait3A_34, %dma_wait3A_36, %dma_wait3A_37] : memref<3x40x128xf32, #tpu.memory_space<vmem>> -> memref<1x40x128xf32, #tpu.memory_space<vmem>>
    %dma_wait3A_39 = tpu.memref_squeeze %dma_wait3A_38 : memref<1x40x128xf32, #tpu.memory_space<vmem>> -> memref<40x128xf32, #tpu.memory_space<vmem>>
    %dma_wait3A_40 = tpu.memref_slice %arg15[%dma_wait3A_35] : memref<3x!tpu.dma_semaphore, #tpu.memory_space<semaphore_mem>> -> memref<1x!tpu.dma_semaphore, #tpu.memory_space<semaphore_mem>>
    %dma_wait3A_41 = tpu.memref_squeeze %dma_wait3A_40 : memref<1x!tpu.dma_semaphore, #tpu.memory_space<semaphore_mem>> -> memref<!tpu.dma_semaphore, #tpu.memory_space<semaphore_mem>>
    %dma_wait3A_42 = arith.constant 0 : i32
    %dma_wait3A_43 = arith.constant 0 : i32
    %dma_wait3A_44 = tpu.memref_slice %arg11[%dma_wait3A_34, %dma_wait3A_42, %dma_wait3A_43] : memref<3x40x128xf32, #tpu.memory_space<vmem>> -> memref<1x40x128xf32, #tpu.memory_space<vmem>>
    %dma_wait3A_45 = tpu.memref_squeeze %dma_wait3A_44 : memref<1x40x128xf32, #tpu.memory_space<vmem>> -> memref<40x128xf32, #tpu.memory_space<vmem>>
    tpu.wait_dma2 semaphore(%dma_wait3A_41 : memref<!tpu.dma_semaphore, #tpu.memory_space<semaphore_mem>>) src(%arg6 : memref<40x128xf32, #tpu.memory_space<hbm>>) dst(%dma_wait3A_45 : memref<40x128xf32, #tpu.memory_space<vmem>>)
    %barrier3A_46 = arith.constant 0 : index
    tpu.barrier barrier_id(%barrier3A_46)
    %mul3A_47 = arith.constant 624 : i32
    %mul3A_48 = arith.muli %arg1, %mul3A_47 : i32
    %mul3A_49 = arith.constant 624 : i32
    %mul3A_50 = arith.muli %arg1, %mul3A_49 : i32
    "tpu.region"() ({
      %run_scoped3A = tpu.sem_alloc : memref<!tpu.dma_semaphore, #tpu.memory_space<semaphore_mem>>
      %dma_start3A = arith.constant 0 : i32
      %dma_start3A_56 = tpu.memref_slice %arg7[%arg0, %mul3A_50, %dma_start3A] : memref<2x10000x128xf32, #tpu.memory_space<hbm>> -> memref<1x624x128xf32, #tpu.memory_space<hbm>>
      %dma_start3A_57 = tpu.memref_squeeze %dma_start3A_56 : memref<1x624x128xf32, #tpu.memory_space<hbm>> -> memref<624x128xf32, #tpu.memory_space<hbm>>
      %dma_start3A_58 = arith.constant 0 : i32
      %dma_start3A_59 = tpu.memref_slice %arg13[%mul3A_48, %dma_start3A_58] : memref<10000x128xf32, #tpu.memory_space<vmem_shared>> -> memref<624x128xf32, #tpu.memory_space<vmem_shared>>
      tpu.enqueue_dma source(%dma_start3A_59 : memref<624x128xf32, #tpu.memory_space<vmem_shared>>) target(%dma_start3A_57 : memref<624x128xf32, #tpu.memory_space<hbm>>) target_semaphore(%run_scoped3A : memref<!tpu.dma_semaphore, #tpu.memory_space<semaphore_mem>>)
      %dma_wait3A_60 = arith.constant 0 : i32
      %dma_wait3A_61 = tpu.memref_slice %arg7[%arg0, %mul3A_50, %dma_wait3A_60] : memref<2x10000x128xf32, #tpu.memory_space<hbm>> -> memref<1x624x128xf32, #tpu.memory_space<hbm>>
      %dma_wait3A_62 = tpu.memref_squeeze %dma_wait3A_61 : memref<1x624x128xf32, #tpu.memory_space<hbm>> -> memref<624x128xf32, #tpu.memory_space<hbm>>
      %dma_wait3A_63 = arith.constant 0 : i32
      %dma_wait3A_64 = tpu.memref_slice %arg13[%mul3A_48, %dma_wait3A_63] : memref<10000x128xf32, #tpu.memory_space<vmem_shared>> -> memref<624x128xf32, #tpu.memory_space<vmem_shared>>
      tpu.wait_dma2 semaphore(%run_scoped3A : memref<!tpu.dma_semaphore, #tpu.memory_space<semaphore_mem>>) src(%dma_wait3A_64 : memref<624x128xf32, #tpu.memory_space<vmem_shared>>) dst(%dma_wait3A_62 : memref<624x128xf32, #tpu.memory_space<hbm>>)
      tpu.yield
    }) : () -> ()
    %eq3A_51 = arith.constant 0 : i32
    %eq3A_52 = arith.cmpi eq, %arg1, %eq3A_51 : i32
    %convert_element_type3A_53 = arith.extui %eq3A_52 : i1 to i32
    %cond3A_54 = arith.constant 0 : i32
    %cond3A_55 = arith.cmpi ne, %convert_element_type3A_53, %cond3A_54 : i32
    scf.if %cond3A_55 {
      "tpu.region"() ({
        %run_scoped3A = tpu.sem_alloc : memref<!tpu.dma_semaphore, #tpu.memory_space<semaphore_mem>>
        %dma_start3A = arith.constant 9984 : i32
        %dma_start3A_56 = arith.constant 0 : i32
        %dma_start3A_57 = tpu.memref_slice %arg7[%arg0, %dma_start3A, %dma_start3A_56] : memref<2x10000x128xf32, #tpu.memory_space<hbm>> -> memref<1x16x128xf32, #tpu.memory_space<hbm>>
        %dma_start3A_58 = tpu.memref_squeeze %dma_start3A_57 : memref<1x16x128xf32, #tpu.memory_space<hbm>> -> memref<16x128xf32, #tpu.memory_space<hbm>>
        %dma_start3A_59 = arith.constant 9984 : i32
        %dma_start3A_60 = arith.constant 0 : i32
        %dma_start3A_61 = tpu.memref_slice %arg13[%dma_start3A_59, %dma_start3A_60] : memref<10000x128xf32, #tpu.memory_space<vmem_shared>> -> memref<16x128xf32, #tpu.memory_space<vmem_shared>>
        tpu.enqueue_dma source(%dma_start3A_61 : memref<16x128xf32, #tpu.memory_space<vmem_shared>>) target(%dma_start3A_58 : memref<16x128xf32, #tpu.memory_space<hbm>>) target_semaphore(%run_scoped3A : memref<!tpu.dma_semaphore, #tpu.memory_space<semaphore_mem>>)
        %dma_wait3A_62 = arith.constant 9984 : i32
        %dma_wait3A_63 = arith.constant 0 : i32
        %dma_wait3A_64 = tpu.memref_slice %arg7[%arg0, %dma_wait3A_62, %dma_wait3A_63] : memref<2x10000x128xf32, #tpu.memory_space<hbm>> -> memref<1x16x128xf32, #tpu.memory_space<hbm>>
        %dma_wait3A_65 = tpu.memref_squeeze %dma_wait3A_64 : memref<1x16x128xf32, #tpu.memory_space<hbm>> -> memref<16x128xf32, #tpu.memory_space<hbm>>
        %dma_wait3A_66 = arith.constant 9984 : i32
        %dma_wait3A_67 = arith.constant 0 : i32
        %dma_wait3A_68 = tpu.memref_slice %arg13[%dma_wait3A_66, %dma_wait3A_67] : memref<10000x128xf32, #tpu.memory_space<vmem_shared>> -> memref<16x128xf32, #tpu.memory_space<vmem_shared>>
        tpu.wait_dma2 semaphore(%run_scoped3A : memref<!tpu.dma_semaphore, #tpu.memory_space<semaphore_mem>>) src(%dma_wait3A_68 : memref<16x128xf32, #tpu.memory_space<vmem_shared>>) dst(%dma_wait3A_65 : memref<16x128xf32, #tpu.memory_space<hbm>>)
        tpu.yield
      }) : () -> ()
    } else {
    }
    return
  }
}

#map = affine_map<(d0, d1) -> (0, 0, 0)>
#map1 = affine_map<(d0, d1) -> (0)>
#map2 = affine_map<(d0, d1) -> (0, 0)>
module attributes {stable_mosaic.version = 14 : i64} {
  func.func @_k2_body(%arg0: i32, %arg1: i32, %arg2: memref<32x128x80xi32, #tpu.memory_space<hbm>>, %arg3: memref<32x128x80xi32, #tpu.memory_space<hbm>>, %arg4: memref<10000xf32, #tpu.memory_space<hbm>>, %arg5: memref<10000xf32, #tpu.memory_space<hbm>>, %arg6: memref<16xf32, #tpu.memory_space<hbm>>, %arg7: memref<32x128x80xf32, #tpu.memory_space<hbm>>, %arg8: memref<2x10000xf32, #tpu.memory_space<hbm>>, %arg9: memref<128x80xi32, #tpu.memory_space<vmem>>, %arg10: memref<128x80xi32, #tpu.memory_space<vmem>>, %arg11: memref<128x80xf32, #tpu.memory_space<vmem>>, %arg12: memref<10000xf32, #tpu.memory_space<vmem>>, %arg13: memref<10000xf32, #tpu.memory_space<vmem>>, %arg14: memref<16xf32, #tpu.memory_space<vmem>>, %arg15: memref<624xf32, #tpu.memory_space<vmem>>, %arg16: memref<10000xf32, #tpu.memory_space<vmem_shared>>) attributes {dimension_semantics = [#tpu.dimension_semantics<core_parallel>, #tpu.dimension_semantics<subcore_parallel>], iteration_bounds = array<i64: 2, 16>, scalar_prefetch = 0 : i64, scratch_operands = 8 : i64, tpu.core_type = #tpu.core_type<sc_vector_subcore>, window_params = [{transform_indices = #map}, {transform_indices = #map}, {transform_indices = #map1}, {transform_indices = #map1}, {transform_indices = #map1}, {transform_indices = #map}, {transform_indices = #map2}]} {
    %mul3A = arith.constant 2 : i32
    %mul3A_0 = arith.muli %arg1, %mul3A : i32
    %add3A = arith.addi %mul3A_0, %arg0 : i32
    "tpu.region"() ({
      %run_scoped3A = tpu.sem_alloc : memref<!tpu.dma_semaphore, #tpu.memory_space<semaphore_mem>>
      %dma_start3A = arith.constant 0 : i32
      %dma_start3A_25 = arith.constant 0 : i32
      %dma_start3A_26 = tpu.memref_slice %arg2[%add3A, %dma_start3A, %dma_start3A_25] : memref<32x128x80xi32, #tpu.memory_space<hbm>> -> memref<1x128x80xi32, #tpu.memory_space<hbm>>
      %dma_start3A_27 = tpu.memref_squeeze %dma_start3A_26 : memref<1x128x80xi32, #tpu.memory_space<hbm>> -> memref<128x80xi32, #tpu.memory_space<hbm>>
      %dma_start3A_28 = arith.constant 0 : i32
      %dma_start3A_29 = arith.constant 0 : i32
      %dma_start3A_30 = tpu.memref_slice %arg2[%add3A, %dma_start3A_28, %dma_start3A_29] : memref<32x128x80xi32, #tpu.memory_space<hbm>> -> memref<1x128x80xi32, #tpu.memory_space<hbm>>
      %dma_start3A_31 = tpu.memref_squeeze %dma_start3A_30 : memref<1x128x80xi32, #tpu.memory_space<hbm>> -> memref<128x80xi32, #tpu.memory_space<hbm>>
      tpu.enqueue_dma source(%dma_start3A_31 : memref<128x80xi32, #tpu.memory_space<hbm>>) target(%arg9 : memref<128x80xi32, #tpu.memory_space<vmem>>) target_semaphore(%run_scoped3A : memref<!tpu.dma_semaphore, #tpu.memory_space<semaphore_mem>>)
      %dma_wait3A = arith.constant 0 : i32
      %dma_wait3A_32 = arith.constant 0 : i32
      %dma_wait3A_33 = tpu.memref_slice %arg2[%add3A, %dma_wait3A, %dma_wait3A_32] : memref<32x128x80xi32, #tpu.memory_space<hbm>> -> memref<1x128x80xi32, #tpu.memory_space<hbm>>
      %dma_wait3A_34 = tpu.memref_squeeze %dma_wait3A_33 : memref<1x128x80xi32, #tpu.memory_space<hbm>> -> memref<128x80xi32, #tpu.memory_space<hbm>>
      %dma_wait3A_35 = arith.constant 0 : i32
      %dma_wait3A_36 = arith.constant 0 : i32
      %dma_wait3A_37 = tpu.memref_slice %arg2[%add3A, %dma_wait3A_35, %dma_wait3A_36] : memref<32x128x80xi32, #tpu.memory_space<hbm>> -> memref<1x128x80xi32, #tpu.memory_space<hbm>>
      %dma_wait3A_38 = tpu.memref_squeeze %dma_wait3A_37 : memref<1x128x80xi32, #tpu.memory_space<hbm>> -> memref<128x80xi32, #tpu.memory_space<hbm>>
      tpu.wait_dma2 semaphore(%run_scoped3A : memref<!tpu.dma_semaphore, #tpu.memory_space<semaphore_mem>>) src(%dma_wait3A_38 : memref<128x80xi32, #tpu.memory_space<hbm>>) dst(%arg9 : memref<128x80xi32, #tpu.memory_space<vmem>>)
      tpu.yield
    }) : () -> ()
    "tpu.region"() ({
      %run_scoped3A = tpu.sem_alloc : memref<!tpu.dma_semaphore, #tpu.memory_space<semaphore_mem>>
      %dma_start3A = arith.constant 0 : i32
      %dma_start3A_25 = arith.constant 0 : i32
      %dma_start3A_26 = tpu.memref_slice %arg3[%add3A, %dma_start3A, %dma_start3A_25] : memref<32x128x80xi32, #tpu.memory_space<hbm>> -> memref<1x128x80xi32, #tpu.memory_space<hbm>>
      %dma_start3A_27 = tpu.memref_squeeze %dma_start3A_26 : memref<1x128x80xi32, #tpu.memory_space<hbm>> -> memref<128x80xi32, #tpu.memory_space<hbm>>
      %dma_start3A_28 = arith.constant 0 : i32
      %dma_start3A_29 = arith.constant 0 : i32
      %dma_start3A_30 = tpu.memref_slice %arg3[%add3A, %dma_start3A_28, %dma_start3A_29] : memref<32x128x80xi32, #tpu.memory_space<hbm>> -> memref<1x128x80xi32, #tpu.memory_space<hbm>>
      %dma_start3A_31 = tpu.memref_squeeze %dma_start3A_30 : memref<1x128x80xi32, #tpu.memory_space<hbm>> -> memref<128x80xi32, #tpu.memory_space<hbm>>
      tpu.enqueue_dma source(%dma_start3A_31 : memref<128x80xi32, #tpu.memory_space<hbm>>) target(%arg10 : memref<128x80xi32, #tpu.memory_space<vmem>>) target_semaphore(%run_scoped3A : memref<!tpu.dma_semaphore, #tpu.memory_space<semaphore_mem>>)
      %dma_wait3A = arith.constant 0 : i32
      %dma_wait3A_32 = arith.constant 0 : i32
      %dma_wait3A_33 = tpu.memref_slice %arg3[%add3A, %dma_wait3A, %dma_wait3A_32] : memref<32x128x80xi32, #tpu.memory_space<hbm>> -> memref<1x128x80xi32, #tpu.memory_space<hbm>>
      %dma_wait3A_34 = tpu.memref_squeeze %dma_wait3A_33 : memref<1x128x80xi32, #tpu.memory_space<hbm>> -> memref<128x80xi32, #tpu.memory_space<hbm>>
      %dma_wait3A_35 = arith.constant 0 : i32
      %dma_wait3A_36 = arith.constant 0 : i32
      %dma_wait3A_37 = tpu.memref_slice %arg3[%add3A, %dma_wait3A_35, %dma_wait3A_36] : memref<32x128x80xi32, #tpu.memory_space<hbm>> -> memref<1x128x80xi32, #tpu.memory_space<hbm>>
      %dma_wait3A_38 = tpu.memref_squeeze %dma_wait3A_37 : memref<1x128x80xi32, #tpu.memory_space<hbm>> -> memref<128x80xi32, #tpu.memory_space<hbm>>
      tpu.wait_dma2 semaphore(%run_scoped3A : memref<!tpu.dma_semaphore, #tpu.memory_space<semaphore_mem>>) src(%dma_wait3A_38 : memref<128x80xi32, #tpu.memory_space<hbm>>) dst(%arg10 : memref<128x80xi32, #tpu.memory_space<vmem>>)
      tpu.yield
    }) : () -> ()
    "tpu.region"() ({
      %run_scoped3A = tpu.sem_alloc : memref<!tpu.dma_semaphore, #tpu.memory_space<semaphore_mem>>
      tpu.enqueue_dma source(%arg4 : memref<10000xf32, #tpu.memory_space<hbm>>) target(%arg12 : memref<10000xf32, #tpu.memory_space<vmem>>) target_semaphore(%run_scoped3A : memref<!tpu.dma_semaphore, #tpu.memory_space<semaphore_mem>>)
      tpu.wait_dma2 semaphore(%run_scoped3A : memref<!tpu.dma_semaphore, #tpu.memory_space<semaphore_mem>>) src(%arg4 : memref<10000xf32, #tpu.memory_space<hbm>>) dst(%arg12 : memref<10000xf32, #tpu.memory_space<vmem>>)
      tpu.yield
    }) : () -> ()
    "tpu.region"() ({
      %run_scoped3A = tpu.sem_alloc : memref<!tpu.dma_semaphore, #tpu.memory_space<semaphore_mem>>
      tpu.enqueue_dma source(%arg5 : memref<10000xf32, #tpu.memory_space<hbm>>) target(%arg13 : memref<10000xf32, #tpu.memory_space<vmem>>) target_semaphore(%run_scoped3A : memref<!tpu.dma_semaphore, #tpu.memory_space<semaphore_mem>>)
      tpu.wait_dma2 semaphore(%run_scoped3A : memref<!tpu.dma_semaphore, #tpu.memory_space<semaphore_mem>>) src(%arg5 : memref<10000xf32, #tpu.memory_space<hbm>>) dst(%arg13 : memref<10000xf32, #tpu.memory_space<vmem>>)
      tpu.yield
    }) : () -> ()
    "tpu.region"() ({
      %run_scoped3A = tpu.sem_alloc : memref<!tpu.dma_semaphore, #tpu.memory_space<semaphore_mem>>
      tpu.enqueue_dma source(%arg6 : memref<16xf32, #tpu.memory_space<hbm>>) target(%arg14 : memref<16xf32, #tpu.memory_space<vmem>>) target_semaphore(%run_scoped3A : memref<!tpu.dma_semaphore, #tpu.memory_space<semaphore_mem>>)
      tpu.wait_dma2 semaphore(%run_scoped3A : memref<!tpu.dma_semaphore, #tpu.memory_space<semaphore_mem>>) src(%arg6 : memref<16xf32, #tpu.memory_space<hbm>>) dst(%arg14 : memref<16xf32, #tpu.memory_space<vmem>>)
      tpu.yield
    }) : () -> ()
    %scan3A = arith.constant 0 : i32
    %scan3A_1 = arith.constant 0 : i32
    %scan3A_2 = arith.constant 39 : i32
    %scan3A_3 = arith.addi %scan3A_1, %scan3A_2 : i32
    %scan3A_4 = arith.constant 1 : i32
    %scan3A_5 = scf.for %scan3A_25 = %scan3A_1 to %scan3A_3 step %scan3A_4 iter_args(%scan3A_26 = %scan3A) -> (i32)  : i32 {
      %broadcast_in_dim3A = arith.constant 0.000000e+00 : f32
      %broadcast_in_dim3A_27 = vector.broadcast %broadcast_in_dim3A : f32 to vector<16xf32>
      %mul3A_28 = arith.constant 16 : i32
      %mul3A_29 = arith.muli %scan3A_25, %mul3A_28 : i32
      %swap3A = arith.index_cast %mul3A_29 : i32 to index
      %swap3A_30 = tpu.vector_load %arg15[%swap3A] {strides = array<i32>} : memref<624xf32, #tpu.memory_space<vmem>>, vector<16xf32>,
      tpu.vector_store %arg15[%swap3A], %broadcast_in_dim3A_27 {strides = array<i32>} : memref<624xf32, #tpu.memory_space<vmem>>, vector<16xf32>,
      %scan3A_31 = arith.constant 0 : i32
      scf.yield %scan3A_31 : i32
    }
    %scan3A_6 = arith.constant 39 : i32
    %mul3A_7 = arith.constant 624 : i32
    %mul3A_8 = arith.muli %arg1, %mul3A_7 : i32
    "tpu.region"() ({
      %run_scoped3A = tpu.sem_alloc : memref<!tpu.dma_semaphore, #tpu.memory_space<semaphore_mem>>
      %dma_start3A = tpu.memref_slice %arg16[%mul3A_8] : memref<10000xf32, #tpu.memory_space<vmem_shared>> -> memref<624xf32, #tpu.memory_space<vmem_shared>>
      %dma_start3A_25 = tpu.memref_slice %arg16[%mul3A_8] : memref<10000xf32, #tpu.memory_space<vmem_shared>> -> memref<624xf32, #tpu.memory_space<vmem_shared>>
      tpu.enqueue_dma source(%arg15 : memref<624xf32, #tpu.memory_space<vmem>>) target(%dma_start3A_25 : memref<624xf32, #tpu.memory_space<vmem_shared>>) target_semaphore(%run_scoped3A : memref<!tpu.dma_semaphore, #tpu.memory_space<semaphore_mem>>)
      %dma_wait3A = tpu.memref_slice %arg16[%mul3A_8] : memref<10000xf32, #tpu.memory_space<vmem_shared>> -> memref<624xf32, #tpu.memory_space<vmem_shared>>
      %dma_wait3A_26 = tpu.memref_slice %arg16[%mul3A_8] : memref<10000xf32, #tpu.memory_space<vmem_shared>> -> memref<624xf32, #tpu.memory_space<vmem_shared>>
      tpu.wait_dma2 semaphore(%run_scoped3A : memref<!tpu.dma_semaphore, #tpu.memory_space<semaphore_mem>>) src(%arg15 : memref<624xf32, #tpu.memory_space<vmem>>) dst(%dma_wait3A_26 : memref<624xf32, #tpu.memory_space<vmem_shared>>)
      tpu.yield
    }) : () -> ()
    %eq3A = arith.constant 0 : i32
    %eq3A_9 = arith.cmpi eq, %arg1, %eq3A : i32
    %convert_element_type3A = arith.extui %eq3A_9 : i1 to i32
    %cond3A = arith.constant 0 : i32
    %cond3A_10 = arith.cmpi ne, %convert_element_type3A, %cond3A : i32
    scf.if %cond3A_10 {
      "tpu.region"() ({
        %run_scoped3A = tpu.sem_alloc : memref<!tpu.dma_semaphore, #tpu.memory_space<semaphore_mem>>
        %dma_start3A = arith.constant 0 : i32
        %dma_start3A_25 = tpu.memref_slice %arg15[%dma_start3A] : memref<624xf32, #tpu.memory_space<vmem>> -> memref<16xf32, #tpu.memory_space<vmem>>
        %dma_start3A_26 = arith.constant 9984 : i32
        %dma_start3A_27 = tpu.memref_slice %arg16[%dma_start3A_26] : memref<10000xf32, #tpu.memory_space<vmem_shared>> -> memref<16xf32, #tpu.memory_space<vmem_shared>>
        %dma_start3A_28 = arith.constant 9984 : i32
        %dma_start3A_29 = tpu.memref_slice %arg16[%dma_start3A_28] : memref<10000xf32, #tpu.memory_space<vmem_shared>> -> memref<16xf32, #tpu.memory_space<vmem_shared>>
        %dma_start3A_30 = arith.constant 0 : i32
        %dma_start3A_31 = tpu.memref_slice %arg15[%dma_start3A_30] : memref<624xf32, #tpu.memory_space<vmem>> -> memref<16xf32, #tpu.memory_space<vmem>>
        tpu.enqueue_dma source(%dma_start3A_31 : memref<16xf32, #tpu.memory_space<vmem>>) target(%dma_start3A_29 : memref<16xf32, #tpu.memory_space<vmem_shared>>) target_semaphore(%run_scoped3A : memref<!tpu.dma_semaphore, #tpu.memory_space<semaphore_mem>>)
        %dma_wait3A = arith.constant 0 : i32
        %dma_wait3A_32 = tpu.memref_slice %arg15[%dma_wait3A] : memref<624xf32, #tpu.memory_space<vmem>> -> memref<16xf32, #tpu.memory_space<vmem>>
        %dma_wait3A_33 = arith.constant 9984 : i32
        %dma_wait3A_34 = tpu.memref_slice %arg16[%dma_wait3A_33] : memref<10000xf32, #tpu.memory_space<vmem_shared>> -> memref<16xf32, #tpu.memory_space<vmem_shared>>
        %dma_wait3A_35 = arith.constant 9984 : i32
        %dma_wait3A_36 = tpu.memref_slice %arg16[%dma_wait3A_35] : memref<10000xf32, #tpu.memory_space<vmem_shared>> -> memref<16xf32, #tpu.memory_space<vmem_shared>>
        %dma_wait3A_37 = arith.constant 0 : i32
        %dma_wait3A_38 = tpu.memref_slice %arg15[%dma_wait3A_37] : memref<624xf32, #tpu.memory_space<vmem>> -> memref<16xf32, #tpu.memory_space<vmem>>
        tpu.wait_dma2 semaphore(%run_scoped3A : memref<!tpu.dma_semaphore, #tpu.memory_space<semaphore_mem>>) src(%dma_wait3A_38 : memref<16xf32, #tpu.memory_space<vmem>>) dst(%dma_wait3A_36 : memref<16xf32, #tpu.memory_space<vmem_shared>>)
        tpu.yield
      }) : () -> ()
    } else {
    }
    %barrier3A = arith.constant 0 : index
    tpu.barrier barrier_id(%barrier3A)
    %get3A = arith.constant 0 : index
    %get3A_11 = tpu.vector_load %arg14[%get3A] {strides = array<i32>} : memref<16xf32, #tpu.memory_space<vmem>>, vector<16xf32>,
    %iota3A = tpu.iota {dimensions = array<i32: 0>} : vector<16xi32>
    %scan3A_12 = arith.constant 0 : i32
    %scan3A_13 = arith.constant 0 : i32
    %scan3A_14 = arith.constant 128 : i32
    %scan3A_15 = arith.addi %scan3A_13, %scan3A_14 : i32
    %scan3A_16 = arith.constant 1 : i32
    %scan3A_17 = scf.for %scan3A_25 = %scan3A_13 to %scan3A_15 step %scan3A_16 iter_args(%scan3A_26 = %scan3A_12) -> (i32)  : i32 {
      %get3A_27 = arith.index_cast %scan3A_25 : i32 to index
      %get3A_28 = arith.constant 0 : index
      %get3A_29 = tpu.vector_load %arg9[%get3A_27, %get3A_28] {strides = array<i32>} : memref<128x80xi32, #tpu.memory_space<vmem>>, vector<16xi32>,
      %get3A_30 = arith.index_cast %scan3A_25 : i32 to index
      %get3A_31 = arith.constant 0 : index
      %get3A_32 = tpu.vector_load %arg10[%get3A_30, %get3A_31] {strides = array<i32>} : memref<128x80xi32, #tpu.memory_space<vmem>>, vector<16xi32>,
      %gather3A = tpu.vector_load_idx %arg12[%get3A_29] : memref<10000xf32, #tpu.memory_space<vmem>>[vector<16xi32>], vector<16xf32>,
      %gather3A_33 = tpu.vector_load_idx %arg13[%get3A_32] : memref<10000xf32, #tpu.memory_space<vmem>>[vector<16xi32>], vector<16xf32>,
      %add3A_34 = arith.addf %gather3A, %gather3A_33 : vector<16xf32>
      %mul3A_35 = arith.constant 2.000000e-01 : f32
      %mul3A_36 = vector.broadcast %mul3A_35 : f32 to vector<16xf32>
      %mul3A_37 = arith.mulf %mul3A_36, %add3A_34 : vector<16xf32>
      %max3A = arith.maximumf %add3A_34, %mul3A_37 : vector<16xf32>
      %neg3A = arith.constant 0.000000e+00 : f32
      %neg3A_38 = vector.broadcast %neg3A : f32 to vector<16xf32>
      %neg3A_39 = arith.subf %neg3A_38, %max3A : vector<16xf32>
      %mul3A_40 = arith.constant 10240 : i32
      %mul3A_41 = arith.muli %add3A, %mul3A_40 : i32
      %mul3A_42 = arith.constant 80 : i32
      %mul3A_43 = arith.muli %scan3A_25, %mul3A_42 : i32
      %add3A_44 = arith.addi %mul3A_41, %mul3A_43 : i32
      %add3A_45 = arith.constant 0 : i32
      %add3A_46 = arith.addi %add3A_44, %add3A_45 : i32
      %add3A_47 = vector.broadcast %add3A_46 : i32 to vector<16xi32>
      %add3A_48 = arith.addi %add3A_47, %iota3A : vector<16xi32>
      %lt3A = arith.constant 320000 : i32
      %lt3A_49 = vector.broadcast %lt3A : i32 to vector<16xi32>
      %lt3A_50 = arith.cmpi slt, %add3A_48, %lt3A_49 : vector<16xi32>
      %sub3A = arith.subf %neg3A_39, %get3A_11 : vector<16xf32>
      %exp3A = math.exp %sub3A : vector<16xf32>
      %jit3A = arith.constant 0.000000e+00 : f32
      %broadcast_in_dim3A = vector.broadcast %jit3A : f32 to vector<16xf32>
      %select_n3A = arith.select %lt3A_50, %exp3A, %broadcast_in_dim3A : vector<16xi1>, vector<16xf32>
      %swap3A = arith.index_cast %scan3A_25 : i32 to index
      %swap3A_51 = arith.constant 0 : index
      %swap3A_52 = tpu.vector_load %arg11[%swap3A, %swap3A_51] {strides = array<i32>} : memref<128x80xf32, #tpu.memory_space<vmem>>, vector<16xf32>,
      tpu.vector_store %arg11[%swap3A, %swap3A_51], %select_n3A {strides = array<i32>} : memref<128x80xf32, #tpu.memory_space<vmem>>, vector<16xf32>,
      %get3A_53 = arith.index_cast %scan3A_25 : i32 to index
      %get3A_54 = arith.constant 16 : index
      %get3A_55 = tpu.vector_load %arg9[%get3A_53, %get3A_54] {strides = array<i32>} : memref<128x80xi32, #tpu.memory_space<vmem>>, vector<16xi32>,
      %get3A_56 = arith.index_cast %scan3A_25 : i32 to index
      %get3A_57 = arith.constant 16 : index
      %get3A_58 = tpu.vector_load %arg10[%get3A_56, %get3A_57] {strides = array<i32>} : memref<128x80xi32, #tpu.memory_space<vmem>>, vector<16xi32>,
      %gather3A_59 = tpu.vector_load_idx %arg12[%get3A_55] : memref<10000xf32, #tpu.memory_space<vmem>>[vector<16xi32>], vector<16xf32>,
      %gather3A_60 = tpu.vector_load_idx %arg13[%get3A_58] : memref<10000xf32, #tpu.memory_space<vmem>>[vector<16xi32>], vector<16xf32>,
      %add3A_61 = arith.addf %gather3A_59, %gather3A_60 : vector<16xf32>
      %mul3A_62 = arith.constant 2.000000e-01 : f32
      %mul3A_63 = vector.broadcast %mul3A_62 : f32 to vector<16xf32>
      %mul3A_64 = arith.mulf %mul3A_63, %add3A_61 : vector<16xf32>
      %max3A_65 = arith.maximumf %add3A_61, %mul3A_64 : vector<16xf32>
      %neg3A_66 = arith.constant 0.000000e+00 : f32
      %neg3A_67 = vector.broadcast %neg3A_66 : f32 to vector<16xf32>
      %neg3A_68 = arith.subf %neg3A_67, %max3A_65 : vector<16xf32>
      %mul3A_69 = arith.constant 10240 : i32
      %mul3A_70 = arith.muli %add3A, %mul3A_69 : i32
      %mul3A_71 = arith.constant 80 : i32
      %mul3A_72 = arith.muli %scan3A_25, %mul3A_71 : i32
      %add3A_73 = arith.addi %mul3A_70, %mul3A_72 : i32
      %add3A_74 = arith.constant 16 : i32
      %add3A_75 = arith.addi %add3A_73, %add3A_74 : i32
      %add3A_76 = vector.broadcast %add3A_75 : i32 to vector<16xi32>
      %add3A_77 = arith.addi %add3A_76, %iota3A : vector<16xi32>
      %lt3A_78 = arith.constant 320000 : i32
      %lt3A_79 = vector.broadcast %lt3A_78 : i32 to vector<16xi32>
      %lt3A_80 = arith.cmpi slt, %add3A_77, %lt3A_79 : vector<16xi32>
      %sub3A_81 = arith.subf %neg3A_68, %get3A_11 : vector<16xf32>
      %exp3A_82 = math.exp %sub3A_81 : vector<16xf32>
      %jit3A_83 = arith.constant 0.000000e+00 : f32
      %broadcast_in_dim3A_84 = vector.broadcast %jit3A_83 : f32 to vector<16xf32>
      %select_n3A_85 = arith.select %lt3A_80, %exp3A_82, %broadcast_in_dim3A_84 : vector<16xi1>, vector<16xf32>
      %swap3A_86 = arith.index_cast %scan3A_25 : i32 to index
      %swap3A_87 = arith.constant 16 : index
      %swap3A_88 = tpu.vector_load %arg11[%swap3A_86, %swap3A_87] {strides = array<i32>} : memref<128x80xf32, #tpu.memory_space<vmem>>, vector<16xf32>,
      tpu.vector_store %arg11[%swap3A_86, %swap3A_87], %select_n3A_85 {strides = array<i32>} : memref<128x80xf32, #tpu.memory_space<vmem>>, vector<16xf32>,
      %get3A_89 = arith.index_cast %scan3A_25 : i32 to index
      %get3A_90 = arith.constant 32 : index
      %get3A_91 = tpu.vector_load %arg9[%get3A_89, %get3A_90] {strides = array<i32>} : memref<128x80xi32, #tpu.memory_space<vmem>>, vector<16xi32>,
      %get3A_92 = arith.index_cast %scan3A_25 : i32 to index
      %get3A_93 = arith.constant 32 : index
      %get3A_94 = tpu.vector_load %arg10[%get3A_92, %get3A_93] {strides = array<i32>} : memref<128x80xi32, #tpu.memory_space<vmem>>, vector<16xi32>,
      %gather3A_95 = tpu.vector_load_idx %arg12[%get3A_91] : memref<10000xf32, #tpu.memory_space<vmem>>[vector<16xi32>], vector<16xf32>,
      %gather3A_96 = tpu.vector_load_idx %arg13[%get3A_94] : memref<10000xf32, #tpu.memory_space<vmem>>[vector<16xi32>], vector<16xf32>,
      %add3A_97 = arith.addf %gather3A_95, %gather3A_96 : vector<16xf32>
      %mul3A_98 = arith.constant 2.000000e-01 : f32
      %mul3A_99 = vector.broadcast %mul3A_98 : f32 to vector<16xf32>
      %mul3A_100 = arith.mulf %mul3A_99, %add3A_97 : vector<16xf32>
      %max3A_101 = arith.maximumf %add3A_97, %mul3A_100 : vector<16xf32>
      %neg3A_102 = arith.constant 0.000000e+00 : f32
      %neg3A_103 = vector.broadcast %neg3A_102 : f32 to vector<16xf32>
      %neg3A_104 = arith.subf %neg3A_103, %max3A_101 : vector<16xf32>
      %mul3A_105 = arith.constant 10240 : i32
      %mul3A_106 = arith.muli %add3A, %mul3A_105 : i32
      %mul3A_107 = arith.constant 80 : i32
      %mul3A_108 = arith.muli %scan3A_25, %mul3A_107 : i32
      %add3A_109 = arith.addi %mul3A_106, %mul3A_108 : i32
      %add3A_110 = arith.constant 32 : i32
      %add3A_111 = arith.addi %add3A_109, %add3A_110 : i32
      %add3A_112 = vector.broadcast %add3A_111 : i32 to vector<16xi32>
      %add3A_113 = arith.addi %add3A_112, %iota3A : vector<16xi32>
      %lt3A_114 = arith.constant 320000 : i32
      %lt3A_115 = vector.broadcast %lt3A_114 : i32 to vector<16xi32>
      %lt3A_116 = arith.cmpi slt, %add3A_113, %lt3A_115 : vector<16xi32>
      %sub3A_117 = arith.subf %neg3A_104, %get3A_11 : vector<16xf32>
      %exp3A_118 = math.exp %sub3A_117 : vector<16xf32>
      %jit3A_119 = arith.constant 0.000000e+00 : f32
      %broadcast_in_dim3A_120 = vector.broadcast %jit3A_119 : f32 to vector<16xf32>
      %select_n3A_121 = arith.select %lt3A_116, %exp3A_118, %broadcast_in_dim3A_120 : vector<16xi1>, vector<16xf32>
      %swap3A_122 = arith.index_cast %scan3A_25 : i32 to index
      %swap3A_123 = arith.constant 32 : index
      %swap3A_124 = tpu.vector_load %arg11[%swap3A_122, %swap3A_123] {strides = array<i32>} : memref<128x80xf32, #tpu.memory_space<vmem>>, vector<16xf32>,
      tpu.vector_store %arg11[%swap3A_122, %swap3A_123], %select_n3A_121 {strides = array<i32>} : memref<128x80xf32, #tpu.memory_space<vmem>>, vector<16xf32>,
      %get3A_125 = arith.index_cast %scan3A_25 : i32 to index
      %get3A_126 = arith.constant 48 : index
      %get3A_127 = tpu.vector_load %arg9[%get3A_125, %get3A_126] {strides = array<i32>} : memref<128x80xi32, #tpu.memory_space<vmem>>, vector<16xi32>,
      %get3A_128 = arith.index_cast %scan3A_25 : i32 to index
      %get3A_129 = arith.constant 48 : index
      %get3A_130 = tpu.vector_load %arg10[%get3A_128, %get3A_129] {strides = array<i32>} : memref<128x80xi32, #tpu.memory_space<vmem>>, vector<16xi32>,
      %gather3A_131 = tpu.vector_load_idx %arg12[%get3A_127] : memref<10000xf32, #tpu.memory_space<vmem>>[vector<16xi32>], vector<16xf32>,
      %gather3A_132 = tpu.vector_load_idx %arg13[%get3A_130] : memref<10000xf32, #tpu.memory_space<vmem>>[vector<16xi32>], vector<16xf32>,
      %add3A_133 = arith.addf %gather3A_131, %gather3A_132 : vector<16xf32>
      %mul3A_134 = arith.constant 2.000000e-01 : f32
      %mul3A_135 = vector.broadcast %mul3A_134 : f32 to vector<16xf32>
      %mul3A_136 = arith.mulf %mul3A_135, %add3A_133 : vector<16xf32>
      %max3A_137 = arith.maximumf %add3A_133, %mul3A_136 : vector<16xf32>
      %neg3A_138 = arith.constant 0.000000e+00 : f32
      %neg3A_139 = vector.broadcast %neg3A_138 : f32 to vector<16xf32>
      %neg3A_140 = arith.subf %neg3A_139, %max3A_137 : vector<16xf32>
      %mul3A_141 = arith.constant 10240 : i32
      %mul3A_142 = arith.muli %add3A, %mul3A_141 : i32
      %mul3A_143 = arith.constant 80 : i32
      %mul3A_144 = arith.muli %scan3A_25, %mul3A_143 : i32
      %add3A_145 = arith.addi %mul3A_142, %mul3A_144 : i32
      %add3A_146 = arith.constant 48 : i32
      %add3A_147 = arith.addi %add3A_145, %add3A_146 : i32
      %add3A_148 = vector.broadcast %add3A_147 : i32 to vector<16xi32>
      %add3A_149 = arith.addi %add3A_148, %iota3A : vector<16xi32>
      %lt3A_150 = arith.constant 320000 : i32
      %lt3A_151 = vector.broadcast %lt3A_150 : i32 to vector<16xi32>
      %lt3A_152 = arith.cmpi slt, %add3A_149, %lt3A_151 : vector<16xi32>
      %sub3A_153 = arith.subf %neg3A_140, %get3A_11 : vector<16xf32>
      %exp3A_154 = math.exp %sub3A_153 : vector<16xf32>
      %jit3A_155 = arith.constant 0.000000e+00 : f32
      %broadcast_in_dim3A_156 = vector.broadcast %jit3A_155 : f32 to vector<16xf32>
      %select_n3A_157 = arith.select %lt3A_152, %exp3A_154, %broadcast_in_dim3A_156 : vector<16xi1>, vector<16xf32>
      %swap3A_158 = arith.index_cast %scan3A_25 : i32 to index
      %swap3A_159 = arith.constant 48 : index
      %swap3A_160 = tpu.vector_load %arg11[%swap3A_158, %swap3A_159] {strides = array<i32>} : memref<128x80xf32, #tpu.memory_space<vmem>>, vector<16xf32>,
      tpu.vector_store %arg11[%swap3A_158, %swap3A_159], %select_n3A_157 {strides = array<i32>} : memref<128x80xf32, #tpu.memory_space<vmem>>, vector<16xf32>,
      %get3A_161 = arith.index_cast %scan3A_25 : i32 to index
      %get3A_162 = arith.constant 64 : index
      %get3A_163 = tpu.vector_load %arg9[%get3A_161, %get3A_162] {strides = array<i32>} : memref<128x80xi32, #tpu.memory_space<vmem>>, vector<16xi32>,
      %get3A_164 = arith.index_cast %scan3A_25 : i32 to index
      %get3A_165 = arith.constant 64 : index
      %get3A_166 = tpu.vector_load %arg10[%get3A_164, %get3A_165] {strides = array<i32>} : memref<128x80xi32, #tpu.memory_space<vmem>>, vector<16xi32>,
      %gather3A_167 = tpu.vector_load_idx %arg12[%get3A_163] : memref<10000xf32, #tpu.memory_space<vmem>>[vector<16xi32>], vector<16xf32>,
      %gather3A_168 = tpu.vector_load_idx %arg13[%get3A_166] : memref<10000xf32, #tpu.memory_space<vmem>>[vector<16xi32>], vector<16xf32>,
      %add3A_169 = arith.addf %gather3A_167, %gather3A_168 : vector<16xf32>
      %mul3A_170 = arith.constant 2.000000e-01 : f32
      %mul3A_171 = vector.broadcast %mul3A_170 : f32 to vector<16xf32>
      %mul3A_172 = arith.mulf %mul3A_171, %add3A_169 : vector<16xf32>
      %max3A_173 = arith.maximumf %add3A_169, %mul3A_172 : vector<16xf32>
      %neg3A_174 = arith.constant 0.000000e+00 : f32
      %neg3A_175 = vector.broadcast %neg3A_174 : f32 to vector<16xf32>
      %neg3A_176 = arith.subf %neg3A_175, %max3A_173 : vector<16xf32>
      %mul3A_177 = arith.constant 10240 : i32
      %mul3A_178 = arith.muli %add3A, %mul3A_177 : i32
      %mul3A_179 = arith.constant 80 : i32
      %mul3A_180 = arith.muli %scan3A_25, %mul3A_179 : i32
      %add3A_181 = arith.addi %mul3A_178, %mul3A_180 : i32
      %add3A_182 = arith.constant 64 : i32
      %add3A_183 = arith.addi %add3A_181, %add3A_182 : i32
      %add3A_184 = vector.broadcast %add3A_183 : i32 to vector<16xi32>
      %add3A_185 = arith.addi %add3A_184, %iota3A : vector<16xi32>
      %lt3A_186 = arith.constant 320000 : i32
      %lt3A_187 = vector.broadcast %lt3A_186 : i32 to vector<16xi32>
      %lt3A_188 = arith.cmpi slt, %add3A_185, %lt3A_187 : vector<16xi32>
      %sub3A_189 = arith.subf %neg3A_176, %get3A_11 : vector<16xf32>
      %exp3A_190 = math.exp %sub3A_189 : vector<16xf32>
      %jit3A_191 = arith.constant 0.000000e+00 : f32
      %broadcast_in_dim3A_192 = vector.broadcast %jit3A_191 : f32 to vector<16xf32>
      %select_n3A_193 = arith.select %lt3A_188, %exp3A_190, %broadcast_in_dim3A_192 : vector<16xi1>, vector<16xf32>
      %swap3A_194 = arith.index_cast %scan3A_25 : i32 to index
      %swap3A_195 = arith.constant 64 : index
      %swap3A_196 = tpu.vector_load %arg11[%swap3A_194, %swap3A_195] {strides = array<i32>} : memref<128x80xf32, #tpu.memory_space<vmem>>, vector<16xf32>,
      tpu.vector_store %arg11[%swap3A_194, %swap3A_195], %select_n3A_193 {strides = array<i32>} : memref<128x80xf32, #tpu.memory_space<vmem>>, vector<16xf32>,
      "tpu.region"() ({
        %run_scoped3A = tpu.sem_alloc : memref<!tpu.dma_semaphore, #tpu.memory_space<semaphore_mem>>
        %dma_start3A = arith.constant 0 : i32
        %dma_start3A_198 = tpu.memref_slice %arg11[%scan3A_25, %dma_start3A] : memref<128x80xf32, #tpu.memory_space<vmem>> -> memref<1x80xf32, #tpu.memory_space<vmem>>
        %dma_start3A_199 = tpu.memref_squeeze %dma_start3A_198 : memref<1x80xf32, #tpu.memory_space<vmem>> -> memref<80xf32, #tpu.memory_space<vmem>>
        %dma_start3A_200 = arith.constant 0 : i32
        %dma_start3A_201 = tpu.memref_slice %arg9[%scan3A_25, %dma_start3A_200] : memref<128x80xi32, #tpu.memory_space<vmem>> -> memref<1x80xi32, #tpu.memory_space<vmem>>
        %dma_start3A_202 = tpu.memref_squeeze %dma_start3A_201 : memref<1x80xi32, #tpu.memory_space<vmem>> -> memref<80xi32, #tpu.memory_space<vmem>>
        %dma_start3A_203 = arith.constant 0 : i32
        %dma_start3A_204 = tpu.memref_slice %arg16[%dma_start3A_203] : memref<10000xf32, #tpu.memory_space<vmem_shared>> -> memref<10000xf32, #tpu.memory_space<vmem_shared>>
        tpu.enqueue_indirect_dma source(%dma_start3A_199 : memref<80xf32, #tpu.memory_space<vmem>>) target(%dma_start3A_204 : memref<10000xf32, #tpu.memory_space<vmem_shared>>) offsets(%dma_start3A_202 : memref<80xi32, #tpu.memory_space<vmem>>) semaphore(%run_scoped3A : memref<!tpu.dma_semaphore, #tpu.memory_space<semaphore_mem>>) {add = true}
        %dma_wait3A = arith.constant 0 : i32
        %dma_wait3A_205 = tpu.memref_slice %arg11[%scan3A_25, %dma_wait3A] : memref<128x80xf32, #tpu.memory_space<vmem>> -> memref<1x80xf32, #tpu.memory_space<vmem>>
        %dma_wait3A_206 = tpu.memref_squeeze %dma_wait3A_205 : memref<1x80xf32, #tpu.memory_space<vmem>> -> memref<80xf32, #tpu.memory_space<vmem>>
        %dma_wait3A_207 = arith.constant 0 : i32
        %dma_wait3A_208 = tpu.memref_slice %arg9[%scan3A_25, %dma_wait3A_207] : memref<128x80xi32, #tpu.memory_space<vmem>> -> memref<1x80xi32, #tpu.memory_space<vmem>>
        %dma_wait3A_209 = tpu.memref_squeeze %dma_wait3A_208 : memref<1x80xi32, #tpu.memory_space<vmem>> -> memref<80xi32, #tpu.memory_space<vmem>>
        %dma_wait3A_210 = arith.constant 0 : i32
        %dma_wait3A_211 = tpu.memref_slice %arg16[%dma_wait3A_210] : memref<10000xf32, #tpu.memory_space<vmem_shared>> -> memref<10000xf32, #tpu.memory_space<vmem_shared>>
        tpu.wait_indirect_dma semaphore(%run_scoped3A : memref<!tpu.dma_semaphore, #tpu.memory_space<semaphore_mem>>) src(%dma_wait3A_206 : memref<80xf32, #tpu.memory_space<vmem>>) dst(%dma_wait3A_211 : memref<10000xf32, #tpu.memory_space<vmem_shared>>)
        tpu.yield
      }) : () -> ()
      %scan3A_197 = arith.constant 0 : i32
      scf.yield %scan3A_197 : i32
    }
    %scan3A_18 = arith.constant 128 : i32
    "tpu.region"() ({
      %run_scoped3A = tpu.sem_alloc : memref<!tpu.dma_semaphore, #tpu.memory_space<semaphore_mem>>
      %dma_start3A = arith.constant 0 : i32
      %dma_start3A_25 = arith.constant 0 : i32
      %dma_start3A_26 = tpu.memref_slice %arg7[%add3A, %dma_start3A, %dma_start3A_25] : memref<32x128x80xf32, #tpu.memory_space<hbm>> -> memref<1x128x80xf32, #tpu.memory_space<hbm>>
      %dma_start3A_27 = tpu.memref_squeeze %dma_start3A_26 : memref<1x128x80xf32, #tpu.memory_space<hbm>> -> memref<128x80xf32, #tpu.memory_space<hbm>>
      %dma_start3A_28 = arith.constant 0 : i32
      %dma_start3A_29 = arith.constant 0 : i32
      %dma_start3A_30 = tpu.memref_slice %arg7[%add3A, %dma_start3A_28, %dma_start3A_29] : memref<32x128x80xf32, #tpu.memory_space<hbm>> -> memref<1x128x80xf32, #tpu.memory_space<hbm>>
      %dma_start3A_31 = tpu.memref_squeeze %dma_start3A_30 : memref<1x128x80xf32, #tpu.memory_space<hbm>> -> memref<128x80xf32, #tpu.memory_space<hbm>>
      tpu.enqueue_dma source(%arg11 : memref<128x80xf32, #tpu.memory_space<vmem>>) target(%dma_start3A_31 : memref<128x80xf32, #tpu.memory_space<hbm>>) target_semaphore(%run_scoped3A : memref<!tpu.dma_semaphore, #tpu.memory_space<semaphore_mem>>)
      %dma_wait3A = arith.constant 0 : i32
      %dma_wait3A_32 = arith.constant 0 : i32
      %dma_wait3A_33 = tpu.memref_slice %arg7[%add3A, %dma_wait3A, %dma_wait3A_32] : memref<32x128x80xf32, #tpu.memory_space<hbm>> -> memref<1x128x80xf32, #tpu.memory_space<hbm>>
      %dma_wait3A_34 = tpu.memref_squeeze %dma_wait3A_33 : memref<1x128x80xf32, #tpu.memory_space<hbm>> -> memref<128x80xf32, #tpu.memory_space<hbm>>
      %dma_wait3A_35 = arith.constant 0 : i32
      %dma_wait3A_36 = arith.constant 0 : i32
      %dma_wait3A_37 = tpu.memref_slice %arg7[%add3A, %dma_wait3A_35, %dma_wait3A_36] : memref<32x128x80xf32, #tpu.memory_space<hbm>> -> memref<1x128x80xf32, #tpu.memory_space<hbm>>
      %dma_wait3A_38 = tpu.memref_squeeze %dma_wait3A_37 : memref<1x128x80xf32, #tpu.memory_space<hbm>> -> memref<128x80xf32, #tpu.memory_space<hbm>>
      tpu.wait_dma2 semaphore(%run_scoped3A : memref<!tpu.dma_semaphore, #tpu.memory_space<semaphore_mem>>) src(%arg11 : memref<128x80xf32, #tpu.memory_space<vmem>>) dst(%dma_wait3A_38 : memref<128x80xf32, #tpu.memory_space<hbm>>)
      tpu.yield
    }) : () -> ()
    %barrier3A_19 = arith.constant 0 : index
    tpu.barrier barrier_id(%barrier3A_19)
    %eq3A_20 = arith.constant 0 : i32
    %eq3A_21 = arith.cmpi eq, %arg1, %eq3A_20 : i32
    %convert_element_type3A_22 = arith.extui %eq3A_21 : i1 to i32
    %cond3A_23 = arith.constant 0 : i32
    %cond3A_24 = arith.cmpi ne, %convert_element_type3A_22, %cond3A_23 : i32
    scf.if %cond3A_24 {
      "tpu.region"() ({
        %run_scoped3A = tpu.sem_alloc : memref<!tpu.dma_semaphore, #tpu.memory_space<semaphore_mem>>
        %dma_start3A = arith.constant 0 : i32
        %dma_start3A_25 = tpu.memref_slice %arg8[%arg0, %dma_start3A] : memref<2x10000xf32, #tpu.memory_space<hbm>> -> memref<1x10000xf32, #tpu.memory_space<hbm>>
        %dma_start3A_26 = tpu.memref_squeeze %dma_start3A_25 : memref<1x10000xf32, #tpu.memory_space<hbm>> -> memref<10000xf32, #tpu.memory_space<hbm>>
        tpu.enqueue_dma source(%arg16 : memref<10000xf32, #tpu.memory_space<vmem_shared>>) target(%dma_start3A_26 : memref<10000xf32, #tpu.memory_space<hbm>>) target_semaphore(%run_scoped3A : memref<!tpu.dma_semaphore, #tpu.memory_space<semaphore_mem>>)
        %dma_wait3A = arith.constant 0 : i32
        %dma_wait3A_27 = tpu.memref_slice %arg8[%arg0, %dma_wait3A] : memref<2x10000xf32, #tpu.memory_space<hbm>> -> memref<1x10000xf32, #tpu.memory_space<hbm>>
        %dma_wait3A_28 = tpu.memref_squeeze %dma_wait3A_27 : memref<1x10000xf32, #tpu.memory_space<hbm>> -> memref<10000xf32, #tpu.memory_space<hbm>>
        tpu.wait_dma2 semaphore(%run_scoped3A : memref<!tpu.dma_semaphore, #tpu.memory_space<semaphore_mem>>) src(%arg16 : memref<10000xf32, #tpu.memory_space<vmem_shared>>) dst(%dma_wait3A_28 : memref<10000xf32, #tpu.memory_space<hbm>>)
        tpu.yield
      }) : () -> ()
    } else {
    }
    return
  }
}

module attributes {stable_mosaic.version = 14 : i64} {
  func.func @_k1_body(%arg0: memref<10000x128xf32, #tpu.memory_space<vmem>>, %arg1: memref<128x128xf32, #tpu.memory_space<vmem>>, %arg2: memref<256x1xf32, #tpu.memory_space<vmem>>, %arg3: memref<10000x128xf32, #tpu.memory_space<vmem>>, %arg4: memref<10000x1xf32, #tpu.memory_space<vmem>>, %arg5: memref<10000x1xf32, #tpu.memory_space<vmem>>, %arg6: memref<1x128xf32, #tpu.memory_space<vmem>>) attributes {dimension_semantics = [], scalar_prefetch = 0 : i64, scratch_operands = 0 : i64, tpu.core_type = #tpu.core_type<tc>} {
    %get3A = arith.constant 0 : index
    %get3A_0 = arith.constant 0 : index
    %get3A_1 = vector.load %arg0[%get3A, %get3A_0] : memref<10000x128xf32, #tpu.memory_space<vmem>>, vector<10000x128xf32>
    %get3A_2 = arith.constant 0 : index
    %get3A_3 = arith.constant 0 : index
    %get3A_4 = vector.load %arg1[%get3A_2, %get3A_3] : memref<128x128xf32, #tpu.memory_space<vmem>>, vector<128x128xf32>
    %dot_general3A = arith.constant dense<0.000000e+00> : vector<10000x128xf32>
    %dot_general3A_5 = tpu.matmul %get3A_1, %get3A_4, %dot_general3A {dimension_numbers = #tpu.dot_dimension_numbers<[1], [0], [0], [1], [0, 0, 1, 1], [], []>, transpose_lhs_hint = false} : vector<10000x128xf32>, vector<128x128xf32>, vector<10000x128xf32> -> vector<10000x128xf32>
    %swap3A = arith.constant 0 : index
    %swap3A_6 = arith.constant 0 : index
    %swap3A_7 = vector.load %arg3[%swap3A, %swap3A_6] : memref<10000x128xf32, #tpu.memory_space<vmem>>, vector<10000x128xf32>
    tpu.vector_store %arg3[%swap3A, %swap3A_6], %dot_general3A_5 {strides = array<i32>} : memref<10000x128xf32, #tpu.memory_space<vmem>>, vector<10000x128xf32>,
    %get3A_8 = arith.constant 0 : index
    %get3A_9 = arith.constant 0 : index
    %get3A_10 = vector.load %arg2[%get3A_8, %get3A_9] : memref<256x1xf32, #tpu.memory_space<vmem>>, vector<128x1xf32>
    %get3A_11 = arith.constant 128 : index
    %get3A_12 = arith.constant 0 : index
    %get3A_13 = vector.load %arg2[%get3A_11, %get3A_12] : memref<256x1xf32, #tpu.memory_space<vmem>>, vector<128x1xf32>
    %dot_general3A_14 = arith.constant dense<0.000000e+00> : vector<10000x1xf32>
    %dot_general3A_15 = tpu.matmul %dot_general3A_5, %get3A_10, %dot_general3A_14 {dimension_numbers = #tpu.dot_dimension_numbers<[1], [0], [0], [1], [0, 0, 1, 1], [], []>, transpose_lhs_hint = false} : vector<10000x128xf32>, vector<128x1xf32>, vector<10000x1xf32> -> vector<10000x1xf32>
    %dot_general3A_16 = arith.constant dense<0.000000e+00> : vector<10000x1xf32>
    %dot_general3A_17 = tpu.matmul %dot_general3A_5, %get3A_13, %dot_general3A_16 {dimension_numbers = #tpu.dot_dimension_numbers<[1], [0], [0], [1], [0, 0, 1, 1], [], []>, transpose_lhs_hint = false} : vector<10000x128xf32>, vector<128x1xf32>, vector<10000x1xf32> -> vector<10000x1xf32>
    %swap3A_18 = arith.constant 0 : index
    %swap3A_19 = arith.constant 0 : index
    %swap3A_20 = vector.load %arg4[%swap3A_18, %swap3A_19] : memref<10000x1xf32, #tpu.memory_space<vmem>>, vector<10000x1xf32>
    tpu.vector_store %arg4[%swap3A_18, %swap3A_19], %dot_general3A_15 {strides = array<i32>} : memref<10000x1xf32, #tpu.memory_space<vmem>>, vector<10000x1xf32>,
    %swap3A_21 = arith.constant 0 : index
    %swap3A_22 = arith.constant 0 : index
    %swap3A_23 = vector.load %arg5[%swap3A_21, %swap3A_22] : memref<10000x1xf32, #tpu.memory_space<vmem>>, vector<10000x1xf32>
    tpu.vector_store %arg5[%swap3A_21, %swap3A_22], %dot_general3A_17 {strides = array<i32>} : memref<10000x1xf32, #tpu.memory_space<vmem>>, vector<10000x1xf32>,
    %reduce_min3A = vector.shape_cast %dot_general3A_15 : vector<10000x1xf32> to vector<1x10000x1xf32>
    %reduce_min3A_24 = arith.constant dense<0x7F800000> : vector<1xf32>
    %reduce_min3A_25 = vector.multi_reduction <minimumf>, %reduce_min3A, %reduce_min3A_24 [1, 2] : vector<1x10000x1xf32> to vector<1xf32>
    %reduce_min3A_26 = vector.shape_cast %reduce_min3A_25 : vector<1xf32> to vector<1x1x1xf32>
    %reduce_min3A_27 = vector.extract %reduce_min3A_26[0, 0, 0] : f32 from vector<1x1x1xf32>
    %reduce_min3A_28 = vector.shape_cast %dot_general3A_17 : vector<10000x1xf32> to vector<1x10000x1xf32>
    %reduce_min3A_29 = arith.constant dense<0x7F800000> : vector<1xf32>
    %reduce_min3A_30 = vector.multi_reduction <minimumf>, %reduce_min3A_28, %reduce_min3A_29 [1, 2] : vector<1x10000x1xf32> to vector<1xf32>
    %reduce_min3A_31 = vector.shape_cast %reduce_min3A_30 : vector<1xf32> to vector<1x1x1xf32>
    %reduce_min3A_32 = vector.extract %reduce_min3A_31[0, 0, 0] : f32 from vector<1x1x1xf32>
    %add3A = arith.addf %reduce_min3A_27, %reduce_min3A_32 : f32
    %mul3A = arith.constant 2.000000e-01 : f32
    %mul3A_33 = arith.mulf %mul3A, %add3A : f32
    %max3A = arith.maximumf %add3A, %mul3A_33 : f32
    %neg3A = arith.constant 0.000000e+00 : f32
    %neg3A_34 = arith.subf %neg3A, %max3A : f32
    %broadcast_in_dim3A = vector.broadcast %neg3A_34 : f32 to vector<1x128xf32>
    %swap3A_35 = arith.constant 0 : index
    %swap3A_36 = arith.constant 0 : index
    %swap3A_37 = vector.load %arg6[%swap3A_35, %swap3A_36] : memref<1x128xf32, #tpu.memory_space<vmem>>, vector<1x128xf32>
    tpu.vector_store %arg6[%swap3A_35, %swap3A_36], %broadcast_in_dim3A {strides = array<i32>} : memref<1x128xf32, #tpu.memory_space<vmem>>, vector<1x128xf32>,
    return
  }
}

module attributes {stable_mosaic.version = 14 : i64} {
  func.func @_k4_body(%arg0: i32, %arg1: memref<2x1000x128xf32, #tpu.memory_space<vmem>>, %arg2: memref<2x1000x1xf32, #tpu.memory_space<vmem>>, %arg3: memref<1000x128xf32, #tpu.memory_space<vmem>>) attributes {dimension_semantics = [#tpu.dimension_semantics<arbitrary>], iteration_bounds = array<i64: 10>, scalar_prefetch = 0 : i64, scratch_operands = 0 : i64, tpu.core_type = #tpu.core_type<tc>, window_params = [{transform_indices = @transform_0, window_bounds = array<i64: 2, 1000, 128>}, {transform_indices = @transform_1, window_bounds = array<i64: 2, 1000, 1>}, {transform_indices = @transform_2, window_bounds = array<i64: 1000, 128>}]} {
    %get3A = arith.constant 0 : index
    %get3A_0 = arith.constant 0 : index
    %get3A_1 = arith.constant 0 : index
    %get3A_2 = vector.load %arg1[%get3A, %get3A_0, %get3A_1] : memref<2x1000x128xf32, #tpu.memory_space<vmem>>, vector<1x1000x128xf32>
    %get3A_3 = vector.shape_cast %get3A_2 : vector<1x1000x128xf32> to vector<1000x128xf32>
    %get3A_4 = arith.constant 1 : index
    %get3A_5 = arith.constant 0 : index
    %get3A_6 = arith.constant 0 : index
    %get3A_7 = vector.load %arg1[%get3A_4, %get3A_5, %get3A_6] : memref<2x1000x128xf32, #tpu.memory_space<vmem>>, vector<1x1000x128xf32>
    %get3A_8 = vector.shape_cast %get3A_7 : vector<1x1000x128xf32> to vector<1000x128xf32>
    %add3A = arith.addf %get3A_3, %get3A_8 : vector<1000x128xf32>
    %get3A_9 = arith.constant 0 : index
    %get3A_10 = arith.constant 0 : index
    %get3A_11 = arith.constant 0 : index
    %get3A_12 = vector.load %arg2[%get3A_9, %get3A_10, %get3A_11] : memref<2x1000x1xf32, #tpu.memory_space<vmem>>, vector<1x1000x1xf32>
    %get3A_13 = vector.shape_cast %get3A_12 : vector<1x1000x1xf32> to vector<1000x1xf32>
    %get3A_14 = arith.constant 1 : index
    %get3A_15 = arith.constant 0 : index
    %get3A_16 = arith.constant 0 : index
    %get3A_17 = vector.load %arg2[%get3A_14, %get3A_15, %get3A_16] : memref<2x1000x1xf32, #tpu.memory_space<vmem>>, vector<1x1000x1xf32>
    %get3A_18 = vector.shape_cast %get3A_17 : vector<1x1000x1xf32> to vector<1000x1xf32>
    %add3A_19 = arith.addf %get3A_13, %get3A_18 : vector<1000x1xf32>
    %gt3A = arith.constant 0.000000e+00 : f32
    %gt3A_20 = vector.broadcast %gt3A : f32 to vector<1000x1xf32>
    %gt3A_21 = arith.cmpf ogt, %add3A_19, %gt3A_20 : vector<1000x1xf32>
    %div3A = arith.constant 1.000000e+00 : f32
    %div3A_22 = vector.broadcast %div3A : f32 to vector<1000x1xf32>
    %div3A_23 = arith.divf %div3A_22, %add3A_19 : vector<1000x1xf32>
    %jit3A = arith.constant 0.000000e+00 : f32
    %broadcast_in_dim3A = vector.broadcast %jit3A : f32 to vector<1000x1xf32>
    %select_n3A = arith.select %gt3A_21, %div3A_23, %broadcast_in_dim3A : vector<1000x1xi1>, vector<1000x1xf32>
    %mul3A = vector.broadcast %select_n3A : vector<1000x1xf32> to vector<1000x128xf32>
    %mul3A_24 = arith.mulf %add3A, %mul3A : vector<1000x128xf32>
    %gt3A_25 = arith.constant 0.000000e+00 : f32
    %gt3A_26 = vector.broadcast %gt3A_25 : f32 to vector<1000x128xf32>
    %gt3A_27 = arith.cmpf ogt, %mul3A_24, %gt3A_26 : vector<1000x128xf32>
    %exp3A = math.exp %mul3A_24 : vector<1000x128xf32>
    %sub3A = arith.constant 1.000000e+00 : f32
    %sub3A_28 = vector.broadcast %sub3A : f32 to vector<1000x128xf32>
    %sub3A_29 = arith.subf %exp3A, %sub3A_28 : vector<1000x128xf32>
    %select_n3A_30 = arith.select %gt3A_27, %mul3A_24, %sub3A_29 : vector<1000x128xi1>, vector<1000x128xf32>
    %swap3A = arith.constant 0 : index
    %swap3A_31 = arith.constant 0 : index
    %swap3A_32 = vector.load %arg3[%swap3A, %swap3A_31] : memref<1000x128xf32, #tpu.memory_space<vmem>>, vector<1000x128xf32>
    tpu.vector_store %arg3[%swap3A, %swap3A_31], %select_n3A_30 {strides = array<i32>} : memref<1000x128xf32, #tpu.memory_space<vmem>>, vector<1000x128xf32>,
    return
  }
  func.func @transform_0(%arg0: i32) -> (i32, i32, i32) {
    %c0_i32 = arith.constant 0 : i32
    %c0_i32_0 = arith.constant 0 : i32
    %c0_i32_1 = arith.constant 0 : i32
    return %c0_i32, %arg0, %c0_i32_0 : i32, i32, i32
  }
  func.func @transform_1(%arg0: i32) -> (i32, i32, i32) {
    %c0_i32 = arith.constant 0 : i32
    %c0_i32_0 = arith.constant 0 : i32
    %c0_i32_1 = arith.constant 0 : i32
    return %c0_i32, %arg0, %c0_i32_0 : i32, i32, i32
  }
  func.func @transform_2(%arg0: i32) -> (i32, i32) {
    %c0_i32 = arith.constant 0 : i32
    %c0_i32_0 = arith.constant 0 : i32
    return %arg0, %c0_i32 : i32, i32
  }
}

</mosaic_0001>

<sc_bundles>
// kernel: kernel.6.cloned.1.call-start
scs
__scs_entry_jumppad:
0x0: {  	(pc) =	sbr.rel $0x88, $3  }
0x1: {  	(tag) =	ssettag $0x0;
	lr =	simm.s32 $0x1  }
0x2: {  	[smem:$0x3F9D] =	sst lr;
	_ =	strace $0xD0000000  }
0x3: {  	_ = 	snop  }
0x4: {  	_ = 	snop  }
0x5: {  	_ = 	snop  }
0x6: {  	_ = 	snop  }
0x7: {  	_ = 	snop  }
__scs_overlays_trampoline_lowered:
0x8: {  	[smem:$0x3FAC] =	sst s0  }
0x9: {  	[smem:$0x3FAD] =	sst s1  }
0xa: {  	[smem:$0x3FAE] =	sst s2  }
0xb: {  	[smem:$0x3FAF] =	sst s3  }
0xc: {  	[smem:$0x3FB0] =	sst s4  }
0xd: {  	[smem:$0x3FB1] =	sst s5  }
0xe: {  	[smem:$0x3FB2] =	sst s6  }
0xf: {  	[smem:$0x3FB3] =	sst s7  }
0x10: {  	[smem:$0x3FB4] =	sst s8  }
0x11: {  	[smem:$0x3FB5] =	sst s9;
	s0 =	simm.s32 @!p0 $0x0  }
0x12: {  	s1 =	sld [smem:$0x3F9B];
	s0 =	simm.s32 @p0 $0x1  }
0x13: {  	[smem:$0x3FB6] =	sst s0;
	s0 =	simm.s32 @!p1 $0x0  }
0x14: {  	s2 =	sld [smem:$0x3F9A];
	s0 =	simm.s32 @p1 $0x1  }
0x15: {  	[smem:$0x3FB7] =	sst s0;
	s0 =	simm.s32 @!p2 $0x0  }
0x16: {  	s3 =	sld [smem:$0x3FDB];
	s0 =	simm.s32 @p2 $0x1  }
0x17: {  	s4 =	simm.s32 $0x1BF5;
	[smem:$0x3FB9] =	sst s0  }
0x18: {  	s0 =	sld [smem:$0x3F9C];
	_ =	swait.ge [sflag:s4], $0x0  }
0x19: {  	s7 =	sld [smem:$0x3F9D]  }
0x1a: {  	s8 =	sadd.s32 $0xFFFFE003, lr  }
0x1b: {  	s9 =	sadd.s32 $0xFFFFFEF7, lr;
	s5 =	simm.s32 $0xFFFFFFFF;
	p2 =	slt.u32 s8, $0xFFFFF086  }
0x1c: {  	p1 =	slt.u32 s9, $0xF7A;
	s5 =	simm.s32 @!p2 $0x0  }
0x1d: {  	s5 =	simm.s32 @p1 $0x1;
	p0 =	seq.s32 s7, s2  }
0x1e: {  	s7 =	smul.u32 @!p0 $0xF7A, s2;
	p2 =	seq.s32 @!p0 s5, $0x0  }
0x1f: {  	s9 =	smul.u32 $0xF7A, s1;
	s8 =	simm.s32 @!p0 $0x1BF5;
	p2 =	por !p2, p0  }
0x20: {  	[sflag:s8] =	ssyncset.s32 @!p0 $0xFFFFF086;
	s6 =	sadd.s32 @!p0 s3, s7;
	s7 =	simm.s32 @!p0 $0x108  }
0x21: {  	s3 =	sadd.s32 s3, s9;
	s6 =	sadd.s32 @!p0 $0x88, s6;
	s7 =	simm.s32 @p2 $0x1082  }
0x22: {  	[simem:s7], [sflag:s8] =	dma.local @!p0 [hbm:s6], $0xF7A  }
0x23: {  	s9 =	sor.u32 $0xD0000000, s2;
	s6 =	simm.s32 $0x108;
	_ =	swait.ge @!p0 [sflag:s8], $0x0  }
0x24: {  	s3 =	sadd.s32 $0x88, s3;
	s6 =	simm.s32 @!p1 $0x1082;
	[sflag:s4] =	ssyncset.s32 $0xFFFFF086  }
0x25: {  	[simem:s6], [sflag:s4] =	dma.local [hbm:s3], $0xF7A  }
0x26: {  	[smem:$0x3F9D] =	sst s1;
	(tag) =	ssettag s2;
	_ =	strace s9  }
0x27: {  	s1 =	sld [smem:$0x3FAD]  }
0x28: {  	s2 =	sld [smem:$0x3FAE]  }
0x29: {  	s4 =	sld [smem:$0x3FB0]  }
0x2a: {  	p0 =	seq.s32 s5, $0x0;
	s5 =	sld [smem:$0x3FB1]  }
0x2b: {  	s6 =	sld [smem:$0x3FB2]  }
0x2c: {  	s7 =	sld [smem:$0x3FB3]  }
0x2d: {  	s3 =	simm.s32 $0x108;
	s8 =	sld [smem:$0x3FB4]  }
0x2e: {  	s3 =	simm.s32 @!p0 $0x1082;
	s9 =	sld [smem:$0x3FB5]  }
0x2f: {  	lr =	sadd.s32 s0, s3;
	s0 =	sld [smem:$0x3FAC]  }
0x30: {  	s3 =	sld [smem:$0x3FAF]  }
0x31: {  	[smem:$0x3FB8] =	sst s10  }
0x32: {  	s10 =	sld [smem:$0x3FB6];
	_ =	sdelay $0x3  }
0x33: {  	p0 =	seq.s32 s10, $0x1;
	s10 =	sld [smem:$0x3FB8];
	_ =	sdelay $0x3  }
0x34: {  	[smem:$0x3FB8] =	sst s10  }
0x35: {  	s10 =	sld [smem:$0x3FB7];
	_ =	sdelay $0x3  }
0x36: {  	p1 =	seq.s32 s10, $0x1;
	s10 =	sld [smem:$0x3FB8];
	_ =	sdelay $0x3  }
0x37: {  	[smem:$0x3FB8] =	sst s10  }
0x38: {  	s10 =	sld [smem:$0x3FB9]  }
0x39: {  	_ = 	snop;
	(pc) =	sbr.ind lr, $3  }
0x3a: {  	_ = 	snop  }
0x3b: {  	_ = 	snop  }
0x3c: {  	p2 =	seq.s32 s10, $0x1;
	s10 =	sld [smem:$0x3FB8]  }
0x3d: {  	_ =	shalt  }
0x3e: {  	_ =	shalt  }
0x3f: {  	_ =	shalt  }
0x40: {  	_ =	shalt  }
0x41: {  	_ =	shalt  }
0x42: {  	_ =	shalt  }
0x43: {  	_ =	shalt  }
0x44: {  	_ =	shalt  }
0x45: {  	_ =	shalt  }
0x46: {  	_ =	shalt  }
0x47: {  	_ =	shalt  }
0x48: {  	_ =	shalt  }
0x49: {  	_ =	shalt  }
0x4a: {  	_ =	shalt  }
0x4b: {  	_ =	shalt  }
0x4c: {  	_ =	shalt  }
0x4d: {  	_ =	shalt  }
0x4e: {  	_ =	shalt  }
0x4f: {  	_ =	shalt  }
0x50: {  	_ =	shalt  }
0x51: {  	_ =	shalt  }
0x52: {  	_ =	shalt  }
0x53: {  	_ =	shalt  }
0x54: {  	_ =	shalt  }
0x55: {  	_ =	shalt  }
0x56: {  	_ =	shalt  }
0x57: {  	_ =	shalt  }
0x58: {  	_ =	shalt  }
0x59: {  	_ =	shalt  }
0x5a: {  	_ =	shalt  }
0x5b: {  	_ =	shalt  }
0x5c: {  	_ =	shalt  }
0x5d: {  	_ =	shalt  }
0x5e: {  	_ =	shalt  }
0x5f: {  	_ =	shalt  }
0x60: {  	_ =	shalt  }
0x61: {  	_ =	shalt  }
0x62: {  	_ =	shalt  }
0x63: {  	_ =	shalt  }
0x64: {  	_ =	shalt  }
0x65: {  	_ =	shalt  }
0x66: {  	_ =	shalt  }
0x67: {  	_ =	shalt  }
0x68: {  	_ =	shalt  }
0x69: {  	_ =	shalt  }
0x6a: {  	_ =	shalt  }
0x6b: {  	_ =	shalt  }
0x6c: {  	_ =	shalt  }
0x6d: {  	_ =	shalt  }
0x6e: {  	_ =	shalt  }
0x6f: {  	_ =	shalt  }
0x70: {  	_ =	shalt  }
0x71: {  	_ =	shalt  }
0x72: {  	_ =	shalt  }
0x73: {  	_ =	shalt  }
0x74: {  	_ =	shalt  }
0x75: {  	_ =	shalt  }
0x76: {  	_ =	shalt  }
0x77: {  	_ =	shalt  }
0x78: {  	_ =	shalt  }
0x79: {  	_ =	shalt  }
0x7a: {  	_ =	shalt  }
0x7b: {  	_ =	shalt  }
0x7c: {  	_ =	shalt  }
0x7d: {  	_ =	shalt  }
0x7e: {  	_ =	shalt  }
0x7f: {  	_ =	shalt  }
0x80: {  	_ =	shalt  }
0x81: {  	_ =	shalt  }
0x82: {  	_ =	shalt  }
0x83: {  	_ =	shalt  }
0x84: {  	_ =	shalt  }
0x85: {  	_ =	shalt  }
0x86: {  	_ =	shalt  }
0x87: {  	_ =	shalt  }
.Lfunc_end0:
.L_simem_size_0:
called_computation_lowered:
.L_overlay_start_0:
0x88: {  	s2 =	sld [smem:$0x3FD9]  }
0x89: {  	s3 =	sld [smem:$0x3FFE];
	_ =	sdelay $0x1  }
0x8a: {  	s1 =	srdreg.scid  }
0x8b: {  	s0 =	sand.u32 $0x1, s1  }
0x8c: {  	s16 =	sshll.u32 s0, $0xA;
	s2 =	sadd.s32 s3, s2  }
0x8d: {  	s2 =	sadd.s32 s2, s16  }
0x8e: {  	[smem:$0x3FC4] =	sst s2  }
0x8f: {  	_ = 	snop  }
0x90: {  	(tm) =	ssettm $0x1  }
0x91: {  	s17 =	sld [smem:$0x3FFB];
	_ =	sdelay $0x3  }
0x92: {  	_ =	strace s17  }
0x93: {  	s2 =	sld [smem:$0x3FFC];
	_ =	sdelay $0x3  }
0x94: {  	_ =	strace s2  }
0x95: {  	s2 =	sld [smem:$0x3FFD];
	_ =	sdelay $0x3  }
0x96: {  	_ =	strace s2  }
0x97: {  	_ =	strace $0x8FFFFFFF  }
0x98: {  	s18 =	sld [smem:$0x3FDB];
	_ =	sdelay $0x1  }
0x99: {  	s19 =	simm.s32 $_scs_section_size  }
0x9a: {  	s4 =	simm.s32 $_size__tile_overlayer_lowered;
	s5 =	simm.s32 $_tile_overlayer_lowered  }
0x9b: {  	s22 =	simm.s32 $0x1BFF;
	s21 =	sshll.u32 s5, $0x1;
	s2 =	sadd.s32 s19, s18  }
0x9c: {  	s6 =	simm.s32 $0x0;
	s20 =	sshll.u32 s4, $0x1;
	s4 =	sadd.s32 s21, s2  }
0x9d: {  	[timem:s6], [sflag:s22] =	dma.local [hbm:s4], s20  }
0x9e: {  	_ =	swait.ge [sflag:s22], s20  }
0x9f: {  	s3 =	ssub.s32 $0x0, s20;
	[sflag:s22] =	ssyncset.done $0x0  }
0xa0: {  	[sflag:s22] =	ssyncadd.s32 s3;
	_ =	sdelay $0x1  }
0xa1: {  	s23 =	simm.s32 $0x1B8B  }
0xa2: {  	_ =	swait.ge [sflag:s23], $0x1  }
0xa3: {  	[sflag:s23] =	ssyncset.done $0x0  }
0xa4: {  	s25 =	simm.s32 $0x1B8E;
	s24 =	sld [smem:$0x3FFE];
	[sflag:s23] =	ssyncadd.s32 $0xFFFFFFFF  }
0xa5: {  	s26 =	simm.s32 $execute0_lowered;
	[smem:$0x3FD2] =	sst s25  }
0xa6: {  	s4 =	sshll.u32 s26, $0x1;
	_ =	strace $0x80000046;
	[dreg:$0x1] =	wrdreg $0xFFFFFFFF  }
0xa7: {  	s28 =	simm.s32 $_size_execute0_lowered;
	s2 =	sadd.s32 s2, s4;
	[dreg:$0x0] =	wrdreg $0x0  }
0xa8: {  	s4 =	sshll.u32 s28, $0x1;
	[dreg:$0x2] =	wrdreg s2  }
0xa9: {  	[dreg:$0x3] =	wrdreg s4  }
0xaa: {  	[dreg:$0x4] =	wrdreg $0xC0  }
0xab: {  	_ =	task [dreg:s6], $0x5FFFF  }
0xac: {  	[dreg:$0x1] =	wrdreg $0xFFFFFFFF  }
0xad: {  	[dreg:$0x0] =	wrdreg $0x60  }
0xae: {  	[dreg:$0x2] =	wrdreg s24  }
0xaf: {  	[dreg:$0x3] =	wrdreg $0x112000  }
0xb0: {  	[dreg:$0x4] =	wrdreg $0x9  }
0xb1: {  	_ =	task.clear_ibuf [dreg:s6], $0x5FFFF;
	_ =	strace $0x90000046  }
0xb2: {  	s29 =	simm.s32 $0x9;
	_ =	strace $0x80000048  }
0xb3: {  	_ =	swait.ge [sflag:s29], $0x1  }
0xb4: {  	[sflag:s29] =	ssyncadd.s32 $0xFFFFFFFF  }
0xb5: {  	_ =	strace $0x90000048  }
0xb6: {  	_ =	sfence  }
0xb7: {  	s30 =	sld [smem:$0x0];
	_ =	sdelay $0x2  }
0xb8: {  	s31 =	sshll.u32 s1, $0xD;
	s1 =	sshrl.u32 s1, $0x2  }
0xb9: {  	s3 =	sand.u32 $0x4000, s31;
	s1 =	sadd.s32 s1, s30  }
0xba: {  	s0 =	sor.u32 s3, s0;
	s1 =	sshll.u32 s1, $0x11  }
0xbb: {  	s0 =	sor.u32 s1, s0  }
0xbc: {  	s0 =	sadd.s32 $0x8F2B, s0  }
0xbd: {  	[sflag:s0] =	ssyncadd.remote.s32 $0x1  }
0xbe: {  	_ =	sfence.sel $0xFFFF  }
0xbf: {  	[dreg:$0x0] =	wrdreg $0xFFFFFFFF;
	(pc) =	sbr.abs _section_cstart, $3  }
0xc0: {  	[dreg:$0x1] =	wrdreg $0xFFFFFFFF  }
0xc1: {  	_ =	task.clear_ibuf [dreg:s6], $0x2FFFF;
	_ =	strace $0x9FFFFFFF  }
0xc2: {  	(tm) =	ssettm $0x7FFFFFFF  }
0xc3: {  	_ =	shalt  }
tec
execute0_lowered:
.L_overlay_start_1:
0x0: {  	(tag) =	ssettag $0x1  }
0x1: {  	s6 =	rddreg [dreg:$0x0]  }
0x2: {  	s1 =	rddreg [dreg:$0x1]  }
0x3: {  	s0 =	rddreg [dreg:$0x2];
	s2 =	simm.s32 $0x0;
	s3 =	srdreg.scid  }
0x4: {  	s14 =	stileid.u32;
	s18 =	simm.s32 $0x10F00;
	s19 =	simm.s32 $0x10F80  }
0x5: {  	s20 =	simm.s32 $0x50;
	s21 =	simm.s32 $0x8000;
	s23 =	simm.s32 $0x0  }
0x6: {  	[smem:$0x7FF] =	sst s2;
	s10 =	sand.u32 $0x1, s3;
	s5 =	sshll.u32 s14, $0xC  }
0x7: {  	s3 =	sadd.s32 $0x20E00, s6;
	s4 =	sadd.s32 $0x21400, s6;
	s12 =	smul.u32 $0x9C0, s14  }
0x8: {  	s16 =	smul.u32 $0x5000, s14;
	p0 =	sne.s32 s14, $0x0;
	s14 =	simm.s32 $0x1  }
0x9: {  	_ =	strace $0x80000047;
	s7 =	sshll.u32 s10, $0xB;
	s30 =	ssub.s32 $0x2, s10  }
0xa: {  	s8 =	sshll.u32 s10, $0x4;
	s17 =	smul.u32 $0x2800, s10;
	s22 =	sshrl.u32 @!p0 s1, $0x3  }
0xb: {  	s7 =	sor.u32 s7, s5;
	s5 =	sadd.s32 $0x21A00, s6;
	s9 =	sshrl.u32 s30, $0x1  }
0xc: {  	s13 =	sadd.s32 s8, s6;
	s31 =	sshrl.u32 s12, $0x2;
	s11 =	sadd.s32 s7, s6  }
0xd: {  	s15 =	ssub.s32 s30, s9;
	s8 =	sadd.s32 s31, s1;
	s9 =	sadd.s32 $0x2700, s1  }
0xe: {  	s6 =	sadd.s32 $0xE00, s11;
	s7 =	sadd.s32 $0x10E00, s11;
	s10 =	sadd.s32 $0x21C00, s11  }
0xf: {  	s11 =	sadd.s32 $0x31C00, s13;
	s12 =	smax.u32 s15, $0x1;
	s13 =	sadd.s32 s17, s16  }
0x10: {  	v0 =	vimm.f32 $0.0e+00;
	s15 =	simm.s32 $0x4000;
	s16 =	simm.s32 $0xC000;
	s17 =	simm.s32 $0xE780  }
.LBB2_1:
0x11: {  	[tilespmem:s2], [sflag:$0x1] =	stream.linear.gather [hbm4b:s6+s2], $0x4000, $0x38;
	[tilespmem:$0x11478] =	vst v63  }
0x12: {  	_ =	swait.ge [sflag:s14], $0x4000  }
0x13: {  	[sflag:s14] =	ssyncset.done $0x0  }
0x14: {  	[sflag:s14] =	ssyncadd.s32 $0xFFFFC000  }
0x15: {  	[tilespmem:s15], [sflag:$0x1] =	stream.linear.gather [hbm4b:s7+s2], $0x4000, $0x38;
	[tilespmem:$0x11478] =	vst v63  }
0x16: {  	_ =	swait.ge [sflag:s14], $0x4000  }
0x17: {  	[sflag:s14] =	ssyncset.done $0x0  }
0x18: {  	[sflag:s14] =	ssyncadd.s32 $0xFFFFC000  }
0x19: {  	[tilespmem:s16], [sflag:$0x1] =	stream.linear.gather [hbm4b:s3+s2], $0x2780, $0x38;
	[tilespmem:$0x11478] =	vst v63  }
0x1a: {  	_ =	swait.ge [sflag:s14], $0x2780  }
0x1b: {  	[sflag:s14] =	ssyncset.done $0x0  }
0x1c: {  	[sflag:s14] =	ssyncadd.s32 $0xFFFFD880  }
0x1d: {  	[tilespmem:s17], [sflag:$0x1] =	stream.linear.gather [hbm4b:s4+s2], $0x2780, $0x38;
	[tilespmem:$0x11478] =	vst v63  }
0x1e: {  	_ =	swait.ge [sflag:s14], $0x2780  }
0x1f: {  	[sflag:s14] =	ssyncset.done $0x0  }
0x20: {  	[sflag:s14] =	ssyncadd.s32 $0xFFFFD880  }
0x21: {  	[tilespmem:s18], [sflag:$0x1] =	stream.linear.gather [hbm4b:s5+s2], $0x80, $0x38;
	[tilespmem:$0x11478] =	vst v63  }
0x22: {  	_ =	swait.ge [sflag:s14], $0x80  }
0x23: {  	[sflag:s14] =	ssyncset.done $0x0  }
0x24: {  	[sflag:s14] =	ssyncadd.s32 $0xFFFFFF80  }
0x25: {  	[tilespmem:$0x10F80] =	vst v0  }
0x26: {  	[tilespmem:$0x10F90] =	vst v0  }
0x27: {  	[tilespmem:$0x10FA0] =	vst v0  }
0x28: {  	[tilespmem:$0x10FB0] =	vst v0  }
0x29: {  	[tilespmem:$0x10FC0] =	vst v0  }
0x2a: {  	[tilespmem:$0x10FD0] =	vst v0  }
0x2b: {  	[tilespmem:$0x10FE0] =	vst v0  }
0x2c: {  	[tilespmem:$0x10FF0] =	vst v0  }
0x2d: {  	[tilespmem:$0x11000] =	vst v0  }
0x2e: {  	[tilespmem:$0x11010] =	vst v0  }
0x2f: {  	[tilespmem:$0x11020] =	vst v0  }
0x30: {  	[tilespmem:$0x11030] =	vst v0  }
0x31: {  	[tilespmem:$0x11040] =	vst v0  }
0x32: {  	[tilespmem:$0x11050] =	vst v0  }
0x33: {  	[tilespmem:$0x11060] =	vst v0  }
0x34: {  	[tilespmem:$0x11070] =	vst v0  }
0x35: {  	[tilespmem:$0x11080] =	vst v0  }
0x36: {  	[tilespmem:$0x11090] =	vst v0  }
0x37: {  	[tilespmem:$0x110A0] =	vst v0  }
0x38: {  	[tilespmem:$0x110B0] =	vst v0  }
0x39: {  	[tilespmem:$0x110C0] =	vst v0  }
0x3a: {  	[tilespmem:$0x110D0] =	vst v0  }
0x3b: {  	[tilespmem:$0x110E0] =	vst v0  }
0x3c: {  	[tilespmem:$0x110F0] =	vst v0  }
0x3d: {  	[tilespmem:$0x11100] =	vst v0  }
0x3e: {  	[tilespmem:$0x11110] =	vst v0  }
0x3f: {  	[tilespmem:$0x11120] =	vst v0  }
0x40: {  	[tilespmem:$0x11130] =	vst v0  }
0x41: {  	[tilespmem:$0x11140] =	vst v0  }
0x42: {  	[tilespmem:$0x11150] =	vst v0  }
0x43: {  	[tilespmem:$0x11160] =	vst v0  }
0x44: {  	[tilespmem:$0x11170] =	vst v0  }
0x45: {  	[tilespmem:$0x11180] =	vst v0  }
0x46: {  	[tilespmem:$0x11190] =	vst v0  }
0x47: {  	[tilespmem:$0x111A0] =	vst v0  }
0x48: {  	[tilespmem:$0x111B0] =	vst v0  }
0x49: {  	[tilespmem:$0x111C0] =	vst v0  }
0x4a: {  	[tilespmem:$0x111D0] =	vst v0  }
0x4b: {  	[tilespmem:$0x111E0] =	vst v0  }
0x4c: {  	[spmem:s8] =	stream.linear.scatter [tilespmem:s19], [sflag:$0x1], $0x270, $0x38;
	[tilespmem:$0x11478] =	vst v63  }
0x4d: {  	_ =	swait.ge [sflag:s14], $0x270  }
0x4e: {  	[sflag:s14] =	ssyncset.done $0x0  }
0x4f: {  	s24 =	simm.s32 @!p0 $0x10F80;
	[sflag:s14] =	ssyncadd.s32 $0xFFFFFD90  }
0x50: {  	[spmem:s9] =	stream.linear.scatter @!p0 [tilespmem:s24], [sflag:$0x1], $0x10, $0x38;
	[tilespmem:$0x11478] =	vst v63  }
0x51: {  	s24 =	simm.s32 @!p0 $0x1  }
0x52: {  	_ =	swait.ge @!p0 [sflag:s24], $0x10  }
0x53: {  	[sflag:s24] =	ssyncset.done @!p0 $0x0  }
0x54: {  	[sflag:s24] =	ssyncadd.s32 @!p0 $0xFFFFFFF0  }
0x55: {  	s25 =	simm.s32 $0x0;
	[bflag:$0x0] =	sbarrier.arrive $0xFFFF  }
0x56: {  	s26 =	simm.s32 $0x8000;
	s28 =	simm.s32 $0x0;
	s24 =	simm.s32 $0x4020;
	v1 =	vld [tilespmem:$0x10F00]  }
.LBB2_2:
0x57: {  	v2 =	vld [tilespmem:s25+$0x0]  }
0x58: {  	v3 =	vld [tilespmem:s24+$0xFFFFFFE0];
	_ =	sdelay $0x6  }
0x59: {  	v2 =	vld.idx.msk [tilespmem:v2+s16+$0x0], $0xffff  }
0x5a: {  	v3 =	vld.idx.msk [tilespmem:v3+s17+$0x0], $0xffff;
	_ =	sdelay $0x4  }
0x5b: {  	v2 =	vadd.f32 v3, v2;
	_ =	sdelay $0x1  }
0x5c: {  	v3 =	vmul.f32 $2.000000030e-01, v2;
	_ =	sdelay $0x1  }
0x5d: {  	v2 =	vmax.f32 v2, v3  }
0x5e: {  	v2 =	vsub.f32 $0.0e+00, v2;
	_ =	sdelay $0x1  }
0x5f: {  	v2 =	vsub.f32 v2, v1;
	_ =	sdelay $0x1  }
0x60: {  	v2 =	vmul.f32 $1.442695020e+00, v2;
	_ =	sdelay $0x1  }
0x61: {  	(erf) = vpow2.f32 v2;
	_ =	sdelay $0x7  }
0x62: {  	s29 =	sadd.s32 s28, s13  }
0x63: {  	p1 =	slt.u32 s29, $0x4E200;
	v2 =	vpop (erf)  }
0x64: {  	v2 =	vpsel !p1, $0x0, v2  }
0x65: {  	[tilespmem:s26+$0x0] =	vst v2  }
0x66: {  	v2 =	vld [tilespmem:s25+$0x10]  }
0x67: {  	v3 =	vld [tilespmem:s24+$0xFFFFFFF0];
	_ =	sdelay $0x6  }
0x68: {  	v2 =	vld.idx.msk [tilespmem:v2+s16+$0x0], $0xffff  }
0x69: {  	v3 =	vld.idx.msk [tilespmem:v3+s17+$0x0], $0xffff;
	_ =	sdelay $0x4  }
0x6a: {  	v2 =	vadd.f32 v3, v2;
	_ =	sdelay $0x1  }
0x6b: {  	v3 =	vmul.f32 $2.000000030e-01, v2;
	_ =	sdelay $0x1  }
0x6c: {  	v2 =	vmax.f32 v2, v3  }
0x6d: {  	v2 =	vsub.f32 $0.0e+00, v2;
	_ =	sdelay $0x1  }
0x6e: {  	v2 =	vsub.f32 v2, v1;
	_ =	sdelay $0x1  }
0x6f: {  	v2 =	vmul.f32 $1.442695020e+00, v2;
	_ =	sdelay $0x1  }
0x70: {  	(erf) = vpow2.f32 v2;
	_ =	sdelay $0x7  }
0x71: {  	s30 =	sadd.s32 $0x10, s29  }
0x72: {  	p3 =	slt.u32 s30, $0x4E200;
	v2 =	vpop (erf)  }
0x73: {  	v2 =	vpsel !p3, $0x0, v2  }
0x74: {  	[tilespmem:s26+$0x10] =	vst v2  }
0x75: {  	v2 =	vld [tilespmem:s25+$0x20]  }
0x76: {  	v3 =	vld [tilespmem:s24+$0x0];
	_ =	sdelay $0x6  }
0x77: {  	v2 =	vld.idx.msk [tilespmem:v2+s16+$0x0], $0xffff  }
0x78: {  	v3 =	vld.idx.msk [tilespmem:v3+s17+$0x0], $0xffff;
	_ =	sdelay $0x4  }
0x79: {  	v2 =	vadd.f32 v3, v2;
	_ =	sdelay $0x1  }
0x7a: {  	v3 =	vmul.f32 $2.000000030e-01, v2;
	_ =	sdelay $0x1  }
0x7b: {  	v2 =	vmax.f32 v2, v3  }
0x7c: {  	v2 =	vsub.f32 $0.0e+00, v2;
	_ =	sdelay $0x1  }
0x7d: {  	v2 =	vsub.f32 v2, v1;
	_ =	sdelay $0x1  }
0x7e: {  	v2 =	vmul.f32 $1.442695020e+00, v2;
	_ =	sdelay $0x1  }
0x7f: {  	(erf) = vpow2.f32 v2;
	_ =	sdelay $0x7  }
0x80: {  	s31 =	sadd.s32 $0x20, s29  }
0x81: {  	p4 =	slt.u32 s31, $0x4E200;
	v2 =	vpop (erf)  }
0x82: {  	v2 =	vpsel !p4, $0x0, v2  }
0x83: {  	[tilespmem:s26+$0x20] =	vst v2  }
0x84: {  	v2 =	vld [tilespmem:s25+$0x30]  }
0x85: {  	v3 =	vld [tilespmem:s24+$0x10];
	_ =	sdelay $0x6  }
0x86: {  	v2 =	vld.idx.msk [tilespmem:v2+s16+$0x0], $0xffff  }
0x87: {  	v3 =	vld.idx.msk [tilespmem:v3+s17+$0x0], $0xffff;
	_ =	sdelay $0x4  }
0x88: {  	v2 =	vadd.f32 v3, v2;
	_ =	sdelay $0x1  }
0x89: {  	v3 =	vmul.f32 $2.000000030e-01, v2;
	_ =	sdelay $0x1  }
0x8a: {  	v2 =	vmax.f32 v2, v3  }
0x8b: {  	v2 =	vsub.f32 $0.0e+00, v2;
	_ =	sdelay $0x1  }
0x8c: {  	v2 =	vsub.f32 v2, v1;
	_ =	sdelay $0x1  }
0x8d: {  	v2 =	vmul.f32 $1.442695020e+00, v2;
	_ =	sdelay $0x1  }
0x8e: {  	(erf) = vpow2.f32 v2;
	_ =	sdelay $0x7  }
0x8f: {  	s31 =	sadd.s32 $0x30, s29  }
0x90: {  	p5 =	slt.u32 s31, $0x4E200;
	v2 =	vpop (erf)  }
0x91: {  	v2 =	vpsel !p5, $0x0, v2  }
0x92: {  	[tilespmem:s26+$0x30] =	vst v2  }
0x93: {  	v2 =	vld [tilespmem:s25+$0x40]  }
0x94: {  	v3 =	vld [tilespmem:s24+$0x20];
	_ =	sdelay $0x6  }
0x95: {  	v2 =	vld.idx.msk [tilespmem:v2+s16+$0x0], $0xffff  }
0x96: {  	v3 =	vld.idx.msk [tilespmem:v3+s17+$0x0], $0xffff;
	_ =	sdelay $0x4  }
0x97: {  	v2 =	vadd.f32 v3, v2;
	_ =	sdelay $0x1  }
0x98: {  	v3 =	vmul.f32 $2.000000030e-01, v2;
	_ =	sdelay $0x1  }
0x99: {  	v2 =	vmax.f32 v2, v3  }
0x9a: {  	v2 =	vsub.f32 $0.0e+00, v2;
	_ =	sdelay $0x1  }
0x9b: {  	v2 =	vsub.f32 v2, v1;
	_ =	sdelay $0x1  }
0x9c: {  	v2 =	vmul.f32 $1.442695020e+00, v2;
	_ =	sdelay $0x1  }
0x9d: {  	(erf) = vpow2.f32 v2;
	_ =	sdelay $0x7  }
0x9e: {  	s29 =	sadd.s32 $0x40, s29  }
0x9f: {  	p6 =	slt.u32 s29, $0x4E200;
	v2 =	vpop (erf)  }
0xa0: {  	p1 =	sne.s32 s28, $0x27B0;
	v2 =	vpsel !p6, $0x0, v2  }
.Ltmp0:
0xa1: {  	[tilespmem:s26+$0x40] =	vst v2;
	(pc) =	sbr.rel @p1 .LBB2_2-.Ltmp0, $4  }
0xa2: {  	[spmem:s1] =	stream.indirect.scatter.add.f32 [tilespmem:s26], [sflag:$0x1], $0x1, s25, s20, $0xb8;
	[tilespmem:$0x11478] =	vst v63  }
0xa3: {  	_ =	swait.ge [sflag:s14], $0x50  }
0xa4: {  	s28 =	sadd.s32 $0x50, s28;
	s24 =	sadd.s32 $0x80, s24;
	[sflag:s14] =	ssyncset.done $0x0  }
0xa5: {  	s26 =	sadd.s32 $0x80, s26;
	s25 =	sadd.s32 $0x80, s25;
	[sflag:s14] =	ssyncadd.s32 $0xFFFFFFB0  }
0xa6: {  	[hbm4b:s10+s2] =	stream.linear.scatter [tilespmem:s21], [sflag:$0x1], $0x4000, $0x38;
	[tilespmem:$0x11478] =	vst v63  }
0xa7: {  	s24 =	simm.s32 @!p0 $0x1;
	_ =	swait.ge [sflag:s14], $0x4000  }
0xa8: {  	s25 =	simm.s32 @!p0 $0x20;
	s23 =	sadd.s32 $0x1, s23;
	[sflag:s14] =	ssyncset.done $0x0  }
0xa9: {  	s26 =	simm.s32 @!p0 $0x10;
	p1 =	sne.s32 s23, s12;
	[sflag:s14] =	ssyncadd.s32 $0xFFFFC000  }
.Ltmp1:
0xaa: {  	s28 =	simm.s32 @!p0 $0x1C01;
	[bflag:$0x0] =	sbarrier.arrive $0xFFFF;
	(pc) =	sbr.rel @p1 .LBB2_1-.Ltmp1, $4  }
0xab: {  	[hbm:s11@s25], [sflag:s28] =	dma.strided @!p0 [spmem:s22@s26], $0x4F0, s24, $0x10   }
0xac: {  	_ =	swait.ge @!p0 [sflag:s24], $0x4F0  }
0xad: {  	[sflag:s24] =	ssyncset.done @!p0 $0x0  }
0xae: {  	[sflag:s24] =	ssyncadd.s32 @!p0 $0xFFFFFB10  }
0xaf: {  	_ =	sfence.sel $0x180000  }
0xb0: {  	[bflag:$0x0] =	sbarrier.arrive $0xFFFF  }
0xb1: {  	_ =	strace $0x90000047  }
0xb2: {  	s0 =	sadd.s32 @!p0 $0x100000, s0;
	[bflag:$0x2] =	sbarrier.arrive $0xFFFF  }
0xb3: {  	[sflag:s0] =	ssyncadd.tile.s32 @!p0 $0x1;
	_ =	shalt  }
.Lfunc_end2:
_tile_overlayer_lowered:
.L_overlay_start_2:
0xb4: {  	(tag) =	ssettag $0x2  }
0xb5: {  	s0 =	rddreg [dreg:$0x0];
	s2 =	stileid.u32  }
0xb6: {  	s1 =	rddreg [dreg:$0x1];
	p0 =	sne.s32 s2, $0x0  }
0xb7: {  	s3 =	rddreg [dreg:$0x2];
	[bflag:$0x3] =	sbarrier.arrive $0xFFFF;
	s2 =	simm.s32 @!p0 $0x1C01  }
0xb8: {  	[timem:s3], [sflag:s2] =	dma.local @!p0 [hbm:s0], s1  }
0xb9: {  	s0 =	simm.s32 @!p0 $0x1  }
0xba: {  	_ =	swait.ge @!p0 [sflag:s0], s1  }
0xbb: {  	s1 =	ssub.s32 @!p0 $0x0, s1;
	[sflag:s0] =	ssyncset.done @!p0 $0x0  }
0xbc: {  	[sflag:s0] =	ssyncadd.s32 @!p0 s1  }
0xbd: {  	[bflag:$0x3] =	sbarrier.arrive $0xFFFF  }
0xbe: {  	_ =	shalt  }

// kernel: kernel.9.cloned.1.call-start
scs
__scs_entry_jumppad:
0x0: {  	(pc) =	sbr.rel $0x88, $3  }
0x1: {  	(tag) =	ssettag $0x0;
	lr =	simm.s32 $0x1  }
0x2: {  	[smem:$0x3F9D] =	sst lr;
	_ =	strace $0xD0000000  }
0x3: {  	_ = 	snop  }
0x4: {  	_ = 	snop  }
0x5: {  	_ = 	snop  }
0x6: {  	_ = 	snop  }
0x7: {  	_ = 	snop  }
__scs_overlays_trampoline_lowered:
0x8: {  	[smem:$0x3FAC] =	sst s0  }
0x9: {  	[smem:$0x3FAD] =	sst s1  }
0xa: {  	[smem:$0x3FAE] =	sst s2  }
0xb: {  	[smem:$0x3FAF] =	sst s3  }
0xc: {  	[smem:$0x3FB0] =	sst s4  }
0xd: {  	[smem:$0x3FB1] =	sst s5  }
0xe: {  	[smem:$0x3FB2] =	sst s6  }
0xf: {  	[smem:$0x3FB3] =	sst s7  }
0x10: {  	[smem:$0x3FB4] =	sst s8  }
0x11: {  	[smem:$0x3FB5] =	sst s9;
	s0 =	simm.s32 @!p0 $0x0  }
0x12: {  	s1 =	sld [smem:$0x3F9B];
	s0 =	simm.s32 @p0 $0x1  }
0x13: {  	[smem:$0x3FB6] =	sst s0;
	s0 =	simm.s32 @!p1 $0x0  }
0x14: {  	s2 =	sld [smem:$0x3F9A];
	s0 =	simm.s32 @p1 $0x1  }
0x15: {  	[smem:$0x3FB7] =	sst s0;
	s0 =	simm.s32 @!p2 $0x0  }
0x16: {  	s3 =	sld [smem:$0x3FDB];
	s0 =	simm.s32 @p2 $0x1  }
0x17: {  	s4 =	simm.s32 $0x1BF5;
	[smem:$0x3FB9] =	sst s0  }
0x18: {  	s0 =	sld [smem:$0x3F9C];
	_ =	swait.ge [sflag:s4], $0x0  }
0x19: {  	s7 =	sld [smem:$0x3F9D]  }
0x1a: {  	s8 =	sadd.s32 $0xFFFFE003, lr  }
0x1b: {  	s9 =	sadd.s32 $0xFFFFFEF7, lr;
	s5 =	simm.s32 $0xFFFFFFFF;
	p2 =	slt.u32 s8, $0xFFFFF086  }
0x1c: {  	p1 =	slt.u32 s9, $0xF7A;
	s5 =	simm.s32 @!p2 $0x0  }
0x1d: {  	s5 =	simm.s32 @p1 $0x1;
	p0 =	seq.s32 s7, s2  }
0x1e: {  	s7 =	smul.u32 @!p0 $0xF7A, s2;
	p2 =	seq.s32 @!p0 s5, $0x0  }
0x1f: {  	s9 =	smul.u32 $0xF7A, s1;
	s8 =	simm.s32 @!p0 $0x1BF5;
	p2 =	por !p2, p0  }
0x20: {  	[sflag:s8] =	ssyncset.s32 @!p0 $0xFFFFF086;
	s6 =	sadd.s32 @!p0 s3, s7;
	s7 =	simm.s32 @!p0 $0x108  }
0x21: {  	s3 =	sadd.s32 s3, s9;
	s6 =	sadd.s32 @!p0 $0x88, s6;
	s7 =	simm.s32 @p2 $0x1082  }
0x22: {  	[simem:s7], [sflag:s8] =	dma.local @!p0 [hbm:s6], $0xF7A  }
0x23: {  	s9 =	sor.u32 $0xD0000000, s2;
	s6 =	simm.s32 $0x108;
	_ =	swait.ge @!p0 [sflag:s8], $0x0  }
0x24: {  	s3 =	sadd.s32 $0x88, s3;
	s6 =	simm.s32 @!p1 $0x1082;
	[sflag:s4] =	ssyncset.s32 $0xFFFFF086  }
0x25: {  	[simem:s6], [sflag:s4] =	dma.local [hbm:s3], $0xF7A  }
0x26: {  	[smem:$0x3F9D] =	sst s1;
	(tag) =	ssettag s2;
	_ =	strace s9  }
0x27: {  	s1 =	sld [smem:$0x3FAD]  }
0x28: {  	s2 =	sld [smem:$0x3FAE]  }
0x29: {  	s4 =	sld [smem:$0x3FB0]  }
0x2a: {  	p0 =	seq.s32 s5, $0x0;
	s5 =	sld [smem:$0x3FB1]  }
0x2b: {  	s6 =	sld [smem:$0x3FB2]  }
0x2c: {  	s7 =	sld [smem:$0x3FB3]  }
0x2d: {  	s3 =	simm.s32 $0x108;
	s8 =	sld [smem:$0x3FB4]  }
0x2e: {  	s3 =	simm.s32 @!p0 $0x1082;
	s9 =	sld [smem:$0x3FB5]  }
0x2f: {  	lr =	sadd.s32 s0, s3;
	s0 =	sld [smem:$0x3FAC]  }
0x30: {  	s3 =	sld [smem:$0x3FAF]  }
0x31: {  	[smem:$0x3FB8] =	sst s10  }
0x32: {  	s10 =	sld [smem:$0x3FB6];
	_ =	sdelay $0x3  }
0x33: {  	p0 =	seq.s32 s10, $0x1;
	s10 =	sld [smem:$0x3FB8];
	_ =	sdelay $0x3  }
0x34: {  	[smem:$0x3FB8] =	sst s10  }
0x35: {  	s10 =	sld [smem:$0x3FB7];
	_ =	sdelay $0x3  }
0x36: {  	p1 =	seq.s32 s10, $0x1;
	s10 =	sld [smem:$0x3FB8];
	_ =	sdelay $0x3  }
0x37: {  	[smem:$0x3FB8] =	sst s10  }
0x38: {  	s10 =	sld [smem:$0x3FB9]  }
0x39: {  	_ = 	snop;
	(pc) =	sbr.ind lr, $3  }
0x3a: {  	_ = 	snop  }
0x3b: {  	_ = 	snop  }
0x3c: {  	p2 =	seq.s32 s10, $0x1;
	s10 =	sld [smem:$0x3FB8]  }
0x3d: {  	_ =	shalt  }
0x3e: {  	_ =	shalt  }
0x3f: {  	_ =	shalt  }
0x40: {  	_ =	shalt  }
0x41: {  	_ =	shalt  }
0x42: {  	_ =	shalt  }
0x43: {  	_ =	shalt  }
0x44: {  	_ =	shalt  }
0x45: {  	_ =	shalt  }
0x46: {  	_ =	shalt  }
0x47: {  	_ =	shalt  }
0x48: {  	_ =	shalt  }
0x49: {  	_ =	shalt  }
0x4a: {  	_ =	shalt  }
0x4b: {  	_ =	shalt  }
0x4c: {  	_ =	shalt  }
0x4d: {  	_ =	shalt  }
0x4e: {  	_ =	shalt  }
0x4f: {  	_ =	shalt  }
0x50: {  	_ =	shalt  }
0x51: {  	_ =	shalt  }
0x52: {  	_ =	shalt  }
0x53: {  	_ =	shalt  }
0x54: {  	_ =	shalt  }
0x55: {  	_ =	shalt  }
0x56: {  	_ =	shalt  }
0x57: {  	_ =	shalt  }
0x58: {  	_ =	shalt  }
0x59: {  	_ =	shalt  }
0x5a: {  	_ =	shalt  }
0x5b: {  	_ =	shalt  }
0x5c: {  	_ =	shalt  }
0x5d: {  	_ =	shalt  }
0x5e: {  	_ =	shalt  }
0x5f: {  	_ =	shalt  }
0x60: {  	_ =	shalt  }
0x61: {  	_ =	shalt  }
0x62: {  	_ =	shalt  }
0x63: {  	_ =	shalt  }
0x64: {  	_ =	shalt  }
0x65: {  	_ =	shalt  }
0x66: {  	_ =	shalt  }
0x67: {  	_ =	shalt  }
0x68: {  	_ =	shalt  }
0x69: {  	_ =	shalt  }
0x6a: {  	_ =	shalt  }
0x6b: {  	_ =	shalt  }
0x6c: {  	_ =	shalt  }
0x6d: {  	_ =	shalt  }
0x6e: {  	_ =	shalt  }
0x6f: {  	_ =	shalt  }
0x70: {  	_ =	shalt  }
0x71: {  	_ =	shalt  }
0x72: {  	_ =	shalt  }
0x73: {  	_ =	shalt  }
0x74: {  	_ =	shalt  }
0x75: {  	_ =	shalt  }
0x76: {  	_ =	shalt  }
0x77: {  	_ =	shalt  }
0x78: {  	_ =	shalt  }
0x79: {  	_ =	shalt  }
0x7a: {  	_ =	shalt  }
0x7b: {  	_ =	shalt  }
0x7c: {  	_ =	shalt  }
0x7d: {  	_ =	shalt  }
0x7e: {  	_ =	shalt  }
0x7f: {  	_ =	shalt  }
0x80: {  	_ =	shalt  }
0x81: {  	_ =	shalt  }
0x82: {  	_ =	shalt  }
0x83: {  	_ =	shalt  }
0x84: {  	_ =	shalt  }
0x85: {  	_ =	shalt  }
0x86: {  	_ =	shalt  }
0x87: {  	_ =	shalt  }
.Lfunc_end0:
.L_simem_size_0:
called_computation.1_lowered:
.L_overlay_start_0:
0x88: {  	s2 =	sld [smem:$0x3FD9]  }
0x89: {  	s3 =	sld [smem:$0x3FFE];
	_ =	sdelay $0x1  }
0x8a: {  	s1 =	srdreg.scid  }
0x8b: {  	s0 =	sand.u32 $0x1, s1  }
0x8c: {  	s17 =	sshll.u32 s0, $0xA;
	s2 =	sadd.s32 s3, s2  }
0x8d: {  	s2 =	sadd.s32 s2, s17  }
0x8e: {  	[smem:$0x3FC4] =	sst s2  }
0x8f: {  	_ = 	snop  }
0x90: {  	s2 =	sld [smem:$0x3FD0];
	(tm) =	ssettm $0x1  }
0x91: {  	s18 =	sld [smem:$0x3FFB];
	_ =	sdelay $0x3  }
0x92: {  	_ =	strace s18  }
0x93: {  	s3 =	sld [smem:$0x3FFC];
	_ =	sdelay $0x3  }
0x94: {  	_ =	strace s3  }
0x95: {  	s3 =	sld [smem:$0x3FFD];
	_ =	sdelay $0x3  }
0x96: {  	_ =	strace s3  }
0x97: {  	_ =	strace $0x8FFFFFFF  }
0x98: {  	s19 =	sld [smem:$0x3FDB];
	_ =	sdelay $0x1  }
0x99: {  	s4 =	simm.s32 $_scs_section_size  }
0x9a: {  	s5 =	simm.s32 $_size__tile_overlayer_lowered;
	s6 =	simm.s32 $_tile_overlayer_lowered  }
0x9b: {  	s22 =	simm.s32 $0x1BFF;
	s21 =	sshll.u32 s6, $0x1;
	s3 =	sadd.s32 s4, s19  }
0x9c: {  	s7 =	simm.s32 $0x0;
	s20 =	sshll.u32 s5, $0x1;
	s5 =	sadd.s32 s21, s3  }
0x9d: {  	[timem:s7], [sflag:s22] =	dma.local [hbm:s5], s20  }
0x9e: {  	_ =	swait.ge [sflag:s22], s20  }
0x9f: {  	s4 =	ssub.s32 $0x0, s20;
	[sflag:s22] =	ssyncset.done $0x0  }
0xa0: {  	[sflag:s22] =	ssyncadd.s32 s4;
	_ =	sdelay $0x1  }
0xa1: {  	s23 =	simm.s32 $0x1B8B  }
0xa2: {  	_ =	swait.ge [sflag:s23], $0x1  }
0xa3: {  	[sflag:s23] =	ssyncset.done $0x0  }
0xa4: {  	s25 =	simm.s32 $0x1B8E;
	s24 =	sld [smem:$0x3FFE];
	[sflag:s23] =	ssyncadd.s32 $0xFFFFFFFF  }
0xa5: {  	s26 =	simm.s32 $execute0_lowered;
	[smem:$0x3FD2] =	sst s25  }
0xa6: {  	s5 =	sshll.u32 s26, $0x1;
	_ =	strace $0x80000049;
	[dreg:$0x1] =	wrdreg $0xFFFFFFFF  }
0xa7: {  	s28 =	simm.s32 $_size_execute0_lowered;
	s3 =	sadd.s32 s3, s5;
	[dreg:$0x0] =	wrdreg $0x0  }
0xa8: {  	s5 =	sshll.u32 s28, $0x1;
	[dreg:$0x2] =	wrdreg s3  }
0xa9: {  	[dreg:$0x3] =	wrdreg s5  }
0xaa: {  	[dreg:$0x4] =	wrdreg $0xC0  }
0xab: {  	_ =	task [dreg:s7], $0x5FFFF  }
0xac: {  	[dreg:$0x1] =	wrdreg $0xFFFFFFFF  }
0xad: {  	[dreg:$0x0] =	wrdreg $0x60  }
0xae: {  	[dreg:$0x2] =	wrdreg s2  }
0xaf: {  	[dreg:$0x3] =	wrdreg s24  }
0xb0: {  	[dreg:$0x4] =	wrdreg $0x74000  }
0xb1: {  	[dreg:$0x5] =	wrdreg $0x9  }
0xb2: {  	_ =	task.clear_ibuf [dreg:s7], $0x6FFFF;
	_ =	strace $0x90000049  }
0xb3: {  	s29 =	simm.s32 $0x9;
	_ =	strace $0x8000004B  }
0xb4: {  	_ =	swait.ge [sflag:s29], $0x1  }
0xb5: {  	[sflag:s29] =	ssyncadd.s32 $0xFFFFFFFF  }
0xb6: {  	_ =	strace $0x9000004B  }
0xb7: {  	_ =	sfence  }
0xb8: {  	s30 =	sld [smem:$0x0];
	_ =	sdelay $0x2  }
0xb9: {  	s31 =	sshll.u32 s1, $0xD;
	s1 =	sshrl.u32 s1, $0x2  }
0xba: {  	s3 =	sand.u32 $0x4000, s31;
	s1 =	sadd.s32 s1, s30  }
0xbb: {  	s0 =	sor.u32 s3, s0;
	s1 =	sshll.u32 s1, $0x11  }
0xbc: {  	s0 =	sor.u32 s1, s0  }
0xbd: {  	s0 =	sadd.s32 $0x8F2B, s0  }
0xbe: {  	[sflag:s0] =	ssyncadd.remote.s32 $0x1  }
0xbf: {  	_ =	sfence.sel $0xFFFF  }
0xc0: {  	[dreg:$0x0] =	wrdreg $0xFFFFFFFF;
	(pc) =	sbr.abs _section_cstart, $3  }
0xc1: {  	[dreg:$0x1] =	wrdreg $0xFFFFFFFF  }
0xc2: {  	_ =	task.clear_ibuf [dreg:s7], $0x2FFFF;
	_ =	strace $0x9FFFFFFF  }
0xc3: {  	(tm) =	ssettm $0x7FFFFFFF  }
tec
execute0_lowered:
.L_overlay_start_1:
0x0: {  	(tag) =	ssettag $0x1  }
0x1: {  	s1 =	rddreg [dreg:$0x0]  }
0x2: {  	s0 =	rddreg [dreg:$0x1]  }
0x3: {  	s2 =	rddreg [dreg:$0x2];
	s3 =	simm.s32 $0x0  }
0x4: {  	s4 =	srdreg.scid;
	s19 =	stileid.u32;
	s17 =	simm.s32 $0x6C00  }
0x5: {  	s18 =	simm.s32 $0x8;
	s20 =	simm.s32 $0x4;
	s21 =	simm.s32 $0x6  }
0x6: {  	s22 =	simm.s32 $0x1000;
	s23 =	simm.s32 $0x2000;
	s24 =	simm.s32 $0x0  }
0x7: {  	[smem:$0x7FF] =	sst s3;
	s7 =	sand.u32 $0x1, s4;
	s4 =	sadd.s32 $0x32600, s0  }
0x8: {  	s5 =	sadd.s32 $0x52600, s0;
	s6 =	sadd.s32 $0xE00, s0;
	s30 =	smul.u32 $0x4E000, s19  }
0x9: {  	s0 =	sadd.s32 $0x72600, s0;
	s31 =	sshll.u32 s19, $0xD;
	s13 =	smul.u32 $0x13800, s19  }
0xa: {  	p0 =	sne.s32 s19, $0x0;
	s19 =	simm.s32 $0x28;
	s8 =	ssub.s32 $0x2, s7  }
0xb: {  	_ =	strace $0x8000004A;
	s10 =	sshll.u32 s7, $0xC;
	s9 =	sshrl.u32 s8, $0x1  }
0xc: {  	v0 =	vimm.f32 $0.0e+00;
	v1 =	vimm.s32 $0x0;
	s7 =	smul.u32 $0x138800, s7;
	s11 =	sshrl.u32 s30, $0x2;
	s16 =	ssub.s32 s8, s9  }
.Ltmp0:
0xd: {  	v2 =	vimm.s32 $0x1;
	v3 =	vimm.s32 $0x2;
	v4 =	vimm.s32 $0x3;
	s8 =	sor.u32 s10, s31;
	s9 =	sadd.s32 s11, s2;
	(pc) =	sbr.rel .LBB2_1-.Ltmp0, $4  }
0xe: {  	v5 =	vimm.s32 $0x4;
	v6 =	vimm.s32 $0x5;
	v7 =	vimm.s32 $0x6;
	s10 =	sadd.s32 $0x138000, s2;
	s14 =	sadd.s32 s13, s7;
	s7 =	sshrl.u32 s7, $0x3  }
0xf: {  	v8 =	vimm.s32 $0x7;
	v9 =	vimm.s32 $0x8;
	v10 =	vimm.s32 $0x9;
	s11 =	sadd.s32 s4, s8;
	s12 =	sadd.s32 s5, s8;
	s14 =	sshrl.u32 s14, $0x3  }
0x10: {  	v11 =	vimm.s32 $0xA;
	v12 =	vimm.s32 $0xB;
	v13 =	vimm.s32 $0xC;
	s13 =	sadd.s32 s6, s8;
	s7 =	sadd.s32 s0, s7;
	s0 =	sadd.s32 s0, s14  }
0x11: {  	v14 =	vimm.s32 $0xD;
	v15 =	vimm.s32 $0xE;
	v16 =	vimm.s32 $0xF;
	s16 =	smax.u32 s16, $0x1;
	s15 =	sadd.s32 $0x27000, s7;
	[dreg:$0x4] =	wrdreg s0  }
.LBB2_15:
0x12: {  	_ =	swait.ge [sflag:s20], $0x1400  }
0x13: {  	[sflag:s20] =	ssyncset.done $0x0  }
0x14: {  	[sflag:s20] =	ssyncadd.s32 $0xFFFFEC00  }
0x15: {  	_ =	swait.ge [sflag:s21], $0x1400  }
0x16: {  	[sflag:s21] =	ssyncset.done $0x0  }
0x17: {  	s0 =	stileid.u32;
	[sflag:s21] =	ssyncadd.s32 $0xFFFFEC00  }
0x18: {  	s0 =	sshll.u32 s0, $0x6;
	[bflag:$0x0] =	sbarrier.arrive $0xFFFF  }
0x19: {  	s7 =	sshrl.u32 s9, $0x3;
	s0 =	sor.u32 $0x1C08, s0;
	s14 =	rddreg [dreg:$0x4]  }
0x1a: {  	[hbm:s14], [sflag:s0] =	dma.local [spmem:s7], $0x2700  }
0x1b: {  	_ =	swait.ge [sflag:s18], $0x2700  }
0x1c: {  	s24 =	sadd.s32 $0x1, s24;
	[sflag:s18] =	ssyncset.done $0x0  }
0x1d: {  	p1 =	sne.s32 s24, s16;
	s7 =	sshrl.u32 @!p0 s10, $0x3;
	[sflag:s18] =	ssyncadd.s32 $0xFFFFD900  }
0x1e: {  	[hbm:s15], [sflag:s0] =	dma.local @!p0 [spmem:s7], $0x100  }
.Ltmp1:
0x1f: {  	_ = 	snop;
	(pc) =	sbr.rel @!p1 .LBB2_16-.Ltmp1, $4  }
0x20: {  	s0 =	simm.s32 @!p0 $0x8  }
0x21: {  	_ =	swait.ge @!p0 [sflag:s0], $0x100  }
0x22: {  	[sflag:s0] =	ssyncset.done @!p0 $0x0  }
0x23: {  	[sflag:s0] =	ssyncadd.s32 @!p0 $0xFFFFFF00  }
.LBB2_1:
0x24: {  	s0 =	simm.s32 $0x0;
	s7 =	simm.s32 $0x0  }
.LBB2_2:
0x25: {  	p1 =	sne.s32 s7, $0x1FC0  }
.Ltmp2:
0x26: {  	_ = 	snop;
	(pc) =	sbr.rel @p1 .LBB2_2-.Ltmp2, $4  }
0x27: {  	s25 =	sand.u32 $0x1E00, s7  }
0x28: {  	s26 =	sand.u32 $0x70, s0;
	s25 =	sshrl.u32 s25, $0x2  }
0x29: {  	s25 =	sor.u32 s26, s25  }
0x2a: {  	s0 =	sadd.s32 $0x10, s0;
	s7 =	sadd.s32 $0x40, s7;
	[tilespmem:s25+$0x6C00] =	vst v0  }
0x2b: {  	s0 =	sadd.s32 $0x0, s9  }
0x2c: {  	[spmem:s0] =	stream.linear.scatter [tilespmem:s17], [sflag:$0x8], $0x800, $0x38;
	[tilespmem:$0x1AC80] =	vst v63  }
0x2d: {  	s25 =	simm.s32 $0x2000;
	_ =	swait.ge [sflag:s18], $0x800  }
.LBB2_4:
0x2e: {  	s0 =	sshra.s32 s25, $0x2;
	[sflag:s18] =	ssyncset.done $0x0;
	p1 =	sne.s32 s25, $0x4C000  }
.Ltmp3:
0x2f: {  	s0 =	sadd.s32 s0, s9;
	[sflag:s18] =	ssyncadd.s32 $0xFFFFF800;
	(pc) =	sbr.rel @p1 .LBB2_4-.Ltmp3, $3  }
0x30: {  	[spmem:s0] =	stream.linear.scatter [tilespmem:s17], [sflag:$0x8], $0x800, $0x38;
	[tilespmem:$0x1AC80] =	vst v63  }
0x31: {  	s25 =	sadd.s32 $0x2000, s25;
	_ =	sdelay $0x1  }
0x32: {  	_ =	swait.ge [sflag:s18], $0x800  }
0x33: {  	[sflag:s18] =	ssyncset.done $0x0  }
0x34: {  	s0 =	simm.s32 @!p0 $0x6C00;
	[sflag:s18] =	ssyncadd.s32 $0xFFFFF800  }
0x35: {  	[spmem:s10] =	stream.linear.scatter @!p0 [tilespmem:s0], [sflag:$0x8], $0x800, $0x38;
	[tilespmem:$0x1AC80] =	vst v63  }
0x36: {  	s0 =	simm.s32 @!p0 $0x8  }
0x37: {  	_ =	swait.ge @!p0 [sflag:s0], $0x800  }
0x38: {  	[sflag:s0] =	ssyncset.done @!p0 $0x0  }
0x39: {  	[sflag:s0] =	ssyncadd.s32 @!p0 $0xFFFFF800  }
0x3a: {  	s30 =	simm.s32 $0x0;
	[bflag:$0x0] =	sbarrier.arrive $0xFFFF  }
.LBB2_6:
0x3b: {  	s0 =	smul.u32 $0xAB, s30;
	_ =	sdelay $0x1  }
0x3c: {  	s25 =	sadd.s32 $0x1, s30;
	s0 =	sshrl.u32 s0, $0x9  }
0x3d: {  	s7 =	smul.u32 $0xAAAB, s25;
	s0 =	sand.u32 $0x7F, s0  }
0x3e: {  	p1 =	seq.s32 s30, $0x1;
	s0 =	smul.u32 $0x3, s0  }
.Ltmp4:
0x3f: {  	s7 =	sshrl.u32 s7, $0x11;
	(pc) =	sbr.rel @p1 .LBB2_12-.Ltmp4, $3  }
0x40: {  	s7 =	smul.u32 $0x3, s7;
	_ =	sdelay $0x1  }
0x41: {  	s0 =	ssub.s32 s30, s0;
	s7 =	ssub.s32 s25, s7  }
0x42: {  	s28 =	sand.u32 $0x1F, s30;
	s26 =	sand.u32 $0xFF, s0;
	s29 =	sand.u32 $0xFFFF, s7  }
0x43: {  	p1 =	sne.s32 s30, $0x0  }
.Ltmp5:
0x44: {  	_ = 	snop;
	(pc) =	sbr.rel @p1 .LBB2_9-.Ltmp5, $1  }
0x45: {  	_ =	sdelay $0x3  }
0x46: {  	[tilespmem:s3], [sflag:$0x8] =	stream.linear.gather [hbm4b:s11+s3], $0x800, $0x38;
	[tilespmem:$0x1AC80] =	vst v63  }
0x47: {  	_ =	swait.ge [sflag:s18], $0x800  }
0x48: {  	[sflag:s18] =	ssyncset.done $0x0  }
0x49: {  	[sflag:s18] =	ssyncadd.s32 $0xFFFFF800  }
0x4a: {  	[tilespmem:s22], [sflag:$0x8] =	stream.linear.gather [hbm4b:s12+s3], $0x800, $0x38;
	[tilespmem:$0x1AC80] =	vst v63  }
0x4b: {  	_ =	swait.ge [sflag:s18], $0x800  }
0x4c: {  	[sflag:s18] =	ssyncset.done $0x0  }
0x4d: {  	s0 =	smul.u32 $0x5000, s26;
	[sflag:s18] =	ssyncadd.s32 $0xFFFFF800  }
0x4e: {  	[tilespmem:s23], [sflag:$0x8] =	stream.linear.gather [hbm4b:s13+s3], $0x800, $0x38;
	[tilespmem:$0x1AC80] =	vst v63  }
.Ltmp6:
0x4f: {  	_ = 	snop;
	(pc) =	sbr.rel .LBB2_12-.Ltmp6, $4  }
0x50: {  	_ =	swait.ge [sflag:s18], $0x800  }
0x51: {  	s0 =	sshrl.u32 s0, $0x2;
	[sflag:s18] =	ssyncset.done $0x0  }
0x52: {  	s7 =	sadd.s32 $0x1, s26;
	s0 =	sadd.s32 $0x3000, s0;
	[sflag:s18] =	ssyncadd.s32 $0xFFFFF800  }
0x53: {  	[tilespmem:s0], [sflag:s7] =	stream.indirect.gather [hbm4b:s1+s19], $0x80, s22, s19, $0xb8;
	[tilespmem:$0x1AC80] =	vst v63  }
.LBB2_9:
0x54: {  	s0 =	sand.u32 $0xF, s30;
	p1 =	sgt.u32 s30, $0xEF  }
0x55: {  	p2 =	sne.s32 @!p1 s0, $0x2  }
0x56: {  	p1 =	por p1, p2  }
.Ltmp7:
0x57: {  	_ = 	snop;
	(pc) =	sbr.rel @p1 .LBB2_11-.Ltmp7, $4  }
0x58: {  	s7 =	sshrl.u32 s30, $0x4;
	s14 =	sadd.s32 $0x4, s29  }
0x59: {  	s7 =	sadd.s32 $0x1, s7;
	_ =	swait.ge [sflag:s14], $0x1400  }
0x5a: {  	s31 =	sshll.u32 s7, $0x4;
	[sflag:s14] =	ssyncset.done $0x0  }
0x5b: {  	s31 =	sand.u32 $0x10, s31;
	[sflag:s14] =	ssyncadd.s32 $0xFFFFEC00  }
0x5c: {  	s0 =	sshll.u32 s7, $0x8  }
0x5d: {  	s0 =	sadd.s32 s8, s0  }
0x5e: {  	s7 =	sshll.u32 s31, $0x7;
	s14 =	sadd.s32 s4, s0  }
0x5f: {  	[tilespmem:s7], [sflag:$0x7] =	stream.linear.gather [hbm4b:s14+s3], $0x800, $0x38;
	[tilespmem:$0x1AC80] =	vst v63  }
0x60: {  	s31 =	sor.u32 $0x1000, s7;
	s30 =	sadd.s32 s5, s0  }
0x61: {  	[tilespmem:s31], [sflag:$0x7] =	stream.linear.gather [hbm4b:s30+s3], $0x800, $0x38;
	[tilespmem:$0x1AC80] =	vst v63  }
0x62: {  	s0 =	sadd.s32 s6, s0;
	s7 =	sor.u32 $0x2000, s7  }
0x63: {  	[tilespmem:s7], [sflag:$0x7] =	stream.linear.gather [hbm4b:s0+s3], $0x800, $0x38;
	[tilespmem:$0x1AC80] =	vst v63  }
.LBB2_12:
0x64: {  	s0 =	smul.u32 $0x5000, s29;
	_ =	sdelay $0x1  }
0x65: {  	s7 =	sshll.u32 s28, $0x7;
	s0 =	sshrl.u32 s0, $0x2  }
0x66: {  	s14 =	sadd.s32 $0x1, s29;
	s7 =	sadd.s32 $0x1080, s7;
	s0 =	sadd.s32 $0x3000, s0  }
0x67: {  	[tilespmem:s0], [sflag:s14] =	stream.indirect.gather [hbm4b:s1+s19], $0x80, s7, s19, $0xb8;
	[tilespmem:$0x1AC80] =	vst v63  }
.LBB2_14:
0x68: {  	s0 =	sadd.s32 $0x1, s26  }
0x69: {  	_ =	swait.ge [sflag:s0], $0x1400  }
0x6a: {  	[sflag:s0] =	ssyncset.done $0x0  }
0x6b: {  	s7 =	smul.u32 $0x5000, s26;
	s28 =	sshll.u32 s28, $0x7;
	[sflag:s0] =	ssyncadd.s32 $0xFFFFEC00  }
0x6c: {  	v17 =	vld [tilespmem:s28+$0x2000]  }
0x6d: {  	s29 =	sshrl.u32 s7, $0x2  }
0x6e: {  	v18 =	vld [tilespmem:s29+$0x3000]  }
0x6f: {  	v19 =	vld [tilespmem:s29+$0x3010]  }
0x70: {  	v20 =	vld [tilespmem:s29+$0x3020]  }
0x71: {  	v22 =	vld [tilespmem:s29+$0x3030];
	v21 =	vperm.xlane v17, v1  }
0x72: {  	v23 =	vld [tilespmem:s29+$0x3040]  }
0x73: {  	v24 =	vld [tilespmem:s29+$0x3050];
	v18 =	vmul.f32 v18, v21  }
0x74: {  	v25 =	vld [tilespmem:s29+$0x3060];
	v19 =	vmul.f32 v19, v21  }
0x75: {  	v46 =	vld [tilespmem:s29+$0x3070];
	[tilespmem:s29+$0x3000] =	vst v18;
	v18 =	vmul.f32 v20, v21  }
0x76: {  	v47 =	vld [tilespmem:s29+$0x3080];
	[tilespmem:s29+$0x3010] =	vst v19;
	v19 =	vmul.f32 v22, v21  }
0x77: {  	v48 =	vld [tilespmem:s29+$0x3090];
	[tilespmem:s29+$0x3020] =	vst v18;
	v18 =	vmul.f32 v23, v21  }
0x78: {  	v49 =	vld [tilespmem:s29+$0x30A0];
	[tilespmem:s29+$0x3030] =	vst v19;
	v19 =	vmul.f32 v24, v21  }
0x79: {  	v26 =	vld [tilespmem:s29+$0x30B0];
	v50 =	vperm.xlane v17, v2;
	[tilespmem:s29+$0x3040] =	vst v18;
	v18 =	vmul.f32 v25, v21  }
0x7a: {  	v51 =	vld [tilespmem:s29+$0x30C0];
	[tilespmem:s29+$0x3050] =	vst v19;
	v19 =	vmul.f32 v46, v21  }
0x7b: {  	v52 =	vld [tilespmem:s29+$0x30D0];
	[tilespmem:s29+$0x3060] =	vst v18;
	v18 =	vmul.f32 v47, v50  }
0x7c: {  	v53 =	vld [tilespmem:s29+$0x30E0];
	[tilespmem:s29+$0x3070] =	vst v19;
	v19 =	vmul.f32 v48, v50  }
0x7d: {  	v54 =	vld [tilespmem:s29+$0x30F0];
	[tilespmem:s29+$0x3080] =	vst v18;
	v18 =	vmul.f32 v49, v50  }
0x7e: {  	v55 =	vld [tilespmem:s29+$0x3100];
	[tilespmem:s29+$0x3090] =	vst v19;
	v19 =	vmul.f32 v26, v50  }
0x7f: {  	v56 =	vld [tilespmem:s29+$0x3110];
	[tilespmem:s29+$0x30A0] =	vst v18;
	v18 =	vmul.f32 v51, v50  }
0x80: {  	v57 =	vld [tilespmem:s29+$0x3120];
	[tilespmem:s29+$0x30B0] =	vst v19;
	v19 =	vmul.f32 v52, v50  }
0x81: {  	v59 =	vld [tilespmem:s29+$0x3130];
	v58 =	vperm.xlane v17, v3;
	[tilespmem:s29+$0x30C0] =	vst v18;
	v18 =	vmul.f32 v53, v50  }
0x82: {  	v60 =	vld [tilespmem:s29+$0x3140];
	[tilespmem:s29+$0x30D0] =	vst v19;
	v19 =	vmul.f32 v54, v50  }
0x83: {  	v61 =	vld [tilespmem:s29+$0x3150];
	[tilespmem:s29+$0x30E0] =	vst v18;
	v18 =	vmul.f32 v55, v58  }
0x84: {  	v62 =	vld [tilespmem:s29+$0x3160];
	[tilespmem:s29+$0x30F0] =	vst v19;
	v19 =	vmul.f32 v56, v58  }
0x85: {  	v63 =	vld [tilespmem:s29+$0x3170];
	[tilespmem:s29+$0x3100] =	vst v18;
	v18 =	vmul.f32 v57, v58  }
0x86: {  	v28 =	vld [tilespmem:s29+$0x3180];
	[tilespmem:s29+$0x3110] =	vst v19;
	v19 =	vmul.f32 v59, v58  }
0x87: {  	v29 =	vld [tilespmem:s29+$0x3190];
	[tilespmem:s29+$0x3120] =	vst v18;
	v18 =	vmul.f32 v60, v58  }
0x88: {  	v30 =	vld [tilespmem:s29+$0x31A0];
	[tilespmem:s29+$0x3130] =	vst v19;
	v19 =	vmul.f32 v61, v58  }
0x89: {  	v32 =	vld [tilespmem:s29+$0x31B0];
	v31 =	vperm.xlane v17, v4;
	[tilespmem:s29+$0x3140] =	vst v18;
	v18 =	vmul.f32 v62, v58  }
0x8a: {  	v33 =	vld [tilespmem:s29+$0x31C0];
	[tilespmem:s29+$0x3150] =	vst v19;
	v19 =	vmul.f32 v63, v58  }
0x8b: {  	v34 =	vld [tilespmem:s29+$0x31D0];
	[tilespmem:s29+$0x3160] =	vst v18;
	v18 =	vmul.f32 v28, v31  }
0x8c: {  	v35 =	vld [tilespmem:s29+$0x31E0];
	[tilespmem:s29+$0x3170] =	vst v19;
	v19 =	vmul.f32 v29, v31  }
0x8d: {  	v36 =	vld [tilespmem:s29+$0x31F0];
	[tilespmem:s29+$0x3180] =	vst v18;
	v18 =	vmul.f32 v30, v31  }
0x8e: {  	v37 =	vld [tilespmem:s29+$0x3200];
	[tilespmem:s29+$0x3190] =	vst v19;
	v19 =	vmul.f32 v32, v31  }
0x8f: {  	v38 =	vld [tilespmem:s29+$0x3210];
	[tilespmem:s29+$0x31A0] =	vst v18;
	v18 =	vmul.f32 v33, v31  }
0x90: {  	v39 =	vld [tilespmem:s29+$0x3220];
	[tilespmem:s29+$0x31B0] =	vst v19;
	v19 =	vmul.f32 v34, v31  }
0x91: {  	v41 =	vld [tilespmem:s29+$0x3230];
	v40 =	vperm.xlane v17, v5;
	[tilespmem:s29+$0x31C0] =	vst v18;
	v18 =	vmul.f32 v35, v31  }
0x92: {  	v42 =	vld [tilespmem:s29+$0x3240];
	[tilespmem:s29+$0x31D0] =	vst v19;
	v19 =	vmul.f32 v36, v31  }
0x93: {  	v43 =	vld [tilespmem:s29+$0x3250];
	[tilespmem:s29+$0x31E0] =	vst v18;
	v18 =	vmul.f32 v37, v40  }
0x94: {  	v44 =	vld [tilespmem:s29+$0x3260];
	[tilespmem:s29+$0x31F0] =	vst v19;
	v19 =	vmul.f32 v38, v40  }
0x95: {  	v45 =	vld [tilespmem:s29+$0x3270];
	[tilespmem:s29+$0x3200] =	vst v18;
	v18 =	vmul.f32 v39, v40  }
0x96: {  	v46 =	vld [tilespmem:s29+$0x3280];
	[tilespmem:s29+$0x3210] =	vst v19;
	v19 =	vmul.f32 v41, v40  }
0x97: {  	v47 =	vld [tilespmem:s29+$0x3290];
	[tilespmem:s29+$0x3220] =	vst v18;
	v18 =	vmul.f32 v42, v40  }
0x98: {  	v48 =	vld [tilespmem:s29+$0x32A0];
	[tilespmem:s29+$0x3230] =	vst v19;
	v19 =	vmul.f32 v43, v40  }
0x99: {  	v49 =	vperm.xlane v17, v6;
	v50 =	vld [tilespmem:s29+$0x32B0];
	[tilespmem:s29+$0x3240] =	vst v18;
	v18 =	vmul.f32 v44, v40  }
0x9a: {  	v51 =	vld [tilespmem:s29+$0x32C0];
	[tilespmem:s29+$0x3250] =	vst v19;
	v19 =	vmul.f32 v45, v40  }
0x9b: {  	v52 =	vld [tilespmem:s29+$0x32D0];
	[tilespmem:s29+$0x3260] =	vst v18;
	v18 =	vmul.f32 v46, v49  }
0x9c: {  	v53 =	vld [tilespmem:s29+$0x32E0];
	[tilespmem:s29+$0x3270] =	vst v19;
	v19 =	vmul.f32 v47, v49  }
0x9d: {  	v54 =	vld [tilespmem:s29+$0x32F0];
	[tilespmem:s29+$0x3280] =	vst v18;
	v18 =	vmul.f32 v48, v49  }
0x9e: {  	v55 =	vld [tilespmem:s29+$0x3300];
	[tilespmem:s29+$0x3290] =	vst v19;
	v19 =	vmul.f32 v50, v49  }
0x9f: {  	v56 =	vld [tilespmem:s29+$0x3310];
	[tilespmem:s29+$0x32A0] =	vst v18;
	v18 =	vmul.f32 v51, v49  }
0xa0: {  	v57 =	vld [tilespmem:s29+$0x3320];
	[tilespmem:s29+$0x32B0] =	vst v19;
	v19 =	vmul.f32 v52, v49  }
0xa1: {  	v59 =	vld [tilespmem:s29+$0x3330];
	v58 =	vperm.xlane v17, v7;
	[tilespmem:s29+$0x32C0] =	vst v18;
	v18 =	vmul.f32 v53, v49  }
0xa2: {  	v60 =	vld [tilespmem:s29+$0x3340];
	[tilespmem:s29+$0x32D0] =	vst v19;
	v19 =	vmul.f32 v54, v49  }
0xa3: {  	v61 =	vld [tilespmem:s29+$0x3350];
	[tilespmem:s29+$0x32E0] =	vst v18;
	v18 =	vmul.f32 v55, v58  }
0xa4: {  	v62 =	vld [tilespmem:s29+$0x3360];
	[tilespmem:s29+$0x32F0] =	vst v19;
	v19 =	vmul.f32 v56, v58  }
0xa5: {  	v63 =	vld [tilespmem:s29+$0x3370];
	[tilespmem:s29+$0x3300] =	vst v18;
	v18 =	vmul.f32 v57, v58  }
0xa6: {  	v28 =	vld [tilespmem:s29+$0x3380];
	[tilespmem:s29+$0x3310] =	vst v19;
	v19 =	vmul.f32 v59, v58  }
0xa7: {  	v29 =	vld [tilespmem:s29+$0x3390];
	[tilespmem:s29+$0x3320] =	vst v18;
	v18 =	vmul.f32 v60, v58  }
0xa8: {  	v30 =	vld [tilespmem:s29+$0x33A0];
	[tilespmem:s29+$0x3330] =	vst v19;
	v19 =	vmul.f32 v61, v58  }
0xa9: {  	v32 =	vld [tilespmem:s29+$0x33B0];
	v31 =	vperm.xlane v17, v8;
	[tilespmem:s29+$0x3340] =	vst v18;
	v18 =	vmul.f32 v62, v58  }
0xaa: {  	v33 =	vld [tilespmem:s29+$0x33C0];
	[tilespmem:s29+$0x3350] =	vst v19;
	v19 =	vmul.f32 v63, v58  }
0xab: {  	v34 =	vld [tilespmem:s29+$0x33D0];
	[tilespmem:s29+$0x3360] =	vst v18;
	v18 =	vmul.f32 v28, v31  }
0xac: {  	v35 =	vld [tilespmem:s29+$0x33E0];
	[tilespmem:s29+$0x3370] =	vst v19;
	v19 =	vmul.f32 v29, v31  }
0xad: {  	v36 =	vld [tilespmem:s29+$0x33F0];
	[tilespmem:s29+$0x3380] =	vst v18;
	v18 =	vmul.f32 v30, v31  }
0xae: {  	v37 =	vld [tilespmem:s29+$0x3400];
	[tilespmem:s29+$0x3390] =	vst v19;
	v19 =	vmul.f32 v32, v31  }
0xaf: {  	v38 =	vld [tilespmem:s29+$0x3410];
	[tilespmem:s29+$0x33A0] =	vst v18;
	v18 =	vmul.f32 v33, v31  }
0xb0: {  	v39 =	vld [tilespmem:s29+$0x3420];
	[tilespmem:s29+$0x33B0] =	vst v19;
	v19 =	vmul.f32 v34, v31  }
0xb1: {  	v41 =	vld [tilespmem:s29+$0x3430];
	v40 =	vperm.xlane v17, v9;
	[tilespmem:s29+$0x33C0] =	vst v18;
	v18 =	vmul.f32 v35, v31  }
0xb2: {  	v42 =	vld [tilespmem:s29+$0x3440];
	[tilespmem:s29+$0x33D0] =	vst v19;
	v19 =	vmul.f32 v36, v31  }
0xb3: {  	v43 =	vld [tilespmem:s29+$0x3450];
	[tilespmem:s29+$0x33E0] =	vst v18;
	v18 =	vmul.f32 v37, v40  }
0xb4: {  	v44 =	vld [tilespmem:s29+$0x3460];
	[tilespmem:s29+$0x33F0] =	vst v19;
	v19 =	vmul.f32 v38, v40  }
0xb5: {  	v45 =	vld [tilespmem:s29+$0x3470];
	[tilespmem:s29+$0x3400] =	vst v18;
	v18 =	vmul.f32 v39, v40  }
0xb6: {  	[tilespmem:s29+$0x3410] =	vst v19;
	v19 =	vmul.f32 v41, v40  }
0xb7: {  	[tilespmem:s29+$0x3420] =	vst v18;
	v18 =	vmul.f32 v42, v40  }
0xb8: {  	[tilespmem:s29+$0x3430] =	vst v19;
	v19 =	vmul.f32 v43, v40  }
0xb9: {  	[tilespmem:s29+$0x3440] =	vst v18;
	v18 =	vmul.f32 v44, v40  }
0xba: {  	[tilespmem:s29+$0x3450] =	vst v19;
	v19 =	vmul.f32 v45, v40  }
0xbb: {  	[tilespmem:s29+$0x3460] =	vst v18  }
0xbc: {  	[tilespmem:s29+$0x3470] =	vst v19  }
0xbd: {  	v18 =	vld [tilespmem:s29+$0x3480]  }
0xbe: {  	v19 =	vld [tilespmem:s29+$0x3490]  }
0xbf: {  	v46 =	vld [tilespmem:s29+$0x34A0]  }
0xc0: {  	v47 =	vperm.xlane v17, v10;
	v48 =	vld [tilespmem:s29+$0x34B0]  }
0xc1: {  	v49 =	vld [tilespmem:s29+$0x34C0]  }
0xc2: {  	v50 =	vld [tilespmem:s29+$0x34D0];
	v18 =	vmul.f32 v18, v47  }
0xc3: {  	v51 =	vld [tilespmem:s29+$0x34E0];
	v19 =	vmul.f32 v19, v47  }
0xc4: {  	v52 =	vld [tilespmem:s29+$0x34F0];
	[tilespmem:s29+$0x3480] =	vst v18;
	v18 =	vmul.f32 v46, v47  }
0xc5: {  	v53 =	vld [tilespmem:s29+$0x3500];
	[tilespmem:s29+$0x3490] =	vst v19;
	v19 =	vmul.f32 v48, v47  }
0xc6: {  	v54 =	vld [tilespmem:s29+$0x3510];
	[tilespmem:s29+$0x34A0] =	vst v18;
	v18 =	vmul.f32 v49, v47  }
0xc7: {  	v55 =	vld [tilespmem:s29+$0x3520];
	[tilespmem:s29+$0x34B0] =	vst v19;
	v19 =	vmul.f32 v50, v47  }
0xc8: {  	v56 =	vperm.xlane v17, v11;
	v57 =	vld [tilespmem:s29+$0x3530];
	[tilespmem:s29+$0x34C0] =	vst v18;
	v18 =	vmul.f32 v51, v47  }
0xc9: {  	v58 =	vld [tilespmem:s29+$0x3540];
	[tilespmem:s29+$0x34D0] =	vst v19;
	v19 =	vmul.f32 v52, v47  }
0xca: {  	v59 =	vld [tilespmem:s29+$0x3550];
	[tilespmem:s29+$0x34E0] =	vst v18;
	v18 =	vmul.f32 v53, v56  }
0xcb: {  	v60 =	vld [tilespmem:s29+$0x3560];
	[tilespmem:s29+$0x34F0] =	vst v19;
	v19 =	vmul.f32 v54, v56  }
0xcc: {  	v61 =	vld [tilespmem:s29+$0x3570];
	[tilespmem:s29+$0x3500] =	vst v18;
	v18 =	vmul.f32 v55, v56  }
0xcd: {  	v62 =	vld [tilespmem:s29+$0x3580];
	[tilespmem:s29+$0x3510] =	vst v19;
	v19 =	vmul.f32 v57, v56  }
0xce: {  	v63 =	vld [tilespmem:s29+$0x3590];
	[tilespmem:s29+$0x3520] =	vst v18;
	v18 =	vmul.f32 v58, v56  }
0xcf: {  	v28 =	vld [tilespmem:s29+$0x35A0];
	[tilespmem:s29+$0x3530] =	vst v19;
	v19 =	vmul.f32 v59, v56  }
0xd0: {  	v29 =	vperm.xlane v17, v12;
	v30 =	vld [tilespmem:s29+$0x35B0];
	[tilespmem:s29+$0x3540] =	vst v18;
	v18 =	vmul.f32 v60, v56  }
0xd1: {  	v31 =	vld [tilespmem:s29+$0x35C0];
	[tilespmem:s29+$0x3550] =	vst v19;
	v19 =	vmul.f32 v61, v56  }
0xd2: {  	v32 =	vld [tilespmem:s29+$0x35D0];
	[tilespmem:s29+$0x3560] =	vst v18;
	v18 =	vmul.f32 v62, v29  }
0xd3: {  	v33 =	vld [tilespmem:s29+$0x35E0];
	[tilespmem:s29+$0x3570] =	vst v19;
	v19 =	vmul.f32 v63, v29  }
0xd4: {  	v34 =	vld [tilespmem:s29+$0x35F0];
	[tilespmem:s29+$0x3580] =	vst v18;
	v18 =	vmul.f32 v28, v29  }
0xd5: {  	v35 =	vld [tilespmem:s29+$0x3600];
	[tilespmem:s29+$0x3590] =	vst v19;
	v19 =	vmul.f32 v30, v29  }
0xd6: {  	v36 =	vld [tilespmem:s29+$0x3610];
	[tilespmem:s29+$0x35A0] =	vst v18;
	v18 =	vmul.f32 v31, v29  }
0xd7: {  	v37 =	vld [tilespmem:s29+$0x3620];
	[tilespmem:s29+$0x35B0] =	vst v19;
	v19 =	vmul.f32 v32, v29  }
0xd8: {  	v38 =	vperm.xlane v17, v13;
	v39 =	vld [tilespmem:s29+$0x3630];
	[tilespmem:s29+$0x35C0] =	vst v18;
	v18 =	vmul.f32 v33, v29  }
0xd9: {  	v40 =	vld [tilespmem:s29+$0x3640];
	[tilespmem:s29+$0x35D0] =	vst v19;
	v19 =	vmul.f32 v34, v29  }
0xda: {  	v41 =	vld [tilespmem:s29+$0x3650];
	[tilespmem:s29+$0x35E0] =	vst v18;
	v18 =	vmul.f32 v35, v38  }
0xdb: {  	v42 =	vld [tilespmem:s29+$0x3660];
	[tilespmem:s29+$0x35F0] =	vst v19;
	v19 =	vmul.f32 v36, v38  }
0xdc: {  	v43 =	vld [tilespmem:s29+$0x3670];
	[tilespmem:s29+$0x3600] =	vst v18;
	v18 =	vmul.f32 v37, v38  }
0xdd: {  	v44 =	vld [tilespmem:s29+$0x3680];
	[tilespmem:s29+$0x3610] =	vst v19;
	v19 =	vmul.f32 v39, v38  }
0xde: {  	v45 =	vld [tilespmem:s29+$0x3690];
	[tilespmem:s29+$0x3620] =	vst v18;
	v18 =	vmul.f32 v40, v38  }
0xdf: {  	v46 =	vld [tilespmem:s29+$0x36A0];
	[tilespmem:s29+$0x3630] =	vst v19;
	v19 =	vmul.f32 v41, v38  }
0xe0: {  	v48 =	vld [tilespmem:s29+$0x36B0];
	v47 =	vperm.xlane v17, v14;
	[tilespmem:s29+$0x3640] =	vst v18;
	v18 =	vmul.f32 v42, v38  }
0xe1: {  	v49 =	vld [tilespmem:s29+$0x36C0];
	[tilespmem:s29+$0x3650] =	vst v19;
	v19 =	vmul.f32 v43, v38  }
0xe2: {  	v50 =	vld [tilespmem:s29+$0x36D0];
	[tilespmem:s29+$0x3660] =	vst v18;
	v18 =	vmul.f32 v44, v47  }
0xe3: {  	v51 =	vld [tilespmem:s29+$0x36E0];
	[tilespmem:s29+$0x3670] =	vst v19;
	v19 =	vmul.f32 v45, v47  }
0xe4: {  	v52 =	vld [tilespmem:s29+$0x36F0];
	[tilespmem:s29+$0x3680] =	vst v18;
	v18 =	vmul.f32 v46, v47  }
0xe5: {  	v53 =	vld [tilespmem:s29+$0x3700];
	[tilespmem:s29+$0x3690] =	vst v19;
	v19 =	vmul.f32 v48, v47  }
0xe6: {  	v54 =	vld [tilespmem:s29+$0x3710];
	[tilespmem:s29+$0x36A0] =	vst v18;
	v18 =	vmul.f32 v49, v47  }
0xe7: {  	v55 =	vld [tilespmem:s29+$0x3720];
	[tilespmem:s29+$0x36B0] =	vst v19;
	v19 =	vmul.f32 v50, v47  }
0xe8: {  	v57 =	vld [tilespmem:s29+$0x3730];
	v56 =	vperm.xlane v17, v15;
	[tilespmem:s29+$0x36C0] =	vst v18;
	v18 =	vmul.f32 v51, v47  }
0xe9: {  	v58 =	vld [tilespmem:s29+$0x3740];
	[tilespmem:s29+$0x36D0] =	vst v19;
	v19 =	vmul.f32 v52, v47  }
0xea: {  	v59 =	vld [tilespmem:s29+$0x3750];
	[tilespmem:s29+$0x36E0] =	vst v18;
	v18 =	vmul.f32 v53, v56  }
0xeb: {  	v60 =	vld [tilespmem:s29+$0x3760];
	[tilespmem:s29+$0x36F0] =	vst v19;
	v19 =	vmul.f32 v54, v56  }
0xec: {  	v61 =	vld [tilespmem:s29+$0x3770];
	[tilespmem:s29+$0x3700] =	vst v18;
	v18 =	vmul.f32 v55, v56  }
0xed: {  	v62 =	vld [tilespmem:s29+$0x3780];
	[tilespmem:s29+$0x3710] =	vst v19;
	v19 =	vmul.f32 v57, v56  }
0xee: {  	v63 =	vld [tilespmem:s29+$0x3790];
	[tilespmem:s29+$0x3720] =	vst v18;
	v18 =	vmul.f32 v58, v56  }
0xef: {  	v28 =	vld [tilespmem:s29+$0x37A0];
	[tilespmem:s29+$0x3730] =	vst v19;
	v19 =	vmul.f32 v59, v56  }
0xf0: {  	v17 =	vperm.xlane v17, v16;
	v29 =	vld [tilespmem:s29+$0x37B0];
	[tilespmem:s29+$0x3740] =	vst v18;
	v18 =	vmul.f32 v60, v56  }
0xf1: {  	v30 =	vld [tilespmem:s29+$0x37C0];
	[tilespmem:s29+$0x3750] =	vst v19;
	v19 =	vmul.f32 v61, v56  }
0xf2: {  	v31 =	vld [tilespmem:s29+$0x37D0];
	[tilespmem:s29+$0x3760] =	vst v18;
	v18 =	vmul.f32 v62, v17  }
0xf3: {  	v32 =	vld [tilespmem:s29+$0x37E0];
	[tilespmem:s29+$0x3770] =	vst v19;
	v19 =	vmul.f32 v63, v17  }
0xf4: {  	v33 =	vld [tilespmem:s29+$0x37F0];
	[tilespmem:s29+$0x3780] =	vst v18;
	v18 =	vmul.f32 v28, v17  }
0xf5: {  	[tilespmem:s29+$0x3790] =	vst v19;
	v19 =	vmul.f32 v29, v17  }
0xf6: {  	[tilespmem:s29+$0x37A0] =	vst v18;
	v18 =	vmul.f32 v30, v17  }
0xf7: {  	[tilespmem:s29+$0x37B0] =	vst v19;
	v19 =	vmul.f32 v31, v17  }
0xf8: {  	[tilespmem:s29+$0x37C0] =	vst v18;
	v18 =	vmul.f32 v32, v17  }
0xf9: {  	[tilespmem:s29+$0x37D0] =	vst v19;
	v17 =	vmul.f32 v33, v17  }
0xfa: {  	[tilespmem:s29+$0x37E0] =	vst v18  }
0xfb: {  	[tilespmem:s29+$0x37F0] =	vst v17  }
0xfc: {  	v17 =	vld [tilespmem:s28+$0x2010];
	_ =	sdelay $0x1  }
0xfd: {  	v18 =	vld [tilespmem:s29+$0x3800]  }
0xfe: {  	v19 =	vld [tilespmem:s29+$0x3810]  }
0xff: {  	v34 =	vld [tilespmem:s29+$0x3820]  }
0x100: {  	v36 =	vld [tilespmem:s29+$0x3830];
	v35 =	vperm.xlane v17, v1  }
0x101: {  	v37 =	vld [tilespmem:s29+$0x3840]  }
0x102: {  	v38 =	vld [tilespmem:s29+$0x3850];
	v18 =	vmul.f32 v18, v35  }
0x103: {  	v39 =	vld [tilespmem:s29+$0x3860];
	v19 =	vmul.f32 v19, v35  }
0x104: {  	v40 =	vld [tilespmem:s29+$0x3870];
	[tilespmem:s29+$0x3800] =	vst v18;
	v18 =	vmul.f32 v34, v35  }
0x105: {  	v41 =	vld [tilespmem:s29+$0x3880];
	[tilespmem:s29+$0x3810] =	vst v19;
	v19 =	vmul.f32 v36, v35  }
0x106: {  	v42 =	vld [tilespmem:s29+$0x3890];
	[tilespmem:s29+$0x3820] =	vst v18;
	v18 =	vmul.f32 v37, v35  }
0x107: {  	v43 =	vld [tilespmem:s29+$0x38A0];
	[tilespmem:s29+$0x3830] =	vst v19;
	v19 =	vmul.f32 v38, v35  }
0x108: {  	v45 =	vld [tilespmem:s29+$0x38B0];
	v44 =	vperm.xlane v17, v2;
	[tilespmem:s29+$0x3840] =	vst v18;
	v18 =	vmul.f32 v39, v35  }
0x109: {  	v46 =	vld [tilespmem:s29+$0x38C0];
	[tilespmem:s29+$0x3850] =	vst v19;
	v19 =	vmul.f32 v40, v35  }
0x10a: {  	v47 =	vld [tilespmem:s29+$0x38D0];
	[tilespmem:s29+$0x3860] =	vst v18;
	v18 =	vmul.f32 v41, v44  }
0x10b: {  	v48 =	vld [tilespmem:s29+$0x38E0];
	[tilespmem:s29+$0x3870] =	vst v19;
	v19 =	vmul.f32 v42, v44  }
0x10c: {  	v49 =	vld [tilespmem:s29+$0x38F0];
	[tilespmem:s29+$0x3880] =	vst v18;
	v18 =	vmul.f32 v43, v44  }
0x10d: {  	v50 =	vld [tilespmem:s29+$0x3900];
	[tilespmem:s29+$0x3890] =	vst v19;
	v19 =	vmul.f32 v45, v44  }
0x10e: {  	v51 =	vld [tilespmem:s29+$0x3910];
	[tilespmem:s29+$0x38A0] =	vst v18;
	v18 =	vmul.f32 v46, v44  }
0x10f: {  	v52 =	vld [tilespmem:s29+$0x3920];
	[tilespmem:s29+$0x38B0] =	vst v19;
	v19 =	vmul.f32 v47, v44  }
0x110: {  	v54 =	vld [tilespmem:s29+$0x3930];
	v53 =	vperm.xlane v17, v3;
	[tilespmem:s29+$0x38C0] =	vst v18;
	v18 =	vmul.f32 v48, v44  }
0x111: {  	v55 =	vld [tilespmem:s29+$0x3940];
	[tilespmem:s29+$0x38D0] =	vst v19;
	v19 =	vmul.f32 v49, v44  }
0x112: {  	v56 =	vld [tilespmem:s29+$0x3950];
	[tilespmem:s29+$0x38E0] =	vst v18;
	v18 =	vmul.f32 v50, v53  }
0x113: {  	v57 =	vld [tilespmem:s29+$0x3960];
	[tilespmem:s29+$0x38F0] =	vst v19;
	v19 =	vmul.f32 v51, v53  }
0x114: {  	v58 =	vld [tilespmem:s29+$0x3970];
	[tilespmem:s29+$0x3900] =	vst v18;
	v18 =	vmul.f32 v52, v53  }
0x115: {  	v59 =	vld [tilespmem:s29+$0x3980];
	[tilespmem:s29+$0x3910] =	vst v19;
	v19 =	vmul.f32 v54, v53  }
0x116: {  	v60 =	vld [tilespmem:s29+$0x3990];
	[tilespmem:s29+$0x3920] =	vst v18;
	v18 =	vmul.f32 v55, v53  }
0x117: {  	v61 =	vld [tilespmem:s29+$0x39A0];
	[tilespmem:s29+$0x3930] =	vst v19;
	v19 =	vmul.f32 v56, v53  }
0x118: {  	v63 =	vld [tilespmem:s29+$0x39B0];
	v62 =	vperm.xlane v17, v4;
	[tilespmem:s29+$0x3940] =	vst v18;
	v18 =	vmul.f32 v57, v53  }
0x119: {  	v28 =	vld [tilespmem:s29+$0x39C0];
	[tilespmem:s29+$0x3950] =	vst v19;
	v19 =	vmul.f32 v58, v53  }
0x11a: {  	v29 =	vld [tilespmem:s29+$0x39D0];
	[tilespmem:s29+$0x3960] =	vst v18;
	v18 =	vmul.f32 v59, v62  }
0x11b: {  	v30 =	vld [tilespmem:s29+$0x39E0];
	[tilespmem:s29+$0x3970] =	vst v19;
	v19 =	vmul.f32 v60, v62  }
0x11c: {  	v31 =	vld [tilespmem:s29+$0x39F0];
	[tilespmem:s29+$0x3980] =	vst v18;
	v18 =	vmul.f32 v61, v62  }
0x11d: {  	v32 =	vld [tilespmem:s29+$0x3A00];
	[tilespmem:s29+$0x3990] =	vst v19;
	v19 =	vmul.f32 v63, v62  }
0x11e: {  	v33 =	vld [tilespmem:s29+$0x3A10];
	[tilespmem:s29+$0x39A0] =	vst v18;
	v18 =	vmul.f32 v28, v62  }
0x11f: {  	v34 =	vld [tilespmem:s29+$0x3A20];
	[tilespmem:s29+$0x39B0] =	vst v19;
	v19 =	vmul.f32 v29, v62  }
0x120: {  	v36 =	vld [tilespmem:s29+$0x3A30];
	v35 =	vperm.xlane v17, v5;
	[tilespmem:s29+$0x39C0] =	vst v18;
	v18 =	vmul.f32 v30, v62  }
0x121: {  	v37 =	vld [tilespmem:s29+$0x3A40];
	[tilespmem:s29+$0x39D0] =	vst v19;
	v19 =	vmul.f32 v31, v62  }
0x122: {  	v38 =	vld [tilespmem:s29+$0x3A50];
	[tilespmem:s29+$0x39E0] =	vst v18;
	v18 =	vmul.f32 v32, v35  }
0x123: {  	v39 =	vld [tilespmem:s29+$0x3A60];
	[tilespmem:s29+$0x39F0] =	vst v19;
	v19 =	vmul.f32 v33, v35  }
0x124: {  	v40 =	vld [tilespmem:s29+$0x3A70];
	[tilespmem:s29+$0x3A00] =	vst v18;
	v18 =	vmul.f32 v34, v35  }
0x125: {  	v41 =	vld [tilespmem:s29+$0x3A80];
	[tilespmem:s29+$0x3A10] =	vst v19;
	v19 =	vmul.f32 v36, v35  }
0x126: {  	v42 =	vld [tilespmem:s29+$0x3A90];
	[tilespmem:s29+$0x3A20] =	vst v18;
	v18 =	vmul.f32 v37, v35  }
0x127: {  	v43 =	vld [tilespmem:s29+$0x3AA0];
	[tilespmem:s29+$0x3A30] =	vst v19;
	v19 =	vmul.f32 v38, v35  }
0x128: {  	v45 =	vld [tilespmem:s29+$0x3AB0];
	v44 =	vperm.xlane v17, v6;
	[tilespmem:s29+$0x3A40] =	vst v18;
	v18 =	vmul.f32 v39, v35  }
0x129: {  	v46 =	vld [tilespmem:s29+$0x3AC0];
	[tilespmem:s29+$0x3A50] =	vst v19;
	v19 =	vmul.f32 v40, v35  }
0x12a: {  	v47 =	vld [tilespmem:s29+$0x3AD0];
	[tilespmem:s29+$0x3A60] =	vst v18;
	v18 =	vmul.f32 v41, v44  }
0x12b: {  	v48 =	vld [tilespmem:s29+$0x3AE0];
	[tilespmem:s29+$0x3A70] =	vst v19;
	v19 =	vmul.f32 v42, v44  }
0x12c: {  	v49 =	vld [tilespmem:s29+$0x3AF0];
	[tilespmem:s29+$0x3A80] =	vst v18;
	v18 =	vmul.f32 v43, v44  }
0x12d: {  	v50 =	vld [tilespmem:s29+$0x3B00];
	[tilespmem:s29+$0x3A90] =	vst v19;
	v19 =	vmul.f32 v45, v44  }
0x12e: {  	v51 =	vld [tilespmem:s29+$0x3B10];
	[tilespmem:s29+$0x3AA0] =	vst v18;
	v18 =	vmul.f32 v46, v44  }
0x12f: {  	v52 =	vld [tilespmem:s29+$0x3B20];
	[tilespmem:s29+$0x3AB0] =	vst v19;
	v19 =	vmul.f32 v47, v44  }
0x130: {  	v54 =	vld [tilespmem:s29+$0x3B30];
	v53 =	vperm.xlane v17, v7;
	[tilespmem:s29+$0x3AC0] =	vst v18;
	v18 =	vmul.f32 v48, v44  }
0x131: {  	v55 =	vld [tilespmem:s29+$0x3B40];
	[tilespmem:s29+$0x3AD0] =	vst v19;
	v19 =	vmul.f32 v49, v44  }
0x132: {  	v56 =	vld [tilespmem:s29+$0x3B50];
	[tilespmem:s29+$0x3AE0] =	vst v18;
	v18 =	vmul.f32 v50, v53  }
0x133: {  	v57 =	vld [tilespmem:s29+$0x3B60];
	[tilespmem:s29+$0x3AF0] =	vst v19;
	v19 =	vmul.f32 v51, v53  }
0x134: {  	v58 =	vld [tilespmem:s29+$0x3B70];
	[tilespmem:s29+$0x3B00] =	vst v18;
	v18 =	vmul.f32 v52, v53  }
0x135: {  	v59 =	vld [tilespmem:s29+$0x3B80];
	[tilespmem:s29+$0x3B10] =	vst v19;
	v19 =	vmul.f32 v54, v53  }
0x136: {  	v60 =	vld [tilespmem:s29+$0x3B90];
	[tilespmem:s29+$0x3B20] =	vst v18;
	v18 =	vmul.f32 v55, v53  }
0x137: {  	v61 =	vld [tilespmem:s29+$0x3BA0];
	[tilespmem:s29+$0x3B30] =	vst v19;
	v19 =	vmul.f32 v56, v53  }
0x138: {  	v63 =	vld [tilespmem:s29+$0x3BB0];
	v62 =	vperm.xlane v17, v8;
	[tilespmem:s29+$0x3B40] =	vst v18;
	v18 =	vmul.f32 v57, v53  }
0x139: {  	v28 =	vld [tilespmem:s29+$0x3BC0];
	[tilespmem:s29+$0x3B50] =	vst v19;
	v19 =	vmul.f32 v58, v53  }
0x13a: {  	v29 =	vld [tilespmem:s29+$0x3BD0];
	[tilespmem:s29+$0x3B60] =	vst v18;
	v18 =	vmul.f32 v59, v62  }
0x13b: {  	v30 =	vld [tilespmem:s29+$0x3BE0];
	[tilespmem:s29+$0x3B70] =	vst v19;
	v19 =	vmul.f32 v60, v62  }
0x13c: {  	v31 =	vld [tilespmem:s29+$0x3BF0];
	[tilespmem:s29+$0x3B80] =	vst v18;
	v18 =	vmul.f32 v61, v62  }
0x13d: {  	v32 =	vld [tilespmem:s29+$0x3C00];
	[tilespmem:s29+$0x3B90] =	vst v19;
	v19 =	vmul.f32 v63, v62  }
0x13e: {  	v33 =	vld [tilespmem:s29+$0x3C10];
	[tilespmem:s29+$0x3BA0] =	vst v18;
	v18 =	vmul.f32 v28, v62  }
0x13f: {  	v34 =	vld [tilespmem:s29+$0x3C20];
	[tilespmem:s29+$0x3BB0] =	vst v19;
	v19 =	vmul.f32 v29, v62  }
0x140: {  	v36 =	vld [tilespmem:s29+$0x3C30];
	v35 =	vperm.xlane v17, v9;
	[tilespmem:s29+$0x3BC0] =	vst v18;
	v18 =	vmul.f32 v30, v62  }
0x141: {  	v37 =	vld [tilespmem:s29+$0x3C40];
	[tilespmem:s29+$0x3BD0] =	vst v19;
	v19 =	vmul.f32 v31, v62  }
0x142: {  	v38 =	vld [tilespmem:s29+$0x3C50];
	[tilespmem:s29+$0x3BE0] =	vst v18;
	v18 =	vmul.f32 v32, v35  }
0x143: {  	v39 =	vld [tilespmem:s29+$0x3C60];
	[tilespmem:s29+$0x3BF0] =	vst v19;
	v19 =	vmul.f32 v33, v35  }
0x144: {  	v40 =	vld [tilespmem:s29+$0x3C70];
	[tilespmem:s29+$0x3C00] =	vst v18;
	v18 =	vmul.f32 v34, v35  }
0x145: {  	v41 =	vld [tilespmem:s29+$0x3C80];
	[tilespmem:s29+$0x3C10] =	vst v19;
	v19 =	vmul.f32 v36, v35  }
0x146: {  	v42 =	vld [tilespmem:s29+$0x3C90];
	[tilespmem:s29+$0x3C20] =	vst v18;
	v18 =	vmul.f32 v37, v35  }
0x147: {  	v43 =	vld [tilespmem:s29+$0x3CA0];
	[tilespmem:s29+$0x3C30] =	vst v19;
	v19 =	vmul.f32 v38, v35  }
0x148: {  	v45 =	vld [tilespmem:s29+$0x3CB0];
	v44 =	vperm.xlane v17, v10;
	[tilespmem:s29+$0x3C40] =	vst v18;
	v18 =	vmul.f32 v39, v35  }
0x149: {  	v46 =	vld [tilespmem:s29+$0x3CC0];
	[tilespmem:s29+$0x3C50] =	vst v19;
	v19 =	vmul.f32 v40, v35  }
0x14a: {  	v47 =	vld [tilespmem:s29+$0x3CD0];
	[tilespmem:s29+$0x3C60] =	vst v18;
	v18 =	vmul.f32 v41, v44  }
0x14b: {  	v48 =	vld [tilespmem:s29+$0x3CE0];
	[tilespmem:s29+$0x3C70] =	vst v19;
	v19 =	vmul.f32 v42, v44  }
0x14c: {  	v49 =	vld [tilespmem:s29+$0x3CF0];
	[tilespmem:s29+$0x3C80] =	vst v18;
	v18 =	vmul.f32 v43, v44  }
0x14d: {  	v50 =	vld [tilespmem:s29+$0x3D00];
	[tilespmem:s29+$0x3C90] =	vst v19;
	v19 =	vmul.f32 v45, v44  }
0x14e: {  	v51 =	vld [tilespmem:s29+$0x3D10];
	[tilespmem:s29+$0x3CA0] =	vst v18;
	v18 =	vmul.f32 v46, v44  }
0x14f: {  	v52 =	vld [tilespmem:s29+$0x3D20];
	[tilespmem:s29+$0x3CB0] =	vst v19;
	v19 =	vmul.f32 v47, v44  }
0x150: {  	v54 =	vld [tilespmem:s29+$0x3D30];
	v53 =	vperm.xlane v17, v11;
	[tilespmem:s29+$0x3CC0] =	vst v18;
	v18 =	vmul.f32 v48, v44  }
0x151: {  	v55 =	vld [tilespmem:s29+$0x3D40];
	[tilespmem:s29+$0x3CD0] =	vst v19;
	v19 =	vmul.f32 v49, v44  }
0x152: {  	v56 =	vld [tilespmem:s29+$0x3D50];
	[tilespmem:s29+$0x3CE0] =	vst v18;
	v18 =	vmul.f32 v50, v53  }
0x153: {  	v57 =	vld [tilespmem:s29+$0x3D60];
	[tilespmem:s29+$0x3CF0] =	vst v19;
	v19 =	vmul.f32 v51, v53  }
0x154: {  	v58 =	vld [tilespmem:s29+$0x3D70];
	[tilespmem:s29+$0x3D00] =	vst v18;
	v18 =	vmul.f32 v52, v53  }
0x155: {  	v59 =	vld [tilespmem:s29+$0x3D80];
	[tilespmem:s29+$0x3D10] =	vst v19;
	v19 =	vmul.f32 v54, v53  }
0x156: {  	v60 =	vld [tilespmem:s29+$0x3D90];
	[tilespmem:s29+$0x3D20] =	vst v18;
	v18 =	vmul.f32 v55, v53  }
0x157: {  	v61 =	vld [tilespmem:s29+$0x3DA0];
	[tilespmem:s29+$0x3D30] =	vst v19;
	v19 =	vmul.f32 v56, v53  }
0x158: {  	v63 =	vld [tilespmem:s29+$0x3DB0];
	v62 =	vperm.xlane v17, v12;
	[tilespmem:s29+$0x3D40] =	vst v18;
	v18 =	vmul.f32 v57, v53  }
0x159: {  	v28 =	vld [tilespmem:s29+$0x3DC0];
	[tilespmem:s29+$0x3D50] =	vst v19;
	v19 =	vmul.f32 v58, v53  }
0x15a: {  	v29 =	vld [tilespmem:s29+$0x3DD0];
	[tilespmem:s29+$0x3D60] =	vst v18;
	v18 =	vmul.f32 v59, v62  }
0x15b: {  	v30 =	vld [tilespmem:s29+$0x3DE0];
	[tilespmem:s29+$0x3D70] =	vst v19;
	v19 =	vmul.f32 v60, v62  }
0x15c: {  	v31 =	vld [tilespmem:s29+$0x3DF0];
	[tilespmem:s29+$0x3D80] =	vst v18;
	v18 =	vmul.f32 v61, v62  }
0x15d: {  	v32 =	vld [tilespmem:s29+$0x3E00];
	[tilespmem:s29+$0x3D90] =	vst v19;
	v19 =	vmul.f32 v63, v62  }
0x15e: {  	v33 =	vld [tilespmem:s29+$0x3E10];
	[tilespmem:s29+$0x3DA0] =	vst v18;
	v18 =	vmul.f32 v28, v62  }
0x15f: {  	v34 =	vld [tilespmem:s29+$0x3E20];
	[tilespmem:s29+$0x3DB0] =	vst v19;
	v19 =	vmul.f32 v29, v62  }
0x160: {  	v36 =	vld [tilespmem:s29+$0x3E30];
	v35 =	vperm.xlane v17, v13;
	[tilespmem:s29+$0x3DC0] =	vst v18;
	v18 =	vmul.f32 v30, v62  }
0x161: {  	v37 =	vld [tilespmem:s29+$0x3E40];
	[tilespmem:s29+$0x3DD0] =	vst v19;
	v19 =	vmul.f32 v31, v62  }
0x162: {  	v38 =	vld [tilespmem:s29+$0x3E50];
	[tilespmem:s29+$0x3DE0] =	vst v18;
	v18 =	vmul.f32 v32, v35  }
0x163: {  	v39 =	vld [tilespmem:s29+$0x3E60];
	[tilespmem:s29+$0x3DF0] =	vst v19;
	v19 =	vmul.f32 v33, v35  }
0x164: {  	v40 =	vld [tilespmem:s29+$0x3E70];
	[tilespmem:s29+$0x3E00] =	vst v18;
	v18 =	vmul.f32 v34, v35  }
0x165: {  	v41 =	vld [tilespmem:s29+$0x3E80];
	[tilespmem:s29+$0x3E10] =	vst v19;
	v19 =	vmul.f32 v36, v35  }
0x166: {  	v42 =	vld [tilespmem:s29+$0x3E90];
	[tilespmem:s29+$0x3E20] =	vst v18;
	v18 =	vmul.f32 v37, v35  }
0x167: {  	v43 =	vld [tilespmem:s29+$0x3EA0];
	[tilespmem:s29+$0x3E30] =	vst v19;
	v19 =	vmul.f32 v38, v35  }
0x168: {  	v45 =	vld [tilespmem:s29+$0x3EB0];
	v44 =	vperm.xlane v17, v14;
	[tilespmem:s29+$0x3E40] =	vst v18;
	v18 =	vmul.f32 v39, v35  }
0x169: {  	v46 =	vld [tilespmem:s29+$0x3EC0];
	[tilespmem:s29+$0x3E50] =	vst v19;
	v19 =	vmul.f32 v40, v35  }
0x16a: {  	v47 =	vld [tilespmem:s29+$0x3ED0];
	[tilespmem:s29+$0x3E60] =	vst v18;
	v18 =	vmul.f32 v41, v44  }
0x16b: {  	v48 =	vld [tilespmem:s29+$0x3EE0];
	[tilespmem:s29+$0x3E70] =	vst v19;
	v19 =	vmul.f32 v42, v44  }
0x16c: {  	v49 =	vld [tilespmem:s29+$0x3EF0];
	[tilespmem:s29+$0x3E80] =	vst v18;
	v18 =	vmul.f32 v43, v44  }
0x16d: {  	v50 =	vld [tilespmem:s29+$0x3F00];
	[tilespmem:s29+$0x3E90] =	vst v19;
	v19 =	vmul.f32 v45, v44  }
0x16e: {  	v51 =	vld [tilespmem:s29+$0x3F10];
	[tilespmem:s29+$0x3EA0] =	vst v18;
	v18 =	vmul.f32 v46, v44  }
0x16f: {  	v52 =	vld [tilespmem:s29+$0x3F20];
	[tilespmem:s29+$0x3EB0] =	vst v19;
	v19 =	vmul.f32 v47, v44  }
0x170: {  	v54 =	vld [tilespmem:s29+$0x3F30];
	v53 =	vperm.xlane v17, v15;
	[tilespmem:s29+$0x3EC0] =	vst v18;
	v18 =	vmul.f32 v48, v44  }
0x171: {  	v55 =	vld [tilespmem:s29+$0x3F40];
	[tilespmem:s29+$0x3ED0] =	vst v19;
	v19 =	vmul.f32 v49, v44  }
0x172: {  	v56 =	vld [tilespmem:s29+$0x3F50];
	[tilespmem:s29+$0x3EE0] =	vst v18;
	v18 =	vmul.f32 v50, v53  }
0x173: {  	v57 =	vld [tilespmem:s29+$0x3F60];
	[tilespmem:s29+$0x3EF0] =	vst v19;
	v19 =	vmul.f32 v51, v53  }
0x174: {  	v58 =	vld [tilespmem:s29+$0x3F70];
	[tilespmem:s29+$0x3F00] =	vst v18;
	v18 =	vmul.f32 v52, v53  }
0x175: {  	v59 =	vld [tilespmem:s29+$0x3F80];
	[tilespmem:s29+$0x3F10] =	vst v19;
	v19 =	vmul.f32 v54, v53  }
0x176: {  	v60 =	vld [tilespmem:s29+$0x3F90];
	[tilespmem:s29+$0x3F20] =	vst v18;
	v18 =	vmul.f32 v55, v53  }
0x177: {  	v61 =	vld [tilespmem:s29+$0x3FA0];
	[tilespmem:s29+$0x3F30] =	vst v19;
	v19 =	vmul.f32 v56, v53  }
0x178: {  	v17 =	vperm.xlane v17, v16;
	v62 =	vld [tilespmem:s29+$0x3FB0];
	[tilespmem:s29+$0x3F40] =	vst v18;
	v18 =	vmul.f32 v57, v53  }
0x179: {  	v63 =	vld [tilespmem:s29+$0x3FC0];
	[tilespmem:s29+$0x3F50] =	vst v19;
	v19 =	vmul.f32 v58, v53  }
0x17a: {  	v28 =	vld [tilespmem:s29+$0x3FD0];
	[tilespmem:s29+$0x3F60] =	vst v18;
	v18 =	vmul.f32 v59, v17  }
0x17b: {  	v29 =	vld [tilespmem:s29+$0x3FE0];
	[tilespmem:s29+$0x3F70] =	vst v19;
	v19 =	vmul.f32 v60, v17  }
0x17c: {  	v30 =	vld [tilespmem:s29+$0x3FF0];
	[tilespmem:s29+$0x3F80] =	vst v18;
	v18 =	vmul.f32 v61, v17  }
0x17d: {  	[tilespmem:s29+$0x3F90] =	vst v19;
	v19 =	vmul.f32 v62, v17  }
0x17e: {  	[tilespmem:s29+$0x3FA0] =	vst v18;
	v18 =	vmul.f32 v63, v17  }
0x17f: {  	[tilespmem:s29+$0x3FB0] =	vst v19;
	v19 =	vmul.f32 v28, v17  }
0x180: {  	[tilespmem:s29+$0x3FC0] =	vst v18;
	v18 =	vmul.f32 v29, v17  }
0x181: {  	[tilespmem:s29+$0x3FD0] =	vst v19;
	v17 =	vmul.f32 v30, v17  }
0x182: {  	[tilespmem:s29+$0x3FE0] =	vst v18  }
0x183: {  	[tilespmem:s29+$0x3FF0] =	vst v17  }
0x184: {  	v17 =	vld [tilespmem:s28+$0x2018];
	_ =	sdelay $0x1  }
0x185: {  	v18 =	vld [tilespmem:s29+$0x4000]  }
0x186: {  	v19 =	vld [tilespmem:s29+$0x4010]  }
0x187: {  	v31 =	vld [tilespmem:s29+$0x4020]  }
0x188: {  	v33 =	vld [tilespmem:s29+$0x4030];
	v32 =	vperm.xlane v17, v9  }
0x189: {  	v34 =	vld [tilespmem:s29+$0x4040]  }
0x18a: {  	v35 =	vld [tilespmem:s29+$0x4050];
	v18 =	vmul.f32 v18, v32  }
0x18b: {  	v36 =	vld [tilespmem:s29+$0x4060];
	v19 =	vmul.f32 v19, v32  }
0x18c: {  	v37 =	vld [tilespmem:s29+$0x4070];
	[tilespmem:s29+$0x4000] =	vst v18;
	v18 =	vmul.f32 v31, v32  }
0x18d: {  	v38 =	vld [tilespmem:s29+$0x4080];
	[tilespmem:s29+$0x4010] =	vst v19;
	v19 =	vmul.f32 v33, v32  }
0x18e: {  	v39 =	vld [tilespmem:s29+$0x4090];
	[tilespmem:s29+$0x4020] =	vst v18;
	v18 =	vmul.f32 v34, v32  }
0x18f: {  	v40 =	vld [tilespmem:s29+$0x40A0];
	[tilespmem:s29+$0x4030] =	vst v19;
	v19 =	vmul.f32 v35, v32  }
0x190: {  	v42 =	vld [tilespmem:s29+$0x40B0];
	v41 =	vperm.xlane v17, v10;
	[tilespmem:s29+$0x4040] =	vst v18;
	v18 =	vmul.f32 v36, v32  }
0x191: {  	v43 =	vld [tilespmem:s29+$0x40C0];
	[tilespmem:s29+$0x4050] =	vst v19;
	v19 =	vmul.f32 v37, v32  }
0x192: {  	v44 =	vld [tilespmem:s29+$0x40D0];
	[tilespmem:s29+$0x4060] =	vst v18;
	v18 =	vmul.f32 v38, v41  }
0x193: {  	v45 =	vld [tilespmem:s29+$0x40E0];
	[tilespmem:s29+$0x4070] =	vst v19;
	v19 =	vmul.f32 v39, v41  }
0x194: {  	v46 =	vld [tilespmem:s29+$0x40F0];
	[tilespmem:s29+$0x4080] =	vst v18;
	v18 =	vmul.f32 v40, v41  }
0x195: {  	v47 =	vld [tilespmem:s29+$0x4100];
	[tilespmem:s29+$0x4090] =	vst v19;
	v19 =	vmul.f32 v42, v41  }
0x196: {  	v48 =	vld [tilespmem:s29+$0x4110];
	[tilespmem:s29+$0x40A0] =	vst v18;
	v18 =	vmul.f32 v43, v41  }
0x197: {  	v49 =	vld [tilespmem:s29+$0x4120];
	[tilespmem:s29+$0x40B0] =	vst v19;
	v19 =	vmul.f32 v44, v41  }
0x198: {  	v51 =	vld [tilespmem:s29+$0x4130];
	v50 =	vperm.xlane v17, v11;
	[tilespmem:s29+$0x40C0] =	vst v18;
	v18 =	vmul.f32 v45, v41  }
0x199: {  	v52 =	vld [tilespmem:s29+$0x4140];
	[tilespmem:s29+$0x40D0] =	vst v19;
	v19 =	vmul.f32 v46, v41  }
0x19a: {  	v53 =	vld [tilespmem:s29+$0x4150];
	[tilespmem:s29+$0x40E0] =	vst v18;
	v18 =	vmul.f32 v47, v50  }
0x19b: {  	v54 =	vld [tilespmem:s29+$0x4160];
	[tilespmem:s29+$0x40F0] =	vst v19;
	v19 =	vmul.f32 v48, v50  }
0x19c: {  	v55 =	vld [tilespmem:s29+$0x4170];
	[tilespmem:s29+$0x4100] =	vst v18;
	v18 =	vmul.f32 v49, v50  }
0x19d: {  	v56 =	vld [tilespmem:s29+$0x4180];
	[tilespmem:s29+$0x4110] =	vst v19;
	v19 =	vmul.f32 v51, v50  }
0x19e: {  	v57 =	vld [tilespmem:s29+$0x4190];
	[tilespmem:s29+$0x4120] =	vst v18;
	v18 =	vmul.f32 v52, v50  }
0x19f: {  	v58 =	vld [tilespmem:s29+$0x41A0];
	[tilespmem:s29+$0x4130] =	vst v19;
	v19 =	vmul.f32 v53, v50  }
0x1a0: {  	v60 =	vld [tilespmem:s29+$0x41B0];
	v59 =	vperm.xlane v17, v12;
	[tilespmem:s29+$0x4140] =	vst v18;
	v18 =	vmul.f32 v54, v50  }
0x1a1: {  	v61 =	vld [tilespmem:s29+$0x41C0];
	[tilespmem:s29+$0x4150] =	vst v19;
	v19 =	vmul.f32 v55, v50  }
0x1a2: {  	v62 =	vld [tilespmem:s29+$0x41D0];
	[tilespmem:s29+$0x4160] =	vst v18;
	v18 =	vmul.f32 v56, v59  }
0x1a3: {  	v63 =	vld [tilespmem:s29+$0x41E0];
	[tilespmem:s29+$0x4170] =	vst v19;
	v19 =	vmul.f32 v57, v59  }
0x1a4: {  	v28 =	vld [tilespmem:s29+$0x41F0];
	[tilespmem:s29+$0x4180] =	vst v18;
	v18 =	vmul.f32 v58, v59  }
0x1a5: {  	v29 =	vld [tilespmem:s29+$0x4200];
	[tilespmem:s29+$0x4190] =	vst v19;
	v19 =	vmul.f32 v60, v59  }
0x1a6: {  	v30 =	vld [tilespmem:s29+$0x4210];
	[tilespmem:s29+$0x41A0] =	vst v18;
	v18 =	vmul.f32 v61, v59  }
0x1a7: {  	v31 =	vld [tilespmem:s29+$0x4220];
	[tilespmem:s29+$0x41B0] =	vst v19;
	v19 =	vmul.f32 v62, v59  }
0x1a8: {  	v33 =	vld [tilespmem:s29+$0x4230];
	v32 =	vperm.xlane v17, v13;
	[tilespmem:s29+$0x41C0] =	vst v18;
	v18 =	vmul.f32 v63, v59  }
0x1a9: {  	v34 =	vld [tilespmem:s29+$0x4240];
	[tilespmem:s29+$0x41D0] =	vst v19;
	v19 =	vmul.f32 v28, v59  }
0x1aa: {  	v35 =	vld [tilespmem:s29+$0x4250];
	[tilespmem:s29+$0x41E0] =	vst v18;
	v18 =	vmul.f32 v29, v32  }
0x1ab: {  	v36 =	vld [tilespmem:s29+$0x4260];
	[tilespmem:s29+$0x41F0] =	vst v19;
	v19 =	vmul.f32 v30, v32  }
0x1ac: {  	v37 =	vld [tilespmem:s29+$0x4270];
	[tilespmem:s29+$0x4200] =	vst v18;
	v18 =	vmul.f32 v31, v32  }
0x1ad: {  	v38 =	vld [tilespmem:s29+$0x4280];
	[tilespmem:s29+$0x4210] =	vst v19;
	v19 =	vmul.f32 v33, v32  }
0x1ae: {  	v39 =	vld [tilespmem:s29+$0x4290];
	[tilespmem:s29+$0x4220] =	vst v18;
	v18 =	vmul.f32 v34, v32  }
0x1af: {  	v40 =	vld [tilespmem:s29+$0x42A0];
	[tilespmem:s29+$0x4230] =	vst v19;
	v19 =	vmul.f32 v35, v32  }
0x1b0: {  	v42 =	vld [tilespmem:s29+$0x42B0];
	v41 =	vperm.xlane v17, v14;
	[tilespmem:s29+$0x4240] =	vst v18;
	v18 =	vmul.f32 v36, v32  }
0x1b1: {  	v43 =	vld [tilespmem:s29+$0x42C0];
	[tilespmem:s29+$0x4250] =	vst v19;
	v19 =	vmul.f32 v37, v32  }
0x1b2: {  	v44 =	vld [tilespmem:s29+$0x42D0];
	[tilespmem:s29+$0x4260] =	vst v18;
	v18 =	vmul.f32 v38, v41  }
0x1b3: {  	v45 =	vld [tilespmem:s29+$0x42E0];
	[tilespmem:s29+$0x4270] =	vst v19;
	v19 =	vmul.f32 v39, v41  }
0x1b4: {  	v46 =	vld [tilespmem:s29+$0x42F0];
	[tilespmem:s29+$0x4280] =	vst v18;
	v18 =	vmul.f32 v40, v41  }
0x1b5: {  	v47 =	vld [tilespmem:s29+$0x4300];
	[tilespmem:s29+$0x4290] =	vst v19;
	v19 =	vmul.f32 v42, v41  }
0x1b6: {  	v48 =	vld [tilespmem:s29+$0x4310];
	[tilespmem:s29+$0x42A0] =	vst v18;
	v18 =	vmul.f32 v43, v41  }
0x1b7: {  	v49 =	vld [tilespmem:s29+$0x4320];
	[tilespmem:s29+$0x42B0] =	vst v19;
	v19 =	vmul.f32 v44, v41  }
0x1b8: {  	v51 =	vld [tilespmem:s29+$0x4330];
	v50 =	vperm.xlane v17, v15;
	[tilespmem:s29+$0x42C0] =	vst v18;
	v18 =	vmul.f32 v45, v41  }
0x1b9: {  	v52 =	vld [tilespmem:s29+$0x4340];
	[tilespmem:s29+$0x42D0] =	vst v19;
	v19 =	vmul.f32 v46, v41  }
0x1ba: {  	v53 =	vld [tilespmem:s29+$0x4350];
	[tilespmem:s29+$0x42E0] =	vst v18;
	v18 =	vmul.f32 v47, v50  }
0x1bb: {  	v54 =	vld [tilespmem:s29+$0x4360];
	[tilespmem:s29+$0x42F0] =	vst v19;
	v19 =	vmul.f32 v48, v50  }
0x1bc: {  	v55 =	vld [tilespmem:s29+$0x4370];
	[tilespmem:s29+$0x4300] =	vst v18;
	v18 =	vmul.f32 v49, v50  }
0x1bd: {  	v56 =	vld [tilespmem:s29+$0x4380];
	[tilespmem:s29+$0x4310] =	vst v19;
	v19 =	vmul.f32 v51, v50  }
0x1be: {  	v57 =	vld [tilespmem:s29+$0x4390];
	[tilespmem:s29+$0x4320] =	vst v18;
	v18 =	vmul.f32 v52, v50  }
0x1bf: {  	v58 =	vld [tilespmem:s29+$0x43A0];
	[tilespmem:s29+$0x4330] =	vst v19;
	v19 =	vmul.f32 v53, v50  }
0x1c0: {  	v17 =	vperm.xlane v17, v16;
	v59 =	vld [tilespmem:s29+$0x43B0];
	[tilespmem:s29+$0x4340] =	vst v18;
	v18 =	vmul.f32 v54, v50  }
0x1c1: {  	v60 =	vld [tilespmem:s29+$0x43C0];
	[tilespmem:s29+$0x4350] =	vst v19;
	v19 =	vmul.f32 v55, v50  }
0x1c2: {  	v61 =	vld [tilespmem:s29+$0x43D0];
	[tilespmem:s29+$0x4360] =	vst v18;
	v18 =	vmul.f32 v56, v17  }
0x1c3: {  	v62 =	vld [tilespmem:s29+$0x43E0];
	[tilespmem:s29+$0x4370] =	vst v19;
	v19 =	vmul.f32 v57, v17  }
0x1c4: {  	v63 =	vld [tilespmem:s29+$0x43F0];
	[tilespmem:s29+$0x4380] =	vst v18;
	v18 =	vmul.f32 v58, v17  }
0x1c5: {  	[tilespmem:s29+$0x4390] =	vst v19;
	v19 =	vmul.f32 v59, v17  }
0x1c6: {  	[tilespmem:s29+$0x43A0] =	vst v18;
	v18 =	vmul.f32 v60, v17  }
0x1c7: {  	p1 =	sne.s32 s25, $0x100;
	[tilespmem:s29+$0x43B0] =	vst v19;
	v19 =	vmul.f32 v61, v17  }
.Ltmp8:
0x1c8: {  	[tilespmem:s29+$0x43C0] =	vst v18;
	v18 =	vmul.f32 v62, v17;
	(pc) =	sbr.rel @p1 .LBB2_6-.Ltmp8, $4  }
.Ltmp9:
0x1c9: {  	[tilespmem:s29+$0x43D0] =	vst v19;
	v17 =	vmul.f32 v63, v17;
	(pc) =	sbr.rel @!p1 .LBB2_15-.Ltmp9, $4  }
0x1ca: {  	[tilespmem:s29+$0x43E0] =	vst v18  }
0x1cb: {  	s31 =	sadd.s32 $0x4, s26;
	s30 =	smov.u32 s25;
	s14 =	sadd.s32 $0x3000, s29;
	[tilespmem:s29+$0x43F0] =	vst v17  }
0x1cc: {  	[spmem:s2] =	stream.indirect.scatter.add.f32 [tilespmem:s14], [sflag:s31], $0x80, s28, s19, $0xb8;
	[tilespmem:$0x1AC80] =	vst v63  }
0x1cd: {  	_ = 	snop  }
.LBB2_11:
0x1ce: {  	p1 =	seq.s32 s0, $0xF  }
.Ltmp10:
0x1cf: {  	_ = 	snop;
	(pc) =	sbr.rel @!p1 .LBB2_12-.Ltmp10, $1  }
0x1d0: {  	_ =	sdelay $0x3  }
0x1d1: {  	p1 =	seq.s32 s30, $0xFF  }
0x1d2: {  	s0 =	simm.s32 @!p1 $0x7  }
0x1d3: {  	_ =	swait.ge @!p1 [sflag:s0], $0x800  }
0x1d4: {  	[sflag:s0] =	ssyncset.done @!p1 $0x0  }
0x1d5: {  	[sflag:s0] =	ssyncadd.s32 @!p1 $0xFFFFF800  }
0x1d6: {  	_ =	swait.ge @!p1 [sflag:s0], $0x800  }
0x1d7: {  	[sflag:s0] =	ssyncset.done @!p1 $0x0  }
0x1d8: {  	s7 =	smul.u32 @!p1 $0x5000, s29;
	[sflag:s0] =	ssyncadd.s32 @!p1 $0xFFFFF800  }
.Ltmp11:
0x1d9: {  	_ =	swait.ge @!p1 [sflag:s0], $0x800;
	(pc) =	sbr.rel .LBB2_14-.Ltmp11, $4  }
0x1da: {  	s7 =	sshrl.u32 @!p1 s7, $0x2;
	[sflag:s0] =	ssyncset.done @!p1 $0x0  }
0x1db: {  	[sflag:s0] =	ssyncadd.s32 @!p1 $0xFFFFF800;
	s0 =	sadd.s32 @!p1 $0x3000, s7;
	s7 =	sshll.u32 @!p1 s31, $0x7  }
0x1dc: {  	s14 =	sadd.s32 @!p1 $0x1, s29;
	s29 =	simm.s32 @!p1 $0x28;
	s7 =	sor.u32 @!p1 $0x1000, s7  }
0x1dd: {  	[tilespmem:s0], [sflag:s14] =	stream.indirect.gather @!p1 [hbm4b:s1+s29], $0x80, s7, s29, $0xb8;
	[tilespmem:$0x1AC80] =	vst v63  }
.LBB2_16:
0x1de: {  	_ =	sfence.sel $0x180000  }
0x1df: {  	[bflag:$0x0] =	sbarrier.arrive $0xFFFF  }
0x1e0: {  	_ =	strace $0x9000004A  }
0x1e1: {  	[bflag:$0x2] =	sbarrier.arrive $0xFFFF  }
0x1e2: {  	s0 =	rddreg [dreg:$0x3]  }
0x1e3: {  	s0 =	sadd.s32 @!p0 $0x100000, s0  }
0x1e4: {  	[sflag:s0] =	ssyncadd.tile.s32 @!p0 $0x1;
	_ =	shalt  }
.Lfunc_end2:
_tile_overlayer_lowered:
.L_overlay_start_2:
0x1e5: {  	(tag) =	ssettag $0x2  }
0x1e6: {  	s0 =	rddreg [dreg:$0x0];
	s2 =	stileid.u32  }
0x1e7: {  	s1 =	rddreg [dreg:$0x1];
	p0 =	sne.s32 s2, $0x0  }
0x1e8: {  	s3 =	rddreg [dreg:$0x2];
	[bflag:$0x3] =	sbarrier.arrive $0xFFFF;
	s2 =	simm.s32 @!p0 $0x1C08  }
0x1e9: {  	[timem:s3], [sflag:s2] =	dma.local @!p0 [hbm:s0], s1  }
0x1ea: {  	s0 =	simm.s32 @!p0 $0x8  }
0x1eb: {  	_ =	swait.ge @!p0 [sflag:s0], s1  }
0x1ec: {  	s1 =	ssub.s32 @!p0 $0x0, s1;
	[sflag:s0] =	ssyncset.done @!p0 $0x0  }
0x1ed: {  	[sflag:s0] =	ssyncadd.s32 @!p0 s1  }
0x1ee: {  	[bflag:$0x3] =	sbarrier.arrive $0xFFFF  }
0x1ef: {  	_ =	shalt  }

</sc_bundles>
